<compile_context>
chip_gen: v7x
topology: tpu7x:2x2x1
jax: 0.10.2.dev20260603
libtpu: 0.0.44.dev20260713+nightly
codegen_flags: <defaults>
</compile_context>

<pallas_src>
import jax
import jax.numpy as jnp
from jax import lax
from jax.experimental import pallas as pl
from jax.experimental.pallas import tpu as pltpu
from jax.experimental.pallas import tpu_sc as plsc

_N, _NT, _H, _D = 2048, 64, 128, 64
_NC, _NS, _L = 2, 16, 16
_NW = _NC * _NS
_RPW = _N // _NW
_CPW = _RPW * _D
_W2T_OFF = _H + _L
_TAIL_OFF = _W2T_OFF + _H * _D
_TAIL_LEN = _D + _L
_NCH = _D // _L


def _bcast(vec, lane):
    dnums = lax.GatherDimensionNumbers(
        offset_dims=(), collapsed_slice_dims=(0,), start_index_map=(0,))
    idx = jnp.full((_L,), lane, jnp.int32)
    return lax.gather(vec, idx[:, None], dnums, (1,),
                      mode=lax.GatherScatterMode.PROMISE_IN_BOUNDS)


def _sc_body(aux_hbm, x_hbm, m_hbm,
             out_hbm,
             x_v, m_v, b1_v, w2t_v, tail_v, st_v):
    cid = lax.axis_index("c")
    sid = lax.axis_index("s")
    w = sid * _NC + cid
    base = w * _CPW

    pltpu.sync_copy(x_hbm.at[pl.ds(base, _CPW)], x_v)
    pltpu.sync_copy(m_hbm.at[pl.ds(base, _CPW)], m_v)
    pltpu.sync_copy(aux_hbm.at[pl.ds(0, _H)], b1_v)
    pltpu.sync_copy(aux_hbm.at[pl.ds(_W2T_OFF, _H * _D)], w2t_v)
    pltpu.sync_copy(aux_hbm.at[pl.ds(_TAIL_OFF, _TAIL_LEN)], tail_v)

    zero = jnp.zeros((_L,), jnp.float32)
    paccs = [tail_v[pl.ds(c * _L, _L)] for c in range(_NCH)]
    for cb in range(_H // _L):
        rc = jnp.maximum(b1_v[pl.ds(cb * _L, _L)], 0.0)
        for lane in range(_L):
            rk = _bcast(rc, lane)
            row = (cb * _L + lane) * _D
            for c in range(_NCH):
                paccs[c] = paccs[c] + rk * w2t_v[pl.ds(row + c * _L, _L)]
    p0 = paccs

    ev = tail_v[pl.ds(_D, _L)]
    e0s = ev[0].astype(jnp.int32)
    e1s = ev[1].astype(jnp.int32)
    row0 = w * _RPW
    lo = jnp.clip(e0s - row0, 0, _RPW)
    hi = jnp.clip(e1s - row0, 0, _RPW)

    def _row(j, carry):
        accs = list(carry)
        lb = j * _D
        for c in range(_NCH):
            x_c = x_v[pl.ds(lb + c * _L, _L)]
            m_c = m_v[pl.ds(lb + c * _L, _L)]
            accs[c] = accs[c] + jnp.abs(x_c - p0[c]) * m_c
            accs[_NCH + c] = accs[_NCH + c] + m_c
        return tuple(accs)

    accs = lax.fori_loop(lo, hi, _row, (zero,) * (2 * _NCH))

    st_v[pl.ds(0, _L)] = accs[0] + accs[1] + accs[2] + accs[3]
    st_v[pl.ds(_L, _L)] = accs[4] + accs[5] + accs[6] + accs[7]
    pltpu.sync_copy(st_v, out_hbm.at[w])


_sc_reduce = pl.kernel(
    _sc_body,
    out_type=jax.ShapeDtypeStruct((_NW, 2 * _L), jnp.float32),
    mesh=plsc.VectorSubcoreMesh(core_axis_name="c", subcore_axis_name="s",
                                num_cores=_NC, num_subcores=_NS),
    scratch_types=(
        pltpu.VMEM((_CPW,), jnp.float32),
        pltpu.VMEM((_CPW,), jnp.float32),
        pltpu.VMEM((_H,), jnp.float32),
        pltpu.VMEM((_H * _D,), jnp.float32),
        pltpu.VMEM((_TAIL_LEN,), jnp.float32),
        pltpu.VMEM((2 * _L,), jnp.float32),
    ),
)


def _fin_body(p_ref, loss_ref, ratio_ref):
    l = jnp.sum(p_ref[:, :_L])
    t = jnp.sum(p_ref[:, _L:])
    loss_ref[...] = l[None, None]
    ratio_ref[...] = (l / t)[None, None]


def kernel(obs_times, event_pt, sample_idx, X, M, batch_idx, device, T,
           W1, b1, W2, b2, Wih, Whh, bih, bhh):
    bounds = event_pt[jnp.array([0, _NT])].astype(jnp.float32)
    aux = jnp.concatenate(
        [b1, jnp.zeros((_L,), jnp.float32), W2.T.reshape(-1), b2,
         bounds, jnp.zeros((_L - 2,), jnp.float32)])
    parts = _sc_reduce(aux, X.reshape(-1), M.reshape(-1))
    loss, ratio = pl.pallas_call(
        _fin_body,
        out_shape=(jax.ShapeDtypeStruct((1, 1), jnp.float32),
                   jax.ShapeDtypeStruct((1, 1), jnp.float32)),
    )(parts)
    return (loss[0, 0], ratio[0, 0])

# --- scband reference (transcript-rebuilt; emitter-appended) ---
"""Pipeline reference for scband-gru-delta-t-53987738911251 (READ-ONLY COPY).

The authoritative reference and input builder live on the scoring server;
editing this copy changes nothing except your own understanding.
"""

import jax, jax.numpy as jnp
import numpy as np

N = 2048   # samples == total events
NT = 64    # observation times
H = 128    # hidden_size
D = 64     # input_size


def setup_inputs(seed: int = 0):
    key = jax.random.key(seed)
    ks = jax.random.split(key, 10)
    obs_times = jnp.arange(NT, dtype=jnp.int32)
    event_pt = jnp.sort(jax.random.randint(ks[0], (NT + 1,), 0, N, dtype=jnp.int32))
    sample_idx = jnp.arange(N, dtype=jnp.int32)
    X = jax.random.normal(ks[1], (N, D), dtype=jnp.float32)
    M = jax.random.uniform(ks[2], (N, D), dtype=jnp.float32)
    batch_idx = jnp.arange(N, dtype=jnp.int32)
    device = jnp.zeros((1,), dtype=jnp.float32)
    W1 = jax.random.normal(ks[3], (H, H), dtype=jnp.float32) * 0.05
    b1 = jnp.full((H,), 0.01, dtype=jnp.float32)
    W2 = jax.random.normal(ks[4], (D, H), dtype=jnp.float32) * 0.05
    b2 = jnp.full((D,), 0.01, dtype=jnp.float32)
    Wih = jax.random.normal(ks[5], (3 * H, D + 1), dtype=jnp.float32) * 0.05
    Whh = jax.random.normal(ks[6], (3 * H, H), dtype=jnp.float32) * 0.05
    bih = jax.random.normal(ks[7], (3 * H,), dtype=jnp.float32) * 0.05
    bhh = jax.random.normal(ks[8], (3 * H,), dtype=jnp.float32) * 0.05
    return {"obs_times": obs_times, "event_pt": event_pt, "sample_idx": sample_idx,
            "X": X, "M": M, "batch_idx": batch_idx, "device": device, "T": NT - 1,
            "W1": W1, "b1": b1, "W2": W2, "b2": b2,
            "Wih": Wih, "Whh": Whh, "bih": bih, "bhh": bhh}


def _p_model(h, W1, b1, W2, b2):
    return jnp.maximum(h @ W1.T + b1, 0.0) @ W2.T + b2


def _gru_cell(x, h, Wih, Whh, bih, bhh):
    gi = x @ Wih.T + bih
    gh = h @ Whh.T + bhh
    i_r, i_z, i_n = jnp.split(gi, 3, axis=-1)
    h_r, h_z, h_n = jnp.split(gh, 3, axis=-1)
    r = jax.nn.sigmoid(i_r + h_r)
    z = jax.nn.sigmoid(i_z + h_z)
    n = jnp.tanh(i_n + r * h_n)
    return (1.0 - z) * n + z * h


def reference(obs_times, event_pt, sample_idx, X, M, batch_idx, device, T,
              W1, b1, W2, b2, Wih, Whh, bih, bhh):
    n = sample_idx.shape[0]
    h = jnp.zeros((n, H), dtype=jnp.float32)
    last_t = jnp.zeros((n,), dtype=jnp.float32)
    p = _p_model(h, W1, b1, W2, b2)
    loss = jnp.asarray(0.0, dtype=jnp.float32)
    total_M_obs = jnp.asarray(0.0, dtype=jnp.float32)
    dt = 0.1
    current_time = jnp.asarray(0.0, dtype=jnp.float32)
    pos = jnp.arange(n, dtype=jnp.int32)

    def step(i, carry):
        loss, total_M_obs, h, last_t, p, current_time = carry
        current_time = obs_times[i].astype(jnp.float32)
        start, end = event_pt[i], event_pt[i + 1]
        mask = (pos >= start) & (pos < end)
        maskf = mask.astype(jnp.float32)[:, None]
        X_obs = X
        M_obs = M
        i_obs = batch_idx
        loss = loss + jnp.sum(jnp.abs(X_obs - p[i_obs]) * M_obs * maskf)
        total_M_obs = total_M_obs + jnp.sum(M_obs * maskf)
        inp = jnp.concatenate([X_obs, (current_time - last_t[i_obs])[:, None]], axis=-1)
        h_new = _gru_cell(inp, h[i_obs], Wih, Whh, bih, bhh)
        h = h.at[i_obs].set(jnp.where(mask[:, None], h_new, h[i_obs]))
        last_t = last_t.at[i_obs].set(jnp.where(mask, current_time, last_t[i_obs]))
        p = _p_model(h, W1, b1, W2, b2)
        return (loss, total_M_obs, h, last_t, p, current_time)

    loss, total_M_obs, h, last_t, p, current_time = jax.lax.fori_loop(
        0, obs_times.shape[0], step,
        (loss, total_M_obs, h, last_t, p, current_time))

    # prop_to_end (skipped because T == last obs time, kept for faithfulness)
    def tail_cond(carry):
        current_time, h, last_t, p = carry
        return current_time < T - 0.0001 * dt

    def tail_body(carry):
        current_time, h, last_t, p = carry
        current_time = current_time + dt
        X_obs = jnp.zeros((n, X.shape[1]), dtype=jnp.float32)
        inp = jnp.concatenate([X_obs, (current_time - last_t)[:, None]], axis=-1)
        h = _gru_cell(inp, h, Wih, Whh, bih, bhh)
        p = _p_model(h, W1, b1, W2, b2)
        return (current_time, h, last_t, p)

    current_time, h, last_t, p = jax.lax.while_loop(
        tail_cond, tail_body, (current_time, h, last_t, p))
    return (loss, loss / total_M_obs)

if __name__ == "__main__":
    import jax
    _d = setup_inputs()
    print(jax.jit(kernel)(*tuple(_d.values())))

</pallas_src>

<mosaic_0001>
#map = affine_map<(d0, d1) -> (0)>
#map1 = affine_map<(d0, d1) -> (0, 0)>
module attributes {stable_mosaic.version = 14 : i64} {
  func.func @_sc_body(%arg0: i32, %arg1: i32, %arg2: memref<8416xf32, #tpu.memory_space<hbm>>, %arg3: memref<131072xf32, #tpu.memory_space<hbm>>, %arg4: memref<131072xf32, #tpu.memory_space<hbm>>, %arg5: memref<32x32xf32, #tpu.memory_space<hbm>>, %arg6: memref<4096xf32, #tpu.memory_space<vmem>>, %arg7: memref<4096xf32, #tpu.memory_space<vmem>>, %arg8: memref<128xf32, #tpu.memory_space<vmem>>, %arg9: memref<8192xf32, #tpu.memory_space<vmem>>, %arg10: memref<80xf32, #tpu.memory_space<vmem>>, %arg11: memref<32xf32, #tpu.memory_space<vmem>>) attributes {dimension_semantics = [#tpu.dimension_semantics<core_parallel>, #tpu.dimension_semantics<subcore_parallel>], iteration_bounds = array<i64: 2, 16>, scalar_prefetch = 0 : i64, scratch_operands = 6 : i64, tpu.core_type = #tpu.core_type<sc_vector_subcore>, window_params = [{transform_indices = #map}, {transform_indices = #map}, {transform_indices = #map}, {transform_indices = #map1}]} {
    %mul3A = arith.constant 2 : i32
    %mul3A_0 = arith.muli %arg1, %mul3A : i32
    %add3A = arith.addi %mul3A_0, %arg0 : i32
    %mul3A_1 = arith.constant 4096 : i32
    %mul3A_2 = arith.muli %add3A, %mul3A_1 : i32
    "tpu.region"() ({
      %run_scoped3A = tpu.sem_alloc : memref<!tpu.dma_semaphore, #tpu.memory_space<semaphore_mem>>
      %dma_start3A = tpu.memref_slice %arg3[%mul3A_2] : memref<131072xf32, #tpu.memory_space<hbm>> -> memref<4096xf32, #tpu.memory_space<hbm>>
      %dma_start3A_3298 = tpu.memref_slice %arg3[%mul3A_2] : memref<131072xf32, #tpu.memory_space<hbm>> -> memref<4096xf32, #tpu.memory_space<hbm>>
      tpu.enqueue_dma source(%dma_start3A_3298 : memref<4096xf32, #tpu.memory_space<hbm>>) target(%arg6 : memref<4096xf32, #tpu.memory_space<vmem>>) target_semaphore(%run_scoped3A : memref<!tpu.dma_semaphore, #tpu.memory_space<semaphore_mem>>)
      %dma_wait3A = tpu.memref_slice %arg3[%mul3A_2] : memref<131072xf32, #tpu.memory_space<hbm>> -> memref<4096xf32, #tpu.memory_space<hbm>>
      %dma_wait3A_3299 = tpu.memref_slice %arg3[%mul3A_2] : memref<131072xf32, #tpu.memory_space<hbm>> -> memref<4096xf32, #tpu.memory_space<hbm>>
      tpu.wait_dma2 semaphore(%run_scoped3A : memref<!tpu.dma_semaphore, #tpu.memory_space<semaphore_mem>>) src(%dma_wait3A_3299 : memref<4096xf32, #tpu.memory_space<hbm>>) dst(%arg6 : memref<4096xf32, #tpu.memory_space<vmem>>)
      tpu.yield
    }) : () -> ()
    "tpu.region"() ({
      %run_scoped3A = tpu.sem_alloc : memref<!tpu.dma_semaphore, #tpu.memory_space<semaphore_mem>>
      %dma_start3A = tpu.memref_slice %arg4[%mul3A_2] : memref<131072xf32, #tpu.memory_space<hbm>> -> memref<4096xf32, #tpu.memory_space<hbm>>
      %dma_start3A_3298 = tpu.memref_slice %arg4[%mul3A_2] : memref<131072xf32, #tpu.memory_space<hbm>> -> memref<4096xf32, #tpu.memory_space<hbm>>
      tpu.enqueue_dma source(%dma_start3A_3298 : memref<4096xf32, #tpu.memory_space<hbm>>) target(%arg7 : memref<4096xf32, #tpu.memory_space<vmem>>) target_semaphore(%run_scoped3A : memref<!tpu.dma_semaphore, #tpu.memory_space<semaphore_mem>>)
      %dma_wait3A = tpu.memref_slice %arg4[%mul3A_2] : memref<131072xf32, #tpu.memory_space<hbm>> -> memref<4096xf32, #tpu.memory_space<hbm>>
      %dma_wait3A_3299 = tpu.memref_slice %arg4[%mul3A_2] : memref<131072xf32, #tpu.memory_space<hbm>> -> memref<4096xf32, #tpu.memory_space<hbm>>
      tpu.wait_dma2 semaphore(%run_scoped3A : memref<!tpu.dma_semaphore, #tpu.memory_space<semaphore_mem>>) src(%dma_wait3A_3299 : memref<4096xf32, #tpu.memory_space<hbm>>) dst(%arg7 : memref<4096xf32, #tpu.memory_space<vmem>>)
      tpu.yield
    }) : () -> ()
    "tpu.region"() ({
      %run_scoped3A = tpu.sem_alloc : memref<!tpu.dma_semaphore, #tpu.memory_space<semaphore_mem>>
      %dma_start3A = arith.constant 0 : i32
      %dma_start3A_3298 = tpu.memref_slice %arg2[%dma_start3A] : memref<8416xf32, #tpu.memory_space<hbm>> -> memref<128xf32, #tpu.memory_space<hbm>>
      %dma_start3A_3299 = arith.constant 0 : i32
      %dma_start3A_3300 = tpu.memref_slice %arg2[%dma_start3A_3299] : memref<8416xf32, #tpu.memory_space<hbm>> -> memref<128xf32, #tpu.memory_space<hbm>>
      tpu.enqueue_dma source(%dma_start3A_3300 : memref<128xf32, #tpu.memory_space<hbm>>) target(%arg8 : memref<128xf32, #tpu.memory_space<vmem>>) target_semaphore(%run_scoped3A : memref<!tpu.dma_semaphore, #tpu.memory_space<semaphore_mem>>)
      %dma_wait3A = arith.constant 0 : i32
      %dma_wait3A_3301 = tpu.memref_slice %arg2[%dma_wait3A] : memref<8416xf32, #tpu.memory_space<hbm>> -> memref<128xf32, #tpu.memory_space<hbm>>
      %dma_wait3A_3302 = arith.constant 0 : i32
      %dma_wait3A_3303 = tpu.memref_slice %arg2[%dma_wait3A_3302] : memref<8416xf32, #tpu.memory_space<hbm>> -> memref<128xf32, #tpu.memory_space<hbm>>
      tpu.wait_dma2 semaphore(%run_scoped3A : memref<!tpu.dma_semaphore, #tpu.memory_space<semaphore_mem>>) src(%dma_wait3A_3303 : memref<128xf32, #tpu.memory_space<hbm>>) dst(%arg8 : memref<128xf32, #tpu.memory_space<vmem>>)
      tpu.yield
    }) : () -> ()
    "tpu.region"() ({
      %run_scoped3A = tpu.sem_alloc : memref<!tpu.dma_semaphore, #tpu.memory_space<semaphore_mem>>
      %dma_start3A = arith.constant 144 : i32
      %dma_start3A_3298 = tpu.memref_slice %arg2[%dma_start3A] : memref<8416xf32, #tpu.memory_space<hbm>> -> memref<8192xf32, #tpu.memory_space<hbm>>
      %dma_start3A_3299 = arith.constant 144 : i32
      %dma_start3A_3300 = tpu.memref_slice %arg2[%dma_start3A_3299] : memref<8416xf32, #tpu.memory_space<hbm>> -> memref<8192xf32, #tpu.memory_space<hbm>>
      tpu.enqueue_dma source(%dma_start3A_3300 : memref<8192xf32, #tpu.memory_space<hbm>>) target(%arg9 : memref<8192xf32, #tpu.memory_space<vmem>>) target_semaphore(%run_scoped3A : memref<!tpu.dma_semaphore, #tpu.memory_space<semaphore_mem>>)
      %dma_wait3A = arith.constant 144 : i32
      %dma_wait3A_3301 = tpu.memref_slice %arg2[%dma_wait3A] : memref<8416xf32, #tpu.memory_space<hbm>> -> memref<8192xf32, #tpu.memory_space<hbm>>
      %dma_wait3A_3302 = arith.constant 144 : i32
      %dma_wait3A_3303 = tpu.memref_slice %arg2[%dma_wait3A_3302] : memref<8416xf32, #tpu.memory_space<hbm>> -> memref<8192xf32, #tpu.memory_space<hbm>>
      tpu.wait_dma2 semaphore(%run_scoped3A : memref<!tpu.dma_semaphore, #tpu.memory_space<semaphore_mem>>) src(%dma_wait3A_3303 : memref<8192xf32, #tpu.memory_space<hbm>>) dst(%arg9 : memref<8192xf32, #tpu.memory_space<vmem>>)
      tpu.yield
    }) : () -> ()
    "tpu.region"() ({
      %run_scoped3A = tpu.sem_alloc : memref<!tpu.dma_semaphore, #tpu.memory_space<semaphore_mem>>
      %dma_start3A = arith.constant 8336 : i32
      %dma_start3A_3298 = tpu.memref_slice %arg2[%dma_start3A] : memref<8416xf32, #tpu.memory_space<hbm>> -> memref<80xf32, #tpu.memory_space<hbm>>
      %dma_start3A_3299 = arith.constant 8336 : i32
      %dma_start3A_3300 = tpu.memref_slice %arg2[%dma_start3A_3299] : memref<8416xf32, #tpu.memory_space<hbm>> -> memref<80xf32, #tpu.memory_space<hbm>>
      tpu.enqueue_dma source(%dma_start3A_3300 : memref<80xf32, #tpu.memory_space<hbm>>) target(%arg10 : memref<80xf32, #tpu.memory_space<vmem>>) target_semaphore(%run_scoped3A : memref<!tpu.dma_semaphore, #tpu.memory_space<semaphore_mem>>)
      %dma_wait3A = arith.constant 8336 : i32
      %dma_wait3A_3301 = tpu.memref_slice %arg2[%dma_wait3A] : memref<8416xf32, #tpu.memory_space<hbm>> -> memref<80xf32, #tpu.memory_space<hbm>>
      %dma_wait3A_3302 = arith.constant 8336 : i32
      %dma_wait3A_3303 = tpu.memref_slice %arg2[%dma_wait3A_3302] : memref<8416xf32, #tpu.memory_space<hbm>> -> memref<80xf32, #tpu.memory_space<hbm>>
      tpu.wait_dma2 semaphore(%run_scoped3A : memref<!tpu.dma_semaphore, #tpu.memory_space<semaphore_mem>>) src(%dma_wait3A_3303 : memref<80xf32, #tpu.memory_space<hbm>>) dst(%arg10 : memref<80xf32, #tpu.memory_space<vmem>>)
      tpu.yield
    }) : () -> ()
    %broadcast_in_dim3A = arith.constant 0.000000e+00 : f32
    %broadcast_in_dim3A_3 = vector.broadcast %broadcast_in_dim3A : f32 to vector<16xf32>
    %get3A = arith.constant 0 : index
    %get3A_4 = tpu.vector_load %arg10[%get3A] {strides = array<i32>} : memref<80xf32, #tpu.memory_space<vmem>>, vector<16xf32>,
    %get3A_5 = vector.shape_cast %get3A_4 : vector<16xf32> to vector<16xf32>
    %get3A_6 = arith.constant 16 : index
    %get3A_7 = tpu.vector_load %arg10[%get3A_6] {strides = array<i32>} : memref<80xf32, #tpu.memory_space<vmem>>, vector<16xf32>,
    %get3A_8 = vector.shape_cast %get3A_7 : vector<16xf32> to vector<16xf32>
    %get3A_9 = arith.constant 32 : index
    %get3A_10 = tpu.vector_load %arg10[%get3A_9] {strides = array<i32>} : memref<80xf32, #tpu.memory_space<vmem>>, vector<16xf32>,
    %get3A_11 = vector.shape_cast %get3A_10 : vector<16xf32> to vector<16xf32>
    %get3A_12 = arith.constant 48 : index
    %get3A_13 = tpu.vector_load %arg10[%get3A_12] {strides = array<i32>} : memref<80xf32, #tpu.memory_space<vmem>>, vector<16xf32>,
    %get3A_14 = vector.shape_cast %get3A_13 : vector<16xf32> to vector<16xf32>
    %get3A_15 = arith.constant 0 : index
    %get3A_16 = tpu.vector_load %arg8[%get3A_15] {strides = array<i32>} : memref<128xf32, #tpu.memory_space<vmem>>, vector<16xf32>,
    %get3A_17 = vector.shape_cast %get3A_16 : vector<16xf32> to vector<16xf32>
    %max3A = arith.constant 0.000000e+00 : f32
    %max3A_18 = vector.broadcast %max3A : f32 to vector<16xf32>
    %max3A_19 = arith.maximumf %get3A_17, %max3A_18 : vector<16xf32>
    %broadcast_in_dim3A_20 = arith.constant 0 : i32
    %broadcast_in_dim3A_21 = vector.broadcast %broadcast_in_dim3A_20 : i32 to vector<16xi32>
    %broadcast_in_dim3A_22 = vector.shape_cast %broadcast_in_dim3A_21 : vector<16xi32> to vector<16x1xi32>
    %gather3A = vector.shape_cast %broadcast_in_dim3A_22 : vector<16x1xi32> to vector<16xi32>
    %gather3A_23 = tpu.dynamic_gather %max3A_19[%gather3A] in [0] : vector<16xf32>, vector<16xi32> -> vector<16xf32>
    %get3A_24 = arith.constant 0 : index
    %get3A_25 = tpu.vector_load %arg9[%get3A_24] {strides = array<i32>} : memref<8192xf32, #tpu.memory_space<vmem>>, vector<16xf32>,
    %get3A_26 = vector.shape_cast %get3A_25 : vector<16xf32> to vector<16xf32>
    %mul3A_27 = arith.mulf %gather3A_23, %get3A_26 : vector<16xf32>
    %add3A_28 = arith.addf %get3A_5, %mul3A_27 : vector<16xf32>
    %get3A_29 = arith.constant 16 : index
    %get3A_30 = tpu.vector_load %arg9[%get3A_29] {strides = array<i32>} : memref<8192xf32, #tpu.memory_space<vmem>>, vector<16xf32>,
    %get3A_31 = vector.shape_cast %get3A_30 : vector<16xf32> to vector<16xf32>
    %mul3A_32 = arith.mulf %gather3A_23, %get3A_31 : vector<16xf32>
    %add3A_33 = arith.addf %get3A_8, %mul3A_32 : vector<16xf32>
    %get3A_34 = arith.constant 32 : index
    %get3A_35 = tpu.vector_load %arg9[%get3A_34] {strides = array<i32>} : memref<8192xf32, #tpu.memory_space<vmem>>, vector<16xf32>,
    %get3A_36 = vector.shape_cast %get3A_35 : vector<16xf32> to vector<16xf32>
    %mul3A_37 = arith.mulf %gather3A_23, %get3A_36 : vector<16xf32>
    %add3A_38 = arith.addf %get3A_11, %mul3A_37 : vector<16xf32>
    %get3A_39 = arith.constant 48 : index
    %get3A_40 = tpu.vector_load %arg9[%get3A_39] {strides = array<i32>} : memref<8192xf32, #tpu.memory_space<vmem>>, vector<16xf32>,
    %get3A_41 = vector.shape_cast %get3A_40 : vector<16xf32> to vector<16xf32>
    %mul3A_42 = arith.mulf %gather3A_23, %get3A_41 : vector<16xf32>
    %add3A_43 = arith.addf %get3A_14, %mul3A_42 : vector<16xf32>
    %broadcast_in_dim3A_44 = arith.constant 1 : i32
    %broadcast_in_dim3A_45 = vector.broadcast %broadcast_in_dim3A_44 : i32 to vector<16xi32>
    %broadcast_in_dim3A_46 = vector.shape_cast %broadcast_in_dim3A_45 : vector<16xi32> to vector<16x1xi32>
    %gather3A_47 = vector.shape_cast %broadcast_in_dim3A_46 : vector<16x1xi32> to vector<16xi32>
    %gather3A_48 = tpu.dynamic_gather %max3A_19[%gather3A_47] in [0] : vector<16xf32>, vector<16xi32> -> vector<16xf32>
    %get3A_49 = arith.constant 64 : index
    %get3A_50 = tpu.vector_load %arg9[%get3A_49] {strides = array<i32>} : memref<8192xf32, #tpu.memory_space<vmem>>, vector<16xf32>,
    %get3A_51 = vector.shape_cast %get3A_50 : vector<16xf32> to vector<16xf32>
    %mul3A_52 = arith.mulf %gather3A_48, %get3A_51 : vector<16xf32>
    %add3A_53 = arith.addf %add3A_28, %mul3A_52 : vector<16xf32>
    %get3A_54 = arith.constant 80 : index
    %get3A_55 = tpu.vector_load %arg9[%get3A_54] {strides = array<i32>} : memref<8192xf32, #tpu.memory_space<vmem>>, vector<16xf32>,
    %get3A_56 = vector.shape_cast %get3A_55 : vector<16xf32> to vector<16xf32>
    %mul3A_57 = arith.mulf %gather3A_48, %get3A_56 : vector<16xf32>
    %add3A_58 = arith.addf %add3A_33, %mul3A_57 : vector<16xf32>
    %get3A_59 = arith.constant 96 : index
    %get3A_60 = tpu.vector_load %arg9[%get3A_59] {strides = array<i32>} : memref<8192xf32, #tpu.memory_space<vmem>>, vector<16xf32>,
    %get3A_61 = vector.shape_cast %get3A_60 : vector<16xf32> to vector<16xf32>
    %mul3A_62 = arith.mulf %gather3A_48, %get3A_61 : vector<16xf32>
    %add3A_63 = arith.addf %add3A_38, %mul3A_62 : vector<16xf32>
    %get3A_64 = arith.constant 112 : index
    %get3A_65 = tpu.vector_load %arg9[%get3A_64] {strides = array<i32>} : memref<8192xf32, #tpu.memory_space<vmem>>, vector<16xf32>,
    %get3A_66 = vector.shape_cast %get3A_65 : vector<16xf32> to vector<16xf32>
    %mul3A_67 = arith.mulf %gather3A_48, %get3A_66 : vector<16xf32>
    %add3A_68 = arith.addf %add3A_43, %mul3A_67 : vector<16xf32>
    %broadcast_in_dim3A_69 = arith.constant 2 : i32
    %broadcast_in_dim3A_70 = vector.broadcast %broadcast_in_dim3A_69 : i32 to vector<16xi32>
    %broadcast_in_dim3A_71 = vector.shape_cast %broadcast_in_dim3A_70 : vector<16xi32> to vector<16x1xi32>
    %gather3A_72 = vector.shape_cast %broadcast_in_dim3A_71 : vector<16x1xi32> to vector<16xi32>
    %gather3A_73 = tpu.dynamic_gather %max3A_19[%gather3A_72] in [0] : vector<16xf32>, vector<16xi32> -> vector<16xf32>
    %get3A_74 = arith.constant 128 : index
    %get3A_75 = tpu.vector_load %arg9[%get3A_74] {strides = array<i32>} : memref<8192xf32, #tpu.memory_space<vmem>>, vector<16xf32>,
    %get3A_76 = vector.shape_cast %get3A_75 : vector<16xf32> to vector<16xf32>
    %mul3A_77 = arith.mulf %gather3A_73, %get3A_76 : vector<16xf32>
    %add3A_78 = arith.addf %add3A_53, %mul3A_77 : vector<16xf32>
    %get3A_79 = arith.constant 144 : index
    %get3A_80 = tpu.vector_load %arg9[%get3A_79] {strides = array<i32>} : memref<8192xf32, #tpu.memory_space<vmem>>, vector<16xf32>,
    %get3A_81 = vector.shape_cast %get3A_80 : vector<16xf32> to vector<16xf32>
    %mul3A_82 = arith.mulf %gather3A_73, %get3A_81 : vector<16xf32>
    %add3A_83 = arith.addf %add3A_58, %mul3A_82 : vector<16xf32>
    %get3A_84 = arith.constant 160 : index
    %get3A_85 = tpu.vector_load %arg9[%get3A_84] {strides = array<i32>} : memref<8192xf32, #tpu.memory_space<vmem>>, vector<16xf32>,
    %get3A_86 = vector.shape_cast %get3A_85 : vector<16xf32> to vector<16xf32>
    %mul3A_87 = arith.mulf %gather3A_73, %get3A_86 : vector<16xf32>
    %add3A_88 = arith.addf %add3A_63, %mul3A_87 : vector<16xf32>
    %get3A_89 = arith.constant 176 : index
    %get3A_90 = tpu.vector_load %arg9[%get3A_89] {strides = array<i32>} : memref<8192xf32, #tpu.memory_space<vmem>>, vector<16xf32>,
    %get3A_91 = vector.shape_cast %get3A_90 : vector<16xf32> to vector<16xf32>
    %mul3A_92 = arith.mulf %gather3A_73, %get3A_91 : vector<16xf32>
    %add3A_93 = arith.addf %add3A_68, %mul3A_92 : vector<16xf32>
    %broadcast_in_dim3A_94 = arith.constant 3 : i32
    %broadcast_in_dim3A_95 = vector.broadcast %broadcast_in_dim3A_94 : i32 to vector<16xi32>
    %broadcast_in_dim3A_96 = vector.shape_cast %broadcast_in_dim3A_95 : vector<16xi32> to vector<16x1xi32>
    %gather3A_97 = vector.shape_cast %broadcast_in_dim3A_96 : vector<16x1xi32> to vector<16xi32>
    %gather3A_98 = tpu.dynamic_gather %max3A_19[%gather3A_97] in [0] : vector<16xf32>, vector<16xi32> -> vector<16xf32>
    %get3A_99 = arith.constant 192 : index
    %get3A_100 = tpu.vector_load %arg9[%get3A_99] {strides = array<i32>} : memref<8192xf32, #tpu.memory_space<vmem>>, vector<16xf32>,
    %get3A_101 = vector.shape_cast %get3A_100 : vector<16xf32> to vector<16xf32>
    %mul3A_102 = arith.mulf %gather3A_98, %get3A_101 : vector<16xf32>
    %add3A_103 = arith.addf %add3A_78, %mul3A_102 : vector<16xf32>
    %get3A_104 = arith.constant 208 : index
    %get3A_105 = tpu.vector_load %arg9[%get3A_104] {strides = array<i32>} : memref<8192xf32, #tpu.memory_space<vmem>>, vector<16xf32>,
    %get3A_106 = vector.shape_cast %get3A_105 : vector<16xf32> to vector<16xf32>
    %mul3A_107 = arith.mulf %gather3A_98, %get3A_106 : vector<16xf32>
    %add3A_108 = arith.addf %add3A_83, %mul3A_107 : vector<16xf32>
    %get3A_109 = arith.constant 224 : index
    %get3A_110 = tpu.vector_load %arg9[%get3A_109] {strides = array<i32>} : memref<8192xf32, #tpu.memory_space<vmem>>, vector<16xf32>,
    %get3A_111 = vector.shape_cast %get3A_110 : vector<16xf32> to vector<16xf32>
    %mul3A_112 = arith.mulf %gather3A_98, %get3A_111 : vector<16xf32>
    %add3A_113 = arith.addf %add3A_88, %mul3A_112 : vector<16xf32>
    %get3A_114 = arith.constant 240 : index
    %get3A_115 = tpu.vector_load %arg9[%get3A_114] {strides = array<i32>} : memref<8192xf32, #tpu.memory_space<vmem>>, vector<16xf32>,
    %get3A_116 = vector.shape_cast %get3A_115 : vector<16xf32> to vector<16xf32>
    %mul3A_117 = arith.mulf %gather3A_98, %get3A_116 : vector<16xf32>
    %add3A_118 = arith.addf %add3A_93, %mul3A_117 : vector<16xf32>
    %broadcast_in_dim3A_119 = arith.constant 4 : i32
    %broadcast_in_dim3A_120 = vector.broadcast %broadcast_in_dim3A_119 : i32 to vector<16xi32>
    %broadcast_in_dim3A_121 = vector.shape_cast %broadcast_in_dim3A_120 : vector<16xi32> to vector<16x1xi32>
    %gather3A_122 = vector.shape_cast %broadcast_in_dim3A_121 : vector<16x1xi32> to vector<16xi32>
    %gather3A_123 = tpu.dynamic_gather %max3A_19[%gather3A_122] in [0] : vector<16xf32>, vector<16xi32> -> vector<16xf32>
    %get3A_124 = arith.constant 256 : index
    %get3A_125 = tpu.vector_load %arg9[%get3A_124] {strides = array<i32>} : memref<8192xf32, #tpu.memory_space<vmem>>, vector<16xf32>,
    %get3A_126 = vector.shape_cast %get3A_125 : vector<16xf32> to vector<16xf32>
    %mul3A_127 = arith.mulf %gather3A_123, %get3A_126 : vector<16xf32>
    %add3A_128 = arith.addf %add3A_103, %mul3A_127 : vector<16xf32>
    %get3A_129 = arith.constant 272 : index
    %get3A_130 = tpu.vector_load %arg9[%get3A_129] {strides = array<i32>} : memref<8192xf32, #tpu.memory_space<vmem>>, vector<16xf32>,
    %get3A_131 = vector.shape_cast %get3A_130 : vector<16xf32> to vector<16xf32>
    %mul3A_132 = arith.mulf %gather3A_123, %get3A_131 : vector<16xf32>
    %add3A_133 = arith.addf %add3A_108, %mul3A_132 : vector<16xf32>
    %get3A_134 = arith.constant 288 : index
    %get3A_135 = tpu.vector_load %arg9[%get3A_134] {strides = array<i32>} : memref<8192xf32, #tpu.memory_space<vmem>>, vector<16xf32>,
    %get3A_136 = vector.shape_cast %get3A_135 : vector<16xf32> to vector<16xf32>
    %mul3A_137 = arith.mulf %gather3A_123, %get3A_136 : vector<16xf32>
    %add3A_138 = arith.addf %add3A_113, %mul3A_137 : vector<16xf32>
    %get3A_139 = arith.constant 304 : index
    %get3A_140 = tpu.vector_load %arg9[%get3A_139] {strides = array<i32>} : memref<8192xf32, #tpu.memory_space<vmem>>, vector<16xf32>,
    %get3A_141 = vector.shape_cast %get3A_140 : vector<16xf32> to vector<16xf32>
    %mul3A_142 = arith.mulf %gather3A_123, %get3A_141 : vector<16xf32>
    %add3A_143 = arith.addf %add3A_118, %mul3A_142 : vector<16xf32>
    %broadcast_in_dim3A_144 = arith.constant 5 : i32
    %broadcast_in_dim3A_145 = vector.broadcast %broadcast_in_dim3A_144 : i32 to vector<16xi32>
    %broadcast_in_dim3A_146 = vector.shape_cast %broadcast_in_dim3A_145 : vector<16xi32> to vector<16x1xi32>
    %gather3A_147 = vector.shape_cast %broadcast_in_dim3A_146 : vector<16x1xi32> to vector<16xi32>
    %gather3A_148 = tpu.dynamic_gather %max3A_19[%gather3A_147] in [0] : vector<16xf32>, vector<16xi32> -> vector<16xf32>
    %get3A_149 = arith.constant 320 : index
    %get3A_150 = tpu.vector_load %arg9[%get3A_149] {strides = array<i32>} : memref<8192xf32, #tpu.memory_space<vmem>>, vector<16xf32>,
    %get3A_151 = vector.shape_cast %get3A_150 : vector<16xf32> to vector<16xf32>
    %mul3A_152 = arith.mulf %gather3A_148, %get3A_151 : vector<16xf32>
    %add3A_153 = arith.addf %add3A_128, %mul3A_152 : vector<16xf32>
    %get3A_154 = arith.constant 336 : index
    %get3A_155 = tpu.vector_load %arg9[%get3A_154] {strides = array<i32>} : memref<8192xf32, #tpu.memory_space<vmem>>, vector<16xf32>,
    %get3A_156 = vector.shape_cast %get3A_155 : vector<16xf32> to vector<16xf32>
    %mul3A_157 = arith.mulf %gather3A_148, %get3A_156 : vector<16xf32>
    %add3A_158 = arith.addf %add3A_133, %mul3A_157 : vector<16xf32>
    %get3A_159 = arith.constant 352 : index
    %get3A_160 = tpu.vector_load %arg9[%get3A_159] {strides = array<i32>} : memref<8192xf32, #tpu.memory_space<vmem>>, vector<16xf32>,
    %get3A_161 = vector.shape_cast %get3A_160 : vector<16xf32> to vector<16xf32>
    %mul3A_162 = arith.mulf %gather3A_148, %get3A_161 : vector<16xf32>
    %add3A_163 = arith.addf %add3A_138, %mul3A_162 : vector<16xf32>
    %get3A_164 = arith.constant 368 : index
    %get3A_165 = tpu.vector_load %arg9[%get3A_164] {strides = array<i32>} : memref<8192xf32, #tpu.memory_space<vmem>>, vector<16xf32>,
    %get3A_166 = vector.shape_cast %get3A_165 : vector<16xf32> to vector<16xf32>
    %mul3A_167 = arith.mulf %gather3A_148, %get3A_166 : vector<16xf32>
    %add3A_168 = arith.addf %add3A_143, %mul3A_167 : vector<16xf32>
    %broadcast_in_dim3A_169 = arith.constant 6 : i32
    %broadcast_in_dim3A_170 = vector.broadcast %broadcast_in_dim3A_169 : i32 to vector<16xi32>
    %broadcast_in_dim3A_171 = vector.shape_cast %broadcast_in_dim3A_170 : vector<16xi32> to vector<16x1xi32>
    %gather3A_172 = vector.shape_cast %broadcast_in_dim3A_171 : vector<16x1xi32> to vector<16xi32>
    %gather3A_173 = tpu.dynamic_gather %max3A_19[%gather3A_172] in [0] : vector<16xf32>, vector<16xi32> -> vector<16xf32>
    %get3A_174 = arith.constant 384 : index
    %get3A_175 = tpu.vector_load %arg9[%get3A_174] {strides = array<i32>} : memref<8192xf32, #tpu.memory_space<vmem>>, vector<16xf32>,
    %get3A_176 = vector.shape_cast %get3A_175 : vector<16xf32> to vector<16xf32>
    %mul3A_177 = arith.mulf %gather3A_173, %get3A_176 : vector<16xf32>
    %add3A_178 = arith.addf %add3A_153, %mul3A_177 : vector<16xf32>
    %get3A_179 = arith.constant 400 : index
    %get3A_180 = tpu.vector_load %arg9[%get3A_179] {strides = array<i32>} : memref<8192xf32, #tpu.memory_space<vmem>>, vector<16xf32>,
    %get3A_181 = vector.shape_cast %get3A_180 : vector<16xf32> to vector<16xf32>
    %mul3A_182 = arith.mulf %gather3A_173, %get3A_181 : vector<16xf32>
    %add3A_183 = arith.addf %add3A_158, %mul3A_182 : vector<16xf32>
    %get3A_184 = arith.constant 416 : index
    %get3A_185 = tpu.vector_load %arg9[%get3A_184] {strides = array<i32>} : memref<8192xf32, #tpu.memory_space<vmem>>, vector<16xf32>,
    %get3A_186 = vector.shape_cast %get3A_185 : vector<16xf32> to vector<16xf32>
    %mul3A_187 = arith.mulf %gather3A_173, %get3A_186 : vector<16xf32>
    %add3A_188 = arith.addf %add3A_163, %mul3A_187 : vector<16xf32>
    %get3A_189 = arith.constant 432 : index
    %get3A_190 = tpu.vector_load %arg9[%get3A_189] {strides = array<i32>} : memref<8192xf32, #tpu.memory_space<vmem>>, vector<16xf32>,
    %get3A_191 = vector.shape_cast %get3A_190 : vector<16xf32> to vector<16xf32>
    %mul3A_192 = arith.mulf %gather3A_173, %get3A_191 : vector<16xf32>
    %add3A_193 = arith.addf %add3A_168, %mul3A_192 : vector<16xf32>
    %broadcast_in_dim3A_194 = arith.constant 7 : i32
    %broadcast_in_dim3A_195 = vector.broadcast %broadcast_in_dim3A_194 : i32 to vector<16xi32>
    %broadcast_in_dim3A_196 = vector.shape_cast %broadcast_in_dim3A_195 : vector<16xi32> to vector<16x1xi32>
    %gather3A_197 = vector.shape_cast %broadcast_in_dim3A_196 : vector<16x1xi32> to vector<16xi32>
    %gather3A_198 = tpu.dynamic_gather %max3A_19[%gather3A_197] in [0] : vector<16xf32>, vector<16xi32> -> vector<16xf32>
    %get3A_199 = arith.constant 448 : index
    %get3A_200 = tpu.vector_load %arg9[%get3A_199] {strides = array<i32>} : memref<8192xf32, #tpu.memory_space<vmem>>, vector<16xf32>,
    %get3A_201 = vector.shape_cast %get3A_200 : vector<16xf32> to vector<16xf32>
    %mul3A_202 = arith.mulf %gather3A_198, %get3A_201 : vector<16xf32>
    %add3A_203 = arith.addf %add3A_178, %mul3A_202 : vector<16xf32>
    %get3A_204 = arith.constant 464 : index
    %get3A_205 = tpu.vector_load %arg9[%get3A_204] {strides = array<i32>} : memref<8192xf32, #tpu.memory_space<vmem>>, vector<16xf32>,
    %get3A_206 = vector.shape_cast %get3A_205 : vector<16xf32> to vector<16xf32>
    %mul3A_207 = arith.mulf %gather3A_198, %get3A_206 : vector<16xf32>
    %add3A_208 = arith.addf %add3A_183, %mul3A_207 : vector<16xf32>
    %get3A_209 = arith.constant 480 : index
    %get3A_210 = tpu.vector_load %arg9[%get3A_209] {strides = array<i32>} : memref<8192xf32, #tpu.memory_space<vmem>>, vector<16xf32>,
    %get3A_211 = vector.shape_cast %get3A_210 : vector<16xf32> to vector<16xf32>
    %mul3A_212 = arith.mulf %gather3A_198, %get3A_211 : vector<16xf32>
    %add3A_213 = arith.addf %add3A_188, %mul3A_212 : vector<16xf32>
    %get3A_214 = arith.constant 496 : index
    %get3A_215 = tpu.vector_load %arg9[%get3A_214] {strides = array<i32>} : memref<8192xf32, #tpu.memory_space<vmem>>, vector<16xf32>,
    %get3A_216 = vector.shape_cast %get3A_215 : vector<16xf32> to vector<16xf32>
    %mul3A_217 = arith.mulf %gather3A_198, %get3A_216 : vector<16xf32>
    %add3A_218 = arith.addf %add3A_193, %mul3A_217 : vector<16xf32>
    %broadcast_in_dim3A_219 = arith.constant 8 : i32
    %broadcast_in_dim3A_220 = vector.broadcast %broadcast_in_dim3A_219 : i32 to vector<16xi32>
    %broadcast_in_dim3A_221 = vector.shape_cast %broadcast_in_dim3A_220 : vector<16xi32> to vector<16x1xi32>
    %gather3A_222 = vector.shape_cast %broadcast_in_dim3A_221 : vector<16x1xi32> to vector<16xi32>
    %gather3A_223 = tpu.dynamic_gather %max3A_19[%gather3A_222] in [0] : vector<16xf32>, vector<16xi32> -> vector<16xf32>
    %get3A_224 = arith.constant 512 : index
    %get3A_225 = tpu.vector_load %arg9[%get3A_224] {strides = array<i32>} : memref<8192xf32, #tpu.memory_space<vmem>>, vector<16xf32>,
    %get3A_226 = vector.shape_cast %get3A_225 : vector<16xf32> to vector<16xf32>
    %mul3A_227 = arith.mulf %gather3A_223, %get3A_226 : vector<16xf32>
    %add3A_228 = arith.addf %add3A_203, %mul3A_227 : vector<16xf32>
    %get3A_229 = arith.constant 528 : index
    %get3A_230 = tpu.vector_load %arg9[%get3A_229] {strides = array<i32>} : memref<8192xf32, #tpu.memory_space<vmem>>, vector<16xf32>,
    %get3A_231 = vector.shape_cast %get3A_230 : vector<16xf32> to vector<16xf32>
    %mul3A_232 = arith.mulf %gather3A_223, %get3A_231 : vector<16xf32>
    %add3A_233 = arith.addf %add3A_208, %mul3A_232 : vector<16xf32>
    %get3A_234 = arith.constant 544 : index
    %get3A_235 = tpu.vector_load %arg9[%get3A_234] {strides = array<i32>} : memref<8192xf32, #tpu.memory_space<vmem>>, vector<16xf32>,
    %get3A_236 = vector.shape_cast %get3A_235 : vector<16xf32> to vector<16xf32>
    %mul3A_237 = arith.mulf %gather3A_223, %get3A_236 : vector<16xf32>
    %add3A_238 = arith.addf %add3A_213, %mul3A_237 : vector<16xf32>
    %get3A_239 = arith.constant 560 : index
    %get3A_240 = tpu.vector_load %arg9[%get3A_239] {strides = array<i32>} : memref<8192xf32, #tpu.memory_space<vmem>>, vector<16xf32>,
    %get3A_241 = vector.shape_cast %get3A_240 : vector<16xf32> to vector<16xf32>
    %mul3A_242 = arith.mulf %gather3A_223, %get3A_241 : vector<16xf32>
    %add3A_243 = arith.addf %add3A_218, %mul3A_242 : vector<16xf32>
    %broadcast_in_dim3A_244 = arith.constant 9 : i32
    %broadcast_in_dim3A_245 = vector.broadcast %broadcast_in_dim3A_244 : i32 to vector<16xi32>
    %broadcast_in_dim3A_246 = vector.shape_cast %broadcast_in_dim3A_245 : vector<16xi32> to vector<16x1xi32>
    %gather3A_247 = vector.shape_cast %broadcast_in_dim3A_246 : vector<16x1xi32> to vector<16xi32>
    %gather3A_248 = tpu.dynamic_gather %max3A_19[%gather3A_247] in [0] : vector<16xf32>, vector<16xi32> -> vector<16xf32>
    %get3A_249 = arith.constant 576 : index
    %get3A_250 = tpu.vector_load %arg9[%get3A_249] {strides = array<i32>} : memref<8192xf32, #tpu.memory_space<vmem>>, vector<16xf32>,
    %get3A_251 = vector.shape_cast %get3A_250 : vector<16xf32> to vector<16xf32>
    %mul3A_252 = arith.mulf %gather3A_248, %get3A_251 : vector<16xf32>
    %add3A_253 = arith.addf %add3A_228, %mul3A_252 : vector<16xf32>
    %get3A_254 = arith.constant 592 : index
    %get3A_255 = tpu.vector_load %arg9[%get3A_254] {strides = array<i32>} : memref<8192xf32, #tpu.memory_space<vmem>>, vector<16xf32>,
    %get3A_256 = vector.shape_cast %get3A_255 : vector<16xf32> to vector<16xf32>
    %mul3A_257 = arith.mulf %gather3A_248, %get3A_256 : vector<16xf32>
    %add3A_258 = arith.addf %add3A_233, %mul3A_257 : vector<16xf32>
    %get3A_259 = arith.constant 608 : index
    %get3A_260 = tpu.vector_load %arg9[%get3A_259] {strides = array<i32>} : memref<8192xf32, #tpu.memory_space<vmem>>, vector<16xf32>,
    %get3A_261 = vector.shape_cast %get3A_260 : vector<16xf32> to vector<16xf32>
    %mul3A_262 = arith.mulf %gather3A_248, %get3A_261 : vector<16xf32>
    %add3A_263 = arith.addf %add3A_238, %mul3A_262 : vector<16xf32>
    %get3A_264 = arith.constant 624 : index
    %get3A_265 = tpu.vector_load %arg9[%get3A_264] {strides = array<i32>} : memref<8192xf32, #tpu.memory_space<vmem>>, vector<16xf32>,
    %get3A_266 = vector.shape_cast %get3A_265 : vector<16xf32> to vector<16xf32>
    %mul3A_267 = arith.mulf %gather3A_248, %get3A_266 : vector<16xf32>
    %add3A_268 = arith.addf %add3A_243, %mul3A_267 : vector<16xf32>
    %broadcast_in_dim3A_269 = arith.constant 10 : i32
    %broadcast_in_dim3A_270 = vector.broadcast %broadcast_in_dim3A_269 : i32 to vector<16xi32>
    %broadcast_in_dim3A_271 = vector.shape_cast %broadcast_in_dim3A_270 : vector<16xi32> to vector<16x1xi32>
    %gather3A_272 = vector.shape_cast %broadcast_in_dim3A_271 : vector<16x1xi32> to vector<16xi32>
    %gather3A_273 = tpu.dynamic_gather %max3A_19[%gather3A_272] in [0] : vector<16xf32>, vector<16xi32> -> vector<16xf32>
    %get3A_274 = arith.constant 640 : index
    %get3A_275 = tpu.vector_load %arg9[%get3A_274] {strides = array<i32>} : memref<8192xf32, #tpu.memory_space<vmem>>, vector<16xf32>,
    %get3A_276 = vector.shape_cast %get3A_275 : vector<16xf32> to vector<16xf32>
    %mul3A_277 = arith.mulf %gather3A_273, %get3A_276 : vector<16xf32>
    %add3A_278 = arith.addf %add3A_253, %mul3A_277 : vector<16xf32>
    %get3A_279 = arith.constant 656 : index
    %get3A_280 = tpu.vector_load %arg9[%get3A_279] {strides = array<i32>} : memref<8192xf32, #tpu.memory_space<vmem>>, vector<16xf32>,
    %get3A_281 = vector.shape_cast %get3A_280 : vector<16xf32> to vector<16xf32>
    %mul3A_282 = arith.mulf %gather3A_273, %get3A_281 : vector<16xf32>
    %add3A_283 = arith.addf %add3A_258, %mul3A_282 : vector<16xf32>
    %get3A_284 = arith.constant 672 : index
    %get3A_285 = tpu.vector_load %arg9[%get3A_284] {strides = array<i32>} : memref<8192xf32, #tpu.memory_space<vmem>>, vector<16xf32>,
    %get3A_286 = vector.shape_cast %get3A_285 : vector<16xf32> to vector<16xf32>
    %mul3A_287 = arith.mulf %gather3A_273, %get3A_286 : vector<16xf32>
    %add3A_288 = arith.addf %add3A_263, %mul3A_287 : vector<16xf32>
    %get3A_289 = arith.constant 688 : index
    %get3A_290 = tpu.vector_load %arg9[%get3A_289] {strides = array<i32>} : memref<8192xf32, #tpu.memory_space<vmem>>, vector<16xf32>,
    %get3A_291 = vector.shape_cast %get3A_290 : vector<16xf32> to vector<16xf32>
    %mul3A_292 = arith.mulf %gather3A_273, %get3A_291 : vector<16xf32>
    %add3A_293 = arith.addf %add3A_268, %mul3A_292 : vector<16xf32>
    %broadcast_in_dim3A_294 = arith.constant 11 : i32
    %broadcast_in_dim3A_295 = vector.broadcast %broadcast_in_dim3A_294 : i32 to vector<16xi32>
    %broadcast_in_dim3A_296 = vector.shape_cast %broadcast_in_dim3A_295 : vector<16xi32> to vector<16x1xi32>
    %gather3A_297 = vector.shape_cast %broadcast_in_dim3A_296 : vector<16x1xi32> to vector<16xi32>
    %gather3A_298 = tpu.dynamic_gather %max3A_19[%gather3A_297] in [0] : vector<16xf32>, vector<16xi32> -> vector<16xf32>
    %get3A_299 = arith.constant 704 : index
    %get3A_300 = tpu.vector_load %arg9[%get3A_299] {strides = array<i32>} : memref<8192xf32, #tpu.memory_space<vmem>>, vector<16xf32>,
    %get3A_301 = vector.shape_cast %get3A_300 : vector<16xf32> to vector<16xf32>
    %mul3A_302 = arith.mulf %gather3A_298, %get3A_301 : vector<16xf32>
    %add3A_303 = arith.addf %add3A_278, %mul3A_302 : vector<16xf32>
    %get3A_304 = arith.constant 720 : index
    %get3A_305 = tpu.vector_load %arg9[%get3A_304] {strides = array<i32>} : memref<8192xf32, #tpu.memory_space<vmem>>, vector<16xf32>,
    %get3A_306 = vector.shape_cast %get3A_305 : vector<16xf32> to vector<16xf32>
    %mul3A_307 = arith.mulf %gather3A_298, %get3A_306 : vector<16xf32>
    %add3A_308 = arith.addf %add3A_283, %mul3A_307 : vector<16xf32>
    %get3A_309 = arith.constant 736 : index
    %get3A_310 = tpu.vector_load %arg9[%get3A_309] {strides = array<i32>} : memref<8192xf32, #tpu.memory_space<vmem>>, vector<16xf32>,
    %get3A_311 = vector.shape_cast %get3A_310 : vector<16xf32> to vector<16xf32>
    %mul3A_312 = arith.mulf %gather3A_298, %get3A_311 : vector<16xf32>
    %add3A_313 = arith.addf %add3A_288, %mul3A_312 : vector<16xf32>
    %get3A_314 = arith.constant 752 : index
    %get3A_315 = tpu.vector_load %arg9[%get3A_314] {strides = array<i32>} : memref<8192xf32, #tpu.memory_space<vmem>>, vector<16xf32>,
    %get3A_316 = vector.shape_cast %get3A_315 : vector<16xf32> to vector<16xf32>
    %mul3A_317 = arith.mulf %gather3A_298, %get3A_316 : vector<16xf32>
    %add3A_318 = arith.addf %add3A_293, %mul3A_317 : vector<16xf32>
    %broadcast_in_dim3A_319 = arith.constant 12 : i32
    %broadcast_in_dim3A_320 = vector.broadcast %broadcast_in_dim3A_319 : i32 to vector<16xi32>
    %broadcast_in_dim3A_321 = vector.shape_cast %broadcast_in_dim3A_320 : vector<16xi32> to vector<16x1xi32>
    %gather3A_322 = vector.shape_cast %broadcast_in_dim3A_321 : vector<16x1xi32> to vector<16xi32>
    %gather3A_323 = tpu.dynamic_gather %max3A_19[%gather3A_322] in [0] : vector<16xf32>, vector<16xi32> -> vector<16xf32>
    %get3A_324 = arith.constant 768 : index
    %get3A_325 = tpu.vector_load %arg9[%get3A_324] {strides = array<i32>} : memref<8192xf32, #tpu.memory_space<vmem>>, vector<16xf32>,
    %get3A_326 = vector.shape_cast %get3A_325 : vector<16xf32> to vector<16xf32>
    %mul3A_327 = arith.mulf %gather3A_323, %get3A_326 : vector<16xf32>
    %add3A_328 = arith.addf %add3A_303, %mul3A_327 : vector<16xf32>
    %get3A_329 = arith.constant 784 : index
    %get3A_330 = tpu.vector_load %arg9[%get3A_329] {strides = array<i32>} : memref<8192xf32, #tpu.memory_space<vmem>>, vector<16xf32>,
    %get3A_331 = vector.shape_cast %get3A_330 : vector<16xf32> to vector<16xf32>
    %mul3A_332 = arith.mulf %gather3A_323, %get3A_331 : vector<16xf32>
    %add3A_333 = arith.addf %add3A_308, %mul3A_332 : vector<16xf32>
    %get3A_334 = arith.constant 800 : index
    %get3A_335 = tpu.vector_load %arg9[%get3A_334] {strides = array<i32>} : memref<8192xf32, #tpu.memory_space<vmem>>, vector<16xf32>,
    %get3A_336 = vector.shape_cast %get3A_335 : vector<16xf32> to vector<16xf32>
    %mul3A_337 = arith.mulf %gather3A_323, %get3A_336 : vector<16xf32>
    %add3A_338 = arith.addf %add3A_313, %mul3A_337 : vector<16xf32>
    %get3A_339 = arith.constant 816 : index
    %get3A_340 = tpu.vector_load %arg9[%get3A_339] {strides = array<i32>} : memref<8192xf32, #tpu.memory_space<vmem>>, vector<16xf32>,
    %get3A_341 = vector.shape_cast %get3A_340 : vector<16xf32> to vector<16xf32>
    %mul3A_342 = arith.mulf %gather3A_323, %get3A_341 : vector<16xf32>
    %add3A_343 = arith.addf %add3A_318, %mul3A_342 : vector<16xf32>
    %broadcast_in_dim3A_344 = arith.constant 13 : i32
    %broadcast_in_dim3A_345 = vector.broadcast %broadcast_in_dim3A_344 : i32 to vector<16xi32>
    %broadcast_in_dim3A_346 = vector.shape_cast %broadcast_in_dim3A_345 : vector<16xi32> to vector<16x1xi32>
    %gather3A_347 = vector.shape_cast %broadcast_in_dim3A_346 : vector<16x1xi32> to vector<16xi32>
    %gather3A_348 = tpu.dynamic_gather %max3A_19[%gather3A_347] in [0] : vector<16xf32>, vector<16xi32> -> vector<16xf32>
    %get3A_349 = arith.constant 832 : index
    %get3A_350 = tpu.vector_load %arg9[%get3A_349] {strides = array<i32>} : memref<8192xf32, #tpu.memory_space<vmem>>, vector<16xf32>,
    %get3A_351 = vector.shape_cast %get3A_350 : vector<16xf32> to vector<16xf32>
    %mul3A_352 = arith.mulf %gather3A_348, %get3A_351 : vector<16xf32>
    %add3A_353 = arith.addf %add3A_328, %mul3A_352 : vector<16xf32>
    %get3A_354 = arith.constant 848 : index
    %get3A_355 = tpu.vector_load %arg9[%get3A_354] {strides = array<i32>} : memref<8192xf32, #tpu.memory_space<vmem>>, vector<16xf32>,
    %get3A_356 = vector.shape_cast %get3A_355 : vector<16xf32> to vector<16xf32>
    %mul3A_357 = arith.mulf %gather3A_348, %get3A_356 : vector<16xf32>
    %add3A_358 = arith.addf %add3A_333, %mul3A_357 : vector<16xf32>
    %get3A_359 = arith.constant 864 : index
    %get3A_360 = tpu.vector_load %arg9[%get3A_359] {strides = array<i32>} : memref<8192xf32, #tpu.memory_space<vmem>>, vector<16xf32>,
    %get3A_361 = vector.shape_cast %get3A_360 : vector<16xf32> to vector<16xf32>
    %mul3A_362 = arith.mulf %gather3A_348, %get3A_361 : vector<16xf32>
    %add3A_363 = arith.addf %add3A_338, %mul3A_362 : vector<16xf32>
    %get3A_364 = arith.constant 880 : index
    %get3A_365 = tpu.vector_load %arg9[%get3A_364] {strides = array<i32>} : memref<8192xf32, #tpu.memory_space<vmem>>, vector<16xf32>,
    %get3A_366 = vector.shape_cast %get3A_365 : vector<16xf32> to vector<16xf32>
    %mul3A_367 = arith.mulf %gather3A_348, %get3A_366 : vector<16xf32>
    %add3A_368 = arith.addf %add3A_343, %mul3A_367 : vector<16xf32>
    %broadcast_in_dim3A_369 = arith.constant 14 : i32
    %broadcast_in_dim3A_370 = vector.broadcast %broadcast_in_dim3A_369 : i32 to vector<16xi32>
    %broadcast_in_dim3A_371 = vector.shape_cast %broadcast_in_dim3A_370 : vector<16xi32> to vector<16x1xi32>
    %gather3A_372 = vector.shape_cast %broadcast_in_dim3A_371 : vector<16x1xi32> to vector<16xi32>
    %gather3A_373 = tpu.dynamic_gather %max3A_19[%gather3A_372] in [0] : vector<16xf32>, vector<16xi32> -> vector<16xf32>
    %get3A_374 = arith.constant 896 : index
    %get3A_375 = tpu.vector_load %arg9[%get3A_374] {strides = array<i32>} : memref<8192xf32, #tpu.memory_space<vmem>>, vector<16xf32>,
    %get3A_376 = vector.shape_cast %get3A_375 : vector<16xf32> to vector<16xf32>
    %mul3A_377 = arith.mulf %gather3A_373, %get3A_376 : vector<16xf32>
    %add3A_378 = arith.addf %add3A_353, %mul3A_377 : vector<16xf32>
    %get3A_379 = arith.constant 912 : index
    %get3A_380 = tpu.vector_load %arg9[%get3A_379] {strides = array<i32>} : memref<8192xf32, #tpu.memory_space<vmem>>, vector<16xf32>,
    %get3A_381 = vector.shape_cast %get3A_380 : vector<16xf32> to vector<16xf32>
    %mul3A_382 = arith.mulf %gather3A_373, %get3A_381 : vector<16xf32>
    %add3A_383 = arith.addf %add3A_358, %mul3A_382 : vector<16xf32>
    %get3A_384 = arith.constant 928 : index
    %get3A_385 = tpu.vector_load %arg9[%get3A_384] {strides = array<i32>} : memref<8192xf32, #tpu.memory_space<vmem>>, vector<16xf32>,
    %get3A_386 = vector.shape_cast %get3A_385 : vector<16xf32> to vector<16xf32>
    %mul3A_387 = arith.mulf %gather3A_373, %get3A_386 : vector<16xf32>
    %add3A_388 = arith.addf %add3A_363, %mul3A_387 : vector<16xf32>
    %get3A_389 = arith.constant 944 : index
    %get3A_390 = tpu.vector_load %arg9[%get3A_389] {strides = array<i32>} : memref<8192xf32, #tpu.memory_space<vmem>>, vector<16xf32>,
    %get3A_391 = vector.shape_cast %get3A_390 : vector<16xf32> to vector<16xf32>
    %mul3A_392 = arith.mulf %gather3A_373, %get3A_391 : vector<16xf32>
    %add3A_393 = arith.addf %add3A_368, %mul3A_392 : vector<16xf32>
    %broadcast_in_dim3A_394 = arith.constant 15 : i32
    %broadcast_in_dim3A_395 = vector.broadcast %broadcast_in_dim3A_394 : i32 to vector<16xi32>
    %broadcast_in_dim3A_396 = vector.shape_cast %broadcast_in_dim3A_395 : vector<16xi32> to vector<16x1xi32>
    %gather3A_397 = vector.shape_cast %broadcast_in_dim3A_396 : vector<16x1xi32> to vector<16xi32>
    %gather3A_398 = tpu.dynamic_gather %max3A_19[%gather3A_397] in [0] : vector<16xf32>, vector<16xi32> -> vector<16xf32>
    %get3A_399 = arith.constant 960 : index
    %get3A_400 = tpu.vector_load %arg9[%get3A_399] {strides = array<i32>} : memref<8192xf32, #tpu.memory_space<vmem>>, vector<16xf32>,
    %get3A_401 = vector.shape_cast %get3A_400 : vector<16xf32> to vector<16xf32>
    %mul3A_402 = arith.mulf %gather3A_398, %get3A_401 : vector<16xf32>
    %add3A_403 = arith.addf %add3A_378, %mul3A_402 : vector<16xf32>
    %get3A_404 = arith.constant 976 : index
    %get3A_405 = tpu.vector_load %arg9[%get3A_404] {strides = array<i32>} : memref<8192xf32, #tpu.memory_space<vmem>>, vector<16xf32>,
    %get3A_406 = vector.shape_cast %get3A_405 : vector<16xf32> to vector<16xf32>
    %mul3A_407 = arith.mulf %gather3A_398, %get3A_406 : vector<16xf32>
    %add3A_408 = arith.addf %add3A_383, %mul3A_407 : vector<16xf32>
    %get3A_409 = arith.constant 992 : index
    %get3A_410 = tpu.vector_load %arg9[%get3A_409] {strides = array<i32>} : memref<8192xf32, #tpu.memory_space<vmem>>, vector<16xf32>,
    %get3A_411 = vector.shape_cast %get3A_410 : vector<16xf32> to vector<16xf32>
    %mul3A_412 = arith.mulf %gather3A_398, %get3A_411 : vector<16xf32>
    %add3A_413 = arith.addf %add3A_388, %mul3A_412 : vector<16xf32>
    %get3A_414 = arith.constant 1008 : index
    %get3A_415 = tpu.vector_load %arg9[%get3A_414] {strides = array<i32>} : memref<8192xf32, #tpu.memory_space<vmem>>, vector<16xf32>,
    %get3A_416 = vector.shape_cast %get3A_415 : vector<16xf32> to vector<16xf32>
    %mul3A_417 = arith.mulf %gather3A_398, %get3A_416 : vector<16xf32>
    %add3A_418 = arith.addf %add3A_393, %mul3A_417 : vector<16xf32>
    %get3A_419 = arith.constant 16 : index
    %get3A_420 = tpu.vector_load %arg8[%get3A_419] {strides = array<i32>} : memref<128xf32, #tpu.memory_space<vmem>>, vector<16xf32>,
    %get3A_421 = vector.shape_cast %get3A_420 : vector<16xf32> to vector<16xf32>
    %max3A_422 = arith.constant 0.000000e+00 : f32
    %max3A_423 = vector.broadcast %max3A_422 : f32 to vector<16xf32>
    %max3A_424 = arith.maximumf %get3A_421, %max3A_423 : vector<16xf32>
    %broadcast_in_dim3A_425 = arith.constant 0 : i32
    %broadcast_in_dim3A_426 = vector.broadcast %broadcast_in_dim3A_425 : i32 to vector<16xi32>
    %broadcast_in_dim3A_427 = vector.shape_cast %broadcast_in_dim3A_426 : vector<16xi32> to vector<16x1xi32>
    %gather3A_428 = vector.shape_cast %broadcast_in_dim3A_427 : vector<16x1xi32> to vector<16xi32>
    %gather3A_429 = tpu.dynamic_gather %max3A_424[%gather3A_428] in [0] : vector<16xf32>, vector<16xi32> -> vector<16xf32>
    %get3A_430 = arith.constant 1024 : index
    %get3A_431 = tpu.vector_load %arg9[%get3A_430] {strides = array<i32>} : memref<8192xf32, #tpu.memory_space<vmem>>, vector<16xf32>,
    %get3A_432 = vector.shape_cast %get3A_431 : vector<16xf32> to vector<16xf32>
    %mul3A_433 = arith.mulf %gather3A_429, %get3A_432 : vector<16xf32>
    %add3A_434 = arith.addf %add3A_403, %mul3A_433 : vector<16xf32>
    %get3A_435 = arith.constant 1040 : index
    %get3A_436 = tpu.vector_load %arg9[%get3A_435] {strides = array<i32>} : memref<8192xf32, #tpu.memory_space<vmem>>, vector<16xf32>,
    %get3A_437 = vector.shape_cast %get3A_436 : vector<16xf32> to vector<16xf32>
    %mul3A_438 = arith.mulf %gather3A_429, %get3A_437 : vector<16xf32>
    %add3A_439 = arith.addf %add3A_408, %mul3A_438 : vector<16xf32>
    %get3A_440 = arith.constant 1056 : index
    %get3A_441 = tpu.vector_load %arg9[%get3A_440] {strides = array<i32>} : memref<8192xf32, #tpu.memory_space<vmem>>, vector<16xf32>,
    %get3A_442 = vector.shape_cast %get3A_441 : vector<16xf32> to vector<16xf32>
    %mul3A_443 = arith.mulf %gather3A_429, %get3A_442 : vector<16xf32>
    %add3A_444 = arith.addf %add3A_413, %mul3A_443 : vector<16xf32>
    %get3A_445 = arith.constant 1072 : index
    %get3A_446 = tpu.vector_load %arg9[%get3A_445] {strides = array<i32>} : memref<8192xf32, #tpu.memory_space<vmem>>, vector<16xf32>,
    %get3A_447 = vector.shape_cast %get3A_446 : vector<16xf32> to vector<16xf32>
    %mul3A_448 = arith.mulf %gather3A_429, %get3A_447 : vector<16xf32>
    %add3A_449 = arith.addf %add3A_418, %mul3A_448 : vector<16xf32>
    %broadcast_in_dim3A_450 = arith.constant 1 : i32
    %broadcast_in_dim3A_451 = vector.broadcast %broadcast_in_dim3A_450 : i32 to vector<16xi32>
    %broadcast_in_dim3A_452 = vector.shape_cast %broadcast_in_dim3A_451 : vector<16xi32> to vector<16x1xi32>
    %gather3A_453 = vector.shape_cast %broadcast_in_dim3A_452 : vector<16x1xi32> to vector<16xi32>
    %gather3A_454 = tpu.dynamic_gather %max3A_424[%gather3A_453] in [0] : vector<16xf32>, vector<16xi32> -> vector<16xf32>
    %get3A_455 = arith.constant 1088 : index
    %get3A_456 = tpu.vector_load %arg9[%get3A_455] {strides = array<i32>} : memref<8192xf32, #tpu.memory_space<vmem>>, vector<16xf32>,
    %get3A_457 = vector.shape_cast %get3A_456 : vector<16xf32> to vector<16xf32>
    %mul3A_458 = arith.mulf %gather3A_454, %get3A_457 : vector<16xf32>
    %add3A_459 = arith.addf %add3A_434, %mul3A_458 : vector<16xf32>
    %get3A_460 = arith.constant 1104 : index
    %get3A_461 = tpu.vector_load %arg9[%get3A_460] {strides = array<i32>} : memref<8192xf32, #tpu.memory_space<vmem>>, vector<16xf32>,
    %get3A_462 = vector.shape_cast %get3A_461 : vector<16xf32> to vector<16xf32>
    %mul3A_463 = arith.mulf %gather3A_454, %get3A_462 : vector<16xf32>
    %add3A_464 = arith.addf %add3A_439, %mul3A_463 : vector<16xf32>
    %get3A_465 = arith.constant 1120 : index
    %get3A_466 = tpu.vector_load %arg9[%get3A_465] {strides = array<i32>} : memref<8192xf32, #tpu.memory_space<vmem>>, vector<16xf32>,
    %get3A_467 = vector.shape_cast %get3A_466 : vector<16xf32> to vector<16xf32>
    %mul3A_468 = arith.mulf %gather3A_454, %get3A_467 : vector<16xf32>
    %add3A_469 = arith.addf %add3A_444, %mul3A_468 : vector<16xf32>
    %get3A_470 = arith.constant 1136 : index
    %get3A_471 = tpu.vector_load %arg9[%get3A_470] {strides = array<i32>} : memref<8192xf32, #tpu.memory_space<vmem>>, vector<16xf32>,
    %get3A_472 = vector.shape_cast %get3A_471 : vector<16xf32> to vector<16xf32>
    %mul3A_473 = arith.mulf %gather3A_454, %get3A_472 : vector<16xf32>
    %add3A_474 = arith.addf %add3A_449, %mul3A_473 : vector<16xf32>
    %broadcast_in_dim3A_475 = arith.constant 2 : i32
    %broadcast_in_dim3A_476 = vector.broadcast %broadcast_in_dim3A_475 : i32 to vector<16xi32>
    %broadcast_in_dim3A_477 = vector.shape_cast %broadcast_in_dim3A_476 : vector<16xi32> to vector<16x1xi32>
    %gather3A_478 = vector.shape_cast %broadcast_in_dim3A_477 : vector<16x1xi32> to vector<16xi32>
    %gather3A_479 = tpu.dynamic_gather %max3A_424[%gather3A_478] in [0] : vector<16xf32>, vector<16xi32> -> vector<16xf32>
    %get3A_480 = arith.constant 1152 : index
    %get3A_481 = tpu.vector_load %arg9[%get3A_480] {strides = array<i32>} : memref<8192xf32, #tpu.memory_space<vmem>>, vector<16xf32>,
    %get3A_482 = vector.shape_cast %get3A_481 : vector<16xf32> to vector<16xf32>
    %mul3A_483 = arith.mulf %gather3A_479, %get3A_482 : vector<16xf32>
    %add3A_484 = arith.addf %add3A_459, %mul3A_483 : vector<16xf32>
    %get3A_485 = arith.constant 1168 : index
    %get3A_486 = tpu.vector_load %arg9[%get3A_485] {strides = array<i32>} : memref<8192xf32, #tpu.memory_space<vmem>>, vector<16xf32>,
    %get3A_487 = vector.shape_cast %get3A_486 : vector<16xf32> to vector<16xf32>
    %mul3A_488 = arith.mulf %gather3A_479, %get3A_487 : vector<16xf32>
    %add3A_489 = arith.addf %add3A_464, %mul3A_488 : vector<16xf32>
    %get3A_490 = arith.constant 1184 : index
    %get3A_491 = tpu.vector_load %arg9[%get3A_490] {strides = array<i32>} : memref<8192xf32, #tpu.memory_space<vmem>>, vector<16xf32>,
    %get3A_492 = vector.shape_cast %get3A_491 : vector<16xf32> to vector<16xf32>
    %mul3A_493 = arith.mulf %gather3A_479, %get3A_492 : vector<16xf32>
    %add3A_494 = arith.addf %add3A_469, %mul3A_493 : vector<16xf32>
    %get3A_495 = arith.constant 1200 : index
    %get3A_496 = tpu.vector_load %arg9[%get3A_495] {strides = array<i32>} : memref<8192xf32, #tpu.memory_space<vmem>>, vector<16xf32>,
    %get3A_497 = vector.shape_cast %get3A_496 : vector<16xf32> to vector<16xf32>
    %mul3A_498 = arith.mulf %gather3A_479, %get3A_497 : vector<16xf32>
    %add3A_499 = arith.addf %add3A_474, %mul3A_498 : vector<16xf32>
    %broadcast_in_dim3A_500 = arith.constant 3 : i32
    %broadcast_in_dim3A_501 = vector.broadcast %broadcast_in_dim3A_500 : i32 to vector<16xi32>
    %broadcast_in_dim3A_502 = vector.shape_cast %broadcast_in_dim3A_501 : vector<16xi32> to vector<16x1xi32>
    %gather3A_503 = vector.shape_cast %broadcast_in_dim3A_502 : vector<16x1xi32> to vector<16xi32>
    %gather3A_504 = tpu.dynamic_gather %max3A_424[%gather3A_503] in [0] : vector<16xf32>, vector<16xi32> -> vector<16xf32>
    %get3A_505 = arith.constant 1216 : index
    %get3A_506 = tpu.vector_load %arg9[%get3A_505] {strides = array<i32>} : memref<8192xf32, #tpu.memory_space<vmem>>, vector<16xf32>,
    %get3A_507 = vector.shape_cast %get3A_506 : vector<16xf32> to vector<16xf32>
    %mul3A_508 = arith.mulf %gather3A_504, %get3A_507 : vector<16xf32>
    %add3A_509 = arith.addf %add3A_484, %mul3A_508 : vector<16xf32>
    %get3A_510 = arith.constant 1232 : index
    %get3A_511 = tpu.vector_load %arg9[%get3A_510] {strides = array<i32>} : memref<8192xf32, #tpu.memory_space<vmem>>, vector<16xf32>,
    %get3A_512 = vector.shape_cast %get3A_511 : vector<16xf32> to vector<16xf32>
    %mul3A_513 = arith.mulf %gather3A_504, %get3A_512 : vector<16xf32>
    %add3A_514 = arith.addf %add3A_489, %mul3A_513 : vector<16xf32>
    %get3A_515 = arith.constant 1248 : index
    %get3A_516 = tpu.vector_load %arg9[%get3A_515] {strides = array<i32>} : memref<8192xf32, #tpu.memory_space<vmem>>, vector<16xf32>,
    %get3A_517 = vector.shape_cast %get3A_516 : vector<16xf32> to vector<16xf32>
    %mul3A_518 = arith.mulf %gather3A_504, %get3A_517 : vector<16xf32>
    %add3A_519 = arith.addf %add3A_494, %mul3A_518 : vector<16xf32>
    %get3A_520 = arith.constant 1264 : index
    %get3A_521 = tpu.vector_load %arg9[%get3A_520] {strides = array<i32>} : memref<8192xf32, #tpu.memory_space<vmem>>, vector<16xf32>,
    %get3A_522 = vector.shape_cast %get3A_521 : vector<16xf32> to vector<16xf32>
    %mul3A_523 = arith.mulf %gather3A_504, %get3A_522 : vector<16xf32>
    %add3A_524 = arith.addf %add3A_499, %mul3A_523 : vector<16xf32>
    %broadcast_in_dim3A_525 = arith.constant 4 : i32
    %broadcast_in_dim3A_526 = vector.broadcast %broadcast_in_dim3A_525 : i32 to vector<16xi32>
    %broadcast_in_dim3A_527 = vector.shape_cast %broadcast_in_dim3A_526 : vector<16xi32> to vector<16x1xi32>
    %gather3A_528 = vector.shape_cast %broadcast_in_dim3A_527 : vector<16x1xi32> to vector<16xi32>
    %gather3A_529 = tpu.dynamic_gather %max3A_424[%gather3A_528] in [0] : vector<16xf32>, vector<16xi32> -> vector<16xf32>
    %get3A_530 = arith.constant 1280 : index
    %get3A_531 = tpu.vector_load %arg9[%get3A_530] {strides = array<i32>} : memref<8192xf32, #tpu.memory_space<vmem>>, vector<16xf32>,
    %get3A_532 = vector.shape_cast %get3A_531 : vector<16xf32> to vector<16xf32>
    %mul3A_533 = arith.mulf %gather3A_529, %get3A_532 : vector<16xf32>
    %add3A_534 = arith.addf %add3A_509, %mul3A_533 : vector<16xf32>
    %get3A_535 = arith.constant 1296 : index
    %get3A_536 = tpu.vector_load %arg9[%get3A_535] {strides = array<i32>} : memref<8192xf32, #tpu.memory_space<vmem>>, vector<16xf32>,
    %get3A_537 = vector.shape_cast %get3A_536 : vector<16xf32> to vector<16xf32>
    %mul3A_538 = arith.mulf %gather3A_529, %get3A_537 : vector<16xf32>
    %add3A_539 = arith.addf %add3A_514, %mul3A_538 : vector<16xf32>
    %get3A_540 = arith.constant 1312 : index
    %get3A_541 = tpu.vector_load %arg9[%get3A_540] {strides = array<i32>} : memref<8192xf32, #tpu.memory_space<vmem>>, vector<16xf32>,
    %get3A_542 = vector.shape_cast %get3A_541 : vector<16xf32> to vector<16xf32>
    %mul3A_543 = arith.mulf %gather3A_529, %get3A_542 : vector<16xf32>
    %add3A_544 = arith.addf %add3A_519, %mul3A_543 : vector<16xf32>
    %get3A_545 = arith.constant 1328 : index
    %get3A_546 = tpu.vector_load %arg9[%get3A_545] {strides = array<i32>} : memref<8192xf32, #tpu.memory_space<vmem>>, vector<16xf32>,
    %get3A_547 = vector.shape_cast %get3A_546 : vector<16xf32> to vector<16xf32>
    %mul3A_548 = arith.mulf %gather3A_529, %get3A_547 : vector<16xf32>
    %add3A_549 = arith.addf %add3A_524, %mul3A_548 : vector<16xf32>
    %broadcast_in_dim3A_550 = arith.constant 5 : i32
    %broadcast_in_dim3A_551 = vector.broadcast %broadcast_in_dim3A_550 : i32 to vector<16xi32>
    %broadcast_in_dim3A_552 = vector.shape_cast %broadcast_in_dim3A_551 : vector<16xi32> to vector<16x1xi32>
    %gather3A_553 = vector.shape_cast %broadcast_in_dim3A_552 : vector<16x1xi32> to vector<16xi32>
    %gather3A_554 = tpu.dynamic_gather %max3A_424[%gather3A_553] in [0] : vector<16xf32>, vector<16xi32> -> vector<16xf32>
    %get3A_555 = arith.constant 1344 : index
    %get3A_556 = tpu.vector_load %arg9[%get3A_555] {strides = array<i32>} : memref<8192xf32, #tpu.memory_space<vmem>>, vector<16xf32>,
    %get3A_557 = vector.shape_cast %get3A_556 : vector<16xf32> to vector<16xf32>
    %mul3A_558 = arith.mulf %gather3A_554, %get3A_557 : vector<16xf32>
    %add3A_559 = arith.addf %add3A_534, %mul3A_558 : vector<16xf32>
    %get3A_560 = arith.constant 1360 : index
    %get3A_561 = tpu.vector_load %arg9[%get3A_560] {strides = array<i32>} : memref<8192xf32, #tpu.memory_space<vmem>>, vector<16xf32>,
    %get3A_562 = vector.shape_cast %get3A_561 : vector<16xf32> to vector<16xf32>
    %mul3A_563 = arith.mulf %gather3A_554, %get3A_562 : vector<16xf32>
    %add3A_564 = arith.addf %add3A_539, %mul3A_563 : vector<16xf32>
    %get3A_565 = arith.constant 1376 : index
    %get3A_566 = tpu.vector_load %arg9[%get3A_565] {strides = array<i32>} : memref<8192xf32, #tpu.memory_space<vmem>>, vector<16xf32>,
    %get3A_567 = vector.shape_cast %get3A_566 : vector<16xf32> to vector<16xf32>
    %mul3A_568 = arith.mulf %gather3A_554, %get3A_567 : vector<16xf32>
    %add3A_569 = arith.addf %add3A_544, %mul3A_568 : vector<16xf32>
    %get3A_570 = arith.constant 1392 : index
    %get3A_571 = tpu.vector_load %arg9[%get3A_570] {strides = array<i32>} : memref<8192xf32, #tpu.memory_space<vmem>>, vector<16xf32>,
    %get3A_572 = vector.shape_cast %get3A_571 : vector<16xf32> to vector<16xf32>
    %mul3A_573 = arith.mulf %gather3A_554, %get3A_572 : vector<16xf32>
    %add3A_574 = arith.addf %add3A_549, %mul3A_573 : vector<16xf32>
    %broadcast_in_dim3A_575 = arith.constant 6 : i32
    %broadcast_in_dim3A_576 = vector.broadcast %broadcast_in_dim3A_575 : i32 to vector<16xi32>
    %broadcast_in_dim3A_577 = vector.shape_cast %broadcast_in_dim3A_576 : vector<16xi32> to vector<16x1xi32>
    %gather3A_578 = vector.shape_cast %broadcast_in_dim3A_577 : vector<16x1xi32> to vector<16xi32>
    %gather3A_579 = tpu.dynamic_gather %max3A_424[%gather3A_578] in [0] : vector<16xf32>, vector<16xi32> -> vector<16xf32>
    %get3A_580 = arith.constant 1408 : index
    %get3A_581 = tpu.vector_load %arg9[%get3A_580] {strides = array<i32>} : memref<8192xf32, #tpu.memory_space<vmem>>, vector<16xf32>,
    %get3A_582 = vector.shape_cast %get3A_581 : vector<16xf32> to vector<16xf32>
    %mul3A_583 = arith.mulf %gather3A_579, %get3A_582 : vector<16xf32>
    %add3A_584 = arith.addf %add3A_559, %mul3A_583 : vector<16xf32>
    %get3A_585 = arith.constant 1424 : index
    %get3A_586 = tpu.vector_load %arg9[%get3A_585] {strides = array<i32>} : memref<8192xf32, #tpu.memory_space<vmem>>, vector<16xf32>,
    %get3A_587 = vector.shape_cast %get3A_586 : vector<16xf32> to vector<16xf32>
    %mul3A_588 = arith.mulf %gather3A_579, %get3A_587 : vector<16xf32>
    %add3A_589 = arith.addf %add3A_564, %mul3A_588 : vector<16xf32>
    %get3A_590 = arith.constant 1440 : index
    %get3A_591 = tpu.vector_load %arg9[%get3A_590] {strides = array<i32>} : memref<8192xf32, #tpu.memory_space<vmem>>, vector<16xf32>,
    %get3A_592 = vector.shape_cast %get3A_591 : vector<16xf32> to vector<16xf32>
    %mul3A_593 = arith.mulf %gather3A_579, %get3A_592 : vector<16xf32>
    %add3A_594 = arith.addf %add3A_569, %mul3A_593 : vector<16xf32>
    %get3A_595 = arith.constant 1456 : index
    %get3A_596 = tpu.vector_load %arg9[%get3A_595] {strides = array<i32>} : memref<8192xf32, #tpu.memory_space<vmem>>, vector<16xf32>,
    %get3A_597 = vector.shape_cast %get3A_596 : vector<16xf32> to vector<16xf32>
    %mul3A_598 = arith.mulf %gather3A_579, %get3A_597 : vector<16xf32>
    %add3A_599 = arith.addf %add3A_574, %mul3A_598 : vector<16xf32>
    %broadcast_in_dim3A_600 = arith.constant 7 : i32
    %broadcast_in_dim3A_601 = vector.broadcast %broadcast_in_dim3A_600 : i32 to vector<16xi32>
    %broadcast_in_dim3A_602 = vector.shape_cast %broadcast_in_dim3A_601 : vector<16xi32> to vector<16x1xi32>
    %gather3A_603 = vector.shape_cast %broadcast_in_dim3A_602 : vector<16x1xi32> to vector<16xi32>
    %gather3A_604 = tpu.dynamic_gather %max3A_424[%gather3A_603] in [0] : vector<16xf32>, vector<16xi32> -> vector<16xf32>
    %get3A_605 = arith.constant 1472 : index
    %get3A_606 = tpu.vector_load %arg9[%get3A_605] {strides = array<i32>} : memref<8192xf32, #tpu.memory_space<vmem>>, vector<16xf32>,
    %get3A_607 = vector.shape_cast %get3A_606 : vector<16xf32> to vector<16xf32>
    %mul3A_608 = arith.mulf %gather3A_604, %get3A_607 : vector<16xf32>
    %add3A_609 = arith.addf %add3A_584, %mul3A_608 : vector<16xf32>
    %get3A_610 = arith.constant 1488 : index
    %get3A_611 = tpu.vector_load %arg9[%get3A_610] {strides = array<i32>} : memref<8192xf32, #tpu.memory_space<vmem>>, vector<16xf32>,
    %get3A_612 = vector.shape_cast %get3A_611 : vector<16xf32> to vector<16xf32>
    %mul3A_613 = arith.mulf %gather3A_604, %get3A_612 : vector<16xf32>
    %add3A_614 = arith.addf %add3A_589, %mul3A_613 : vector<16xf32>
    %get3A_615 = arith.constant 1504 : index
    %get3A_616 = tpu.vector_load %arg9[%get3A_615] {strides = array<i32>} : memref<8192xf32, #tpu.memory_space<vmem>>, vector<16xf32>,
    %get3A_617 = vector.shape_cast %get3A_616 : vector<16xf32> to vector<16xf32>
    %mul3A_618 = arith.mulf %gather3A_604, %get3A_617 : vector<16xf32>
    %add3A_619 = arith.addf %add3A_594, %mul3A_618 : vector<16xf32>
    %get3A_620 = arith.constant 1520 : index
    %get3A_621 = tpu.vector_load %arg9[%get3A_620] {strides = array<i32>} : memref<8192xf32, #tpu.memory_space<vmem>>, vector<16xf32>,
    %get3A_622 = vector.shape_cast %get3A_621 : vector<16xf32> to vector<16xf32>
    %mul3A_623 = arith.mulf %gather3A_604, %get3A_622 : vector<16xf32>
    %add3A_624 = arith.addf %add3A_599, %mul3A_623 : vector<16xf32>
    %broadcast_in_dim3A_625 = arith.constant 8 : i32
    %broadcast_in_dim3A_626 = vector.broadcast %broadcast_in_dim3A_625 : i32 to vector<16xi32>
    %broadcast_in_dim3A_627 = vector.shape_cast %broadcast_in_dim3A_626 : vector<16xi32> to vector<16x1xi32>
    %gather3A_628 = vector.shape_cast %broadcast_in_dim3A_627 : vector<16x1xi32> to vector<16xi32>
    %gather3A_629 = tpu.dynamic_gather %max3A_424[%gather3A_628] in [0] : vector<16xf32>, vector<16xi32> -> vector<16xf32>
    %get3A_630 = arith.constant 1536 : index
    %get3A_631 = tpu.vector_load %arg9[%get3A_630] {strides = array<i32>} : memref<8192xf32, #tpu.memory_space<vmem>>, vector<16xf32>,
    %get3A_632 = vector.shape_cast %get3A_631 : vector<16xf32> to vector<16xf32>
    %mul3A_633 = arith.mulf %gather3A_629, %get3A_632 : vector<16xf32>
    %add3A_634 = arith.addf %add3A_609, %mul3A_633 : vector<16xf32>
    %get3A_635 = arith.constant 1552 : index
    %get3A_636 = tpu.vector_load %arg9[%get3A_635] {strides = array<i32>} : memref<8192xf32, #tpu.memory_space<vmem>>, vector<16xf32>,
    %get3A_637 = vector.shape_cast %get3A_636 : vector<16xf32> to vector<16xf32>
    %mul3A_638 = arith.mulf %gather3A_629, %get3A_637 : vector<16xf32>
    %add3A_639 = arith.addf %add3A_614, %mul3A_638 : vector<16xf32>
    %get3A_640 = arith.constant 1568 : index
    %get3A_641 = tpu.vector_load %arg9[%get3A_640] {strides = array<i32>} : memref<8192xf32, #tpu.memory_space<vmem>>, vector<16xf32>,
    %get3A_642 = vector.shape_cast %get3A_641 : vector<16xf32> to vector<16xf32>
    %mul3A_643 = arith.mulf %gather3A_629, %get3A_642 : vector<16xf32>
    %add3A_644 = arith.addf %add3A_619, %mul3A_643 : vector<16xf32>
    %get3A_645 = arith.constant 1584 : index
    %get3A_646 = tpu.vector_load %arg9[%get3A_645] {strides = array<i32>} : memref<8192xf32, #tpu.memory_space<vmem>>, vector<16xf32>,
    %get3A_647 = vector.shape_cast %get3A_646 : vector<16xf32> to vector<16xf32>
    %mul3A_648 = arith.mulf %gather3A_629, %get3A_647 : vector<16xf32>
    %add3A_649 = arith.addf %add3A_624, %mul3A_648 : vector<16xf32>
    %broadcast_in_dim3A_650 = arith.constant 9 : i32
    %broadcast_in_dim3A_651 = vector.broadcast %broadcast_in_dim3A_650 : i32 to vector<16xi32>
    %broadcast_in_dim3A_652 = vector.shape_cast %broadcast_in_dim3A_651 : vector<16xi32> to vector<16x1xi32>
    %gather3A_653 = vector.shape_cast %broadcast_in_dim3A_652 : vector<16x1xi32> to vector<16xi32>
    %gather3A_654 = tpu.dynamic_gather %max3A_424[%gather3A_653] in [0] : vector<16xf32>, vector<16xi32> -> vector<16xf32>
    %get3A_655 = arith.constant 1600 : index
    %get3A_656 = tpu.vector_load %arg9[%get3A_655] {strides = array<i32>} : memref<8192xf32, #tpu.memory_space<vmem>>, vector<16xf32>,
    %get3A_657 = vector.shape_cast %get3A_656 : vector<16xf32> to vector<16xf32>
    %mul3A_658 = arith.mulf %gather3A_654, %get3A_657 : vector<16xf32>
    %add3A_659 = arith.addf %add3A_634, %mul3A_658 : vector<16xf32>
    %get3A_660 = arith.constant 1616 : index
    %get3A_661 = tpu.vector_load %arg9[%get3A_660] {strides = array<i32>} : memref<8192xf32, #tpu.memory_space<vmem>>, vector<16xf32>,
    %get3A_662 = vector.shape_cast %get3A_661 : vector<16xf32> to vector<16xf32>
    %mul3A_663 = arith.mulf %gather3A_654, %get3A_662 : vector<16xf32>
    %add3A_664 = arith.addf %add3A_639, %mul3A_663 : vector<16xf32>
    %get3A_665 = arith.constant 1632 : index
    %get3A_666 = tpu.vector_load %arg9[%get3A_665] {strides = array<i32>} : memref<8192xf32, #tpu.memory_space<vmem>>, vector<16xf32>,
    %get3A_667 = vector.shape_cast %get3A_666 : vector<16xf32> to vector<16xf32>
    %mul3A_668 = arith.mulf %gather3A_654, %get3A_667 : vector<16xf32>
    %add3A_669 = arith.addf %add3A_644, %mul3A_668 : vector<16xf32>
    %get3A_670 = arith.constant 1648 : index
    %get3A_671 = tpu.vector_load %arg9[%get3A_670] {strides = array<i32>} : memref<8192xf32, #tpu.memory_space<vmem>>, vector<16xf32>,
    %get3A_672 = vector.shape_cast %get3A_671 : vector<16xf32> to vector<16xf32>
    %mul3A_673 = arith.mulf %gather3A_654, %get3A_672 : vector<16xf32>
    %add3A_674 = arith.addf %add3A_649, %mul3A_673 : vector<16xf32>
    %broadcast_in_dim3A_675 = arith.constant 10 : i32
    %broadcast_in_dim3A_676 = vector.broadcast %broadcast_in_dim3A_675 : i32 to vector<16xi32>
    %broadcast_in_dim3A_677 = vector.shape_cast %broadcast_in_dim3A_676 : vector<16xi32> to vector<16x1xi32>
    %gather3A_678 = vector.shape_cast %broadcast_in_dim3A_677 : vector<16x1xi32> to vector<16xi32>
    %gather3A_679 = tpu.dynamic_gather %max3A_424[%gather3A_678] in [0] : vector<16xf32>, vector<16xi32> -> vector<16xf32>
    %get3A_680 = arith.constant 1664 : index
    %get3A_681 = tpu.vector_load %arg9[%get3A_680] {strides = array<i32>} : memref<8192xf32, #tpu.memory_space<vmem>>, vector<16xf32>,
    %get3A_682 = vector.shape_cast %get3A_681 : vector<16xf32> to vector<16xf32>
    %mul3A_683 = arith.mulf %gather3A_679, %get3A_682 : vector<16xf32>
    %add3A_684 = arith.addf %add3A_659, %mul3A_683 : vector<16xf32>
    %get3A_685 = arith.constant 1680 : index
    %get3A_686 = tpu.vector_load %arg9[%get3A_685] {strides = array<i32>} : memref<8192xf32, #tpu.memory_space<vmem>>, vector<16xf32>,
    %get3A_687 = vector.shape_cast %get3A_686 : vector<16xf32> to vector<16xf32>
    %mul3A_688 = arith.mulf %gather3A_679, %get3A_687 : vector<16xf32>
    %add3A_689 = arith.addf %add3A_664, %mul3A_688 : vector<16xf32>
    %get3A_690 = arith.constant 1696 : index
    %get3A_691 = tpu.vector_load %arg9[%get3A_690] {strides = array<i32>} : memref<8192xf32, #tpu.memory_space<vmem>>, vector<16xf32>,
    %get3A_692 = vector.shape_cast %get3A_691 : vector<16xf32> to vector<16xf32>
    %mul3A_693 = arith.mulf %gather3A_679, %get3A_692 : vector<16xf32>
    %add3A_694 = arith.addf %add3A_669, %mul3A_693 : vector<16xf32>
    %get3A_695 = arith.constant 1712 : index
    %get3A_696 = tpu.vector_load %arg9[%get3A_695] {strides = array<i32>} : memref<8192xf32, #tpu.memory_space<vmem>>, vector<16xf32>,
    %get3A_697 = vector.shape_cast %get3A_696 : vector<16xf32> to vector<16xf32>
    %mul3A_698 = arith.mulf %gather3A_679, %get3A_697 : vector<16xf32>
    %add3A_699 = arith.addf %add3A_674, %mul3A_698 : vector<16xf32>
    %broadcast_in_dim3A_700 = arith.constant 11 : i32
    %broadcast_in_dim3A_701 = vector.broadcast %broadcast_in_dim3A_700 : i32 to vector<16xi32>
    %broadcast_in_dim3A_702 = vector.shape_cast %broadcast_in_dim3A_701 : vector<16xi32> to vector<16x1xi32>
    %gather3A_703 = vector.shape_cast %broadcast_in_dim3A_702 : vector<16x1xi32> to vector<16xi32>
    %gather3A_704 = tpu.dynamic_gather %max3A_424[%gather3A_703] in [0] : vector<16xf32>, vector<16xi32> -> vector<16xf32>
    %get3A_705 = arith.constant 1728 : index
    %get3A_706 = tpu.vector_load %arg9[%get3A_705] {strides = array<i32>} : memref<8192xf32, #tpu.memory_space<vmem>>, vector<16xf32>,
    %get3A_707 = vector.shape_cast %get3A_706 : vector<16xf32> to vector<16xf32>
    %mul3A_708 = arith.mulf %gather3A_704, %get3A_707 : vector<16xf32>
    %add3A_709 = arith.addf %add3A_684, %mul3A_708 : vector<16xf32>
    %get3A_710 = arith.constant 1744 : index
    %get3A_711 = tpu.vector_load %arg9[%get3A_710] {strides = array<i32>} : memref<8192xf32, #tpu.memory_space<vmem>>, vector<16xf32>,
    %get3A_712 = vector.shape_cast %get3A_711 : vector<16xf32> to vector<16xf32>
    %mul3A_713 = arith.mulf %gather3A_704, %get3A_712 : vector<16xf32>
    %add3A_714 = arith.addf %add3A_689, %mul3A_713 : vector<16xf32>
    %get3A_715 = arith.constant 1760 : index
    %get3A_716 = tpu.vector_load %arg9[%get3A_715] {strides = array<i32>} : memref<8192xf32, #tpu.memory_space<vmem>>, vector<16xf32>,
    %get3A_717 = vector.shape_cast %get3A_716 : vector<16xf32> to vector<16xf32>
    %mul3A_718 = arith.mulf %gather3A_704, %get3A_717 : vector<16xf32>
    %add3A_719 = arith.addf %add3A_694, %mul3A_718 : vector<16xf32>
    %get3A_720 = arith.constant 1776 : index
    %get3A_721 = tpu.vector_load %arg9[%get3A_720] {strides = array<i32>} : memref<8192xf32, #tpu.memory_space<vmem>>, vector<16xf32>,
    %get3A_722 = vector.shape_cast %get3A_721 : vector<16xf32> to vector<16xf32>
    %mul3A_723 = arith.mulf %gather3A_704, %get3A_722 : vector<16xf32>
    %add3A_724 = arith.addf %add3A_699, %mul3A_723 : vector<16xf32>
    %broadcast_in_dim3A_725 = arith.constant 12 : i32
    %broadcast_in_dim3A_726 = vector.broadcast %broadcast_in_dim3A_725 : i32 to vector<16xi32>
    %broadcast_in_dim3A_727 = vector.shape_cast %broadcast_in_dim3A_726 : vector<16xi32> to vector<16x1xi32>
    %gather3A_728 = vector.shape_cast %broadcast_in_dim3A_727 : vector<16x1xi32> to vector<16xi32>
    %gather3A_729 = tpu.dynamic_gather %max3A_424[%gather3A_728] in [0] : vector<16xf32>, vector<16xi32> -> vector<16xf32>
    %get3A_730 = arith.constant 1792 : index
    %get3A_731 = tpu.vector_load %arg9[%get3A_730] {strides = array<i32>} : memref<8192xf32, #tpu.memory_space<vmem>>, vector<16xf32>,
    %get3A_732 = vector.shape_cast %get3A_731 : vector<16xf32> to vector<16xf32>
    %mul3A_733 = arith.mulf %gather3A_729, %get3A_732 : vector<16xf32>
    %add3A_734 = arith.addf %add3A_709, %mul3A_733 : vector<16xf32>
    %get3A_735 = arith.constant 1808 : index
    %get3A_736 = tpu.vector_load %arg9[%get3A_735] {strides = array<i32>} : memref<8192xf32, #tpu.memory_space<vmem>>, vector<16xf32>,
    %get3A_737 = vector.shape_cast %get3A_736 : vector<16xf32> to vector<16xf32>
    %mul3A_738 = arith.mulf %gather3A_729, %get3A_737 : vector<16xf32>
    %add3A_739 = arith.addf %add3A_714, %mul3A_738 : vector<16xf32>
    %get3A_740 = arith.constant 1824 : index
    %get3A_741 = tpu.vector_load %arg9[%get3A_740] {strides = array<i32>} : memref<8192xf32, #tpu.memory_space<vmem>>, vector<16xf32>,
    %get3A_742 = vector.shape_cast %get3A_741 : vector<16xf32> to vector<16xf32>
    %mul3A_743 = arith.mulf %gather3A_729, %get3A_742 : vector<16xf32>
    %add3A_744 = arith.addf %add3A_719, %mul3A_743 : vector<16xf32>
    %get3A_745 = arith.constant 1840 : index
    %get3A_746 = tpu.vector_load %arg9[%get3A_745] {strides = array<i32>} : memref<8192xf32, #tpu.memory_space<vmem>>, vector<16xf32>,
    %get3A_747 = vector.shape_cast %get3A_746 : vector<16xf32> to vector<16xf32>
    %mul3A_748 = arith.mulf %gather3A_729, %get3A_747 : vector<16xf32>
    %add3A_749 = arith.addf %add3A_724, %mul3A_748 : vector<16xf32>
    %broadcast_in_dim3A_750 = arith.constant 13 : i32
    %broadcast_in_dim3A_751 = vector.broadcast %broadcast_in_dim3A_750 : i32 to vector<16xi32>
    %broadcast_in_dim3A_752 = vector.shape_cast %broadcast_in_dim3A_751 : vector<16xi32> to vector<16x1xi32>
    %gather3A_753 = vector.shape_cast %broadcast_in_dim3A_752 : vector<16x1xi32> to vector<16xi32>
    %gather3A_754 = tpu.dynamic_gather %max3A_424[%gather3A_753] in [0] : vector<16xf32>, vector<16xi32> -> vector<16xf32>
    %get3A_755 = arith.constant 1856 : index
    %get3A_756 = tpu.vector_load %arg9[%get3A_755] {strides = array<i32>} : memref<8192xf32, #tpu.memory_space<vmem>>, vector<16xf32>,
    %get3A_757 = vector.shape_cast %get3A_756 : vector<16xf32> to vector<16xf32>
    %mul3A_758 = arith.mulf %gather3A_754, %get3A_757 : vector<16xf32>
    %add3A_759 = arith.addf %add3A_734, %mul3A_758 : vector<16xf32>
    %get3A_760 = arith.constant 1872 : index
    %get3A_761 = tpu.vector_load %arg9[%get3A_760] {strides = array<i32>} : memref<8192xf32, #tpu.memory_space<vmem>>, vector<16xf32>,
    %get3A_762 = vector.shape_cast %get3A_761 : vector<16xf32> to vector<16xf32>
    %mul3A_763 = arith.mulf %gather3A_754, %get3A_762 : vector<16xf32>
    %add3A_764 = arith.addf %add3A_739, %mul3A_763 : vector<16xf32>
    %get3A_765 = arith.constant 1888 : index
    %get3A_766 = tpu.vector_load %arg9[%get3A_765] {strides = array<i32>} : memref<8192xf32, #tpu.memory_space<vmem>>, vector<16xf32>,
    %get3A_767 = vector.shape_cast %get3A_766 : vector<16xf32> to vector<16xf32>
    %mul3A_768 = arith.mulf %gather3A_754, %get3A_767 : vector<16xf32>
    %add3A_769 = arith.addf %add3A_744, %mul3A_768 : vector<16xf32>
    %get3A_770 = arith.constant 1904 : index
    %get3A_771 = tpu.vector_load %arg9[%get3A_770] {strides = array<i32>} : memref<8192xf32, #tpu.memory_space<vmem>>, vector<16xf32>,
    %get3A_772 = vector.shape_cast %get3A_771 : vector<16xf32> to vector<16xf32>
    %mul3A_773 = arith.mulf %gather3A_754, %get3A_772 : vector<16xf32>
    %add3A_774 = arith.addf %add3A_749, %mul3A_773 : vector<16xf32>
    %broadcast_in_dim3A_775 = arith.constant 14 : i32
    %broadcast_in_dim3A_776 = vector.broadcast %broadcast_in_dim3A_775 : i32 to vector<16xi32>
    %broadcast_in_dim3A_777 = vector.shape_cast %broadcast_in_dim3A_776 : vector<16xi32> to vector<16x1xi32>
    %gather3A_778 = vector.shape_cast %broadcast_in_dim3A_777 : vector<16x1xi32> to vector<16xi32>
    %gather3A_779 = tpu.dynamic_gather %max3A_424[%gather3A_778] in [0] : vector<16xf32>, vector<16xi32> -> vector<16xf32>
    %get3A_780 = arith.constant 1920 : index
    %get3A_781 = tpu.vector_load %arg9[%get3A_780] {strides = array<i32>} : memref<8192xf32, #tpu.memory_space<vmem>>, vector<16xf32>,
    %get3A_782 = vector.shape_cast %get3A_781 : vector<16xf32> to vector<16xf32>
    %mul3A_783 = arith.mulf %gather3A_779, %get3A_782 : vector<16xf32>
    %add3A_784 = arith.addf %add3A_759, %mul3A_783 : vector<16xf32>
    %get3A_785 = arith.constant 1936 : index
    %get3A_786 = tpu.vector_load %arg9[%get3A_785] {strides = array<i32>} : memref<8192xf32, #tpu.memory_space<vmem>>, vector<16xf32>,
    %get3A_787 = vector.shape_cast %get3A_786 : vector<16xf32> to vector<16xf32>
    %mul3A_788 = arith.mulf %gather3A_779, %get3A_787 : vector<16xf32>
    %add3A_789 = arith.addf %add3A_764, %mul3A_788 : vector<16xf32>
    %get3A_790 = arith.constant 1952 : index
    %get3A_791 = tpu.vector_load %arg9[%get3A_790] {strides = array<i32>} : memref<8192xf32, #tpu.memory_space<vmem>>, vector<16xf32>,
    %get3A_792 = vector.shape_cast %get3A_791 : vector<16xf32> to vector<16xf32>
    %mul3A_793 = arith.mulf %gather3A_779, %get3A_792 : vector<16xf32>
    %add3A_794 = arith.addf %add3A_769, %mul3A_793 : vector<16xf32>
    %get3A_795 = arith.constant 1968 : index
    %get3A_796 = tpu.vector_load %arg9[%get3A_795] {strides = array<i32>} : memref<8192xf32, #tpu.memory_space<vmem>>, vector<16xf32>,
    %get3A_797 = vector.shape_cast %get3A_796 : vector<16xf32> to vector<16xf32>
    %mul3A_798 = arith.mulf %gather3A_779, %get3A_797 : vector<16xf32>
    %add3A_799 = arith.addf %add3A_774, %mul3A_798 : vector<16xf32>
    %broadcast_in_dim3A_800 = arith.constant 15 : i32
    %broadcast_in_dim3A_801 = vector.broadcast %broadcast_in_dim3A_800 : i32 to vector<16xi32>
    %broadcast_in_dim3A_802 = vector.shape_cast %broadcast_in_dim3A_801 : vector<16xi32> to vector<16x1xi32>
    %gather3A_803 = vector.shape_cast %broadcast_in_dim3A_802 : vector<16x1xi32> to vector<16xi32>
    %gather3A_804 = tpu.dynamic_gather %max3A_424[%gather3A_803] in [0] : vector<16xf32>, vector<16xi32> -> vector<16xf32>
    %get3A_805 = arith.constant 1984 : index
    %get3A_806 = tpu.vector_load %arg9[%get3A_805] {strides = array<i32>} : memref<8192xf32, #tpu.memory_space<vmem>>, vector<16xf32>,
    %get3A_807 = vector.shape_cast %get3A_806 : vector<16xf32> to vector<16xf32>
    %mul3A_808 = arith.mulf %gather3A_804, %get3A_807 : vector<16xf32>
    %add3A_809 = arith.addf %add3A_784, %mul3A_808 : vector<16xf32>
    %get3A_810 = arith.constant 2000 : index
    %get3A_811 = tpu.vector_load %arg9[%get3A_810] {strides = array<i32>} : memref<8192xf32, #tpu.memory_space<vmem>>, vector<16xf32>,
    %get3A_812 = vector.shape_cast %get3A_811 : vector<16xf32> to vector<16xf32>
    %mul3A_813 = arith.mulf %gather3A_804, %get3A_812 : vector<16xf32>
    %add3A_814 = arith.addf %add3A_789, %mul3A_813 : vector<16xf32>
    %get3A_815 = arith.constant 2016 : index
    %get3A_816 = tpu.vector_load %arg9[%get3A_815] {strides = array<i32>} : memref<8192xf32, #tpu.memory_space<vmem>>, vector<16xf32>,
    %get3A_817 = vector.shape_cast %get3A_816 : vector<16xf32> to vector<16xf32>
    %mul3A_818 = arith.mulf %gather3A_804, %get3A_817 : vector<16xf32>
    %add3A_819 = arith.addf %add3A_794, %mul3A_818 : vector<16xf32>
    %get3A_820 = arith.constant 2032 : index
    %get3A_821 = tpu.vector_load %arg9[%get3A_820] {strides = array<i32>} : memref<8192xf32, #tpu.memory_space<vmem>>, vector<16xf32>,
    %get3A_822 = vector.shape_cast %get3A_821 : vector<16xf32> to vector<16xf32>
    %mul3A_823 = arith.mulf %gather3A_804, %get3A_822 : vector<16xf32>
    %add3A_824 = arith.addf %add3A_799, %mul3A_823 : vector<16xf32>
    %get3A_825 = arith.constant 32 : index
    %get3A_826 = tpu.vector_load %arg8[%get3A_825] {strides = array<i32>} : memref<128xf32, #tpu.memory_space<vmem>>, vector<16xf32>,
    %get3A_827 = vector.shape_cast %get3A_826 : vector<16xf32> to vector<16xf32>
    %max3A_828 = arith.constant 0.000000e+00 : f32
    %max3A_829 = vector.broadcast %max3A_828 : f32 to vector<16xf32>
    %max3A_830 = arith.maximumf %get3A_827, %max3A_829 : vector<16xf32>
    %broadcast_in_dim3A_831 = arith.constant 0 : i32
    %broadcast_in_dim3A_832 = vector.broadcast %broadcast_in_dim3A_831 : i32 to vector<16xi32>
    %broadcast_in_dim3A_833 = vector.shape_cast %broadcast_in_dim3A_832 : vector<16xi32> to vector<16x1xi32>
    %gather3A_834 = vector.shape_cast %broadcast_in_dim3A_833 : vector<16x1xi32> to vector<16xi32>
    %gather3A_835 = tpu.dynamic_gather %max3A_830[%gather3A_834] in [0] : vector<16xf32>, vector<16xi32> -> vector<16xf32>
    %get3A_836 = arith.constant 2048 : index
    %get3A_837 = tpu.vector_load %arg9[%get3A_836] {strides = array<i32>} : memref<8192xf32, #tpu.memory_space<vmem>>, vector<16xf32>,
    %get3A_838 = vector.shape_cast %get3A_837 : vector<16xf32> to vector<16xf32>
    %mul3A_839 = arith.mulf %gather3A_835, %get3A_838 : vector<16xf32>
    %add3A_840 = arith.addf %add3A_809, %mul3A_839 : vector<16xf32>
    %get3A_841 = arith.constant 2064 : index
    %get3A_842 = tpu.vector_load %arg9[%get3A_841] {strides = array<i32>} : memref<8192xf32, #tpu.memory_space<vmem>>, vector<16xf32>,
    %get3A_843 = vector.shape_cast %get3A_842 : vector<16xf32> to vector<16xf32>
    %mul3A_844 = arith.mulf %gather3A_835, %get3A_843 : vector<16xf32>
    %add3A_845 = arith.addf %add3A_814, %mul3A_844 : vector<16xf32>
    %get3A_846 = arith.constant 2080 : index
    %get3A_847 = tpu.vector_load %arg9[%get3A_846] {strides = array<i32>} : memref<8192xf32, #tpu.memory_space<vmem>>, vector<16xf32>,
    %get3A_848 = vector.shape_cast %get3A_847 : vector<16xf32> to vector<16xf32>
    %mul3A_849 = arith.mulf %gather3A_835, %get3A_848 : vector<16xf32>
    %add3A_850 = arith.addf %add3A_819, %mul3A_849 : vector<16xf32>
    %get3A_851 = arith.constant 2096 : index
    %get3A_852 = tpu.vector_load %arg9[%get3A_851] {strides = array<i32>} : memref<8192xf32, #tpu.memory_space<vmem>>, vector<16xf32>,
    %get3A_853 = vector.shape_cast %get3A_852 : vector<16xf32> to vector<16xf32>
    %mul3A_854 = arith.mulf %gather3A_835, %get3A_853 : vector<16xf32>
    %add3A_855 = arith.addf %add3A_824, %mul3A_854 : vector<16xf32>
    %broadcast_in_dim3A_856 = arith.constant 1 : i32
    %broadcast_in_dim3A_857 = vector.broadcast %broadcast_in_dim3A_856 : i32 to vector<16xi32>
    %broadcast_in_dim3A_858 = vector.shape_cast %broadcast_in_dim3A_857 : vector<16xi32> to vector<16x1xi32>
    %gather3A_859 = vector.shape_cast %broadcast_in_dim3A_858 : vector<16x1xi32> to vector<16xi32>
    %gather3A_860 = tpu.dynamic_gather %max3A_830[%gather3A_859] in [0] : vector<16xf32>, vector<16xi32> -> vector<16xf32>
    %get3A_861 = arith.constant 2112 : index
    %get3A_862 = tpu.vector_load %arg9[%get3A_861] {strides = array<i32>} : memref<8192xf32, #tpu.memory_space<vmem>>, vector<16xf32>,
    %get3A_863 = vector.shape_cast %get3A_862 : vector<16xf32> to vector<16xf32>
    %mul3A_864 = arith.mulf %gather3A_860, %get3A_863 : vector<16xf32>
    %add3A_865 = arith.addf %add3A_840, %mul3A_864 : vector<16xf32>
    %get3A_866 = arith.constant 2128 : index
    %get3A_867 = tpu.vector_load %arg9[%get3A_866] {strides = array<i32>} : memref<8192xf32, #tpu.memory_space<vmem>>, vector<16xf32>,
    %get3A_868 = vector.shape_cast %get3A_867 : vector<16xf32> to vector<16xf32>
    %mul3A_869 = arith.mulf %gather3A_860, %get3A_868 : vector<16xf32>
    %add3A_870 = arith.addf %add3A_845, %mul3A_869 : vector<16xf32>
    %get3A_871 = arith.constant 2144 : index
    %get3A_872 = tpu.vector_load %arg9[%get3A_871] {strides = array<i32>} : memref<8192xf32, #tpu.memory_space<vmem>>, vector<16xf32>,
    %get3A_873 = vector.shape_cast %get3A_872 : vector<16xf32> to vector<16xf32>
    %mul3A_874 = arith.mulf %gather3A_860, %get3A_873 : vector<16xf32>
    %add3A_875 = arith.addf %add3A_850, %mul3A_874 : vector<16xf32>
    %get3A_876 = arith.constant 2160 : index
    %get3A_877 = tpu.vector_load %arg9[%get3A_876] {strides = array<i32>} : memref<8192xf32, #tpu.memory_space<vmem>>, vector<16xf32>,
    %get3A_878 = vector.shape_cast %get3A_877 : vector<16xf32> to vector<16xf32>
    %mul3A_879 = arith.mulf %gather3A_860, %get3A_878 : vector<16xf32>
    %add3A_880 = arith.addf %add3A_855, %mul3A_879 : vector<16xf32>
    %broadcast_in_dim3A_881 = arith.constant 2 : i32
    %broadcast_in_dim3A_882 = vector.broadcast %broadcast_in_dim3A_881 : i32 to vector<16xi32>
    %broadcast_in_dim3A_883 = vector.shape_cast %broadcast_in_dim3A_882 : vector<16xi32> to vector<16x1xi32>
    %gather3A_884 = vector.shape_cast %broadcast_in_dim3A_883 : vector<16x1xi32> to vector<16xi32>
    %gather3A_885 = tpu.dynamic_gather %max3A_830[%gather3A_884] in [0] : vector<16xf32>, vector<16xi32> -> vector<16xf32>
    %get3A_886 = arith.constant 2176 : index
    %get3A_887 = tpu.vector_load %arg9[%get3A_886] {strides = array<i32>} : memref<8192xf32, #tpu.memory_space<vmem>>, vector<16xf32>,
    %get3A_888 = vector.shape_cast %get3A_887 : vector<16xf32> to vector<16xf32>
    %mul3A_889 = arith.mulf %gather3A_885, %get3A_888 : vector<16xf32>
    %add3A_890 = arith.addf %add3A_865, %mul3A_889 : vector<16xf32>
    %get3A_891 = arith.constant 2192 : index
    %get3A_892 = tpu.vector_load %arg9[%get3A_891] {strides = array<i32>} : memref<8192xf32, #tpu.memory_space<vmem>>, vector<16xf32>,
    %get3A_893 = vector.shape_cast %get3A_892 : vector<16xf32> to vector<16xf32>
    %mul3A_894 = arith.mulf %gather3A_885, %get3A_893 : vector<16xf32>
    %add3A_895 = arith.addf %add3A_870, %mul3A_894 : vector<16xf32>
    %get3A_896 = arith.constant 2208 : index
    %get3A_897 = tpu.vector_load %arg9[%get3A_896] {strides = array<i32>} : memref<8192xf32, #tpu.memory_space<vmem>>, vector<16xf32>,
    %get3A_898 = vector.shape_cast %get3A_897 : vector<16xf32> to vector<16xf32>
    %mul3A_899 = arith.mulf %gather3A_885, %get3A_898 : vector<16xf32>
    %add3A_900 = arith.addf %add3A_875, %mul3A_899 : vector<16xf32>
    %get3A_901 = arith.constant 2224 : index
    %get3A_902 = tpu.vector_load %arg9[%get3A_901] {strides = array<i32>} : memref<8192xf32, #tpu.memory_space<vmem>>, vector<16xf32>,
    %get3A_903 = vector.shape_cast %get3A_902 : vector<16xf32> to vector<16xf32>
    %mul3A_904 = arith.mulf %gather3A_885, %get3A_903 : vector<16xf32>
    %add3A_905 = arith.addf %add3A_880, %mul3A_904 : vector<16xf32>
    %broadcast_in_dim3A_906 = arith.constant 3 : i32
    %broadcast_in_dim3A_907 = vector.broadcast %broadcast_in_dim3A_906 : i32 to vector<16xi32>
    %broadcast_in_dim3A_908 = vector.shape_cast %broadcast_in_dim3A_907 : vector<16xi32> to vector<16x1xi32>
    %gather3A_909 = vector.shape_cast %broadcast_in_dim3A_908 : vector<16x1xi32> to vector<16xi32>
    %gather3A_910 = tpu.dynamic_gather %max3A_830[%gather3A_909] in [0] : vector<16xf32>, vector<16xi32> -> vector<16xf32>
    %get3A_911 = arith.constant 2240 : index
    %get3A_912 = tpu.vector_load %arg9[%get3A_911] {strides = array<i32>} : memref<8192xf32, #tpu.memory_space<vmem>>, vector<16xf32>,
    %get3A_913 = vector.shape_cast %get3A_912 : vector<16xf32> to vector<16xf32>
    %mul3A_914 = arith.mulf %gather3A_910, %get3A_913 : vector<16xf32>
    %add3A_915 = arith.addf %add3A_890, %mul3A_914 : vector<16xf32>
    %get3A_916 = arith.constant 2256 : index
    %get3A_917 = tpu.vector_load %arg9[%get3A_916] {strides = array<i32>} : memref<8192xf32, #tpu.memory_space<vmem>>, vector<16xf32>,
    %get3A_918 = vector.shape_cast %get3A_917 : vector<16xf32> to vector<16xf32>
    %mul3A_919 = arith.mulf %gather3A_910, %get3A_918 : vector<16xf32>
    %add3A_920 = arith.addf %add3A_895, %mul3A_919 : vector<16xf32>
    %get3A_921 = arith.constant 2272 : index
    %get3A_922 = tpu.vector_load %arg9[%get3A_921] {strides = array<i32>} : memref<8192xf32, #tpu.memory_space<vmem>>, vector<16xf32>,
    %get3A_923 = vector.shape_cast %get3A_922 : vector<16xf32> to vector<16xf32>
    %mul3A_924 = arith.mulf %gather3A_910, %get3A_923 : vector<16xf32>
    %add3A_925 = arith.addf %add3A_900, %mul3A_924 : vector<16xf32>
    %get3A_926 = arith.constant 2288 : index
    %get3A_927 = tpu.vector_load %arg9[%get3A_926] {strides = array<i32>} : memref<8192xf32, #tpu.memory_space<vmem>>, vector<16xf32>,
    %get3A_928 = vector.shape_cast %get3A_927 : vector<16xf32> to vector<16xf32>
    %mul3A_929 = arith.mulf %gather3A_910, %get3A_928 : vector<16xf32>
    %add3A_930 = arith.addf %add3A_905, %mul3A_929 : vector<16xf32>
    %broadcast_in_dim3A_931 = arith.constant 4 : i32
    %broadcast_in_dim3A_932 = vector.broadcast %broadcast_in_dim3A_931 : i32 to vector<16xi32>
    %broadcast_in_dim3A_933 = vector.shape_cast %broadcast_in_dim3A_932 : vector<16xi32> to vector<16x1xi32>
    %gather3A_934 = vector.shape_cast %broadcast_in_dim3A_933 : vector<16x1xi32> to vector<16xi32>
    %gather3A_935 = tpu.dynamic_gather %max3A_830[%gather3A_934] in [0] : vector<16xf32>, vector<16xi32> -> vector<16xf32>
    %get3A_936 = arith.constant 2304 : index
    %get3A_937 = tpu.vector_load %arg9[%get3A_936] {strides = array<i32>} : memref<8192xf32, #tpu.memory_space<vmem>>, vector<16xf32>,
    %get3A_938 = vector.shape_cast %get3A_937 : vector<16xf32> to vector<16xf32>
    %mul3A_939 = arith.mulf %gather3A_935, %get3A_938 : vector<16xf32>
    %add3A_940 = arith.addf %add3A_915, %mul3A_939 : vector<16xf32>
    %get3A_941 = arith.constant 2320 : index
    %get3A_942 = tpu.vector_load %arg9[%get3A_941] {strides = array<i32>} : memref<8192xf32, #tpu.memory_space<vmem>>, vector<16xf32>,
    %get3A_943 = vector.shape_cast %get3A_942 : vector<16xf32> to vector<16xf32>
    %mul3A_944 = arith.mulf %gather3A_935, %get3A_943 : vector<16xf32>
    %add3A_945 = arith.addf %add3A_920, %mul3A_944 : vector<16xf32>
    %get3A_946 = arith.constant 2336 : index
    %get3A_947 = tpu.vector_load %arg9[%get3A_946] {strides = array<i32>} : memref<8192xf32, #tpu.memory_space<vmem>>, vector<16xf32>,
    %get3A_948 = vector.shape_cast %get3A_947 : vector<16xf32> to vector<16xf32>
    %mul3A_949 = arith.mulf %gather3A_935, %get3A_948 : vector<16xf32>
    %add3A_950 = arith.addf %add3A_925, %mul3A_949 : vector<16xf32>
    %get3A_951 = arith.constant 2352 : index
    %get3A_952 = tpu.vector_load %arg9[%get3A_951] {strides = array<i32>} : memref<8192xf32, #tpu.memory_space<vmem>>, vector<16xf32>,
    %get3A_953 = vector.shape_cast %get3A_952 : vector<16xf32> to vector<16xf32>
    %mul3A_954 = arith.mulf %gather3A_935, %get3A_953 : vector<16xf32>
    %add3A_955 = arith.addf %add3A_930, %mul3A_954 : vector<16xf32>
    %broadcast_in_dim3A_956 = arith.constant 5 : i32
    %broadcast_in_dim3A_957 = vector.broadcast %broadcast_in_dim3A_956 : i32 to vector<16xi32>
    %broadcast_in_dim3A_958 = vector.shape_cast %broadcast_in_dim3A_957 : vector<16xi32> to vector<16x1xi32>
    %gather3A_959 = vector.shape_cast %broadcast_in_dim3A_958 : vector<16x1xi32> to vector<16xi32>
    %gather3A_960 = tpu.dynamic_gather %max3A_830[%gather3A_959] in [0] : vector<16xf32>, vector<16xi32> -> vector<16xf32>
    %get3A_961 = arith.constant 2368 : index
    %get3A_962 = tpu.vector_load %arg9[%get3A_961] {strides = array<i32>} : memref<8192xf32, #tpu.memory_space<vmem>>, vector<16xf32>,
    %get3A_963 = vector.shape_cast %get3A_962 : vector<16xf32> to vector<16xf32>
    %mul3A_964 = arith.mulf %gather3A_960, %get3A_963 : vector<16xf32>
    %add3A_965 = arith.addf %add3A_940, %mul3A_964 : vector<16xf32>
    %get3A_966 = arith.constant 2384 : index
    %get3A_967 = tpu.vector_load %arg9[%get3A_966] {strides = array<i32>} : memref<8192xf32, #tpu.memory_space<vmem>>, vector<16xf32>,
    %get3A_968 = vector.shape_cast %get3A_967 : vector<16xf32> to vector<16xf32>
    %mul3A_969 = arith.mulf %gather3A_960, %get3A_968 : vector<16xf32>
    %add3A_970 = arith.addf %add3A_945, %mul3A_969 : vector<16xf32>
    %get3A_971 = arith.constant 2400 : index
    %get3A_972 = tpu.vector_load %arg9[%get3A_971] {strides = array<i32>} : memref<8192xf32, #tpu.memory_space<vmem>>, vector<16xf32>,
    %get3A_973 = vector.shape_cast %get3A_972 : vector<16xf32> to vector<16xf32>
    %mul3A_974 = arith.mulf %gather3A_960, %get3A_973 : vector<16xf32>
    %add3A_975 = arith.addf %add3A_950, %mul3A_974 : vector<16xf32>
    %get3A_976 = arith.constant 2416 : index
    %get3A_977 = tpu.vector_load %arg9[%get3A_976] {strides = array<i32>} : memref<8192xf32, #tpu.memory_space<vmem>>, vector<16xf32>,
    %get3A_978 = vector.shape_cast %get3A_977 : vector<16xf32> to vector<16xf32>
    %mul3A_979 = arith.mulf %gather3A_960, %get3A_978 : vector<16xf32>
    %add3A_980 = arith.addf %add3A_955, %mul3A_979 : vector<16xf32>
    %broadcast_in_dim3A_981 = arith.constant 6 : i32
    %broadcast_in_dim3A_982 = vector.broadcast %broadcast_in_dim3A_981 : i32 to vector<16xi32>
    %broadcast_in_dim3A_983 = vector.shape_cast %broadcast_in_dim3A_982 : vector<16xi32> to vector<16x1xi32>
    %gather3A_984 = vector.shape_cast %broadcast_in_dim3A_983 : vector<16x1xi32> to vector<16xi32>
    %gather3A_985 = tpu.dynamic_gather %max3A_830[%gather3A_984] in [0] : vector<16xf32>, vector<16xi32> -> vector<16xf32>
    %get3A_986 = arith.constant 2432 : index
    %get3A_987 = tpu.vector_load %arg9[%get3A_986] {strides = array<i32>} : memref<8192xf32, #tpu.memory_space<vmem>>, vector<16xf32>,
    %get3A_988 = vector.shape_cast %get3A_987 : vector<16xf32> to vector<16xf32>
    %mul3A_989 = arith.mulf %gather3A_985, %get3A_988 : vector<16xf32>
    %add3A_990 = arith.addf %add3A_965, %mul3A_989 : vector<16xf32>
    %get3A_991 = arith.constant 2448 : index
    %get3A_992 = tpu.vector_load %arg9[%get3A_991] {strides = array<i32>} : memref<8192xf32, #tpu.memory_space<vmem>>, vector<16xf32>,
    %get3A_993 = vector.shape_cast %get3A_992 : vector<16xf32> to vector<16xf32>
    %mul3A_994 = arith.mulf %gather3A_985, %get3A_993 : vector<16xf32>
    %add3A_995 = arith.addf %add3A_970, %mul3A_994 : vector<16xf32>
    %get3A_996 = arith.constant 2464 : index
    %get3A_997 = tpu.vector_load %arg9[%get3A_996] {strides = array<i32>} : memref<8192xf32, #tpu.memory_space<vmem>>, vector<16xf32>,
    %get3A_998 = vector.shape_cast %get3A_997 : vector<16xf32> to vector<16xf32>
    %mul3A_999 = arith.mulf %gather3A_985, %get3A_998 : vector<16xf32>
    %add3A_1000 = arith.addf %add3A_975, %mul3A_999 : vector<16xf32>
    %get3A_1001 = arith.constant 2480 : index
    %get3A_1002 = tpu.vector_load %arg9[%get3A_1001] {strides = array<i32>} : memref<8192xf32, #tpu.memory_space<vmem>>, vector<16xf32>,
    %get3A_1003 = vector.shape_cast %get3A_1002 : vector<16xf32> to vector<16xf32>
    %mul3A_1004 = arith.mulf %gather3A_985, %get3A_1003 : vector<16xf32>
    %add3A_1005 = arith.addf %add3A_980, %mul3A_1004 : vector<16xf32>
    %broadcast_in_dim3A_1006 = arith.constant 7 : i32
    %broadcast_in_dim3A_1007 = vector.broadcast %broadcast_in_dim3A_1006 : i32 to vector<16xi32>
    %broadcast_in_dim3A_1008 = vector.shape_cast %broadcast_in_dim3A_1007 : vector<16xi32> to vector<16x1xi32>
    %gather3A_1009 = vector.shape_cast %broadcast_in_dim3A_1008 : vector<16x1xi32> to vector<16xi32>
    %gather3A_1010 = tpu.dynamic_gather %max3A_830[%gather3A_1009] in [0] : vector<16xf32>, vector<16xi32> -> vector<16xf32>
    %get3A_1011 = arith.constant 2496 : index
    %get3A_1012 = tpu.vector_load %arg9[%get3A_1011] {strides = array<i32>} : memref<8192xf32, #tpu.memory_space<vmem>>, vector<16xf32>,
    %get3A_1013 = vector.shape_cast %get3A_1012 : vector<16xf32> to vector<16xf32>
    %mul3A_1014 = arith.mulf %gather3A_1010, %get3A_1013 : vector<16xf32>
    %add3A_1015 = arith.addf %add3A_990, %mul3A_1014 : vector<16xf32>
    %get3A_1016 = arith.constant 2512 : index
    %get3A_1017 = tpu.vector_load %arg9[%get3A_1016] {strides = array<i32>} : memref<8192xf32, #tpu.memory_space<vmem>>, vector<16xf32>,
    %get3A_1018 = vector.shape_cast %get3A_1017 : vector<16xf32> to vector<16xf32>
    %mul3A_1019 = arith.mulf %gather3A_1010, %get3A_1018 : vector<16xf32>
    %add3A_1020 = arith.addf %add3A_995, %mul3A_1019 : vector<16xf32>
    %get3A_1021 = arith.constant 2528 : index
    %get3A_1022 = tpu.vector_load %arg9[%get3A_1021] {strides = array<i32>} : memref<8192xf32, #tpu.memory_space<vmem>>, vector<16xf32>,
    %get3A_1023 = vector.shape_cast %get3A_1022 : vector<16xf32> to vector<16xf32>
    %mul3A_1024 = arith.mulf %gather3A_1010, %get3A_1023 : vector<16xf32>
    %add3A_1025 = arith.addf %add3A_1000, %mul3A_1024 : vector<16xf32>
    %get3A_1026 = arith.constant 2544 : index
    %get3A_1027 = tpu.vector_load %arg9[%get3A_1026] {strides = array<i32>} : memref<8192xf32, #tpu.memory_space<vmem>>, vector<16xf32>,
    %get3A_1028 = vector.shape_cast %get3A_1027 : vector<16xf32> to vector<16xf32>
    %mul3A_1029 = arith.mulf %gather3A_1010, %get3A_1028 : vector<16xf32>
    %add3A_1030 = arith.addf %add3A_1005, %mul3A_1029 : vector<16xf32>
    %broadcast_in_dim3A_1031 = arith.constant 8 : i32
    %broadcast_in_dim3A_1032 = vector.broadcast %broadcast_in_dim3A_1031 : i32 to vector<16xi32>
    %broadcast_in_dim3A_1033 = vector.shape_cast %broadcast_in_dim3A_1032 : vector<16xi32> to vector<16x1xi32>
    %gather3A_1034 = vector.shape_cast %broadcast_in_dim3A_1033 : vector<16x1xi32> to vector<16xi32>
    %gather3A_1035 = tpu.dynamic_gather %max3A_830[%gather3A_1034] in [0] : vector<16xf32>, vector<16xi32> -> vector<16xf32>
    %get3A_1036 = arith.constant 2560 : index
    %get3A_1037 = tpu.vector_load %arg9[%get3A_1036] {strides = array<i32>} : memref<8192xf32, #tpu.memory_space<vmem>>, vector<16xf32>,
    %get3A_1038 = vector.shape_cast %get3A_1037 : vector<16xf32> to vector<16xf32>
    %mul3A_1039 = arith.mulf %gather3A_1035, %get3A_1038 : vector<16xf32>
    %add3A_1040 = arith.addf %add3A_1015, %mul3A_1039 : vector<16xf32>
    %get3A_1041 = arith.constant 2576 : index
    %get3A_1042 = tpu.vector_load %arg9[%get3A_1041] {strides = array<i32>} : memref<8192xf32, #tpu.memory_space<vmem>>, vector<16xf32>,
    %get3A_1043 = vector.shape_cast %get3A_1042 : vector<16xf32> to vector<16xf32>
    %mul3A_1044 = arith.mulf %gather3A_1035, %get3A_1043 : vector<16xf32>
    %add3A_1045 = arith.addf %add3A_1020, %mul3A_1044 : vector<16xf32>
    %get3A_1046 = arith.constant 2592 : index
    %get3A_1047 = tpu.vector_load %arg9[%get3A_1046] {strides = array<i32>} : memref<8192xf32, #tpu.memory_space<vmem>>, vector<16xf32>,
    %get3A_1048 = vector.shape_cast %get3A_1047 : vector<16xf32> to vector<16xf32>
    %mul3A_1049 = arith.mulf %gather3A_1035, %get3A_1048 : vector<16xf32>
    %add3A_1050 = arith.addf %add3A_1025, %mul3A_1049 : vector<16xf32>
    %get3A_1051 = arith.constant 2608 : index
    %get3A_1052 = tpu.vector_load %arg9[%get3A_1051] {strides = array<i32>} : memref<8192xf32, #tpu.memory_space<vmem>>, vector<16xf32>,
    %get3A_1053 = vector.shape_cast %get3A_1052 : vector<16xf32> to vector<16xf32>
    %mul3A_1054 = arith.mulf %gather3A_1035, %get3A_1053 : vector<16xf32>
    %add3A_1055 = arith.addf %add3A_1030, %mul3A_1054 : vector<16xf32>
    %broadcast_in_dim3A_1056 = arith.constant 9 : i32
    %broadcast_in_dim3A_1057 = vector.broadcast %broadcast_in_dim3A_1056 : i32 to vector<16xi32>
    %broadcast_in_dim3A_1058 = vector.shape_cast %broadcast_in_dim3A_1057 : vector<16xi32> to vector<16x1xi32>
    %gather3A_1059 = vector.shape_cast %broadcast_in_dim3A_1058 : vector<16x1xi32> to vector<16xi32>
    %gather3A_1060 = tpu.dynamic_gather %max3A_830[%gather3A_1059] in [0] : vector<16xf32>, vector<16xi32> -> vector<16xf32>
    %get3A_1061 = arith.constant 2624 : index
    %get3A_1062 = tpu.vector_load %arg9[%get3A_1061] {strides = array<i32>} : memref<8192xf32, #tpu.memory_space<vmem>>, vector<16xf32>,
    %get3A_1063 = vector.shape_cast %get3A_1062 : vector<16xf32> to vector<16xf32>
    %mul3A_1064 = arith.mulf %gather3A_1060, %get3A_1063 : vector<16xf32>
    %add3A_1065 = arith.addf %add3A_1040, %mul3A_1064 : vector<16xf32>
    %get3A_1066 = arith.constant 2640 : index
    %get3A_1067 = tpu.vector_load %arg9[%get3A_1066] {strides = array<i32>} : memref<8192xf32, #tpu.memory_space<vmem>>, vector<16xf32>,
    %get3A_1068 = vector.shape_cast %get3A_1067 : vector<16xf32> to vector<16xf32>
    %mul3A_1069 = arith.mulf %gather3A_1060, %get3A_1068 : vector<16xf32>
    %add3A_1070 = arith.addf %add3A_1045, %mul3A_1069 : vector<16xf32>
    %get3A_1071 = arith.constant 2656 : index
    %get3A_1072 = tpu.vector_load %arg9[%get3A_1071] {strides = array<i32>} : memref<8192xf32, #tpu.memory_space<vmem>>, vector<16xf32>,
    %get3A_1073 = vector.shape_cast %get3A_1072 : vector<16xf32> to vector<16xf32>
    %mul3A_1074 = arith.mulf %gather3A_1060, %get3A_1073 : vector<16xf32>
    %add3A_1075 = arith.addf %add3A_1050, %mul3A_1074 : vector<16xf32>
    %get3A_1076 = arith.constant 2672 : index
    %get3A_1077 = tpu.vector_load %arg9[%get3A_1076] {strides = array<i32>} : memref<8192xf32, #tpu.memory_space<vmem>>, vector<16xf32>,
    %get3A_1078 = vector.shape_cast %get3A_1077 : vector<16xf32> to vector<16xf32>
    %mul3A_1079 = arith.mulf %gather3A_1060, %get3A_1078 : vector<16xf32>
    %add3A_1080 = arith.addf %add3A_1055, %mul3A_1079 : vector<16xf32>
    %broadcast_in_dim3A_1081 = arith.constant 10 : i32
    %broadcast_in_dim3A_1082 = vector.broadcast %broadcast_in_dim3A_1081 : i32 to vector<16xi32>
    %broadcast_in_dim3A_1083 = vector.shape_cast %broadcast_in_dim3A_1082 : vector<16xi32> to vector<16x1xi32>
    %gather3A_1084 = vector.shape_cast %broadcast_in_dim3A_1083 : vector<16x1xi32> to vector<16xi32>
    %gather3A_1085 = tpu.dynamic_gather %max3A_830[%gather3A_1084] in [0] : vector<16xf32>, vector<16xi32> -> vector<16xf32>
    %get3A_1086 = arith.constant 2688 : index
    %get3A_1087 = tpu.vector_load %arg9[%get3A_1086] {strides = array<i32>} : memref<8192xf32, #tpu.memory_space<vmem>>, vector<16xf32>,
    %get3A_1088 = vector.shape_cast %get3A_1087 : vector<16xf32> to vector<16xf32>
    %mul3A_1089 = arith.mulf %gather3A_1085, %get3A_1088 : vector<16xf32>
    %add3A_1090 = arith.addf %add3A_1065, %mul3A_1089 : vector<16xf32>
    %get3A_1091 = arith.constant 2704 : index
    %get3A_1092 = tpu.vector_load %arg9[%get3A_1091] {strides = array<i32>} : memref<8192xf32, #tpu.memory_space<vmem>>, vector<16xf32>,
    %get3A_1093 = vector.shape_cast %get3A_1092 : vector<16xf32> to vector<16xf32>
    %mul3A_1094 = arith.mulf %gather3A_1085, %get3A_1093 : vector<16xf32>
    %add3A_1095 = arith.addf %add3A_1070, %mul3A_1094 : vector<16xf32>
    %get3A_1096 = arith.constant 2720 : index
    %get3A_1097 = tpu.vector_load %arg9[%get3A_1096] {strides = array<i32>} : memref<8192xf32, #tpu.memory_space<vmem>>, vector<16xf32>,
    %get3A_1098 = vector.shape_cast %get3A_1097 : vector<16xf32> to vector<16xf32>
    %mul3A_1099 = arith.mulf %gather3A_1085, %get3A_1098 : vector<16xf32>
    %add3A_1100 = arith.addf %add3A_1075, %mul3A_1099 : vector<16xf32>
    %get3A_1101 = arith.constant 2736 : index
    %get3A_1102 = tpu.vector_load %arg9[%get3A_1101] {strides = array<i32>} : memref<8192xf32, #tpu.memory_space<vmem>>, vector<16xf32>,
    %get3A_1103 = vector.shape_cast %get3A_1102 : vector<16xf32> to vector<16xf32>
    %mul3A_1104 = arith.mulf %gather3A_1085, %get3A_1103 : vector<16xf32>
    %add3A_1105 = arith.addf %add3A_1080, %mul3A_1104 : vector<16xf32>
    %broadcast_in_dim3A_1106 = arith.constant 11 : i32
    %broadcast_in_dim3A_1107 = vector.broadcast %broadcast_in_dim3A_1106 : i32 to vector<16xi32>
    %broadcast_in_dim3A_1108 = vector.shape_cast %broadcast_in_dim3A_1107 : vector<16xi32> to vector<16x1xi32>
    %gather3A_1109 = vector.shape_cast %broadcast_in_dim3A_1108 : vector<16x1xi32> to vector<16xi32>
    %gather3A_1110 = tpu.dynamic_gather %max3A_830[%gather3A_1109] in [0] : vector<16xf32>, vector<16xi32> -> vector<16xf32>
    %get3A_1111 = arith.constant 2752 : index
    %get3A_1112 = tpu.vector_load %arg9[%get3A_1111] {strides = array<i32>} : memref<8192xf32, #tpu.memory_space<vmem>>, vector<16xf32>,
    %get3A_1113 = vector.shape_cast %get3A_1112 : vector<16xf32> to vector<16xf32>
    %mul3A_1114 = arith.mulf %gather3A_1110, %get3A_1113 : vector<16xf32>
    %add3A_1115 = arith.addf %add3A_1090, %mul3A_1114 : vector<16xf32>
    %get3A_1116 = arith.constant 2768 : index
    %get3A_1117 = tpu.vector_load %arg9[%get3A_1116] {strides = array<i32>} : memref<8192xf32, #tpu.memory_space<vmem>>, vector<16xf32>,
    %get3A_1118 = vector.shape_cast %get3A_1117 : vector<16xf32> to vector<16xf32>
    %mul3A_1119 = arith.mulf %gather3A_1110, %get3A_1118 : vector<16xf32>
    %add3A_1120 = arith.addf %add3A_1095, %mul3A_1119 : vector<16xf32>
    %get3A_1121 = arith.constant 2784 : index
    %get3A_1122 = tpu.vector_load %arg9[%get3A_1121] {strides = array<i32>} : memref<8192xf32, #tpu.memory_space<vmem>>, vector<16xf32>,
    %get3A_1123 = vector.shape_cast %get3A_1122 : vector<16xf32> to vector<16xf32>
    %mul3A_1124 = arith.mulf %gather3A_1110, %get3A_1123 : vector<16xf32>
    %add3A_1125 = arith.addf %add3A_1100, %mul3A_1124 : vector<16xf32>
    %get3A_1126 = arith.constant 2800 : index
    %get3A_1127 = tpu.vector_load %arg9[%get3A_1126] {strides = array<i32>} : memref<8192xf32, #tpu.memory_space<vmem>>, vector<16xf32>,
    %get3A_1128 = vector.shape_cast %get3A_1127 : vector<16xf32> to vector<16xf32>
    %mul3A_1129 = arith.mulf %gather3A_1110, %get3A_1128 : vector<16xf32>
    %add3A_1130 = arith.addf %add3A_1105, %mul3A_1129 : vector<16xf32>
    %broadcast_in_dim3A_1131 = arith.constant 12 : i32
    %broadcast_in_dim3A_1132 = vector.broadcast %broadcast_in_dim3A_1131 : i32 to vector<16xi32>
    %broadcast_in_dim3A_1133 = vector.shape_cast %broadcast_in_dim3A_1132 : vector<16xi32> to vector<16x1xi32>
    %gather3A_1134 = vector.shape_cast %broadcast_in_dim3A_1133 : vector<16x1xi32> to vector<16xi32>
    %gather3A_1135 = tpu.dynamic_gather %max3A_830[%gather3A_1134] in [0] : vector<16xf32>, vector<16xi32> -> vector<16xf32>
    %get3A_1136 = arith.constant 2816 : index
    %get3A_1137 = tpu.vector_load %arg9[%get3A_1136] {strides = array<i32>} : memref<8192xf32, #tpu.memory_space<vmem>>, vector<16xf32>,
    %get3A_1138 = vector.shape_cast %get3A_1137 : vector<16xf32> to vector<16xf32>
    %mul3A_1139 = arith.mulf %gather3A_1135, %get3A_1138 : vector<16xf32>
    %add3A_1140 = arith.addf %add3A_1115, %mul3A_1139 : vector<16xf32>
    %get3A_1141 = arith.constant 2832 : index
    %get3A_1142 = tpu.vector_load %arg9[%get3A_1141] {strides = array<i32>} : memref<8192xf32, #tpu.memory_space<vmem>>, vector<16xf32>,
    %get3A_1143 = vector.shape_cast %get3A_1142 : vector<16xf32> to vector<16xf32>
    %mul3A_1144 = arith.mulf %gather3A_1135, %get3A_1143 : vector<16xf32>
    %add3A_1145 = arith.addf %add3A_1120, %mul3A_1144 : vector<16xf32>
    %get3A_1146 = arith.constant 2848 : index
    %get3A_1147 = tpu.vector_load %arg9[%get3A_1146] {strides = array<i32>} : memref<8192xf32, #tpu.memory_space<vmem>>, vector<16xf32>,
    %get3A_1148 = vector.shape_cast %get3A_1147 : vector<16xf32> to vector<16xf32>
    %mul3A_1149 = arith.mulf %gather3A_1135, %get3A_1148 : vector<16xf32>
    %add3A_1150 = arith.addf %add3A_1125, %mul3A_1149 : vector<16xf32>
    %get3A_1151 = arith.constant 2864 : index
    %get3A_1152 = tpu.vector_load %arg9[%get3A_1151] {strides = array<i32>} : memref<8192xf32, #tpu.memory_space<vmem>>, vector<16xf32>,
    %get3A_1153 = vector.shape_cast %get3A_1152 : vector<16xf32> to vector<16xf32>
    %mul3A_1154 = arith.mulf %gather3A_1135, %get3A_1153 : vector<16xf32>
    %add3A_1155 = arith.addf %add3A_1130, %mul3A_1154 : vector<16xf32>
    %broadcast_in_dim3A_1156 = arith.constant 13 : i32
    %broadcast_in_dim3A_1157 = vector.broadcast %broadcast_in_dim3A_1156 : i32 to vector<16xi32>
    %broadcast_in_dim3A_1158 = vector.shape_cast %broadcast_in_dim3A_1157 : vector<16xi32> to vector<16x1xi32>
    %gather3A_1159 = vector.shape_cast %broadcast_in_dim3A_1158 : vector<16x1xi32> to vector<16xi32>
    %gather3A_1160 = tpu.dynamic_gather %max3A_830[%gather3A_1159] in [0] : vector<16xf32>, vector<16xi32> -> vector<16xf32>
    %get3A_1161 = arith.constant 2880 : index
    %get3A_1162 = tpu.vector_load %arg9[%get3A_1161] {strides = array<i32>} : memref<8192xf32, #tpu.memory_space<vmem>>, vector<16xf32>,
    %get3A_1163 = vector.shape_cast %get3A_1162 : vector<16xf32> to vector<16xf32>
    %mul3A_1164 = arith.mulf %gather3A_1160, %get3A_1163 : vector<16xf32>
    %add3A_1165 = arith.addf %add3A_1140, %mul3A_1164 : vector<16xf32>
    %get3A_1166 = arith.constant 2896 : index
    %get3A_1167 = tpu.vector_load %arg9[%get3A_1166] {strides = array<i32>} : memref<8192xf32, #tpu.memory_space<vmem>>, vector<16xf32>,
    %get3A_1168 = vector.shape_cast %get3A_1167 : vector<16xf32> to vector<16xf32>
    %mul3A_1169 = arith.mulf %gather3A_1160, %get3A_1168 : vector<16xf32>
    %add3A_1170 = arith.addf %add3A_1145, %mul3A_1169 : vector<16xf32>
    %get3A_1171 = arith.constant 2912 : index
    %get3A_1172 = tpu.vector_load %arg9[%get3A_1171] {strides = array<i32>} : memref<8192xf32, #tpu.memory_space<vmem>>, vector<16xf32>,
    %get3A_1173 = vector.shape_cast %get3A_1172 : vector<16xf32> to vector<16xf32>
    %mul3A_1174 = arith.mulf %gather3A_1160, %get3A_1173 : vector<16xf32>
    %add3A_1175 = arith.addf %add3A_1150, %mul3A_1174 : vector<16xf32>
    %get3A_1176 = arith.constant 2928 : index
    %get3A_1177 = tpu.vector_load %arg9[%get3A_1176] {strides = array<i32>} : memref<8192xf32, #tpu.memory_space<vmem>>, vector<16xf32>,
    %get3A_1178 = vector.shape_cast %get3A_1177 : vector<16xf32> to vector<16xf32>
    %mul3A_1179 = arith.mulf %gather3A_1160, %get3A_1178 : vector<16xf32>
    %add3A_1180 = arith.addf %add3A_1155, %mul3A_1179 : vector<16xf32>
    %broadcast_in_dim3A_1181 = arith.constant 14 : i32
    %broadcast_in_dim3A_1182 = vector.broadcast %broadcast_in_dim3A_1181 : i32 to vector<16xi32>
    %broadcast_in_dim3A_1183 = vector.shape_cast %broadcast_in_dim3A_1182 : vector<16xi32> to vector<16x1xi32>
    %gather3A_1184 = vector.shape_cast %broadcast_in_dim3A_1183 : vector<16x1xi32> to vector<16xi32>
    %gather3A_1185 = tpu.dynamic_gather %max3A_830[%gather3A_1184] in [0] : vector<16xf32>, vector<16xi32> -> vector<16xf32>
    %get3A_1186 = arith.constant 2944 : index
    %get3A_1187 = tpu.vector_load %arg9[%get3A_1186] {strides = array<i32>} : memref<8192xf32, #tpu.memory_space<vmem>>, vector<16xf32>,
    %get3A_1188 = vector.shape_cast %get3A_1187 : vector<16xf32> to vector<16xf32>
    %mul3A_1189 = arith.mulf %gather3A_1185, %get3A_1188 : vector<16xf32>
    %add3A_1190 = arith.addf %add3A_1165, %mul3A_1189 : vector<16xf32>
    %get3A_1191 = arith.constant 2960 : index
    %get3A_1192 = tpu.vector_load %arg9[%get3A_1191] {strides = array<i32>} : memref<8192xf32, #tpu.memory_space<vmem>>, vector<16xf32>,
    %get3A_1193 = vector.shape_cast %get3A_1192 : vector<16xf32> to vector<16xf32>
    %mul3A_1194 = arith.mulf %gather3A_1185, %get3A_1193 : vector<16xf32>
    %add3A_1195 = arith.addf %add3A_1170, %mul3A_1194 : vector<16xf32>
    %get3A_1196 = arith.constant 2976 : index
    %get3A_1197 = tpu.vector_load %arg9[%get3A_1196] {strides = array<i32>} : memref<8192xf32, #tpu.memory_space<vmem>>, vector<16xf32>,
    %get3A_1198 = vector.shape_cast %get3A_1197 : vector<16xf32> to vector<16xf32>
    %mul3A_1199 = arith.mulf %gather3A_1185, %get3A_1198 : vector<16xf32>
    %add3A_1200 = arith.addf %add3A_1175, %mul3A_1199 : vector<16xf32>
    %get3A_1201 = arith.constant 2992 : index
    %get3A_1202 = tpu.vector_load %arg9[%get3A_1201] {strides = array<i32>} : memref<8192xf32, #tpu.memory_space<vmem>>, vector<16xf32>,
    %get3A_1203 = vector.shape_cast %get3A_1202 : vector<16xf32> to vector<16xf32>
    %mul3A_1204 = arith.mulf %gather3A_1185, %get3A_1203 : vector<16xf32>
    %add3A_1205 = arith.addf %add3A_1180, %mul3A_1204 : vector<16xf32>
    %broadcast_in_dim3A_1206 = arith.constant 15 : i32
    %broadcast_in_dim3A_1207 = vector.broadcast %broadcast_in_dim3A_1206 : i32 to vector<16xi32>
    %broadcast_in_dim3A_1208 = vector.shape_cast %broadcast_in_dim3A_1207 : vector<16xi32> to vector<16x1xi32>
    %gather3A_1209 = vector.shape_cast %broadcast_in_dim3A_1208 : vector<16x1xi32> to vector<16xi32>
    %gather3A_1210 = tpu.dynamic_gather %max3A_830[%gather3A_1209] in [0] : vector<16xf32>, vector<16xi32> -> vector<16xf32>
    %get3A_1211 = arith.constant 3008 : index
    %get3A_1212 = tpu.vector_load %arg9[%get3A_1211] {strides = array<i32>} : memref<8192xf32, #tpu.memory_space<vmem>>, vector<16xf32>,
    %get3A_1213 = vector.shape_cast %get3A_1212 : vector<16xf32> to vector<16xf32>
    %mul3A_1214 = arith.mulf %gather3A_1210, %get3A_1213 : vector<16xf32>
    %add3A_1215 = arith.addf %add3A_1190, %mul3A_1214 : vector<16xf32>
    %get3A_1216 = arith.constant 3024 : index
    %get3A_1217 = tpu.vector_load %arg9[%get3A_1216] {strides = array<i32>} : memref<8192xf32, #tpu.memory_space<vmem>>, vector<16xf32>,
    %get3A_1218 = vector.shape_cast %get3A_1217 : vector<16xf32> to vector<16xf32>
    %mul3A_1219 = arith.mulf %gather3A_1210, %get3A_1218 : vector<16xf32>
    %add3A_1220 = arith.addf %add3A_1195, %mul3A_1219 : vector<16xf32>
    %get3A_1221 = arith.constant 3040 : index
    %get3A_1222 = tpu.vector_load %arg9[%get3A_1221] {strides = array<i32>} : memref<8192xf32, #tpu.memory_space<vmem>>, vector<16xf32>,
    %get3A_1223 = vector.shape_cast %get3A_1222 : vector<16xf32> to vector<16xf32>
    %mul3A_1224 = arith.mulf %gather3A_1210, %get3A_1223 : vector<16xf32>
    %add3A_1225 = arith.addf %add3A_1200, %mul3A_1224 : vector<16xf32>
    %get3A_1226 = arith.constant 3056 : index
    %get3A_1227 = tpu.vector_load %arg9[%get3A_1226] {strides = array<i32>} : memref<8192xf32, #tpu.memory_space<vmem>>, vector<16xf32>,
    %get3A_1228 = vector.shape_cast %get3A_1227 : vector<16xf32> to vector<16xf32>
    %mul3A_1229 = arith.mulf %gather3A_1210, %get3A_1228 : vector<16xf32>
    %add3A_1230 = arith.addf %add3A_1205, %mul3A_1229 : vector<16xf32>
    %get3A_1231 = arith.constant 48 : index
    %get3A_1232 = tpu.vector_load %arg8[%get3A_1231] {strides = array<i32>} : memref<128xf32, #tpu.memory_space<vmem>>, vector<16xf32>,
    %get3A_1233 = vector.shape_cast %get3A_1232 : vector<16xf32> to vector<16xf32>
    %max3A_1234 = arith.constant 0.000000e+00 : f32
    %max3A_1235 = vector.broadcast %max3A_1234 : f32 to vector<16xf32>
    %max3A_1236 = arith.maximumf %get3A_1233, %max3A_1235 : vector<16xf32>
    %broadcast_in_dim3A_1237 = arith.constant 0 : i32
    %broadcast_in_dim3A_1238 = vector.broadcast %broadcast_in_dim3A_1237 : i32 to vector<16xi32>
    %broadcast_in_dim3A_1239 = vector.shape_cast %broadcast_in_dim3A_1238 : vector<16xi32> to vector<16x1xi32>
    %gather3A_1240 = vector.shape_cast %broadcast_in_dim3A_1239 : vector<16x1xi32> to vector<16xi32>
    %gather3A_1241 = tpu.dynamic_gather %max3A_1236[%gather3A_1240] in [0] : vector<16xf32>, vector<16xi32> -> vector<16xf32>
    %get3A_1242 = arith.constant 3072 : index
    %get3A_1243 = tpu.vector_load %arg9[%get3A_1242] {strides = array<i32>} : memref<8192xf32, #tpu.memory_space<vmem>>, vector<16xf32>,
    %get3A_1244 = vector.shape_cast %get3A_1243 : vector<16xf32> to vector<16xf32>
    %mul3A_1245 = arith.mulf %gather3A_1241, %get3A_1244 : vector<16xf32>
    %add3A_1246 = arith.addf %add3A_1215, %mul3A_1245 : vector<16xf32>
    %get3A_1247 = arith.constant 3088 : index
    %get3A_1248 = tpu.vector_load %arg9[%get3A_1247] {strides = array<i32>} : memref<8192xf32, #tpu.memory_space<vmem>>, vector<16xf32>,
    %get3A_1249 = vector.shape_cast %get3A_1248 : vector<16xf32> to vector<16xf32>
    %mul3A_1250 = arith.mulf %gather3A_1241, %get3A_1249 : vector<16xf32>
    %add3A_1251 = arith.addf %add3A_1220, %mul3A_1250 : vector<16xf32>
    %get3A_1252 = arith.constant 3104 : index
    %get3A_1253 = tpu.vector_load %arg9[%get3A_1252] {strides = array<i32>} : memref<8192xf32, #tpu.memory_space<vmem>>, vector<16xf32>,
    %get3A_1254 = vector.shape_cast %get3A_1253 : vector<16xf32> to vector<16xf32>
    %mul3A_1255 = arith.mulf %gather3A_1241, %get3A_1254 : vector<16xf32>
    %add3A_1256 = arith.addf %add3A_1225, %mul3A_1255 : vector<16xf32>
    %get3A_1257 = arith.constant 3120 : index
    %get3A_1258 = tpu.vector_load %arg9[%get3A_1257] {strides = array<i32>} : memref<8192xf32, #tpu.memory_space<vmem>>, vector<16xf32>,
    %get3A_1259 = vector.shape_cast %get3A_1258 : vector<16xf32> to vector<16xf32>
    %mul3A_1260 = arith.mulf %gather3A_1241, %get3A_1259 : vector<16xf32>
    %add3A_1261 = arith.addf %add3A_1230, %mul3A_1260 : vector<16xf32>
    %broadcast_in_dim3A_1262 = arith.constant 1 : i32
    %broadcast_in_dim3A_1263 = vector.broadcast %broadcast_in_dim3A_1262 : i32 to vector<16xi32>
    %broadcast_in_dim3A_1264 = vector.shape_cast %broadcast_in_dim3A_1263 : vector<16xi32> to vector<16x1xi32>
    %gather3A_1265 = vector.shape_cast %broadcast_in_dim3A_1264 : vector<16x1xi32> to vector<16xi32>
    %gather3A_1266 = tpu.dynamic_gather %max3A_1236[%gather3A_1265] in [0] : vector<16xf32>, vector<16xi32> -> vector<16xf32>
    %get3A_1267 = arith.constant 3136 : index
    %get3A_1268 = tpu.vector_load %arg9[%get3A_1267] {strides = array<i32>} : memref<8192xf32, #tpu.memory_space<vmem>>, vector<16xf32>,
    %get3A_1269 = vector.shape_cast %get3A_1268 : vector<16xf32> to vector<16xf32>
    %mul3A_1270 = arith.mulf %gather3A_1266, %get3A_1269 : vector<16xf32>
    %add3A_1271 = arith.addf %add3A_1246, %mul3A_1270 : vector<16xf32>
    %get3A_1272 = arith.constant 3152 : index
    %get3A_1273 = tpu.vector_load %arg9[%get3A_1272] {strides = array<i32>} : memref<8192xf32, #tpu.memory_space<vmem>>, vector<16xf32>,
    %get3A_1274 = vector.shape_cast %get3A_1273 : vector<16xf32> to vector<16xf32>
    %mul3A_1275 = arith.mulf %gather3A_1266, %get3A_1274 : vector<16xf32>
    %add3A_1276 = arith.addf %add3A_1251, %mul3A_1275 : vector<16xf32>
    %get3A_1277 = arith.constant 3168 : index
    %get3A_1278 = tpu.vector_load %arg9[%get3A_1277] {strides = array<i32>} : memref<8192xf32, #tpu.memory_space<vmem>>, vector<16xf32>,
    %get3A_1279 = vector.shape_cast %get3A_1278 : vector<16xf32> to vector<16xf32>
    %mul3A_1280 = arith.mulf %gather3A_1266, %get3A_1279 : vector<16xf32>
    %add3A_1281 = arith.addf %add3A_1256, %mul3A_1280 : vector<16xf32>
    %get3A_1282 = arith.constant 3184 : index
    %get3A_1283 = tpu.vector_load %arg9[%get3A_1282] {strides = array<i32>} : memref<8192xf32, #tpu.memory_space<vmem>>, vector<16xf32>,
    %get3A_1284 = vector.shape_cast %get3A_1283 : vector<16xf32> to vector<16xf32>
    %mul3A_1285 = arith.mulf %gather3A_1266, %get3A_1284 : vector<16xf32>
    %add3A_1286 = arith.addf %add3A_1261, %mul3A_1285 : vector<16xf32>
    %broadcast_in_dim3A_1287 = arith.constant 2 : i32
    %broadcast_in_dim3A_1288 = vector.broadcast %broadcast_in_dim3A_1287 : i32 to vector<16xi32>
    %broadcast_in_dim3A_1289 = vector.shape_cast %broadcast_in_dim3A_1288 : vector<16xi32> to vector<16x1xi32>
    %gather3A_1290 = vector.shape_cast %broadcast_in_dim3A_1289 : vector<16x1xi32> to vector<16xi32>
    %gather3A_1291 = tpu.dynamic_gather %max3A_1236[%gather3A_1290] in [0] : vector<16xf32>, vector<16xi32> -> vector<16xf32>
    %get3A_1292 = arith.constant 3200 : index
    %get3A_1293 = tpu.vector_load %arg9[%get3A_1292] {strides = array<i32>} : memref<8192xf32, #tpu.memory_space<vmem>>, vector<16xf32>,
    %get3A_1294 = vector.shape_cast %get3A_1293 : vector<16xf32> to vector<16xf32>
    %mul3A_1295 = arith.mulf %gather3A_1291, %get3A_1294 : vector<16xf32>
    %add3A_1296 = arith.addf %add3A_1271, %mul3A_1295 : vector<16xf32>
    %get3A_1297 = arith.constant 3216 : index
    %get3A_1298 = tpu.vector_load %arg9[%get3A_1297] {strides = array<i32>} : memref<8192xf32, #tpu.memory_space<vmem>>, vector<16xf32>,
    %get3A_1299 = vector.shape_cast %get3A_1298 : vector<16xf32> to vector<16xf32>
    %mul3A_1300 = arith.mulf %gather3A_1291, %get3A_1299 : vector<16xf32>
    %add3A_1301 = arith.addf %add3A_1276, %mul3A_1300 : vector<16xf32>
    %get3A_1302 = arith.constant 3232 : index
    %get3A_1303 = tpu.vector_load %arg9[%get3A_1302] {strides = array<i32>} : memref<8192xf32, #tpu.memory_space<vmem>>, vector<16xf32>,
    %get3A_1304 = vector.shape_cast %get3A_1303 : vector<16xf32> to vector<16xf32>
    %mul3A_1305 = arith.mulf %gather3A_1291, %get3A_1304 : vector<16xf32>
    %add3A_1306 = arith.addf %add3A_1281, %mul3A_1305 : vector<16xf32>
    %get3A_1307 = arith.constant 3248 : index
    %get3A_1308 = tpu.vector_load %arg9[%get3A_1307] {strides = array<i32>} : memref<8192xf32, #tpu.memory_space<vmem>>, vector<16xf32>,
    %get3A_1309 = vector.shape_cast %get3A_1308 : vector<16xf32> to vector<16xf32>
    %mul3A_1310 = arith.mulf %gather3A_1291, %get3A_1309 : vector<16xf32>
    %add3A_1311 = arith.addf %add3A_1286, %mul3A_1310 : vector<16xf32>
    %broadcast_in_dim3A_1312 = arith.constant 3 : i32
    %broadcast_in_dim3A_1313 = vector.broadcast %broadcast_in_dim3A_1312 : i32 to vector<16xi32>
    %broadcast_in_dim3A_1314 = vector.shape_cast %broadcast_in_dim3A_1313 : vector<16xi32> to vector<16x1xi32>
    %gather3A_1315 = vector.shape_cast %broadcast_in_dim3A_1314 : vector<16x1xi32> to vector<16xi32>
    %gather3A_1316 = tpu.dynamic_gather %max3A_1236[%gather3A_1315] in [0] : vector<16xf32>, vector<16xi32> -> vector<16xf32>
    %get3A_1317 = arith.constant 3264 : index
    %get3A_1318 = tpu.vector_load %arg9[%get3A_1317] {strides = array<i32>} : memref<8192xf32, #tpu.memory_space<vmem>>, vector<16xf32>,
    %get3A_1319 = vector.shape_cast %get3A_1318 : vector<16xf32> to vector<16xf32>
    %mul3A_1320 = arith.mulf %gather3A_1316, %get3A_1319 : vector<16xf32>
    %add3A_1321 = arith.addf %add3A_1296, %mul3A_1320 : vector<16xf32>
    %get3A_1322 = arith.constant 3280 : index
    %get3A_1323 = tpu.vector_load %arg9[%get3A_1322] {strides = array<i32>} : memref<8192xf32, #tpu.memory_space<vmem>>, vector<16xf32>,
    %get3A_1324 = vector.shape_cast %get3A_1323 : vector<16xf32> to vector<16xf32>
    %mul3A_1325 = arith.mulf %gather3A_1316, %get3A_1324 : vector<16xf32>
    %add3A_1326 = arith.addf %add3A_1301, %mul3A_1325 : vector<16xf32>
    %get3A_1327 = arith.constant 3296 : index
    %get3A_1328 = tpu.vector_load %arg9[%get3A_1327] {strides = array<i32>} : memref<8192xf32, #tpu.memory_space<vmem>>, vector<16xf32>,
    %get3A_1329 = vector.shape_cast %get3A_1328 : vector<16xf32> to vector<16xf32>
    %mul3A_1330 = arith.mulf %gather3A_1316, %get3A_1329 : vector<16xf32>
    %add3A_1331 = arith.addf %add3A_1306, %mul3A_1330 : vector<16xf32>
    %get3A_1332 = arith.constant 3312 : index
    %get3A_1333 = tpu.vector_load %arg9[%get3A_1332] {strides = array<i32>} : memref<8192xf32, #tpu.memory_space<vmem>>, vector<16xf32>,
    %get3A_1334 = vector.shape_cast %get3A_1333 : vector<16xf32> to vector<16xf32>
    %mul3A_1335 = arith.mulf %gather3A_1316, %get3A_1334 : vector<16xf32>
    %add3A_1336 = arith.addf %add3A_1311, %mul3A_1335 : vector<16xf32>
    %broadcast_in_dim3A_1337 = arith.constant 4 : i32
    %broadcast_in_dim3A_1338 = vector.broadcast %broadcast_in_dim3A_1337 : i32 to vector<16xi32>
    %broadcast_in_dim3A_1339 = vector.shape_cast %broadcast_in_dim3A_1338 : vector<16xi32> to vector<16x1xi32>
    %gather3A_1340 = vector.shape_cast %broadcast_in_dim3A_1339 : vector<16x1xi32> to vector<16xi32>
    %gather3A_1341 = tpu.dynamic_gather %max3A_1236[%gather3A_1340] in [0] : vector<16xf32>, vector<16xi32> -> vector<16xf32>
    %get3A_1342 = arith.constant 3328 : index
    %get3A_1343 = tpu.vector_load %arg9[%get3A_1342] {strides = array<i32>} : memref<8192xf32, #tpu.memory_space<vmem>>, vector<16xf32>,
    %get3A_1344 = vector.shape_cast %get3A_1343 : vector<16xf32> to vector<16xf32>
    %mul3A_1345 = arith.mulf %gather3A_1341, %get3A_1344 : vector<16xf32>
    %add3A_1346 = arith.addf %add3A_1321, %mul3A_1345 : vector<16xf32>
    %get3A_1347 = arith.constant 3344 : index
    %get3A_1348 = tpu.vector_load %arg9[%get3A_1347] {strides = array<i32>} : memref<8192xf32, #tpu.memory_space<vmem>>, vector<16xf32>,
    %get3A_1349 = vector.shape_cast %get3A_1348 : vector<16xf32> to vector<16xf32>
    %mul3A_1350 = arith.mulf %gather3A_1341, %get3A_1349 : vector<16xf32>
    %add3A_1351 = arith.addf %add3A_1326, %mul3A_1350 : vector<16xf32>
    %get3A_1352 = arith.constant 3360 : index
    %get3A_1353 = tpu.vector_load %arg9[%get3A_1352] {strides = array<i32>} : memref<8192xf32, #tpu.memory_space<vmem>>, vector<16xf32>,
    %get3A_1354 = vector.shape_cast %get3A_1353 : vector<16xf32> to vector<16xf32>
    %mul3A_1355 = arith.mulf %gather3A_1341, %get3A_1354 : vector<16xf32>
    %add3A_1356 = arith.addf %add3A_1331, %mul3A_1355 : vector<16xf32>
    %get3A_1357 = arith.constant 3376 : index
    %get3A_1358 = tpu.vector_load %arg9[%get3A_1357] {strides = array<i32>} : memref<8192xf32, #tpu.memory_space<vmem>>, vector<16xf32>,
    %get3A_1359 = vector.shape_cast %get3A_1358 : vector<16xf32> to vector<16xf32>
    %mul3A_1360 = arith.mulf %gather3A_1341, %get3A_1359 : vector<16xf32>
    %add3A_1361 = arith.addf %add3A_1336, %mul3A_1360 : vector<16xf32>
    %broadcast_in_dim3A_1362 = arith.constant 5 : i32
    %broadcast_in_dim3A_1363 = vector.broadcast %broadcast_in_dim3A_1362 : i32 to vector<16xi32>
    %broadcast_in_dim3A_1364 = vector.shape_cast %broadcast_in_dim3A_1363 : vector<16xi32> to vector<16x1xi32>
    %gather3A_1365 = vector.shape_cast %broadcast_in_dim3A_1364 : vector<16x1xi32> to vector<16xi32>
    %gather3A_1366 = tpu.dynamic_gather %max3A_1236[%gather3A_1365] in [0] : vector<16xf32>, vector<16xi32> -> vector<16xf32>
    %get3A_1367 = arith.constant 3392 : index
    %get3A_1368 = tpu.vector_load %arg9[%get3A_1367] {strides = array<i32>} : memref<8192xf32, #tpu.memory_space<vmem>>, vector<16xf32>,
    %get3A_1369 = vector.shape_cast %get3A_1368 : vector<16xf32> to vector<16xf32>
    %mul3A_1370 = arith.mulf %gather3A_1366, %get3A_1369 : vector<16xf32>
    %add3A_1371 = arith.addf %add3A_1346, %mul3A_1370 : vector<16xf32>
    %get3A_1372 = arith.constant 3408 : index
    %get3A_1373 = tpu.vector_load %arg9[%get3A_1372] {strides = array<i32>} : memref<8192xf32, #tpu.memory_space<vmem>>, vector<16xf32>,
    %get3A_1374 = vector.shape_cast %get3A_1373 : vector<16xf32> to vector<16xf32>
    %mul3A_1375 = arith.mulf %gather3A_1366, %get3A_1374 : vector<16xf32>
    %add3A_1376 = arith.addf %add3A_1351, %mul3A_1375 : vector<16xf32>
    %get3A_1377 = arith.constant 3424 : index
    %get3A_1378 = tpu.vector_load %arg9[%get3A_1377] {strides = array<i32>} : memref<8192xf32, #tpu.memory_space<vmem>>, vector<16xf32>,
    %get3A_1379 = vector.shape_cast %get3A_1378 : vector<16xf32> to vector<16xf32>
    %mul3A_1380 = arith.mulf %gather3A_1366, %get3A_1379 : vector<16xf32>
    %add3A_1381 = arith.addf %add3A_1356, %mul3A_1380 : vector<16xf32>
    %get3A_1382 = arith.constant 3440 : index
    %get3A_1383 = tpu.vector_load %arg9[%get3A_1382] {strides = array<i32>} : memref<8192xf32, #tpu.memory_space<vmem>>, vector<16xf32>,
    %get3A_1384 = vector.shape_cast %get3A_1383 : vector<16xf32> to vector<16xf32>
    %mul3A_1385 = arith.mulf %gather3A_1366, %get3A_1384 : vector<16xf32>
    %add3A_1386 = arith.addf %add3A_1361, %mul3A_1385 : vector<16xf32>
    %broadcast_in_dim3A_1387 = arith.constant 6 : i32
    %broadcast_in_dim3A_1388 = vector.broadcast %broadcast_in_dim3A_1387 : i32 to vector<16xi32>
    %broadcast_in_dim3A_1389 = vector.shape_cast %broadcast_in_dim3A_1388 : vector<16xi32> to vector<16x1xi32>
    %gather3A_1390 = vector.shape_cast %broadcast_in_dim3A_1389 : vector<16x1xi32> to vector<16xi32>
    %gather3A_1391 = tpu.dynamic_gather %max3A_1236[%gather3A_1390] in [0] : vector<16xf32>, vector<16xi32> -> vector<16xf32>
    %get3A_1392 = arith.constant 3456 : index
    %get3A_1393 = tpu.vector_load %arg9[%get3A_1392] {strides = array<i32>} : memref<8192xf32, #tpu.memory_space<vmem>>, vector<16xf32>,
    %get3A_1394 = vector.shape_cast %get3A_1393 : vector<16xf32> to vector<16xf32>
    %mul3A_1395 = arith.mulf %gather3A_1391, %get3A_1394 : vector<16xf32>
    %add3A_1396 = arith.addf %add3A_1371, %mul3A_1395 : vector<16xf32>
    %get3A_1397 = arith.constant 3472 : index
    %get3A_1398 = tpu.vector_load %arg9[%get3A_1397] {strides = array<i32>} : memref<8192xf32, #tpu.memory_space<vmem>>, vector<16xf32>,
    %get3A_1399 = vector.shape_cast %get3A_1398 : vector<16xf32> to vector<16xf32>
    %mul3A_1400 = arith.mulf %gather3A_1391, %get3A_1399 : vector<16xf32>
    %add3A_1401 = arith.addf %add3A_1376, %mul3A_1400 : vector<16xf32>
    %get3A_1402 = arith.constant 3488 : index
    %get3A_1403 = tpu.vector_load %arg9[%get3A_1402] {strides = array<i32>} : memref<8192xf32, #tpu.memory_space<vmem>>, vector<16xf32>,
    %get3A_1404 = vector.shape_cast %get3A_1403 : vector<16xf32> to vector<16xf32>
    %mul3A_1405 = arith.mulf %gather3A_1391, %get3A_1404 : vector<16xf32>
    %add3A_1406 = arith.addf %add3A_1381, %mul3A_1405 : vector<16xf32>
    %get3A_1407 = arith.constant 3504 : index
    %get3A_1408 = tpu.vector_load %arg9[%get3A_1407] {strides = array<i32>} : memref<8192xf32, #tpu.memory_space<vmem>>, vector<16xf32>,
    %get3A_1409 = vector.shape_cast %get3A_1408 : vector<16xf32> to vector<16xf32>
    %mul3A_1410 = arith.mulf %gather3A_1391, %get3A_1409 : vector<16xf32>
    %add3A_1411 = arith.addf %add3A_1386, %mul3A_1410 : vector<16xf32>
    %broadcast_in_dim3A_1412 = arith.constant 7 : i32
    %broadcast_in_dim3A_1413 = vector.broadcast %broadcast_in_dim3A_1412 : i32 to vector<16xi32>
    %broadcast_in_dim3A_1414 = vector.shape_cast %broadcast_in_dim3A_1413 : vector<16xi32> to vector<16x1xi32>
    %gather3A_1415 = vector.shape_cast %broadcast_in_dim3A_1414 : vector<16x1xi32> to vector<16xi32>
    %gather3A_1416 = tpu.dynamic_gather %max3A_1236[%gather3A_1415] in [0] : vector<16xf32>, vector<16xi32> -> vector<16xf32>
    %get3A_1417 = arith.constant 3520 : index
    %get3A_1418 = tpu.vector_load %arg9[%get3A_1417] {strides = array<i32>} : memref<8192xf32, #tpu.memory_space<vmem>>, vector<16xf32>,
    %get3A_1419 = vector.shape_cast %get3A_1418 : vector<16xf32> to vector<16xf32>
    %mul3A_1420 = arith.mulf %gather3A_1416, %get3A_1419 : vector<16xf32>
    %add3A_1421 = arith.addf %add3A_1396, %mul3A_1420 : vector<16xf32>
    %get3A_1422 = arith.constant 3536 : index
    %get3A_1423 = tpu.vector_load %arg9[%get3A_1422] {strides = array<i32>} : memref<8192xf32, #tpu.memory_space<vmem>>, vector<16xf32>,
    %get3A_1424 = vector.shape_cast %get3A_1423 : vector<16xf32> to vector<16xf32>
    %mul3A_1425 = arith.mulf %gather3A_1416, %get3A_1424 : vector<16xf32>
    %add3A_1426 = arith.addf %add3A_1401, %mul3A_1425 : vector<16xf32>
    %get3A_1427 = arith.constant 3552 : index
    %get3A_1428 = tpu.vector_load %arg9[%get3A_1427] {strides = array<i32>} : memref<8192xf32, #tpu.memory_space<vmem>>, vector<16xf32>,
    %get3A_1429 = vector.shape_cast %get3A_1428 : vector<16xf32> to vector<16xf32>
    %mul3A_1430 = arith.mulf %gather3A_1416, %get3A_1429 : vector<16xf32>
    %add3A_1431 = arith.addf %add3A_1406, %mul3A_1430 : vector<16xf32>
    %get3A_1432 = arith.constant 3568 : index
    %get3A_1433 = tpu.vector_load %arg9[%get3A_1432] {strides = array<i32>} : memref<8192xf32, #tpu.memory_space<vmem>>, vector<16xf32>,
    %get3A_1434 = vector.shape_cast %get3A_1433 : vector<16xf32> to vector<16xf32>
    %mul3A_1435 = arith.mulf %gather3A_1416, %get3A_1434 : vector<16xf32>
    %add3A_1436 = arith.addf %add3A_1411, %mul3A_1435 : vector<16xf32>
    %broadcast_in_dim3A_1437 = arith.constant 8 : i32
    %broadcast_in_dim3A_1438 = vector.broadcast %broadcast_in_dim3A_1437 : i32 to vector<16xi32>
    %broadcast_in_dim3A_1439 = vector.shape_cast %broadcast_in_dim3A_1438 : vector<16xi32> to vector<16x1xi32>
    %gather3A_1440 = vector.shape_cast %broadcast_in_dim3A_1439 : vector<16x1xi32> to vector<16xi32>
    %gather3A_1441 = tpu.dynamic_gather %max3A_1236[%gather3A_1440] in [0] : vector<16xf32>, vector<16xi32> -> vector<16xf32>
    %get3A_1442 = arith.constant 3584 : index
    %get3A_1443 = tpu.vector_load %arg9[%get3A_1442] {strides = array<i32>} : memref<8192xf32, #tpu.memory_space<vmem>>, vector<16xf32>,
    %get3A_1444 = vector.shape_cast %get3A_1443 : vector<16xf32> to vector<16xf32>
    %mul3A_1445 = arith.mulf %gather3A_1441, %get3A_1444 : vector<16xf32>
    %add3A_1446 = arith.addf %add3A_1421, %mul3A_1445 : vector<16xf32>
    %get3A_1447 = arith.constant 3600 : index
    %get3A_1448 = tpu.vector_load %arg9[%get3A_1447] {strides = array<i32>} : memref<8192xf32, #tpu.memory_space<vmem>>, vector<16xf32>,
    %get3A_1449 = vector.shape_cast %get3A_1448 : vector<16xf32> to vector<16xf32>
    %mul3A_1450 = arith.mulf %gather3A_1441, %get3A_1449 : vector<16xf32>
    %add3A_1451 = arith.addf %add3A_1426, %mul3A_1450 : vector<16xf32>
    %get3A_1452 = arith.constant 3616 : index
    %get3A_1453 = tpu.vector_load %arg9[%get3A_1452] {strides = array<i32>} : memref<8192xf32, #tpu.memory_space<vmem>>, vector<16xf32>,
    %get3A_1454 = vector.shape_cast %get3A_1453 : vector<16xf32> to vector<16xf32>
    %mul3A_1455 = arith.mulf %gather3A_1441, %get3A_1454 : vector<16xf32>
    %add3A_1456 = arith.addf %add3A_1431, %mul3A_1455 : vector<16xf32>
    %get3A_1457 = arith.constant 3632 : index
    %get3A_1458 = tpu.vector_load %arg9[%get3A_1457] {strides = array<i32>} : memref<8192xf32, #tpu.memory_space<vmem>>, vector<16xf32>,
    %get3A_1459 = vector.shape_cast %get3A_1458 : vector<16xf32> to vector<16xf32>
    %mul3A_1460 = arith.mulf %gather3A_1441, %get3A_1459 : vector<16xf32>
    %add3A_1461 = arith.addf %add3A_1436, %mul3A_1460 : vector<16xf32>
    %broadcast_in_dim3A_1462 = arith.constant 9 : i32
    %broadcast_in_dim3A_1463 = vector.broadcast %broadcast_in_dim3A_1462 : i32 to vector<16xi32>
    %broadcast_in_dim3A_1464 = vector.shape_cast %broadcast_in_dim3A_1463 : vector<16xi32> to vector<16x1xi32>
    %gather3A_1465 = vector.shape_cast %broadcast_in_dim3A_1464 : vector<16x1xi32> to vector<16xi32>
    %gather3A_1466 = tpu.dynamic_gather %max3A_1236[%gather3A_1465] in [0] : vector<16xf32>, vector<16xi32> -> vector<16xf32>
    %get3A_1467 = arith.constant 3648 : index
    %get3A_1468 = tpu.vector_load %arg9[%get3A_1467] {strides = array<i32>} : memref<8192xf32, #tpu.memory_space<vmem>>, vector<16xf32>,
    %get3A_1469 = vector.shape_cast %get3A_1468 : vector<16xf32> to vector<16xf32>
    %mul3A_1470 = arith.mulf %gather3A_1466, %get3A_1469 : vector<16xf32>
    %add3A_1471 = arith.addf %add3A_1446, %mul3A_1470 : vector<16xf32>
    %get3A_1472 = arith.constant 3664 : index
    %get3A_1473 = tpu.vector_load %arg9[%get3A_1472] {strides = array<i32>} : memref<8192xf32, #tpu.memory_space<vmem>>, vector<16xf32>,
    %get3A_1474 = vector.shape_cast %get3A_1473 : vector<16xf32> to vector<16xf32>
    %mul3A_1475 = arith.mulf %gather3A_1466, %get3A_1474 : vector<16xf32>
    %add3A_1476 = arith.addf %add3A_1451, %mul3A_1475 : vector<16xf32>
    %get3A_1477 = arith.constant 3680 : index
    %get3A_1478 = tpu.vector_load %arg9[%get3A_1477] {strides = array<i32>} : memref<8192xf32, #tpu.memory_space<vmem>>, vector<16xf32>,
    %get3A_1479 = vector.shape_cast %get3A_1478 : vector<16xf32> to vector<16xf32>
    %mul3A_1480 = arith.mulf %gather3A_1466, %get3A_1479 : vector<16xf32>
    %add3A_1481 = arith.addf %add3A_1456, %mul3A_1480 : vector<16xf32>
    %get3A_1482 = arith.constant 3696 : index
    %get3A_1483 = tpu.vector_load %arg9[%get3A_1482] {strides = array<i32>} : memref<8192xf32, #tpu.memory_space<vmem>>, vector<16xf32>,
    %get3A_1484 = vector.shape_cast %get3A_1483 : vector<16xf32> to vector<16xf32>
    %mul3A_1485 = arith.mulf %gather3A_1466, %get3A_1484 : vector<16xf32>
    %add3A_1486 = arith.addf %add3A_1461, %mul3A_1485 : vector<16xf32>
    %broadcast_in_dim3A_1487 = arith.constant 10 : i32
    %broadcast_in_dim3A_1488 = vector.broadcast %broadcast_in_dim3A_1487 : i32 to vector<16xi32>
    %broadcast_in_dim3A_1489 = vector.shape_cast %broadcast_in_dim3A_1488 : vector<16xi32> to vector<16x1xi32>
    %gather3A_1490 = vector.shape_cast %broadcast_in_dim3A_1489 : vector<16x1xi32> to vector<16xi32>
    %gather3A_1491 = tpu.dynamic_gather %max3A_1236[%gather3A_1490] in [0] : vector<16xf32>, vector<16xi32> -> vector<16xf32>
    %get3A_1492 = arith.constant 3712 : index
    %get3A_1493 = tpu.vector_load %arg9[%get3A_1492] {strides = array<i32>} : memref<8192xf32, #tpu.memory_space<vmem>>, vector<16xf32>,
    %get3A_1494 = vector.shape_cast %get3A_1493 : vector<16xf32> to vector<16xf32>
    %mul3A_1495 = arith.mulf %gather3A_1491, %get3A_1494 : vector<16xf32>
    %add3A_1496 = arith.addf %add3A_1471, %mul3A_1495 : vector<16xf32>
    %get3A_1497 = arith.constant 3728 : index
    %get3A_1498 = tpu.vector_load %arg9[%get3A_1497] {strides = array<i32>} : memref<8192xf32, #tpu.memory_space<vmem>>, vector<16xf32>,
    %get3A_1499 = vector.shape_cast %get3A_1498 : vector<16xf32> to vector<16xf32>
    %mul3A_1500 = arith.mulf %gather3A_1491, %get3A_1499 : vector<16xf32>
    %add3A_1501 = arith.addf %add3A_1476, %mul3A_1500 : vector<16xf32>
    %get3A_1502 = arith.constant 3744 : index
    %get3A_1503 = tpu.vector_load %arg9[%get3A_1502] {strides = array<i32>} : memref<8192xf32, #tpu.memory_space<vmem>>, vector<16xf32>,
    %get3A_1504 = vector.shape_cast %get3A_1503 : vector<16xf32> to vector<16xf32>
    %mul3A_1505 = arith.mulf %gather3A_1491, %get3A_1504 : vector<16xf32>
    %add3A_1506 = arith.addf %add3A_1481, %mul3A_1505 : vector<16xf32>
    %get3A_1507 = arith.constant 3760 : index
    %get3A_1508 = tpu.vector_load %arg9[%get3A_1507] {strides = array<i32>} : memref<8192xf32, #tpu.memory_space<vmem>>, vector<16xf32>,
    %get3A_1509 = vector.shape_cast %get3A_1508 : vector<16xf32> to vector<16xf32>
    %mul3A_1510 = arith.mulf %gather3A_1491, %get3A_1509 : vector<16xf32>
    %add3A_1511 = arith.addf %add3A_1486, %mul3A_1510 : vector<16xf32>
    %broadcast_in_dim3A_1512 = arith.constant 11 : i32
    %broadcast_in_dim3A_1513 = vector.broadcast %broadcast_in_dim3A_1512 : i32 to vector<16xi32>
    %broadcast_in_dim3A_1514 = vector.shape_cast %broadcast_in_dim3A_1513 : vector<16xi32> to vector<16x1xi32>
    %gather3A_1515 = vector.shape_cast %broadcast_in_dim3A_1514 : vector<16x1xi32> to vector<16xi32>
    %gather3A_1516 = tpu.dynamic_gather %max3A_1236[%gather3A_1515] in [0] : vector<16xf32>, vector<16xi32> -> vector<16xf32>
    %get3A_1517 = arith.constant 3776 : index
    %get3A_1518 = tpu.vector_load %arg9[%get3A_1517] {strides = array<i32>} : memref<8192xf32, #tpu.memory_space<vmem>>, vector<16xf32>,
    %get3A_1519 = vector.shape_cast %get3A_1518 : vector<16xf32> to vector<16xf32>
    %mul3A_1520 = arith.mulf %gather3A_1516, %get3A_1519 : vector<16xf32>
    %add3A_1521 = arith.addf %add3A_1496, %mul3A_1520 : vector<16xf32>
    %get3A_1522 = arith.constant 3792 : index
    %get3A_1523 = tpu.vector_load %arg9[%get3A_1522] {strides = array<i32>} : memref<8192xf32, #tpu.memory_space<vmem>>, vector<16xf32>,
    %get3A_1524 = vector.shape_cast %get3A_1523 : vector<16xf32> to vector<16xf32>
    %mul3A_1525 = arith.mulf %gather3A_1516, %get3A_1524 : vector<16xf32>
    %add3A_1526 = arith.addf %add3A_1501, %mul3A_1525 : vector<16xf32>
    %get3A_1527 = arith.constant 3808 : index
    %get3A_1528 = tpu.vector_load %arg9[%get3A_1527] {strides = array<i32>} : memref<8192xf32, #tpu.memory_space<vmem>>, vector<16xf32>,
    %get3A_1529 = vector.shape_cast %get3A_1528 : vector<16xf32> to vector<16xf32>
    %mul3A_1530 = arith.mulf %gather3A_1516, %get3A_1529 : vector<16xf32>
    %add3A_1531 = arith.addf %add3A_1506, %mul3A_1530 : vector<16xf32>
    %get3A_1532 = arith.constant 3824 : index
    %get3A_1533 = tpu.vector_load %arg9[%get3A_1532] {strides = array<i32>} : memref<8192xf32, #tpu.memory_space<vmem>>, vector<16xf32>,
    %get3A_1534 = vector.shape_cast %get3A_1533 : vector<16xf32> to vector<16xf32>
    %mul3A_1535 = arith.mulf %gather3A_1516, %get3A_1534 : vector<16xf32>
    %add3A_1536 = arith.addf %add3A_1511, %mul3A_1535 : vector<16xf32>
    %broadcast_in_dim3A_1537 = arith.constant 12 : i32
    %broadcast_in_dim3A_1538 = vector.broadcast %broadcast_in_dim3A_1537 : i32 to vector<16xi32>
    %broadcast_in_dim3A_1539 = vector.shape_cast %broadcast_in_dim3A_1538 : vector<16xi32> to vector<16x1xi32>
    %gather3A_1540 = vector.shape_cast %broadcast_in_dim3A_1539 : vector<16x1xi32> to vector<16xi32>
    %gather3A_1541 = tpu.dynamic_gather %max3A_1236[%gather3A_1540] in [0] : vector<16xf32>, vector<16xi32> -> vector<16xf32>
    %get3A_1542 = arith.constant 3840 : index
    %get3A_1543 = tpu.vector_load %arg9[%get3A_1542] {strides = array<i32>} : memref<8192xf32, #tpu.memory_space<vmem>>, vector<16xf32>,
    %get3A_1544 = vector.shape_cast %get3A_1543 : vector<16xf32> to vector<16xf32>
    %mul3A_1545 = arith.mulf %gather3A_1541, %get3A_1544 : vector<16xf32>
    %add3A_1546 = arith.addf %add3A_1521, %mul3A_1545 : vector<16xf32>
    %get3A_1547 = arith.constant 3856 : index
    %get3A_1548 = tpu.vector_load %arg9[%get3A_1547] {strides = array<i32>} : memref<8192xf32, #tpu.memory_space<vmem>>, vector<16xf32>,
    %get3A_1549 = vector.shape_cast %get3A_1548 : vector<16xf32> to vector<16xf32>
    %mul3A_1550 = arith.mulf %gather3A_1541, %get3A_1549 : vector<16xf32>
    %add3A_1551 = arith.addf %add3A_1526, %mul3A_1550 : vector<16xf32>
    %get3A_1552 = arith.constant 3872 : index
    %get3A_1553 = tpu.vector_load %arg9[%get3A_1552] {strides = array<i32>} : memref<8192xf32, #tpu.memory_space<vmem>>, vector<16xf32>,
    %get3A_1554 = vector.shape_cast %get3A_1553 : vector<16xf32> to vector<16xf32>
    %mul3A_1555 = arith.mulf %gather3A_1541, %get3A_1554 : vector<16xf32>
    %add3A_1556 = arith.addf %add3A_1531, %mul3A_1555 : vector<16xf32>
    %get3A_1557 = arith.constant 3888 : index
    %get3A_1558 = tpu.vector_load %arg9[%get3A_1557] {strides = array<i32>} : memref<8192xf32, #tpu.memory_space<vmem>>, vector<16xf32>,
    %get3A_1559 = vector.shape_cast %get3A_1558 : vector<16xf32> to vector<16xf32>
    %mul3A_1560 = arith.mulf %gather3A_1541, %get3A_1559 : vector<16xf32>
    %add3A_1561 = arith.addf %add3A_1536, %mul3A_1560 : vector<16xf32>
    %broadcast_in_dim3A_1562 = arith.constant 13 : i32
    %broadcast_in_dim3A_1563 = vector.broadcast %broadcast_in_dim3A_1562 : i32 to vector<16xi32>
    %broadcast_in_dim3A_1564 = vector.shape_cast %broadcast_in_dim3A_1563 : vector<16xi32> to vector<16x1xi32>
    %gather3A_1565 = vector.shape_cast %broadcast_in_dim3A_1564 : vector<16x1xi32> to vector<16xi32>
    %gather3A_1566 = tpu.dynamic_gather %max3A_1236[%gather3A_1565] in [0] : vector<16xf32>, vector<16xi32> -> vector<16xf32>
    %get3A_1567 = arith.constant 3904 : index
    %get3A_1568 = tpu.vector_load %arg9[%get3A_1567] {strides = array<i32>} : memref<8192xf32, #tpu.memory_space<vmem>>, vector<16xf32>,
    %get3A_1569 = vector.shape_cast %get3A_1568 : vector<16xf32> to vector<16xf32>
    %mul3A_1570 = arith.mulf %gather3A_1566, %get3A_1569 : vector<16xf32>
    %add3A_1571 = arith.addf %add3A_1546, %mul3A_1570 : vector<16xf32>
    %get3A_1572 = arith.constant 3920 : index
    %get3A_1573 = tpu.vector_load %arg9[%get3A_1572] {strides = array<i32>} : memref<8192xf32, #tpu.memory_space<vmem>>, vector<16xf32>,
    %get3A_1574 = vector.shape_cast %get3A_1573 : vector<16xf32> to vector<16xf32>
    %mul3A_1575 = arith.mulf %gather3A_1566, %get3A_1574 : vector<16xf32>
    %add3A_1576 = arith.addf %add3A_1551, %mul3A_1575 : vector<16xf32>
    %get3A_1577 = arith.constant 3936 : index
    %get3A_1578 = tpu.vector_load %arg9[%get3A_1577] {strides = array<i32>} : memref<8192xf32, #tpu.memory_space<vmem>>, vector<16xf32>,
    %get3A_1579 = vector.shape_cast %get3A_1578 : vector<16xf32> to vector<16xf32>
    %mul3A_1580 = arith.mulf %gather3A_1566, %get3A_1579 : vector<16xf32>
    %add3A_1581 = arith.addf %add3A_1556, %mul3A_1580 : vector<16xf32>
    %get3A_1582 = arith.constant 3952 : index
    %get3A_1583 = tpu.vector_load %arg9[%get3A_1582] {strides = array<i32>} : memref<8192xf32, #tpu.memory_space<vmem>>, vector<16xf32>,
    %get3A_1584 = vector.shape_cast %get3A_1583 : vector<16xf32> to vector<16xf32>
    %mul3A_1585 = arith.mulf %gather3A_1566, %get3A_1584 : vector<16xf32>
    %add3A_1586 = arith.addf %add3A_1561, %mul3A_1585 : vector<16xf32>
    %broadcast_in_dim3A_1587 = arith.constant 14 : i32
    %broadcast_in_dim3A_1588 = vector.broadcast %broadcast_in_dim3A_1587 : i32 to vector<16xi32>
    %broadcast_in_dim3A_1589 = vector.shape_cast %broadcast_in_dim3A_1588 : vector<16xi32> to vector<16x1xi32>
    %gather3A_1590 = vector.shape_cast %broadcast_in_dim3A_1589 : vector<16x1xi32> to vector<16xi32>
    %gather3A_1591 = tpu.dynamic_gather %max3A_1236[%gather3A_1590] in [0] : vector<16xf32>, vector<16xi32> -> vector<16xf32>
    %get3A_1592 = arith.constant 3968 : index
    %get3A_1593 = tpu.vector_load %arg9[%get3A_1592] {strides = array<i32>} : memref<8192xf32, #tpu.memory_space<vmem>>, vector<16xf32>,
    %get3A_1594 = vector.shape_cast %get3A_1593 : vector<16xf32> to vector<16xf32>
    %mul3A_1595 = arith.mulf %gather3A_1591, %get3A_1594 : vector<16xf32>
    %add3A_1596 = arith.addf %add3A_1571, %mul3A_1595 : vector<16xf32>
    %get3A_1597 = arith.constant 3984 : index
    %get3A_1598 = tpu.vector_load %arg9[%get3A_1597] {strides = array<i32>} : memref<8192xf32, #tpu.memory_space<vmem>>, vector<16xf32>,
    %get3A_1599 = vector.shape_cast %get3A_1598 : vector<16xf32> to vector<16xf32>
    %mul3A_1600 = arith.mulf %gather3A_1591, %get3A_1599 : vector<16xf32>
    %add3A_1601 = arith.addf %add3A_1576, %mul3A_1600 : vector<16xf32>
    %get3A_1602 = arith.constant 4000 : index
    %get3A_1603 = tpu.vector_load %arg9[%get3A_1602] {strides = array<i32>} : memref<8192xf32, #tpu.memory_space<vmem>>, vector<16xf32>,
    %get3A_1604 = vector.shape_cast %get3A_1603 : vector<16xf32> to vector<16xf32>
    %mul3A_1605 = arith.mulf %gather3A_1591, %get3A_1604 : vector<16xf32>
    %add3A_1606 = arith.addf %add3A_1581, %mul3A_1605 : vector<16xf32>
    %get3A_1607 = arith.constant 4016 : index
    %get3A_1608 = tpu.vector_load %arg9[%get3A_1607] {strides = array<i32>} : memref<8192xf32, #tpu.memory_space<vmem>>, vector<16xf32>,
    %get3A_1609 = vector.shape_cast %get3A_1608 : vector<16xf32> to vector<16xf32>
    %mul3A_1610 = arith.mulf %gather3A_1591, %get3A_1609 : vector<16xf32>
    %add3A_1611 = arith.addf %add3A_1586, %mul3A_1610 : vector<16xf32>
    %broadcast_in_dim3A_1612 = arith.constant 15 : i32
    %broadcast_in_dim3A_1613 = vector.broadcast %broadcast_in_dim3A_1612 : i32 to vector<16xi32>
    %broadcast_in_dim3A_1614 = vector.shape_cast %broadcast_in_dim3A_1613 : vector<16xi32> to vector<16x1xi32>
    %gather3A_1615 = vector.shape_cast %broadcast_in_dim3A_1614 : vector<16x1xi32> to vector<16xi32>
    %gather3A_1616 = tpu.dynamic_gather %max3A_1236[%gather3A_1615] in [0] : vector<16xf32>, vector<16xi32> -> vector<16xf32>
    %get3A_1617 = arith.constant 4032 : index
    %get3A_1618 = tpu.vector_load %arg9[%get3A_1617] {strides = array<i32>} : memref<8192xf32, #tpu.memory_space<vmem>>, vector<16xf32>,
    %get3A_1619 = vector.shape_cast %get3A_1618 : vector<16xf32> to vector<16xf32>
    %mul3A_1620 = arith.mulf %gather3A_1616, %get3A_1619 : vector<16xf32>
    %add3A_1621 = arith.addf %add3A_1596, %mul3A_1620 : vector<16xf32>
    %get3A_1622 = arith.constant 4048 : index
    %get3A_1623 = tpu.vector_load %arg9[%get3A_1622] {strides = array<i32>} : memref<8192xf32, #tpu.memory_space<vmem>>, vector<16xf32>,
    %get3A_1624 = vector.shape_cast %get3A_1623 : vector<16xf32> to vector<16xf32>
    %mul3A_1625 = arith.mulf %gather3A_1616, %get3A_1624 : vector<16xf32>
    %add3A_1626 = arith.addf %add3A_1601, %mul3A_1625 : vector<16xf32>
    %get3A_1627 = arith.constant 4064 : index
    %get3A_1628 = tpu.vector_load %arg9[%get3A_1627] {strides = array<i32>} : memref<8192xf32, #tpu.memory_space<vmem>>, vector<16xf32>,
    %get3A_1629 = vector.shape_cast %get3A_1628 : vector<16xf32> to vector<16xf32>
    %mul3A_1630 = arith.mulf %gather3A_1616, %get3A_1629 : vector<16xf32>
    %add3A_1631 = arith.addf %add3A_1606, %mul3A_1630 : vector<16xf32>
    %get3A_1632 = arith.constant 4080 : index
    %get3A_1633 = tpu.vector_load %arg9[%get3A_1632] {strides = array<i32>} : memref<8192xf32, #tpu.memory_space<vmem>>, vector<16xf32>,
    %get3A_1634 = vector.shape_cast %get3A_1633 : vector<16xf32> to vector<16xf32>
    %mul3A_1635 = arith.mulf %gather3A_1616, %get3A_1634 : vector<16xf32>
    %add3A_1636 = arith.addf %add3A_1611, %mul3A_1635 : vector<16xf32>
    %get3A_1637 = arith.constant 64 : index
    %get3A_1638 = tpu.vector_load %arg8[%get3A_1637] {strides = array<i32>} : memref<128xf32, #tpu.memory_space<vmem>>, vector<16xf32>,
    %get3A_1639 = vector.shape_cast %get3A_1638 : vector<16xf32> to vector<16xf32>
    %max3A_1640 = arith.constant 0.000000e+00 : f32
    %max3A_1641 = vector.broadcast %max3A_1640 : f32 to vector<16xf32>
    %max3A_1642 = arith.maximumf %get3A_1639, %max3A_1641 : vector<16xf32>
    %broadcast_in_dim3A_1643 = arith.constant 0 : i32
    %broadcast_in_dim3A_1644 = vector.broadcast %broadcast_in_dim3A_1643 : i32 to vector<16xi32>
    %broadcast_in_dim3A_1645 = vector.shape_cast %broadcast_in_dim3A_1644 : vector<16xi32> to vector<16x1xi32>
    %gather3A_1646 = vector.shape_cast %broadcast_in_dim3A_1645 : vector<16x1xi32> to vector<16xi32>
    %gather3A_1647 = tpu.dynamic_gather %max3A_1642[%gather3A_1646] in [0] : vector<16xf32>, vector<16xi32> -> vector<16xf32>
    %get3A_1648 = arith.constant 4096 : index
    %get3A_1649 = tpu.vector_load %arg9[%get3A_1648] {strides = array<i32>} : memref<8192xf32, #tpu.memory_space<vmem>>, vector<16xf32>,
    %get3A_1650 = vector.shape_cast %get3A_1649 : vector<16xf32> to vector<16xf32>
    %mul3A_1651 = arith.mulf %gather3A_1647, %get3A_1650 : vector<16xf32>
    %add3A_1652 = arith.addf %add3A_1621, %mul3A_1651 : vector<16xf32>
    %get3A_1653 = arith.constant 4112 : index
    %get3A_1654 = tpu.vector_load %arg9[%get3A_1653] {strides = array<i32>} : memref<8192xf32, #tpu.memory_space<vmem>>, vector<16xf32>,
    %get3A_1655 = vector.shape_cast %get3A_1654 : vector<16xf32> to vector<16xf32>
    %mul3A_1656 = arith.mulf %gather3A_1647, %get3A_1655 : vector<16xf32>
    %add3A_1657 = arith.addf %add3A_1626, %mul3A_1656 : vector<16xf32>
    %get3A_1658 = arith.constant 4128 : index
    %get3A_1659 = tpu.vector_load %arg9[%get3A_1658] {strides = array<i32>} : memref<8192xf32, #tpu.memory_space<vmem>>, vector<16xf32>,
    %get3A_1660 = vector.shape_cast %get3A_1659 : vector<16xf32> to vector<16xf32>
    %mul3A_1661 = arith.mulf %gather3A_1647, %get3A_1660 : vector<16xf32>
    %add3A_1662 = arith.addf %add3A_1631, %mul3A_1661 : vector<16xf32>
    %get3A_1663 = arith.constant 4144 : index
    %get3A_1664 = tpu.vector_load %arg9[%get3A_1663] {strides = array<i32>} : memref<8192xf32, #tpu.memory_space<vmem>>, vector<16xf32>,
    %get3A_1665 = vector.shape_cast %get3A_1664 : vector<16xf32> to vector<16xf32>
    %mul3A_1666 = arith.mulf %gather3A_1647, %get3A_1665 : vector<16xf32>
    %add3A_1667 = arith.addf %add3A_1636, %mul3A_1666 : vector<16xf32>
    %broadcast_in_dim3A_1668 = arith.constant 1 : i32
    %broadcast_in_dim3A_1669 = vector.broadcast %broadcast_in_dim3A_1668 : i32 to vector<16xi32>
    %broadcast_in_dim3A_1670 = vector.shape_cast %broadcast_in_dim3A_1669 : vector<16xi32> to vector<16x1xi32>
    %gather3A_1671 = vector.shape_cast %broadcast_in_dim3A_1670 : vector<16x1xi32> to vector<16xi32>
    %gather3A_1672 = tpu.dynamic_gather %max3A_1642[%gather3A_1671] in [0] : vector<16xf32>, vector<16xi32> -> vector<16xf32>
    %get3A_1673 = arith.constant 4160 : index
    %get3A_1674 = tpu.vector_load %arg9[%get3A_1673] {strides = array<i32>} : memref<8192xf32, #tpu.memory_space<vmem>>, vector<16xf32>,
    %get3A_1675 = vector.shape_cast %get3A_1674 : vector<16xf32> to vector<16xf32>
    %mul3A_1676 = arith.mulf %gather3A_1672, %get3A_1675 : vector<16xf32>
    %add3A_1677 = arith.addf %add3A_1652, %mul3A_1676 : vector<16xf32>
    %get3A_1678 = arith.constant 4176 : index
    %get3A_1679 = tpu.vector_load %arg9[%get3A_1678] {strides = array<i32>} : memref<8192xf32, #tpu.memory_space<vmem>>, vector<16xf32>,
    %get3A_1680 = vector.shape_cast %get3A_1679 : vector<16xf32> to vector<16xf32>
    %mul3A_1681 = arith.mulf %gather3A_1672, %get3A_1680 : vector<16xf32>
    %add3A_1682 = arith.addf %add3A_1657, %mul3A_1681 : vector<16xf32>
    %get3A_1683 = arith.constant 4192 : index
    %get3A_1684 = tpu.vector_load %arg9[%get3A_1683] {strides = array<i32>} : memref<8192xf32, #tpu.memory_space<vmem>>, vector<16xf32>,
    %get3A_1685 = vector.shape_cast %get3A_1684 : vector<16xf32> to vector<16xf32>
    %mul3A_1686 = arith.mulf %gather3A_1672, %get3A_1685 : vector<16xf32>
    %add3A_1687 = arith.addf %add3A_1662, %mul3A_1686 : vector<16xf32>
    %get3A_1688 = arith.constant 4208 : index
    %get3A_1689 = tpu.vector_load %arg9[%get3A_1688] {strides = array<i32>} : memref<8192xf32, #tpu.memory_space<vmem>>, vector<16xf32>,
    %get3A_1690 = vector.shape_cast %get3A_1689 : vector<16xf32> to vector<16xf32>
    %mul3A_1691 = arith.mulf %gather3A_1672, %get3A_1690 : vector<16xf32>
    %add3A_1692 = arith.addf %add3A_1667, %mul3A_1691 : vector<16xf32>
    %broadcast_in_dim3A_1693 = arith.constant 2 : i32
    %broadcast_in_dim3A_1694 = vector.broadcast %broadcast_in_dim3A_1693 : i32 to vector<16xi32>
    %broadcast_in_dim3A_1695 = vector.shape_cast %broadcast_in_dim3A_1694 : vector<16xi32> to vector<16x1xi32>
    %gather3A_1696 = vector.shape_cast %broadcast_in_dim3A_1695 : vector<16x1xi32> to vector<16xi32>
    %gather3A_1697 = tpu.dynamic_gather %max3A_1642[%gather3A_1696] in [0] : vector<16xf32>, vector<16xi32> -> vector<16xf32>
    %get3A_1698 = arith.constant 4224 : index
    %get3A_1699 = tpu.vector_load %arg9[%get3A_1698] {strides = array<i32>} : memref<8192xf32, #tpu.memory_space<vmem>>, vector<16xf32>,
    %get3A_1700 = vector.shape_cast %get3A_1699 : vector<16xf32> to vector<16xf32>
    %mul3A_1701 = arith.mulf %gather3A_1697, %get3A_1700 : vector<16xf32>
    %add3A_1702 = arith.addf %add3A_1677, %mul3A_1701 : vector<16xf32>
    %get3A_1703 = arith.constant 4240 : index
    %get3A_1704 = tpu.vector_load %arg9[%get3A_1703] {strides = array<i32>} : memref<8192xf32, #tpu.memory_space<vmem>>, vector<16xf32>,
    %get3A_1705 = vector.shape_cast %get3A_1704 : vector<16xf32> to vector<16xf32>
    %mul3A_1706 = arith.mulf %gather3A_1697, %get3A_1705 : vector<16xf32>
    %add3A_1707 = arith.addf %add3A_1682, %mul3A_1706 : vector<16xf32>
    %get3A_1708 = arith.constant 4256 : index
    %get3A_1709 = tpu.vector_load %arg9[%get3A_1708] {strides = array<i32>} : memref<8192xf32, #tpu.memory_space<vmem>>, vector<16xf32>,
    %get3A_1710 = vector.shape_cast %get3A_1709 : vector<16xf32> to vector<16xf32>
    %mul3A_1711 = arith.mulf %gather3A_1697, %get3A_1710 : vector<16xf32>
    %add3A_1712 = arith.addf %add3A_1687, %mul3A_1711 : vector<16xf32>
    %get3A_1713 = arith.constant 4272 : index
    %get3A_1714 = tpu.vector_load %arg9[%get3A_1713] {strides = array<i32>} : memref<8192xf32, #tpu.memory_space<vmem>>, vector<16xf32>,
    %get3A_1715 = vector.shape_cast %get3A_1714 : vector<16xf32> to vector<16xf32>
    %mul3A_1716 = arith.mulf %gather3A_1697, %get3A_1715 : vector<16xf32>
    %add3A_1717 = arith.addf %add3A_1692, %mul3A_1716 : vector<16xf32>
    %broadcast_in_dim3A_1718 = arith.constant 3 : i32
    %broadcast_in_dim3A_1719 = vector.broadcast %broadcast_in_dim3A_1718 : i32 to vector<16xi32>
    %broadcast_in_dim3A_1720 = vector.shape_cast %broadcast_in_dim3A_1719 : vector<16xi32> to vector<16x1xi32>
    %gather3A_1721 = vector.shape_cast %broadcast_in_dim3A_1720 : vector<16x1xi32> to vector<16xi32>
    %gather3A_1722 = tpu.dynamic_gather %max3A_1642[%gather3A_1721] in [0] : vector<16xf32>, vector<16xi32> -> vector<16xf32>
    %get3A_1723 = arith.constant 4288 : index
    %get3A_1724 = tpu.vector_load %arg9[%get3A_1723] {strides = array<i32>} : memref<8192xf32, #tpu.memory_space<vmem>>, vector<16xf32>,
    %get3A_1725 = vector.shape_cast %get3A_1724 : vector<16xf32> to vector<16xf32>
    %mul3A_1726 = arith.mulf %gather3A_1722, %get3A_1725 : vector<16xf32>
    %add3A_1727 = arith.addf %add3A_1702, %mul3A_1726 : vector<16xf32>
    %get3A_1728 = arith.constant 4304 : index
    %get3A_1729 = tpu.vector_load %arg9[%get3A_1728] {strides = array<i32>} : memref<8192xf32, #tpu.memory_space<vmem>>, vector<16xf32>,
    %get3A_1730 = vector.shape_cast %get3A_1729 : vector<16xf32> to vector<16xf32>
    %mul3A_1731 = arith.mulf %gather3A_1722, %get3A_1730 : vector<16xf32>
    %add3A_1732 = arith.addf %add3A_1707, %mul3A_1731 : vector<16xf32>
    %get3A_1733 = arith.constant 4320 : index
    %get3A_1734 = tpu.vector_load %arg9[%get3A_1733] {strides = array<i32>} : memref<8192xf32, #tpu.memory_space<vmem>>, vector<16xf32>,
    %get3A_1735 = vector.shape_cast %get3A_1734 : vector<16xf32> to vector<16xf32>
    %mul3A_1736 = arith.mulf %gather3A_1722, %get3A_1735 : vector<16xf32>
    %add3A_1737 = arith.addf %add3A_1712, %mul3A_1736 : vector<16xf32>
    %get3A_1738 = arith.constant 4336 : index
    %get3A_1739 = tpu.vector_load %arg9[%get3A_1738] {strides = array<i32>} : memref<8192xf32, #tpu.memory_space<vmem>>, vector<16xf32>,
    %get3A_1740 = vector.shape_cast %get3A_1739 : vector<16xf32> to vector<16xf32>
    %mul3A_1741 = arith.mulf %gather3A_1722, %get3A_1740 : vector<16xf32>
    %add3A_1742 = arith.addf %add3A_1717, %mul3A_1741 : vector<16xf32>
    %broadcast_in_dim3A_1743 = arith.constant 4 : i32
    %broadcast_in_dim3A_1744 = vector.broadcast %broadcast_in_dim3A_1743 : i32 to vector<16xi32>
    %broadcast_in_dim3A_1745 = vector.shape_cast %broadcast_in_dim3A_1744 : vector<16xi32> to vector<16x1xi32>
    %gather3A_1746 = vector.shape_cast %broadcast_in_dim3A_1745 : vector<16x1xi32> to vector<16xi32>
    %gather3A_1747 = tpu.dynamic_gather %max3A_1642[%gather3A_1746] in [0] : vector<16xf32>, vector<16xi32> -> vector<16xf32>
    %get3A_1748 = arith.constant 4352 : index
    %get3A_1749 = tpu.vector_load %arg9[%get3A_1748] {strides = array<i32>} : memref<8192xf32, #tpu.memory_space<vmem>>, vector<16xf32>,
    %get3A_1750 = vector.shape_cast %get3A_1749 : vector<16xf32> to vector<16xf32>
    %mul3A_1751 = arith.mulf %gather3A_1747, %get3A_1750 : vector<16xf32>
    %add3A_1752 = arith.addf %add3A_1727, %mul3A_1751 : vector<16xf32>
    %get3A_1753 = arith.constant 4368 : index
    %get3A_1754 = tpu.vector_load %arg9[%get3A_1753] {strides = array<i32>} : memref<8192xf32, #tpu.memory_space<vmem>>, vector<16xf32>,
    %get3A_1755 = vector.shape_cast %get3A_1754 : vector<16xf32> to vector<16xf32>
    %mul3A_1756 = arith.mulf %gather3A_1747, %get3A_1755 : vector<16xf32>
    %add3A_1757 = arith.addf %add3A_1732, %mul3A_1756 : vector<16xf32>
    %get3A_1758 = arith.constant 4384 : index
    %get3A_1759 = tpu.vector_load %arg9[%get3A_1758] {strides = array<i32>} : memref<8192xf32, #tpu.memory_space<vmem>>, vector<16xf32>,
    %get3A_1760 = vector.shape_cast %get3A_1759 : vector<16xf32> to vector<16xf32>
    %mul3A_1761 = arith.mulf %gather3A_1747, %get3A_1760 : vector<16xf32>
    %add3A_1762 = arith.addf %add3A_1737, %mul3A_1761 : vector<16xf32>
    %get3A_1763 = arith.constant 4400 : index
    %get3A_1764 = tpu.vector_load %arg9[%get3A_1763] {strides = array<i32>} : memref<8192xf32, #tpu.memory_space<vmem>>, vector<16xf32>,
    %get3A_1765 = vector.shape_cast %get3A_1764 : vector<16xf32> to vector<16xf32>
    %mul3A_1766 = arith.mulf %gather3A_1747, %get3A_1765 : vector<16xf32>
    %add3A_1767 = arith.addf %add3A_1742, %mul3A_1766 : vector<16xf32>
    %broadcast_in_dim3A_1768 = arith.constant 5 : i32
    %broadcast_in_dim3A_1769 = vector.broadcast %broadcast_in_dim3A_1768 : i32 to vector<16xi32>
    %broadcast_in_dim3A_1770 = vector.shape_cast %broadcast_in_dim3A_1769 : vector<16xi32> to vector<16x1xi32>
    %gather3A_1771 = vector.shape_cast %broadcast_in_dim3A_1770 : vector<16x1xi32> to vector<16xi32>
    %gather3A_1772 = tpu.dynamic_gather %max3A_1642[%gather3A_1771] in [0] : vector<16xf32>, vector<16xi32> -> vector<16xf32>
    %get3A_1773 = arith.constant 4416 : index
    %get3A_1774 = tpu.vector_load %arg9[%get3A_1773] {strides = array<i32>} : memref<8192xf32, #tpu.memory_space<vmem>>, vector<16xf32>,
    %get3A_1775 = vector.shape_cast %get3A_1774 : vector<16xf32> to vector<16xf32>
    %mul3A_1776 = arith.mulf %gather3A_1772, %get3A_1775 : vector<16xf32>
    %add3A_1777 = arith.addf %add3A_1752, %mul3A_1776 : vector<16xf32>
    %get3A_1778 = arith.constant 4432 : index
    %get3A_1779 = tpu.vector_load %arg9[%get3A_1778] {strides = array<i32>} : memref<8192xf32, #tpu.memory_space<vmem>>, vector<16xf32>,
    %get3A_1780 = vector.shape_cast %get3A_1779 : vector<16xf32> to vector<16xf32>
    %mul3A_1781 = arith.mulf %gather3A_1772, %get3A_1780 : vector<16xf32>
    %add3A_1782 = arith.addf %add3A_1757, %mul3A_1781 : vector<16xf32>
    %get3A_1783 = arith.constant 4448 : index
    %get3A_1784 = tpu.vector_load %arg9[%get3A_1783] {strides = array<i32>} : memref<8192xf32, #tpu.memory_space<vmem>>, vector<16xf32>,
    %get3A_1785 = vector.shape_cast %get3A_1784 : vector<16xf32> to vector<16xf32>
    %mul3A_1786 = arith.mulf %gather3A_1772, %get3A_1785 : vector<16xf32>
    %add3A_1787 = arith.addf %add3A_1762, %mul3A_1786 : vector<16xf32>
    %get3A_1788 = arith.constant 4464 : index
    %get3A_1789 = tpu.vector_load %arg9[%get3A_1788] {strides = array<i32>} : memref<8192xf32, #tpu.memory_space<vmem>>, vector<16xf32>,
    %get3A_1790 = vector.shape_cast %get3A_1789 : vector<16xf32> to vector<16xf32>
    %mul3A_1791 = arith.mulf %gather3A_1772, %get3A_1790 : vector<16xf32>
    %add3A_1792 = arith.addf %add3A_1767, %mul3A_1791 : vector<16xf32>
    %broadcast_in_dim3A_1793 = arith.constant 6 : i32
    %broadcast_in_dim3A_1794 = vector.broadcast %broadcast_in_dim3A_1793 : i32 to vector<16xi32>
    %broadcast_in_dim3A_1795 = vector.shape_cast %broadcast_in_dim3A_1794 : vector<16xi32> to vector<16x1xi32>
    %gather3A_1796 = vector.shape_cast %broadcast_in_dim3A_1795 : vector<16x1xi32> to vector<16xi32>
    %gather3A_1797 = tpu.dynamic_gather %max3A_1642[%gather3A_1796] in [0] : vector<16xf32>, vector<16xi32> -> vector<16xf32>
    %get3A_1798 = arith.constant 4480 : index
    %get3A_1799 = tpu.vector_load %arg9[%get3A_1798] {strides = array<i32>} : memref<8192xf32, #tpu.memory_space<vmem>>, vector<16xf32>,
    %get3A_1800 = vector.shape_cast %get3A_1799 : vector<16xf32> to vector<16xf32>
    %mul3A_1801 = arith.mulf %gather3A_1797, %get3A_1800 : vector<16xf32>
    %add3A_1802 = arith.addf %add3A_1777, %mul3A_1801 : vector<16xf32>
    %get3A_1803 = arith.constant 4496 : index
    %get3A_1804 = tpu.vector_load %arg9[%get3A_1803] {strides = array<i32>} : memref<8192xf32, #tpu.memory_space<vmem>>, vector<16xf32>,
    %get3A_1805 = vector.shape_cast %get3A_1804 : vector<16xf32> to vector<16xf32>
    %mul3A_1806 = arith.mulf %gather3A_1797, %get3A_1805 : vector<16xf32>
    %add3A_1807 = arith.addf %add3A_1782, %mul3A_1806 : vector<16xf32>
    %get3A_1808 = arith.constant 4512 : index
    %get3A_1809 = tpu.vector_load %arg9[%get3A_1808] {strides = array<i32>} : memref<8192xf32, #tpu.memory_space<vmem>>, vector<16xf32>,
    %get3A_1810 = vector.shape_cast %get3A_1809 : vector<16xf32> to vector<16xf32>
    %mul3A_1811 = arith.mulf %gather3A_1797, %get3A_1810 : vector<16xf32>
    %add3A_1812 = arith.addf %add3A_1787, %mul3A_1811 : vector<16xf32>
    %get3A_1813 = arith.constant 4528 : index
    %get3A_1814 = tpu.vector_load %arg9[%get3A_1813] {strides = array<i32>} : memref<8192xf32, #tpu.memory_space<vmem>>, vector<16xf32>,
    %get3A_1815 = vector.shape_cast %get3A_1814 : vector<16xf32> to vector<16xf32>
    %mul3A_1816 = arith.mulf %gather3A_1797, %get3A_1815 : vector<16xf32>
    %add3A_1817 = arith.addf %add3A_1792, %mul3A_1816 : vector<16xf32>
    %broadcast_in_dim3A_1818 = arith.constant 7 : i32
    %broadcast_in_dim3A_1819 = vector.broadcast %broadcast_in_dim3A_1818 : i32 to vector<16xi32>
    %broadcast_in_dim3A_1820 = vector.shape_cast %broadcast_in_dim3A_1819 : vector<16xi32> to vector<16x1xi32>
    %gather3A_1821 = vector.shape_cast %broadcast_in_dim3A_1820 : vector<16x1xi32> to vector<16xi32>
    %gather3A_1822 = tpu.dynamic_gather %max3A_1642[%gather3A_1821] in [0] : vector<16xf32>, vector<16xi32> -> vector<16xf32>
    %get3A_1823 = arith.constant 4544 : index
    %get3A_1824 = tpu.vector_load %arg9[%get3A_1823] {strides = array<i32>} : memref<8192xf32, #tpu.memory_space<vmem>>, vector<16xf32>,
    %get3A_1825 = vector.shape_cast %get3A_1824 : vector<16xf32> to vector<16xf32>
    %mul3A_1826 = arith.mulf %gather3A_1822, %get3A_1825 : vector<16xf32>
    %add3A_1827 = arith.addf %add3A_1802, %mul3A_1826 : vector<16xf32>
    %get3A_1828 = arith.constant 4560 : index
    %get3A_1829 = tpu.vector_load %arg9[%get3A_1828] {strides = array<i32>} : memref<8192xf32, #tpu.memory_space<vmem>>, vector<16xf32>,
    %get3A_1830 = vector.shape_cast %get3A_1829 : vector<16xf32> to vector<16xf32>
    %mul3A_1831 = arith.mulf %gather3A_1822, %get3A_1830 : vector<16xf32>
    %add3A_1832 = arith.addf %add3A_1807, %mul3A_1831 : vector<16xf32>
    %get3A_1833 = arith.constant 4576 : index
    %get3A_1834 = tpu.vector_load %arg9[%get3A_1833] {strides = array<i32>} : memref<8192xf32, #tpu.memory_space<vmem>>, vector<16xf32>,
    %get3A_1835 = vector.shape_cast %get3A_1834 : vector<16xf32> to vector<16xf32>
    %mul3A_1836 = arith.mulf %gather3A_1822, %get3A_1835 : vector<16xf32>
    %add3A_1837 = arith.addf %add3A_1812, %mul3A_1836 : vector<16xf32>
    %get3A_1838 = arith.constant 4592 : index
    %get3A_1839 = tpu.vector_load %arg9[%get3A_1838] {strides = array<i32>} : memref<8192xf32, #tpu.memory_space<vmem>>, vector<16xf32>,
    %get3A_1840 = vector.shape_cast %get3A_1839 : vector<16xf32> to vector<16xf32>
    %mul3A_1841 = arith.mulf %gather3A_1822, %get3A_1840 : vector<16xf32>
    %add3A_1842 = arith.addf %add3A_1817, %mul3A_1841 : vector<16xf32>
    %broadcast_in_dim3A_1843 = arith.constant 8 : i32
    %broadcast_in_dim3A_1844 = vector.broadcast %broadcast_in_dim3A_1843 : i32 to vector<16xi32>
    %broadcast_in_dim3A_1845 = vector.shape_cast %broadcast_in_dim3A_1844 : vector<16xi32> to vector<16x1xi32>
    %gather3A_1846 = vector.shape_cast %broadcast_in_dim3A_1845 : vector<16x1xi32> to vector<16xi32>
    %gather3A_1847 = tpu.dynamic_gather %max3A_1642[%gather3A_1846] in [0] : vector<16xf32>, vector<16xi32> -> vector<16xf32>
    %get3A_1848 = arith.constant 4608 : index
    %get3A_1849 = tpu.vector_load %arg9[%get3A_1848] {strides = array<i32>} : memref<8192xf32, #tpu.memory_space<vmem>>, vector<16xf32>,
    %get3A_1850 = vector.shape_cast %get3A_1849 : vector<16xf32> to vector<16xf32>
    %mul3A_1851 = arith.mulf %gather3A_1847, %get3A_1850 : vector<16xf32>
    %add3A_1852 = arith.addf %add3A_1827, %mul3A_1851 : vector<16xf32>
    %get3A_1853 = arith.constant 4624 : index
    %get3A_1854 = tpu.vector_load %arg9[%get3A_1853] {strides = array<i32>} : memref<8192xf32, #tpu.memory_space<vmem>>, vector<16xf32>,
    %get3A_1855 = vector.shape_cast %get3A_1854 : vector<16xf32> to vector<16xf32>
    %mul3A_1856 = arith.mulf %gather3A_1847, %get3A_1855 : vector<16xf32>
    %add3A_1857 = arith.addf %add3A_1832, %mul3A_1856 : vector<16xf32>
    %get3A_1858 = arith.constant 4640 : index
    %get3A_1859 = tpu.vector_load %arg9[%get3A_1858] {strides = array<i32>} : memref<8192xf32, #tpu.memory_space<vmem>>, vector<16xf32>,
    %get3A_1860 = vector.shape_cast %get3A_1859 : vector<16xf32> to vector<16xf32>
    %mul3A_1861 = arith.mulf %gather3A_1847, %get3A_1860 : vector<16xf32>
    %add3A_1862 = arith.addf %add3A_1837, %mul3A_1861 : vector<16xf32>
    %get3A_1863 = arith.constant 4656 : index
    %get3A_1864 = tpu.vector_load %arg9[%get3A_1863] {strides = array<i32>} : memref<8192xf32, #tpu.memory_space<vmem>>, vector<16xf32>,
    %get3A_1865 = vector.shape_cast %get3A_1864 : vector<16xf32> to vector<16xf32>
    %mul3A_1866 = arith.mulf %gather3A_1847, %get3A_1865 : vector<16xf32>
    %add3A_1867 = arith.addf %add3A_1842, %mul3A_1866 : vector<16xf32>
    %broadcast_in_dim3A_1868 = arith.constant 9 : i32
    %broadcast_in_dim3A_1869 = vector.broadcast %broadcast_in_dim3A_1868 : i32 to vector<16xi32>
    %broadcast_in_dim3A_1870 = vector.shape_cast %broadcast_in_dim3A_1869 : vector<16xi32> to vector<16x1xi32>
    %gather3A_1871 = vector.shape_cast %broadcast_in_dim3A_1870 : vector<16x1xi32> to vector<16xi32>
    %gather3A_1872 = tpu.dynamic_gather %max3A_1642[%gather3A_1871] in [0] : vector<16xf32>, vector<16xi32> -> vector<16xf32>
    %get3A_1873 = arith.constant 4672 : index
    %get3A_1874 = tpu.vector_load %arg9[%get3A_1873] {strides = array<i32>} : memref<8192xf32, #tpu.memory_space<vmem>>, vector<16xf32>,
    %get3A_1875 = vector.shape_cast %get3A_1874 : vector<16xf32> to vector<16xf32>
    %mul3A_1876 = arith.mulf %gather3A_1872, %get3A_1875 : vector<16xf32>
    %add3A_1877 = arith.addf %add3A_1852, %mul3A_1876 : vector<16xf32>
    %get3A_1878 = arith.constant 4688 : index
    %get3A_1879 = tpu.vector_load %arg9[%get3A_1878] {strides = array<i32>} : memref<8192xf32, #tpu.memory_space<vmem>>, vector<16xf32>,
    %get3A_1880 = vector.shape_cast %get3A_1879 : vector<16xf32> to vector<16xf32>
    %mul3A_1881 = arith.mulf %gather3A_1872, %get3A_1880 : vector<16xf32>
    %add3A_1882 = arith.addf %add3A_1857, %mul3A_1881 : vector<16xf32>
    %get3A_1883 = arith.constant 4704 : index
    %get3A_1884 = tpu.vector_load %arg9[%get3A_1883] {strides = array<i32>} : memref<8192xf32, #tpu.memory_space<vmem>>, vector<16xf32>,
    %get3A_1885 = vector.shape_cast %get3A_1884 : vector<16xf32> to vector<16xf32>
    %mul3A_1886 = arith.mulf %gather3A_1872, %get3A_1885 : vector<16xf32>
    %add3A_1887 = arith.addf %add3A_1862, %mul3A_1886 : vector<16xf32>
    %get3A_1888 = arith.constant 4720 : index
    %get3A_1889 = tpu.vector_load %arg9[%get3A_1888] {strides = array<i32>} : memref<8192xf32, #tpu.memory_space<vmem>>, vector<16xf32>,
    %get3A_1890 = vector.shape_cast %get3A_1889 : vector<16xf32> to vector<16xf32>
    %mul3A_1891 = arith.mulf %gather3A_1872, %get3A_1890 : vector<16xf32>
    %add3A_1892 = arith.addf %add3A_1867, %mul3A_1891 : vector<16xf32>
    %broadcast_in_dim3A_1893 = arith.constant 10 : i32
    %broadcast_in_dim3A_1894 = vector.broadcast %broadcast_in_dim3A_1893 : i32 to vector<16xi32>
    %broadcast_in_dim3A_1895 = vector.shape_cast %broadcast_in_dim3A_1894 : vector<16xi32> to vector<16x1xi32>
    %gather3A_1896 = vector.shape_cast %broadcast_in_dim3A_1895 : vector<16x1xi32> to vector<16xi32>
    %gather3A_1897 = tpu.dynamic_gather %max3A_1642[%gather3A_1896] in [0] : vector<16xf32>, vector<16xi32> -> vector<16xf32>
    %get3A_1898 = arith.constant 4736 : index
    %get3A_1899 = tpu.vector_load %arg9[%get3A_1898] {strides = array<i32>} : memref<8192xf32, #tpu.memory_space<vmem>>, vector<16xf32>,
    %get3A_1900 = vector.shape_cast %get3A_1899 : vector<16xf32> to vector<16xf32>
    %mul3A_1901 = arith.mulf %gather3A_1897, %get3A_1900 : vector<16xf32>
    %add3A_1902 = arith.addf %add3A_1877, %mul3A_1901 : vector<16xf32>
    %get3A_1903 = arith.constant 4752 : index
    %get3A_1904 = tpu.vector_load %arg9[%get3A_1903] {strides = array<i32>} : memref<8192xf32, #tpu.memory_space<vmem>>, vector<16xf32>,
    %get3A_1905 = vector.shape_cast %get3A_1904 : vector<16xf32> to vector<16xf32>
    %mul3A_1906 = arith.mulf %gather3A_1897, %get3A_1905 : vector<16xf32>
    %add3A_1907 = arith.addf %add3A_1882, %mul3A_1906 : vector<16xf32>
    %get3A_1908 = arith.constant 4768 : index
    %get3A_1909 = tpu.vector_load %arg9[%get3A_1908] {strides = array<i32>} : memref<8192xf32, #tpu.memory_space<vmem>>, vector<16xf32>,
    %get3A_1910 = vector.shape_cast %get3A_1909 : vector<16xf32> to vector<16xf32>
    %mul3A_1911 = arith.mulf %gather3A_1897, %get3A_1910 : vector<16xf32>
    %add3A_1912 = arith.addf %add3A_1887, %mul3A_1911 : vector<16xf32>
    %get3A_1913 = arith.constant 4784 : index
    %get3A_1914 = tpu.vector_load %arg9[%get3A_1913] {strides = array<i32>} : memref<8192xf32, #tpu.memory_space<vmem>>, vector<16xf32>,
    %get3A_1915 = vector.shape_cast %get3A_1914 : vector<16xf32> to vector<16xf32>
    %mul3A_1916 = arith.mulf %gather3A_1897, %get3A_1915 : vector<16xf32>
    %add3A_1917 = arith.addf %add3A_1892, %mul3A_1916 : vector<16xf32>
    %broadcast_in_dim3A_1918 = arith.constant 11 : i32
    %broadcast_in_dim3A_1919 = vector.broadcast %broadcast_in_dim3A_1918 : i32 to vector<16xi32>
    %broadcast_in_dim3A_1920 = vector.shape_cast %broadcast_in_dim3A_1919 : vector<16xi32> to vector<16x1xi32>
    %gather3A_1921 = vector.shape_cast %broadcast_in_dim3A_1920 : vector<16x1xi32> to vector<16xi32>
    %gather3A_1922 = tpu.dynamic_gather %max3A_1642[%gather3A_1921] in [0] : vector<16xf32>, vector<16xi32> -> vector<16xf32>
    %get3A_1923 = arith.constant 4800 : index
    %get3A_1924 = tpu.vector_load %arg9[%get3A_1923] {strides = array<i32>} : memref<8192xf32, #tpu.memory_space<vmem>>, vector<16xf32>,
    %get3A_1925 = vector.shape_cast %get3A_1924 : vector<16xf32> to vector<16xf32>
    %mul3A_1926 = arith.mulf %gather3A_1922, %get3A_1925 : vector<16xf32>
    %add3A_1927 = arith.addf %add3A_1902, %mul3A_1926 : vector<16xf32>
    %get3A_1928 = arith.constant 4816 : index
    %get3A_1929 = tpu.vector_load %arg9[%get3A_1928] {strides = array<i32>} : memref<8192xf32, #tpu.memory_space<vmem>>, vector<16xf32>,
    %get3A_1930 = vector.shape_cast %get3A_1929 : vector<16xf32> to vector<16xf32>
    %mul3A_1931 = arith.mulf %gather3A_1922, %get3A_1930 : vector<16xf32>
    %add3A_1932 = arith.addf %add3A_1907, %mul3A_1931 : vector<16xf32>
    %get3A_1933 = arith.constant 4832 : index
    %get3A_1934 = tpu.vector_load %arg9[%get3A_1933] {strides = array<i32>} : memref<8192xf32, #tpu.memory_space<vmem>>, vector<16xf32>,
    %get3A_1935 = vector.shape_cast %get3A_1934 : vector<16xf32> to vector<16xf32>
    %mul3A_1936 = arith.mulf %gather3A_1922, %get3A_1935 : vector<16xf32>
    %add3A_1937 = arith.addf %add3A_1912, %mul3A_1936 : vector<16xf32>
    %get3A_1938 = arith.constant 4848 : index
    %get3A_1939 = tpu.vector_load %arg9[%get3A_1938] {strides = array<i32>} : memref<8192xf32, #tpu.memory_space<vmem>>, vector<16xf32>,
    %get3A_1940 = vector.shape_cast %get3A_1939 : vector<16xf32> to vector<16xf32>
    %mul3A_1941 = arith.mulf %gather3A_1922, %get3A_1940 : vector<16xf32>
    %add3A_1942 = arith.addf %add3A_1917, %mul3A_1941 : vector<16xf32>
    %broadcast_in_dim3A_1943 = arith.constant 12 : i32
    %broadcast_in_dim3A_1944 = vector.broadcast %broadcast_in_dim3A_1943 : i32 to vector<16xi32>
    %broadcast_in_dim3A_1945 = vector.shape_cast %broadcast_in_dim3A_1944 : vector<16xi32> to vector<16x1xi32>
    %gather3A_1946 = vector.shape_cast %broadcast_in_dim3A_1945 : vector<16x1xi32> to vector<16xi32>
    %gather3A_1947 = tpu.dynamic_gather %max3A_1642[%gather3A_1946] in [0] : vector<16xf32>, vector<16xi32> -> vector<16xf32>
    %get3A_1948 = arith.constant 4864 : index
    %get3A_1949 = tpu.vector_load %arg9[%get3A_1948] {strides = array<i32>} : memref<8192xf32, #tpu.memory_space<vmem>>, vector<16xf32>,
    %get3A_1950 = vector.shape_cast %get3A_1949 : vector<16xf32> to vector<16xf32>
    %mul3A_1951 = arith.mulf %gather3A_1947, %get3A_1950 : vector<16xf32>
    %add3A_1952 = arith.addf %add3A_1927, %mul3A_1951 : vector<16xf32>
    %get3A_1953 = arith.constant 4880 : index
    %get3A_1954 = tpu.vector_load %arg9[%get3A_1953] {strides = array<i32>} : memref<8192xf32, #tpu.memory_space<vmem>>, vector<16xf32>,
    %get3A_1955 = vector.shape_cast %get3A_1954 : vector<16xf32> to vector<16xf32>
    %mul3A_1956 = arith.mulf %gather3A_1947, %get3A_1955 : vector<16xf32>
    %add3A_1957 = arith.addf %add3A_1932, %mul3A_1956 : vector<16xf32>
    %get3A_1958 = arith.constant 4896 : index
    %get3A_1959 = tpu.vector_load %arg9[%get3A_1958] {strides = array<i32>} : memref<8192xf32, #tpu.memory_space<vmem>>, vector<16xf32>,
    %get3A_1960 = vector.shape_cast %get3A_1959 : vector<16xf32> to vector<16xf32>
    %mul3A_1961 = arith.mulf %gather3A_1947, %get3A_1960 : vector<16xf32>
    %add3A_1962 = arith.addf %add3A_1937, %mul3A_1961 : vector<16xf32>
    %get3A_1963 = arith.constant 4912 : index
    %get3A_1964 = tpu.vector_load %arg9[%get3A_1963] {strides = array<i32>} : memref<8192xf32, #tpu.memory_space<vmem>>, vector<16xf32>,
    %get3A_1965 = vector.shape_cast %get3A_1964 : vector<16xf32> to vector<16xf32>
    %mul3A_1966 = arith.mulf %gather3A_1947, %get3A_1965 : vector<16xf32>
    %add3A_1967 = arith.addf %add3A_1942, %mul3A_1966 : vector<16xf32>
    %broadcast_in_dim3A_1968 = arith.constant 13 : i32
    %broadcast_in_dim3A_1969 = vector.broadcast %broadcast_in_dim3A_1968 : i32 to vector<16xi32>
    %broadcast_in_dim3A_1970 = vector.shape_cast %broadcast_in_dim3A_1969 : vector<16xi32> to vector<16x1xi32>
    %gather3A_1971 = vector.shape_cast %broadcast_in_dim3A_1970 : vector<16x1xi32> to vector<16xi32>
    %gather3A_1972 = tpu.dynamic_gather %max3A_1642[%gather3A_1971] in [0] : vector<16xf32>, vector<16xi32> -> vector<16xf32>
    %get3A_1973 = arith.constant 4928 : index
    %get3A_1974 = tpu.vector_load %arg9[%get3A_1973] {strides = array<i32>} : memref<8192xf32, #tpu.memory_space<vmem>>, vector<16xf32>,
    %get3A_1975 = vector.shape_cast %get3A_1974 : vector<16xf32> to vector<16xf32>
    %mul3A_1976 = arith.mulf %gather3A_1972, %get3A_1975 : vector<16xf32>
    %add3A_1977 = arith.addf %add3A_1952, %mul3A_1976 : vector<16xf32>
    %get3A_1978 = arith.constant 4944 : index
    %get3A_1979 = tpu.vector_load %arg9[%get3A_1978] {strides = array<i32>} : memref<8192xf32, #tpu.memory_space<vmem>>, vector<16xf32>,
    %get3A_1980 = vector.shape_cast %get3A_1979 : vector<16xf32> to vector<16xf32>
    %mul3A_1981 = arith.mulf %gather3A_1972, %get3A_1980 : vector<16xf32>
    %add3A_1982 = arith.addf %add3A_1957, %mul3A_1981 : vector<16xf32>
    %get3A_1983 = arith.constant 4960 : index
    %get3A_1984 = tpu.vector_load %arg9[%get3A_1983] {strides = array<i32>} : memref<8192xf32, #tpu.memory_space<vmem>>, vector<16xf32>,
    %get3A_1985 = vector.shape_cast %get3A_1984 : vector<16xf32> to vector<16xf32>
    %mul3A_1986 = arith.mulf %gather3A_1972, %get3A_1985 : vector<16xf32>
    %add3A_1987 = arith.addf %add3A_1962, %mul3A_1986 : vector<16xf32>
    %get3A_1988 = arith.constant 4976 : index
    %get3A_1989 = tpu.vector_load %arg9[%get3A_1988] {strides = array<i32>} : memref<8192xf32, #tpu.memory_space<vmem>>, vector<16xf32>,
    %get3A_1990 = vector.shape_cast %get3A_1989 : vector<16xf32> to vector<16xf32>
    %mul3A_1991 = arith.mulf %gather3A_1972, %get3A_1990 : vector<16xf32>
    %add3A_1992 = arith.addf %add3A_1967, %mul3A_1991 : vector<16xf32>
    %broadcast_in_dim3A_1993 = arith.constant 14 : i32
    %broadcast_in_dim3A_1994 = vector.broadcast %broadcast_in_dim3A_1993 : i32 to vector<16xi32>
    %broadcast_in_dim3A_1995 = vector.shape_cast %broadcast_in_dim3A_1994 : vector<16xi32> to vector<16x1xi32>
    %gather3A_1996 = vector.shape_cast %broadcast_in_dim3A_1995 : vector<16x1xi32> to vector<16xi32>
    %gather3A_1997 = tpu.dynamic_gather %max3A_1642[%gather3A_1996] in [0] : vector<16xf32>, vector<16xi32> -> vector<16xf32>
    %get3A_1998 = arith.constant 4992 : index
    %get3A_1999 = tpu.vector_load %arg9[%get3A_1998] {strides = array<i32>} : memref<8192xf32, #tpu.memory_space<vmem>>, vector<16xf32>,
    %get3A_2000 = vector.shape_cast %get3A_1999 : vector<16xf32> to vector<16xf32>
    %mul3A_2001 = arith.mulf %gather3A_1997, %get3A_2000 : vector<16xf32>
    %add3A_2002 = arith.addf %add3A_1977, %mul3A_2001 : vector<16xf32>
    %get3A_2003 = arith.constant 5008 : index
    %get3A_2004 = tpu.vector_load %arg9[%get3A_2003] {strides = array<i32>} : memref<8192xf32, #tpu.memory_space<vmem>>, vector<16xf32>,
    %get3A_2005 = vector.shape_cast %get3A_2004 : vector<16xf32> to vector<16xf32>
    %mul3A_2006 = arith.mulf %gather3A_1997, %get3A_2005 : vector<16xf32>
    %add3A_2007 = arith.addf %add3A_1982, %mul3A_2006 : vector<16xf32>
    %get3A_2008 = arith.constant 5024 : index
    %get3A_2009 = tpu.vector_load %arg9[%get3A_2008] {strides = array<i32>} : memref<8192xf32, #tpu.memory_space<vmem>>, vector<16xf32>,
    %get3A_2010 = vector.shape_cast %get3A_2009 : vector<16xf32> to vector<16xf32>
    %mul3A_2011 = arith.mulf %gather3A_1997, %get3A_2010 : vector<16xf32>
    %add3A_2012 = arith.addf %add3A_1987, %mul3A_2011 : vector<16xf32>
    %get3A_2013 = arith.constant 5040 : index
    %get3A_2014 = tpu.vector_load %arg9[%get3A_2013] {strides = array<i32>} : memref<8192xf32, #tpu.memory_space<vmem>>, vector<16xf32>,
    %get3A_2015 = vector.shape_cast %get3A_2014 : vector<16xf32> to vector<16xf32>
    %mul3A_2016 = arith.mulf %gather3A_1997, %get3A_2015 : vector<16xf32>
    %add3A_2017 = arith.addf %add3A_1992, %mul3A_2016 : vector<16xf32>
    %broadcast_in_dim3A_2018 = arith.constant 15 : i32
    %broadcast_in_dim3A_2019 = vector.broadcast %broadcast_in_dim3A_2018 : i32 to vector<16xi32>
    %broadcast_in_dim3A_2020 = vector.shape_cast %broadcast_in_dim3A_2019 : vector<16xi32> to vector<16x1xi32>
    %gather3A_2021 = vector.shape_cast %broadcast_in_dim3A_2020 : vector<16x1xi32> to vector<16xi32>
    %gather3A_2022 = tpu.dynamic_gather %max3A_1642[%gather3A_2021] in [0] : vector<16xf32>, vector<16xi32> -> vector<16xf32>
    %get3A_2023 = arith.constant 5056 : index
    %get3A_2024 = tpu.vector_load %arg9[%get3A_2023] {strides = array<i32>} : memref<8192xf32, #tpu.memory_space<vmem>>, vector<16xf32>,
    %get3A_2025 = vector.shape_cast %get3A_2024 : vector<16xf32> to vector<16xf32>
    %mul3A_2026 = arith.mulf %gather3A_2022, %get3A_2025 : vector<16xf32>
    %add3A_2027 = arith.addf %add3A_2002, %mul3A_2026 : vector<16xf32>
    %get3A_2028 = arith.constant 5072 : index
    %get3A_2029 = tpu.vector_load %arg9[%get3A_2028] {strides = array<i32>} : memref<8192xf32, #tpu.memory_space<vmem>>, vector<16xf32>,
    %get3A_2030 = vector.shape_cast %get3A_2029 : vector<16xf32> to vector<16xf32>
    %mul3A_2031 = arith.mulf %gather3A_2022, %get3A_2030 : vector<16xf32>
    %add3A_2032 = arith.addf %add3A_2007, %mul3A_2031 : vector<16xf32>
    %get3A_2033 = arith.constant 5088 : index
    %get3A_2034 = tpu.vector_load %arg9[%get3A_2033] {strides = array<i32>} : memref<8192xf32, #tpu.memory_space<vmem>>, vector<16xf32>,
    %get3A_2035 = vector.shape_cast %get3A_2034 : vector<16xf32> to vector<16xf32>
    %mul3A_2036 = arith.mulf %gather3A_2022, %get3A_2035 : vector<16xf32>
    %add3A_2037 = arith.addf %add3A_2012, %mul3A_2036 : vector<16xf32>
    %get3A_2038 = arith.constant 5104 : index
    %get3A_2039 = tpu.vector_load %arg9[%get3A_2038] {strides = array<i32>} : memref<8192xf32, #tpu.memory_space<vmem>>, vector<16xf32>,
    %get3A_2040 = vector.shape_cast %get3A_2039 : vector<16xf32> to vector<16xf32>
    %mul3A_2041 = arith.mulf %gather3A_2022, %get3A_2040 : vector<16xf32>
    %add3A_2042 = arith.addf %add3A_2017, %mul3A_2041 : vector<16xf32>
    %get3A_2043 = arith.constant 80 : index
    %get3A_2044 = tpu.vector_load %arg8[%get3A_2043] {strides = array<i32>} : memref<128xf32, #tpu.memory_space<vmem>>, vector<16xf32>,
    %get3A_2045 = vector.shape_cast %get3A_2044 : vector<16xf32> to vector<16xf32>
    %max3A_2046 = arith.constant 0.000000e+00 : f32
    %max3A_2047 = vector.broadcast %max3A_2046 : f32 to vector<16xf32>
    %max3A_2048 = arith.maximumf %get3A_2045, %max3A_2047 : vector<16xf32>
    %broadcast_in_dim3A_2049 = arith.constant 0 : i32
    %broadcast_in_dim3A_2050 = vector.broadcast %broadcast_in_dim3A_2049 : i32 to vector<16xi32>
    %broadcast_in_dim3A_2051 = vector.shape_cast %broadcast_in_dim3A_2050 : vector<16xi32> to vector<16x1xi32>
    %gather3A_2052 = vector.shape_cast %broadcast_in_dim3A_2051 : vector<16x1xi32> to vector<16xi32>
    %gather3A_2053 = tpu.dynamic_gather %max3A_2048[%gather3A_2052] in [0] : vector<16xf32>, vector<16xi32> -> vector<16xf32>
    %get3A_2054 = arith.constant 5120 : index
    %get3A_2055 = tpu.vector_load %arg9[%get3A_2054] {strides = array<i32>} : memref<8192xf32, #tpu.memory_space<vmem>>, vector<16xf32>,
    %get3A_2056 = vector.shape_cast %get3A_2055 : vector<16xf32> to vector<16xf32>
    %mul3A_2057 = arith.mulf %gather3A_2053, %get3A_2056 : vector<16xf32>
    %add3A_2058 = arith.addf %add3A_2027, %mul3A_2057 : vector<16xf32>
    %get3A_2059 = arith.constant 5136 : index
    %get3A_2060 = tpu.vector_load %arg9[%get3A_2059] {strides = array<i32>} : memref<8192xf32, #tpu.memory_space<vmem>>, vector<16xf32>,
    %get3A_2061 = vector.shape_cast %get3A_2060 : vector<16xf32> to vector<16xf32>
    %mul3A_2062 = arith.mulf %gather3A_2053, %get3A_2061 : vector<16xf32>
    %add3A_2063 = arith.addf %add3A_2032, %mul3A_2062 : vector<16xf32>
    %get3A_2064 = arith.constant 5152 : index
    %get3A_2065 = tpu.vector_load %arg9[%get3A_2064] {strides = array<i32>} : memref<8192xf32, #tpu.memory_space<vmem>>, vector<16xf32>,
    %get3A_2066 = vector.shape_cast %get3A_2065 : vector<16xf32> to vector<16xf32>
    %mul3A_2067 = arith.mulf %gather3A_2053, %get3A_2066 : vector<16xf32>
    %add3A_2068 = arith.addf %add3A_2037, %mul3A_2067 : vector<16xf32>
    %get3A_2069 = arith.constant 5168 : index
    %get3A_2070 = tpu.vector_load %arg9[%get3A_2069] {strides = array<i32>} : memref<8192xf32, #tpu.memory_space<vmem>>, vector<16xf32>,
    %get3A_2071 = vector.shape_cast %get3A_2070 : vector<16xf32> to vector<16xf32>
    %mul3A_2072 = arith.mulf %gather3A_2053, %get3A_2071 : vector<16xf32>
    %add3A_2073 = arith.addf %add3A_2042, %mul3A_2072 : vector<16xf32>
    %broadcast_in_dim3A_2074 = arith.constant 1 : i32
    %broadcast_in_dim3A_2075 = vector.broadcast %broadcast_in_dim3A_2074 : i32 to vector<16xi32>
    %broadcast_in_dim3A_2076 = vector.shape_cast %broadcast_in_dim3A_2075 : vector<16xi32> to vector<16x1xi32>
    %gather3A_2077 = vector.shape_cast %broadcast_in_dim3A_2076 : vector<16x1xi32> to vector<16xi32>
    %gather3A_2078 = tpu.dynamic_gather %max3A_2048[%gather3A_2077] in [0] : vector<16xf32>, vector<16xi32> -> vector<16xf32>
    %get3A_2079 = arith.constant 5184 : index
    %get3A_2080 = tpu.vector_load %arg9[%get3A_2079] {strides = array<i32>} : memref<8192xf32, #tpu.memory_space<vmem>>, vector<16xf32>,
    %get3A_2081 = vector.shape_cast %get3A_2080 : vector<16xf32> to vector<16xf32>
    %mul3A_2082 = arith.mulf %gather3A_2078, %get3A_2081 : vector<16xf32>
    %add3A_2083 = arith.addf %add3A_2058, %mul3A_2082 : vector<16xf32>
    %get3A_2084 = arith.constant 5200 : index
    %get3A_2085 = tpu.vector_load %arg9[%get3A_2084] {strides = array<i32>} : memref<8192xf32, #tpu.memory_space<vmem>>, vector<16xf32>,
    %get3A_2086 = vector.shape_cast %get3A_2085 : vector<16xf32> to vector<16xf32>
    %mul3A_2087 = arith.mulf %gather3A_2078, %get3A_2086 : vector<16xf32>
    %add3A_2088 = arith.addf %add3A_2063, %mul3A_2087 : vector<16xf32>
    %get3A_2089 = arith.constant 5216 : index
    %get3A_2090 = tpu.vector_load %arg9[%get3A_2089] {strides = array<i32>} : memref<8192xf32, #tpu.memory_space<vmem>>, vector<16xf32>,
    %get3A_2091 = vector.shape_cast %get3A_2090 : vector<16xf32> to vector<16xf32>
    %mul3A_2092 = arith.mulf %gather3A_2078, %get3A_2091 : vector<16xf32>
    %add3A_2093 = arith.addf %add3A_2068, %mul3A_2092 : vector<16xf32>
    %get3A_2094 = arith.constant 5232 : index
    %get3A_2095 = tpu.vector_load %arg9[%get3A_2094] {strides = array<i32>} : memref<8192xf32, #tpu.memory_space<vmem>>, vector<16xf32>,
    %get3A_2096 = vector.shape_cast %get3A_2095 : vector<16xf32> to vector<16xf32>
    %mul3A_2097 = arith.mulf %gather3A_2078, %get3A_2096 : vector<16xf32>
    %add3A_2098 = arith.addf %add3A_2073, %mul3A_2097 : vector<16xf32>
    %broadcast_in_dim3A_2099 = arith.constant 2 : i32
    %broadcast_in_dim3A_2100 = vector.broadcast %broadcast_in_dim3A_2099 : i32 to vector<16xi32>
    %broadcast_in_dim3A_2101 = vector.shape_cast %broadcast_in_dim3A_2100 : vector<16xi32> to vector<16x1xi32>
    %gather3A_2102 = vector.shape_cast %broadcast_in_dim3A_2101 : vector<16x1xi32> to vector<16xi32>
    %gather3A_2103 = tpu.dynamic_gather %max3A_2048[%gather3A_2102] in [0] : vector<16xf32>, vector<16xi32> -> vector<16xf32>
    %get3A_2104 = arith.constant 5248 : index
    %get3A_2105 = tpu.vector_load %arg9[%get3A_2104] {strides = array<i32>} : memref<8192xf32, #tpu.memory_space<vmem>>, vector<16xf32>,
    %get3A_2106 = vector.shape_cast %get3A_2105 : vector<16xf32> to vector<16xf32>
    %mul3A_2107 = arith.mulf %gather3A_2103, %get3A_2106 : vector<16xf32>
    %add3A_2108 = arith.addf %add3A_2083, %mul3A_2107 : vector<16xf32>
    %get3A_2109 = arith.constant 5264 : index
    %get3A_2110 = tpu.vector_load %arg9[%get3A_2109] {strides = array<i32>} : memref<8192xf32, #tpu.memory_space<vmem>>, vector<16xf32>,
    %get3A_2111 = vector.shape_cast %get3A_2110 : vector<16xf32> to vector<16xf32>
    %mul3A_2112 = arith.mulf %gather3A_2103, %get3A_2111 : vector<16xf32>
    %add3A_2113 = arith.addf %add3A_2088, %mul3A_2112 : vector<16xf32>
    %get3A_2114 = arith.constant 5280 : index
    %get3A_2115 = tpu.vector_load %arg9[%get3A_2114] {strides = array<i32>} : memref<8192xf32, #tpu.memory_space<vmem>>, vector<16xf32>,
    %get3A_2116 = vector.shape_cast %get3A_2115 : vector<16xf32> to vector<16xf32>
    %mul3A_2117 = arith.mulf %gather3A_2103, %get3A_2116 : vector<16xf32>
    %add3A_2118 = arith.addf %add3A_2093, %mul3A_2117 : vector<16xf32>
    %get3A_2119 = arith.constant 5296 : index
    %get3A_2120 = tpu.vector_load %arg9[%get3A_2119] {strides = array<i32>} : memref<8192xf32, #tpu.memory_space<vmem>>, vector<16xf32>,
    %get3A_2121 = vector.shape_cast %get3A_2120 : vector<16xf32> to vector<16xf32>
    %mul3A_2122 = arith.mulf %gather3A_2103, %get3A_2121 : vector<16xf32>
    %add3A_2123 = arith.addf %add3A_2098, %mul3A_2122 : vector<16xf32>
    %broadcast_in_dim3A_2124 = arith.constant 3 : i32
    %broadcast_in_dim3A_2125 = vector.broadcast %broadcast_in_dim3A_2124 : i32 to vector<16xi32>
    %broadcast_in_dim3A_2126 = vector.shape_cast %broadcast_in_dim3A_2125 : vector<16xi32> to vector<16x1xi32>
    %gather3A_2127 = vector.shape_cast %broadcast_in_dim3A_2126 : vector<16x1xi32> to vector<16xi32>
    %gather3A_2128 = tpu.dynamic_gather %max3A_2048[%gather3A_2127] in [0] : vector<16xf32>, vector<16xi32> -> vector<16xf32>
    %get3A_2129 = arith.constant 5312 : index
    %get3A_2130 = tpu.vector_load %arg9[%get3A_2129] {strides = array<i32>} : memref<8192xf32, #tpu.memory_space<vmem>>, vector<16xf32>,
    %get3A_2131 = vector.shape_cast %get3A_2130 : vector<16xf32> to vector<16xf32>
    %mul3A_2132 = arith.mulf %gather3A_2128, %get3A_2131 : vector<16xf32>
    %add3A_2133 = arith.addf %add3A_2108, %mul3A_2132 : vector<16xf32>
    %get3A_2134 = arith.constant 5328 : index
    %get3A_2135 = tpu.vector_load %arg9[%get3A_2134] {strides = array<i32>} : memref<8192xf32, #tpu.memory_space<vmem>>, vector<16xf32>,
    %get3A_2136 = vector.shape_cast %get3A_2135 : vector<16xf32> to vector<16xf32>
    %mul3A_2137 = arith.mulf %gather3A_2128, %get3A_2136 : vector<16xf32>
    %add3A_2138 = arith.addf %add3A_2113, %mul3A_2137 : vector<16xf32>
    %get3A_2139 = arith.constant 5344 : index
    %get3A_2140 = tpu.vector_load %arg9[%get3A_2139] {strides = array<i32>} : memref<8192xf32, #tpu.memory_space<vmem>>, vector<16xf32>,
    %get3A_2141 = vector.shape_cast %get3A_2140 : vector<16xf32> to vector<16xf32>
    %mul3A_2142 = arith.mulf %gather3A_2128, %get3A_2141 : vector<16xf32>
    %add3A_2143 = arith.addf %add3A_2118, %mul3A_2142 : vector<16xf32>
    %get3A_2144 = arith.constant 5360 : index
    %get3A_2145 = tpu.vector_load %arg9[%get3A_2144] {strides = array<i32>} : memref<8192xf32, #tpu.memory_space<vmem>>, vector<16xf32>,
    %get3A_2146 = vector.shape_cast %get3A_2145 : vector<16xf32> to vector<16xf32>
    %mul3A_2147 = arith.mulf %gather3A_2128, %get3A_2146 : vector<16xf32>
    %add3A_2148 = arith.addf %add3A_2123, %mul3A_2147 : vector<16xf32>
    %broadcast_in_dim3A_2149 = arith.constant 4 : i32
    %broadcast_in_dim3A_2150 = vector.broadcast %broadcast_in_dim3A_2149 : i32 to vector<16xi32>
    %broadcast_in_dim3A_2151 = vector.shape_cast %broadcast_in_dim3A_2150 : vector<16xi32> to vector<16x1xi32>
    %gather3A_2152 = vector.shape_cast %broadcast_in_dim3A_2151 : vector<16x1xi32> to vector<16xi32>
    %gather3A_2153 = tpu.dynamic_gather %max3A_2048[%gather3A_2152] in [0] : vector<16xf32>, vector<16xi32> -> vector<16xf32>
    %get3A_2154 = arith.constant 5376 : index
    %get3A_2155 = tpu.vector_load %arg9[%get3A_2154] {strides = array<i32>} : memref<8192xf32, #tpu.memory_space<vmem>>, vector<16xf32>,
    %get3A_2156 = vector.shape_cast %get3A_2155 : vector<16xf32> to vector<16xf32>
    %mul3A_2157 = arith.mulf %gather3A_2153, %get3A_2156 : vector<16xf32>
    %add3A_2158 = arith.addf %add3A_2133, %mul3A_2157 : vector<16xf32>
    %get3A_2159 = arith.constant 5392 : index
    %get3A_2160 = tpu.vector_load %arg9[%get3A_2159] {strides = array<i32>} : memref<8192xf32, #tpu.memory_space<vmem>>, vector<16xf32>,
    %get3A_2161 = vector.shape_cast %get3A_2160 : vector<16xf32> to vector<16xf32>
    %mul3A_2162 = arith.mulf %gather3A_2153, %get3A_2161 : vector<16xf32>
    %add3A_2163 = arith.addf %add3A_2138, %mul3A_2162 : vector<16xf32>
    %get3A_2164 = arith.constant 5408 : index
    %get3A_2165 = tpu.vector_load %arg9[%get3A_2164] {strides = array<i32>} : memref<8192xf32, #tpu.memory_space<vmem>>, vector<16xf32>,
    %get3A_2166 = vector.shape_cast %get3A_2165 : vector<16xf32> to vector<16xf32>
    %mul3A_2167 = arith.mulf %gather3A_2153, %get3A_2166 : vector<16xf32>
    %add3A_2168 = arith.addf %add3A_2143, %mul3A_2167 : vector<16xf32>
    %get3A_2169 = arith.constant 5424 : index
    %get3A_2170 = tpu.vector_load %arg9[%get3A_2169] {strides = array<i32>} : memref<8192xf32, #tpu.memory_space<vmem>>, vector<16xf32>,
    %get3A_2171 = vector.shape_cast %get3A_2170 : vector<16xf32> to vector<16xf32>
    %mul3A_2172 = arith.mulf %gather3A_2153, %get3A_2171 : vector<16xf32>
    %add3A_2173 = arith.addf %add3A_2148, %mul3A_2172 : vector<16xf32>
    %broadcast_in_dim3A_2174 = arith.constant 5 : i32
    %broadcast_in_dim3A_2175 = vector.broadcast %broadcast_in_dim3A_2174 : i32 to vector<16xi32>
    %broadcast_in_dim3A_2176 = vector.shape_cast %broadcast_in_dim3A_2175 : vector<16xi32> to vector<16x1xi32>
    %gather3A_2177 = vector.shape_cast %broadcast_in_dim3A_2176 : vector<16x1xi32> to vector<16xi32>
    %gather3A_2178 = tpu.dynamic_gather %max3A_2048[%gather3A_2177] in [0] : vector<16xf32>, vector<16xi32> -> vector<16xf32>
    %get3A_2179 = arith.constant 5440 : index
    %get3A_2180 = tpu.vector_load %arg9[%get3A_2179] {strides = array<i32>} : memref<8192xf32, #tpu.memory_space<vmem>>, vector<16xf32>,
    %get3A_2181 = vector.shape_cast %get3A_2180 : vector<16xf32> to vector<16xf32>
    %mul3A_2182 = arith.mulf %gather3A_2178, %get3A_2181 : vector<16xf32>
    %add3A_2183 = arith.addf %add3A_2158, %mul3A_2182 : vector<16xf32>
    %get3A_2184 = arith.constant 5456 : index
    %get3A_2185 = tpu.vector_load %arg9[%get3A_2184] {strides = array<i32>} : memref<8192xf32, #tpu.memory_space<vmem>>, vector<16xf32>,
    %get3A_2186 = vector.shape_cast %get3A_2185 : vector<16xf32> to vector<16xf32>
    %mul3A_2187 = arith.mulf %gather3A_2178, %get3A_2186 : vector<16xf32>
    %add3A_2188 = arith.addf %add3A_2163, %mul3A_2187 : vector<16xf32>
    %get3A_2189 = arith.constant 5472 : index
    %get3A_2190 = tpu.vector_load %arg9[%get3A_2189] {strides = array<i32>} : memref<8192xf32, #tpu.memory_space<vmem>>, vector<16xf32>,
    %get3A_2191 = vector.shape_cast %get3A_2190 : vector<16xf32> to vector<16xf32>
    %mul3A_2192 = arith.mulf %gather3A_2178, %get3A_2191 : vector<16xf32>
    %add3A_2193 = arith.addf %add3A_2168, %mul3A_2192 : vector<16xf32>
    %get3A_2194 = arith.constant 5488 : index
    %get3A_2195 = tpu.vector_load %arg9[%get3A_2194] {strides = array<i32>} : memref<8192xf32, #tpu.memory_space<vmem>>, vector<16xf32>,
    %get3A_2196 = vector.shape_cast %get3A_2195 : vector<16xf32> to vector<16xf32>
    %mul3A_2197 = arith.mulf %gather3A_2178, %get3A_2196 : vector<16xf32>
    %add3A_2198 = arith.addf %add3A_2173, %mul3A_2197 : vector<16xf32>
    %broadcast_in_dim3A_2199 = arith.constant 6 : i32
    %broadcast_in_dim3A_2200 = vector.broadcast %broadcast_in_dim3A_2199 : i32 to vector<16xi32>
    %broadcast_in_dim3A_2201 = vector.shape_cast %broadcast_in_dim3A_2200 : vector<16xi32> to vector<16x1xi32>
    %gather3A_2202 = vector.shape_cast %broadcast_in_dim3A_2201 : vector<16x1xi32> to vector<16xi32>
    %gather3A_2203 = tpu.dynamic_gather %max3A_2048[%gather3A_2202] in [0] : vector<16xf32>, vector<16xi32> -> vector<16xf32>
    %get3A_2204 = arith.constant 5504 : index
    %get3A_2205 = tpu.vector_load %arg9[%get3A_2204] {strides = array<i32>} : memref<8192xf32, #tpu.memory_space<vmem>>, vector<16xf32>,
    %get3A_2206 = vector.shape_cast %get3A_2205 : vector<16xf32> to vector<16xf32>
    %mul3A_2207 = arith.mulf %gather3A_2203, %get3A_2206 : vector<16xf32>
    %add3A_2208 = arith.addf %add3A_2183, %mul3A_2207 : vector<16xf32>
    %get3A_2209 = arith.constant 5520 : index
    %get3A_2210 = tpu.vector_load %arg9[%get3A_2209] {strides = array<i32>} : memref<8192xf32, #tpu.memory_space<vmem>>, vector<16xf32>,
    %get3A_2211 = vector.shape_cast %get3A_2210 : vector<16xf32> to vector<16xf32>
    %mul3A_2212 = arith.mulf %gather3A_2203, %get3A_2211 : vector<16xf32>
    %add3A_2213 = arith.addf %add3A_2188, %mul3A_2212 : vector<16xf32>
    %get3A_2214 = arith.constant 5536 : index
    %get3A_2215 = tpu.vector_load %arg9[%get3A_2214] {strides = array<i32>} : memref<8192xf32, #tpu.memory_space<vmem>>, vector<16xf32>,
    %get3A_2216 = vector.shape_cast %get3A_2215 : vector<16xf32> to vector<16xf32>
    %mul3A_2217 = arith.mulf %gather3A_2203, %get3A_2216 : vector<16xf32>
    %add3A_2218 = arith.addf %add3A_2193, %mul3A_2217 : vector<16xf32>
    %get3A_2219 = arith.constant 5552 : index
    %get3A_2220 = tpu.vector_load %arg9[%get3A_2219] {strides = array<i32>} : memref<8192xf32, #tpu.memory_space<vmem>>, vector<16xf32>,
    %get3A_2221 = vector.shape_cast %get3A_2220 : vector<16xf32> to vector<16xf32>
    %mul3A_2222 = arith.mulf %gather3A_2203, %get3A_2221 : vector<16xf32>
    %add3A_2223 = arith.addf %add3A_2198, %mul3A_2222 : vector<16xf32>
    %broadcast_in_dim3A_2224 = arith.constant 7 : i32
    %broadcast_in_dim3A_2225 = vector.broadcast %broadcast_in_dim3A_2224 : i32 to vector<16xi32>
    %broadcast_in_dim3A_2226 = vector.shape_cast %broadcast_in_dim3A_2225 : vector<16xi32> to vector<16x1xi32>
    %gather3A_2227 = vector.shape_cast %broadcast_in_dim3A_2226 : vector<16x1xi32> to vector<16xi32>
    %gather3A_2228 = tpu.dynamic_gather %max3A_2048[%gather3A_2227] in [0] : vector<16xf32>, vector<16xi32> -> vector<16xf32>
    %get3A_2229 = arith.constant 5568 : index
    %get3A_2230 = tpu.vector_load %arg9[%get3A_2229] {strides = array<i32>} : memref<8192xf32, #tpu.memory_space<vmem>>, vector<16xf32>,
    %get3A_2231 = vector.shape_cast %get3A_2230 : vector<16xf32> to vector<16xf32>
    %mul3A_2232 = arith.mulf %gather3A_2228, %get3A_2231 : vector<16xf32>
    %add3A_2233 = arith.addf %add3A_2208, %mul3A_2232 : vector<16xf32>
    %get3A_2234 = arith.constant 5584 : index
    %get3A_2235 = tpu.vector_load %arg9[%get3A_2234] {strides = array<i32>} : memref<8192xf32, #tpu.memory_space<vmem>>, vector<16xf32>,
    %get3A_2236 = vector.shape_cast %get3A_2235 : vector<16xf32> to vector<16xf32>
    %mul3A_2237 = arith.mulf %gather3A_2228, %get3A_2236 : vector<16xf32>
    %add3A_2238 = arith.addf %add3A_2213, %mul3A_2237 : vector<16xf32>
    %get3A_2239 = arith.constant 5600 : index
    %get3A_2240 = tpu.vector_load %arg9[%get3A_2239] {strides = array<i32>} : memref<8192xf32, #tpu.memory_space<vmem>>, vector<16xf32>,
    %get3A_2241 = vector.shape_cast %get3A_2240 : vector<16xf32> to vector<16xf32>
    %mul3A_2242 = arith.mulf %gather3A_2228, %get3A_2241 : vector<16xf32>
    %add3A_2243 = arith.addf %add3A_2218, %mul3A_2242 : vector<16xf32>
    %get3A_2244 = arith.constant 5616 : index
    %get3A_2245 = tpu.vector_load %arg9[%get3A_2244] {strides = array<i32>} : memref<8192xf32, #tpu.memory_space<vmem>>, vector<16xf32>,
    %get3A_2246 = vector.shape_cast %get3A_2245 : vector<16xf32> to vector<16xf32>
    %mul3A_2247 = arith.mulf %gather3A_2228, %get3A_2246 : vector<16xf32>
    %add3A_2248 = arith.addf %add3A_2223, %mul3A_2247 : vector<16xf32>
    %broadcast_in_dim3A_2249 = arith.constant 8 : i32
    %broadcast_in_dim3A_2250 = vector.broadcast %broadcast_in_dim3A_2249 : i32 to vector<16xi32>
    %broadcast_in_dim3A_2251 = vector.shape_cast %broadcast_in_dim3A_2250 : vector<16xi32> to vector<16x1xi32>
    %gather3A_2252 = vector.shape_cast %broadcast_in_dim3A_2251 : vector<16x1xi32> to vector<16xi32>
    %gather3A_2253 = tpu.dynamic_gather %max3A_2048[%gather3A_2252] in [0] : vector<16xf32>, vector<16xi32> -> vector<16xf32>
    %get3A_2254 = arith.constant 5632 : index
    %get3A_2255 = tpu.vector_load %arg9[%get3A_2254] {strides = array<i32>} : memref<8192xf32, #tpu.memory_space<vmem>>, vector<16xf32>,
    %get3A_2256 = vector.shape_cast %get3A_2255 : vector<16xf32> to vector<16xf32>
    %mul3A_2257 = arith.mulf %gather3A_2253, %get3A_2256 : vector<16xf32>
    %add3A_2258 = arith.addf %add3A_2233, %mul3A_2257 : vector<16xf32>
    %get3A_2259 = arith.constant 5648 : index
    %get3A_2260 = tpu.vector_load %arg9[%get3A_2259] {strides = array<i32>} : memref<8192xf32, #tpu.memory_space<vmem>>, vector<16xf32>,
    %get3A_2261 = vector.shape_cast %get3A_2260 : vector<16xf32> to vector<16xf32>
    %mul3A_2262 = arith.mulf %gather3A_2253, %get3A_2261 : vector<16xf32>
    %add3A_2263 = arith.addf %add3A_2238, %mul3A_2262 : vector<16xf32>
    %get3A_2264 = arith.constant 5664 : index
    %get3A_2265 = tpu.vector_load %arg9[%get3A_2264] {strides = array<i32>} : memref<8192xf32, #tpu.memory_space<vmem>>, vector<16xf32>,
    %get3A_2266 = vector.shape_cast %get3A_2265 : vector<16xf32> to vector<16xf32>
    %mul3A_2267 = arith.mulf %gather3A_2253, %get3A_2266 : vector<16xf32>
    %add3A_2268 = arith.addf %add3A_2243, %mul3A_2267 : vector<16xf32>
    %get3A_2269 = arith.constant 5680 : index
    %get3A_2270 = tpu.vector_load %arg9[%get3A_2269] {strides = array<i32>} : memref<8192xf32, #tpu.memory_space<vmem>>, vector<16xf32>,
    %get3A_2271 = vector.shape_cast %get3A_2270 : vector<16xf32> to vector<16xf32>
    %mul3A_2272 = arith.mulf %gather3A_2253, %get3A_2271 : vector<16xf32>
    %add3A_2273 = arith.addf %add3A_2248, %mul3A_2272 : vector<16xf32>
    %broadcast_in_dim3A_2274 = arith.constant 9 : i32
    %broadcast_in_dim3A_2275 = vector.broadcast %broadcast_in_dim3A_2274 : i32 to vector<16xi32>
    %broadcast_in_dim3A_2276 = vector.shape_cast %broadcast_in_dim3A_2275 : vector<16xi32> to vector<16x1xi32>
    %gather3A_2277 = vector.shape_cast %broadcast_in_dim3A_2276 : vector<16x1xi32> to vector<16xi32>
    %gather3A_2278 = tpu.dynamic_gather %max3A_2048[%gather3A_2277] in [0] : vector<16xf32>, vector<16xi32> -> vector<16xf32>
    %get3A_2279 = arith.constant 5696 : index
    %get3A_2280 = tpu.vector_load %arg9[%get3A_2279] {strides = array<i32>} : memref<8192xf32, #tpu.memory_space<vmem>>, vector<16xf32>,
    %get3A_2281 = vector.shape_cast %get3A_2280 : vector<16xf32> to vector<16xf32>
    %mul3A_2282 = arith.mulf %gather3A_2278, %get3A_2281 : vector<16xf32>
    %add3A_2283 = arith.addf %add3A_2258, %mul3A_2282 : vector<16xf32>
    %get3A_2284 = arith.constant 5712 : index
    %get3A_2285 = tpu.vector_load %arg9[%get3A_2284] {strides = array<i32>} : memref<8192xf32, #tpu.memory_space<vmem>>, vector<16xf32>,
    %get3A_2286 = vector.shape_cast %get3A_2285 : vector<16xf32> to vector<16xf32>
    %mul3A_2287 = arith.mulf %gather3A_2278, %get3A_2286 : vector<16xf32>
    %add3A_2288 = arith.addf %add3A_2263, %mul3A_2287 : vector<16xf32>
    %get3A_2289 = arith.constant 5728 : index
    %get3A_2290 = tpu.vector_load %arg9[%get3A_2289] {strides = array<i32>} : memref<8192xf32, #tpu.memory_space<vmem>>, vector<16xf32>,
    %get3A_2291 = vector.shape_cast %get3A_2290 : vector<16xf32> to vector<16xf32>
    %mul3A_2292 = arith.mulf %gather3A_2278, %get3A_2291 : vector<16xf32>
    %add3A_2293 = arith.addf %add3A_2268, %mul3A_2292 : vector<16xf32>
    %get3A_2294 = arith.constant 5744 : index
    %get3A_2295 = tpu.vector_load %arg9[%get3A_2294] {strides = array<i32>} : memref<8192xf32, #tpu.memory_space<vmem>>, vector<16xf32>,
    %get3A_2296 = vector.shape_cast %get3A_2295 : vector<16xf32> to vector<16xf32>
    %mul3A_2297 = arith.mulf %gather3A_2278, %get3A_2296 : vector<16xf32>
    %add3A_2298 = arith.addf %add3A_2273, %mul3A_2297 : vector<16xf32>
    %broadcast_in_dim3A_2299 = arith.constant 10 : i32
    %broadcast_in_dim3A_2300 = vector.broadcast %broadcast_in_dim3A_2299 : i32 to vector<16xi32>
    %broadcast_in_dim3A_2301 = vector.shape_cast %broadcast_in_dim3A_2300 : vector<16xi32> to vector<16x1xi32>
    %gather3A_2302 = vector.shape_cast %broadcast_in_dim3A_2301 : vector<16x1xi32> to vector<16xi32>
    %gather3A_2303 = tpu.dynamic_gather %max3A_2048[%gather3A_2302] in [0] : vector<16xf32>, vector<16xi32> -> vector<16xf32>
    %get3A_2304 = arith.constant 5760 : index
    %get3A_2305 = tpu.vector_load %arg9[%get3A_2304] {strides = array<i32>} : memref<8192xf32, #tpu.memory_space<vmem>>, vector<16xf32>,
    %get3A_2306 = vector.shape_cast %get3A_2305 : vector<16xf32> to vector<16xf32>
    %mul3A_2307 = arith.mulf %gather3A_2303, %get3A_2306 : vector<16xf32>
    %add3A_2308 = arith.addf %add3A_2283, %mul3A_2307 : vector<16xf32>
    %get3A_2309 = arith.constant 5776 : index
    %get3A_2310 = tpu.vector_load %arg9[%get3A_2309] {strides = array<i32>} : memref<8192xf32, #tpu.memory_space<vmem>>, vector<16xf32>,
    %get3A_2311 = vector.shape_cast %get3A_2310 : vector<16xf32> to vector<16xf32>
    %mul3A_2312 = arith.mulf %gather3A_2303, %get3A_2311 : vector<16xf32>
    %add3A_2313 = arith.addf %add3A_2288, %mul3A_2312 : vector<16xf32>
    %get3A_2314 = arith.constant 5792 : index
    %get3A_2315 = tpu.vector_load %arg9[%get3A_2314] {strides = array<i32>} : memref<8192xf32, #tpu.memory_space<vmem>>, vector<16xf32>,
    %get3A_2316 = vector.shape_cast %get3A_2315 : vector<16xf32> to vector<16xf32>
    %mul3A_2317 = arith.mulf %gather3A_2303, %get3A_2316 : vector<16xf32>
    %add3A_2318 = arith.addf %add3A_2293, %mul3A_2317 : vector<16xf32>
    %get3A_2319 = arith.constant 5808 : index
    %get3A_2320 = tpu.vector_load %arg9[%get3A_2319] {strides = array<i32>} : memref<8192xf32, #tpu.memory_space<vmem>>, vector<16xf32>,
    %get3A_2321 = vector.shape_cast %get3A_2320 : vector<16xf32> to vector<16xf32>
    %mul3A_2322 = arith.mulf %gather3A_2303, %get3A_2321 : vector<16xf32>
    %add3A_2323 = arith.addf %add3A_2298, %mul3A_2322 : vector<16xf32>
    %broadcast_in_dim3A_2324 = arith.constant 11 : i32
    %broadcast_in_dim3A_2325 = vector.broadcast %broadcast_in_dim3A_2324 : i32 to vector<16xi32>
    %broadcast_in_dim3A_2326 = vector.shape_cast %broadcast_in_dim3A_2325 : vector<16xi32> to vector<16x1xi32>
    %gather3A_2327 = vector.shape_cast %broadcast_in_dim3A_2326 : vector<16x1xi32> to vector<16xi32>
    %gather3A_2328 = tpu.dynamic_gather %max3A_2048[%gather3A_2327] in [0] : vector<16xf32>, vector<16xi32> -> vector<16xf32>
    %get3A_2329 = arith.constant 5824 : index
    %get3A_2330 = tpu.vector_load %arg9[%get3A_2329] {strides = array<i32>} : memref<8192xf32, #tpu.memory_space<vmem>>, vector<16xf32>,
    %get3A_2331 = vector.shape_cast %get3A_2330 : vector<16xf32> to vector<16xf32>
    %mul3A_2332 = arith.mulf %gather3A_2328, %get3A_2331 : vector<16xf32>
    %add3A_2333 = arith.addf %add3A_2308, %mul3A_2332 : vector<16xf32>
    %get3A_2334 = arith.constant 5840 : index
    %get3A_2335 = tpu.vector_load %arg9[%get3A_2334] {strides = array<i32>} : memref<8192xf32, #tpu.memory_space<vmem>>, vector<16xf32>,
    %get3A_2336 = vector.shape_cast %get3A_2335 : vector<16xf32> to vector<16xf32>
    %mul3A_2337 = arith.mulf %gather3A_2328, %get3A_2336 : vector<16xf32>
    %add3A_2338 = arith.addf %add3A_2313, %mul3A_2337 : vector<16xf32>
    %get3A_2339 = arith.constant 5856 : index
    %get3A_2340 = tpu.vector_load %arg9[%get3A_2339] {strides = array<i32>} : memref<8192xf32, #tpu.memory_space<vmem>>, vector<16xf32>,
    %get3A_2341 = vector.shape_cast %get3A_2340 : vector<16xf32> to vector<16xf32>
    %mul3A_2342 = arith.mulf %gather3A_2328, %get3A_2341 : vector<16xf32>
    %add3A_2343 = arith.addf %add3A_2318, %mul3A_2342 : vector<16xf32>
    %get3A_2344 = arith.constant 5872 : index
    %get3A_2345 = tpu.vector_load %arg9[%get3A_2344] {strides = array<i32>} : memref<8192xf32, #tpu.memory_space<vmem>>, vector<16xf32>,
    %get3A_2346 = vector.shape_cast %get3A_2345 : vector<16xf32> to vector<16xf32>
    %mul3A_2347 = arith.mulf %gather3A_2328, %get3A_2346 : vector<16xf32>
    %add3A_2348 = arith.addf %add3A_2323, %mul3A_2347 : vector<16xf32>
    %broadcast_in_dim3A_2349 = arith.constant 12 : i32
    %broadcast_in_dim3A_2350 = vector.broadcast %broadcast_in_dim3A_2349 : i32 to vector<16xi32>
    %broadcast_in_dim3A_2351 = vector.shape_cast %broadcast_in_dim3A_2350 : vector<16xi32> to vector<16x1xi32>
    %gather3A_2352 = vector.shape_cast %broadcast_in_dim3A_2351 : vector<16x1xi32> to vector<16xi32>
    %gather3A_2353 = tpu.dynamic_gather %max3A_2048[%gather3A_2352] in [0] : vector<16xf32>, vector<16xi32> -> vector<16xf32>
    %get3A_2354 = arith.constant 5888 : index
    %get3A_2355 = tpu.vector_load %arg9[%get3A_2354] {strides = array<i32>} : memref<8192xf32, #tpu.memory_space<vmem>>, vector<16xf32>,
    %get3A_2356 = vector.shape_cast %get3A_2355 : vector<16xf32> to vector<16xf32>
    %mul3A_2357 = arith.mulf %gather3A_2353, %get3A_2356 : vector<16xf32>
    %add3A_2358 = arith.addf %add3A_2333, %mul3A_2357 : vector<16xf32>
    %get3A_2359 = arith.constant 5904 : index
    %get3A_2360 = tpu.vector_load %arg9[%get3A_2359] {strides = array<i32>} : memref<8192xf32, #tpu.memory_space<vmem>>, vector<16xf32>,
    %get3A_2361 = vector.shape_cast %get3A_2360 : vector<16xf32> to vector<16xf32>
    %mul3A_2362 = arith.mulf %gather3A_2353, %get3A_2361 : vector<16xf32>
    %add3A_2363 = arith.addf %add3A_2338, %mul3A_2362 : vector<16xf32>
    %get3A_2364 = arith.constant 5920 : index
    %get3A_2365 = tpu.vector_load %arg9[%get3A_2364] {strides = array<i32>} : memref<8192xf32, #tpu.memory_space<vmem>>, vector<16xf32>,
    %get3A_2366 = vector.shape_cast %get3A_2365 : vector<16xf32> to vector<16xf32>
    %mul3A_2367 = arith.mulf %gather3A_2353, %get3A_2366 : vector<16xf32>
    %add3A_2368 = arith.addf %add3A_2343, %mul3A_2367 : vector<16xf32>
    %get3A_2369 = arith.constant 5936 : index
    %get3A_2370 = tpu.vector_load %arg9[%get3A_2369] {strides = array<i32>} : memref<8192xf32, #tpu.memory_space<vmem>>, vector<16xf32>,
    %get3A_2371 = vector.shape_cast %get3A_2370 : vector<16xf32> to vector<16xf32>
    %mul3A_2372 = arith.mulf %gather3A_2353, %get3A_2371 : vector<16xf32>
    %add3A_2373 = arith.addf %add3A_2348, %mul3A_2372 : vector<16xf32>
    %broadcast_in_dim3A_2374 = arith.constant 13 : i32
    %broadcast_in_dim3A_2375 = vector.broadcast %broadcast_in_dim3A_2374 : i32 to vector<16xi32>
    %broadcast_in_dim3A_2376 = vector.shape_cast %broadcast_in_dim3A_2375 : vector<16xi32> to vector<16x1xi32>
    %gather3A_2377 = vector.shape_cast %broadcast_in_dim3A_2376 : vector<16x1xi32> to vector<16xi32>
    %gather3A_2378 = tpu.dynamic_gather %max3A_2048[%gather3A_2377] in [0] : vector<16xf32>, vector<16xi32> -> vector<16xf32>
    %get3A_2379 = arith.constant 5952 : index
    %get3A_2380 = tpu.vector_load %arg9[%get3A_2379] {strides = array<i32>} : memref<8192xf32, #tpu.memory_space<vmem>>, vector<16xf32>,
    %get3A_2381 = vector.shape_cast %get3A_2380 : vector<16xf32> to vector<16xf32>
    %mul3A_2382 = arith.mulf %gather3A_2378, %get3A_2381 : vector<16xf32>
    %add3A_2383 = arith.addf %add3A_2358, %mul3A_2382 : vector<16xf32>
    %get3A_2384 = arith.constant 5968 : index
    %get3A_2385 = tpu.vector_load %arg9[%get3A_2384] {strides = array<i32>} : memref<8192xf32, #tpu.memory_space<vmem>>, vector<16xf32>,
    %get3A_2386 = vector.shape_cast %get3A_2385 : vector<16xf32> to vector<16xf32>
    %mul3A_2387 = arith.mulf %gather3A_2378, %get3A_2386 : vector<16xf32>
    %add3A_2388 = arith.addf %add3A_2363, %mul3A_2387 : vector<16xf32>
    %get3A_2389 = arith.constant 5984 : index
    %get3A_2390 = tpu.vector_load %arg9[%get3A_2389] {strides = array<i32>} : memref<8192xf32, #tpu.memory_space<vmem>>, vector<16xf32>,
    %get3A_2391 = vector.shape_cast %get3A_2390 : vector<16xf32> to vector<16xf32>
    %mul3A_2392 = arith.mulf %gather3A_2378, %get3A_2391 : vector<16xf32>
    %add3A_2393 = arith.addf %add3A_2368, %mul3A_2392 : vector<16xf32>
    %get3A_2394 = arith.constant 6000 : index
    %get3A_2395 = tpu.vector_load %arg9[%get3A_2394] {strides = array<i32>} : memref<8192xf32, #tpu.memory_space<vmem>>, vector<16xf32>,
    %get3A_2396 = vector.shape_cast %get3A_2395 : vector<16xf32> to vector<16xf32>
    %mul3A_2397 = arith.mulf %gather3A_2378, %get3A_2396 : vector<16xf32>
    %add3A_2398 = arith.addf %add3A_2373, %mul3A_2397 : vector<16xf32>
    %broadcast_in_dim3A_2399 = arith.constant 14 : i32
    %broadcast_in_dim3A_2400 = vector.broadcast %broadcast_in_dim3A_2399 : i32 to vector<16xi32>
    %broadcast_in_dim3A_2401 = vector.shape_cast %broadcast_in_dim3A_2400 : vector<16xi32> to vector<16x1xi32>
    %gather3A_2402 = vector.shape_cast %broadcast_in_dim3A_2401 : vector<16x1xi32> to vector<16xi32>
    %gather3A_2403 = tpu.dynamic_gather %max3A_2048[%gather3A_2402] in [0] : vector<16xf32>, vector<16xi32> -> vector<16xf32>
    %get3A_2404 = arith.constant 6016 : index
    %get3A_2405 = tpu.vector_load %arg9[%get3A_2404] {strides = array<i32>} : memref<8192xf32, #tpu.memory_space<vmem>>, vector<16xf32>,
    %get3A_2406 = vector.shape_cast %get3A_2405 : vector<16xf32> to vector<16xf32>
    %mul3A_2407 = arith.mulf %gather3A_2403, %get3A_2406 : vector<16xf32>
    %add3A_2408 = arith.addf %add3A_2383, %mul3A_2407 : vector<16xf32>
    %get3A_2409 = arith.constant 6032 : index
    %get3A_2410 = tpu.vector_load %arg9[%get3A_2409] {strides = array<i32>} : memref<8192xf32, #tpu.memory_space<vmem>>, vector<16xf32>,
    %get3A_2411 = vector.shape_cast %get3A_2410 : vector<16xf32> to vector<16xf32>
    %mul3A_2412 = arith.mulf %gather3A_2403, %get3A_2411 : vector<16xf32>
    %add3A_2413 = arith.addf %add3A_2388, %mul3A_2412 : vector<16xf32>
    %get3A_2414 = arith.constant 6048 : index
    %get3A_2415 = tpu.vector_load %arg9[%get3A_2414] {strides = array<i32>} : memref<8192xf32, #tpu.memory_space<vmem>>, vector<16xf32>,
    %get3A_2416 = vector.shape_cast %get3A_2415 : vector<16xf32> to vector<16xf32>
    %mul3A_2417 = arith.mulf %gather3A_2403, %get3A_2416 : vector<16xf32>
    %add3A_2418 = arith.addf %add3A_2393, %mul3A_2417 : vector<16xf32>
    %get3A_2419 = arith.constant 6064 : index
    %get3A_2420 = tpu.vector_load %arg9[%get3A_2419] {strides = array<i32>} : memref<8192xf32, #tpu.memory_space<vmem>>, vector<16xf32>,
    %get3A_2421 = vector.shape_cast %get3A_2420 : vector<16xf32> to vector<16xf32>
    %mul3A_2422 = arith.mulf %gather3A_2403, %get3A_2421 : vector<16xf32>
    %add3A_2423 = arith.addf %add3A_2398, %mul3A_2422 : vector<16xf32>
    %broadcast_in_dim3A_2424 = arith.constant 15 : i32
    %broadcast_in_dim3A_2425 = vector.broadcast %broadcast_in_dim3A_2424 : i32 to vector<16xi32>
    %broadcast_in_dim3A_2426 = vector.shape_cast %broadcast_in_dim3A_2425 : vector<16xi32> to vector<16x1xi32>
    %gather3A_2427 = vector.shape_cast %broadcast_in_dim3A_2426 : vector<16x1xi32> to vector<16xi32>
    %gather3A_2428 = tpu.dynamic_gather %max3A_2048[%gather3A_2427] in [0] : vector<16xf32>, vector<16xi32> -> vector<16xf32>
    %get3A_2429 = arith.constant 6080 : index
    %get3A_2430 = tpu.vector_load %arg9[%get3A_2429] {strides = array<i32>} : memref<8192xf32, #tpu.memory_space<vmem>>, vector<16xf32>,
    %get3A_2431 = vector.shape_cast %get3A_2430 : vector<16xf32> to vector<16xf32>
    %mul3A_2432 = arith.mulf %gather3A_2428, %get3A_2431 : vector<16xf32>
    %add3A_2433 = arith.addf %add3A_2408, %mul3A_2432 : vector<16xf32>
    %get3A_2434 = arith.constant 6096 : index
    %get3A_2435 = tpu.vector_load %arg9[%get3A_2434] {strides = array<i32>} : memref<8192xf32, #tpu.memory_space<vmem>>, vector<16xf32>,
    %get3A_2436 = vector.shape_cast %get3A_2435 : vector<16xf32> to vector<16xf32>
    %mul3A_2437 = arith.mulf %gather3A_2428, %get3A_2436 : vector<16xf32>
    %add3A_2438 = arith.addf %add3A_2413, %mul3A_2437 : vector<16xf32>
    %get3A_2439 = arith.constant 6112 : index
    %get3A_2440 = tpu.vector_load %arg9[%get3A_2439] {strides = array<i32>} : memref<8192xf32, #tpu.memory_space<vmem>>, vector<16xf32>,
    %get3A_2441 = vector.shape_cast %get3A_2440 : vector<16xf32> to vector<16xf32>
    %mul3A_2442 = arith.mulf %gather3A_2428, %get3A_2441 : vector<16xf32>
    %add3A_2443 = arith.addf %add3A_2418, %mul3A_2442 : vector<16xf32>
    %get3A_2444 = arith.constant 6128 : index
    %get3A_2445 = tpu.vector_load %arg9[%get3A_2444] {strides = array<i32>} : memref<8192xf32, #tpu.memory_space<vmem>>, vector<16xf32>,
    %get3A_2446 = vector.shape_cast %get3A_2445 : vector<16xf32> to vector<16xf32>
    %mul3A_2447 = arith.mulf %gather3A_2428, %get3A_2446 : vector<16xf32>
    %add3A_2448 = arith.addf %add3A_2423, %mul3A_2447 : vector<16xf32>
    %get3A_2449 = arith.constant 96 : index
    %get3A_2450 = tpu.vector_load %arg8[%get3A_2449] {strides = array<i32>} : memref<128xf32, #tpu.memory_space<vmem>>, vector<16xf32>,
    %get3A_2451 = vector.shape_cast %get3A_2450 : vector<16xf32> to vector<16xf32>
    %max3A_2452 = arith.constant 0.000000e+00 : f32
    %max3A_2453 = vector.broadcast %max3A_2452 : f32 to vector<16xf32>
    %max3A_2454 = arith.maximumf %get3A_2451, %max3A_2453 : vector<16xf32>
    %broadcast_in_dim3A_2455 = arith.constant 0 : i32
    %broadcast_in_dim3A_2456 = vector.broadcast %broadcast_in_dim3A_2455 : i32 to vector<16xi32>
    %broadcast_in_dim3A_2457 = vector.shape_cast %broadcast_in_dim3A_2456 : vector<16xi32> to vector<16x1xi32>
    %gather3A_2458 = vector.shape_cast %broadcast_in_dim3A_2457 : vector<16x1xi32> to vector<16xi32>
    %gather3A_2459 = tpu.dynamic_gather %max3A_2454[%gather3A_2458] in [0] : vector<16xf32>, vector<16xi32> -> vector<16xf32>
    %get3A_2460 = arith.constant 6144 : index
    %get3A_2461 = tpu.vector_load %arg9[%get3A_2460] {strides = array<i32>} : memref<8192xf32, #tpu.memory_space<vmem>>, vector<16xf32>,
    %get3A_2462 = vector.shape_cast %get3A_2461 : vector<16xf32> to vector<16xf32>
    %mul3A_2463 = arith.mulf %gather3A_2459, %get3A_2462 : vector<16xf32>
    %add3A_2464 = arith.addf %add3A_2433, %mul3A_2463 : vector<16xf32>
    %get3A_2465 = arith.constant 6160 : index
    %get3A_2466 = tpu.vector_load %arg9[%get3A_2465] {strides = array<i32>} : memref<8192xf32, #tpu.memory_space<vmem>>, vector<16xf32>,
    %get3A_2467 = vector.shape_cast %get3A_2466 : vector<16xf32> to vector<16xf32>
    %mul3A_2468 = arith.mulf %gather3A_2459, %get3A_2467 : vector<16xf32>
    %add3A_2469 = arith.addf %add3A_2438, %mul3A_2468 : vector<16xf32>
    %get3A_2470 = arith.constant 6176 : index
    %get3A_2471 = tpu.vector_load %arg9[%get3A_2470] {strides = array<i32>} : memref<8192xf32, #tpu.memory_space<vmem>>, vector<16xf32>,
    %get3A_2472 = vector.shape_cast %get3A_2471 : vector<16xf32> to vector<16xf32>
    %mul3A_2473 = arith.mulf %gather3A_2459, %get3A_2472 : vector<16xf32>
    %add3A_2474 = arith.addf %add3A_2443, %mul3A_2473 : vector<16xf32>
    %get3A_2475 = arith.constant 6192 : index
    %get3A_2476 = tpu.vector_load %arg9[%get3A_2475] {strides = array<i32>} : memref<8192xf32, #tpu.memory_space<vmem>>, vector<16xf32>,
    %get3A_2477 = vector.shape_cast %get3A_2476 : vector<16xf32> to vector<16xf32>
    %mul3A_2478 = arith.mulf %gather3A_2459, %get3A_2477 : vector<16xf32>
    %add3A_2479 = arith.addf %add3A_2448, %mul3A_2478 : vector<16xf32>
    %broadcast_in_dim3A_2480 = arith.constant 1 : i32
    %broadcast_in_dim3A_2481 = vector.broadcast %broadcast_in_dim3A_2480 : i32 to vector<16xi32>
    %broadcast_in_dim3A_2482 = vector.shape_cast %broadcast_in_dim3A_2481 : vector<16xi32> to vector<16x1xi32>
    %gather3A_2483 = vector.shape_cast %broadcast_in_dim3A_2482 : vector<16x1xi32> to vector<16xi32>
    %gather3A_2484 = tpu.dynamic_gather %max3A_2454[%gather3A_2483] in [0] : vector<16xf32>, vector<16xi32> -> vector<16xf32>
    %get3A_2485 = arith.constant 6208 : index
    %get3A_2486 = tpu.vector_load %arg9[%get3A_2485] {strides = array<i32>} : memref<8192xf32, #tpu.memory_space<vmem>>, vector<16xf32>,
    %get3A_2487 = vector.shape_cast %get3A_2486 : vector<16xf32> to vector<16xf32>
    %mul3A_2488 = arith.mulf %gather3A_2484, %get3A_2487 : vector<16xf32>
    %add3A_2489 = arith.addf %add3A_2464, %mul3A_2488 : vector<16xf32>
    %get3A_2490 = arith.constant 6224 : index
    %get3A_2491 = tpu.vector_load %arg9[%get3A_2490] {strides = array<i32>} : memref<8192xf32, #tpu.memory_space<vmem>>, vector<16xf32>,
    %get3A_2492 = vector.shape_cast %get3A_2491 : vector<16xf32> to vector<16xf32>
    %mul3A_2493 = arith.mulf %gather3A_2484, %get3A_2492 : vector<16xf32>
    %add3A_2494 = arith.addf %add3A_2469, %mul3A_2493 : vector<16xf32>
    %get3A_2495 = arith.constant 6240 : index
    %get3A_2496 = tpu.vector_load %arg9[%get3A_2495] {strides = array<i32>} : memref<8192xf32, #tpu.memory_space<vmem>>, vector<16xf32>,
    %get3A_2497 = vector.shape_cast %get3A_2496 : vector<16xf32> to vector<16xf32>
    %mul3A_2498 = arith.mulf %gather3A_2484, %get3A_2497 : vector<16xf32>
    %add3A_2499 = arith.addf %add3A_2474, %mul3A_2498 : vector<16xf32>
    %get3A_2500 = arith.constant 6256 : index
    %get3A_2501 = tpu.vector_load %arg9[%get3A_2500] {strides = array<i32>} : memref<8192xf32, #tpu.memory_space<vmem>>, vector<16xf32>,
    %get3A_2502 = vector.shape_cast %get3A_2501 : vector<16xf32> to vector<16xf32>
    %mul3A_2503 = arith.mulf %gather3A_2484, %get3A_2502 : vector<16xf32>
    %add3A_2504 = arith.addf %add3A_2479, %mul3A_2503 : vector<16xf32>
    %broadcast_in_dim3A_2505 = arith.constant 2 : i32
    %broadcast_in_dim3A_2506 = vector.broadcast %broadcast_in_dim3A_2505 : i32 to vector<16xi32>
    %broadcast_in_dim3A_2507 = vector.shape_cast %broadcast_in_dim3A_2506 : vector<16xi32> to vector<16x1xi32>
    %gather3A_2508 = vector.shape_cast %broadcast_in_dim3A_2507 : vector<16x1xi32> to vector<16xi32>
    %gather3A_2509 = tpu.dynamic_gather %max3A_2454[%gather3A_2508] in [0] : vector<16xf32>, vector<16xi32> -> vector<16xf32>
    %get3A_2510 = arith.constant 6272 : index
    %get3A_2511 = tpu.vector_load %arg9[%get3A_2510] {strides = array<i32>} : memref<8192xf32, #tpu.memory_space<vmem>>, vector<16xf32>,
    %get3A_2512 = vector.shape_cast %get3A_2511 : vector<16xf32> to vector<16xf32>
    %mul3A_2513 = arith.mulf %gather3A_2509, %get3A_2512 : vector<16xf32>
    %add3A_2514 = arith.addf %add3A_2489, %mul3A_2513 : vector<16xf32>
    %get3A_2515 = arith.constant 6288 : index
    %get3A_2516 = tpu.vector_load %arg9[%get3A_2515] {strides = array<i32>} : memref<8192xf32, #tpu.memory_space<vmem>>, vector<16xf32>,
    %get3A_2517 = vector.shape_cast %get3A_2516 : vector<16xf32> to vector<16xf32>
    %mul3A_2518 = arith.mulf %gather3A_2509, %get3A_2517 : vector<16xf32>
    %add3A_2519 = arith.addf %add3A_2494, %mul3A_2518 : vector<16xf32>
    %get3A_2520 = arith.constant 6304 : index
    %get3A_2521 = tpu.vector_load %arg9[%get3A_2520] {strides = array<i32>} : memref<8192xf32, #tpu.memory_space<vmem>>, vector<16xf32>,
    %get3A_2522 = vector.shape_cast %get3A_2521 : vector<16xf32> to vector<16xf32>
    %mul3A_2523 = arith.mulf %gather3A_2509, %get3A_2522 : vector<16xf32>
    %add3A_2524 = arith.addf %add3A_2499, %mul3A_2523 : vector<16xf32>
    %get3A_2525 = arith.constant 6320 : index
    %get3A_2526 = tpu.vector_load %arg9[%get3A_2525] {strides = array<i32>} : memref<8192xf32, #tpu.memory_space<vmem>>, vector<16xf32>,
    %get3A_2527 = vector.shape_cast %get3A_2526 : vector<16xf32> to vector<16xf32>
    %mul3A_2528 = arith.mulf %gather3A_2509, %get3A_2527 : vector<16xf32>
    %add3A_2529 = arith.addf %add3A_2504, %mul3A_2528 : vector<16xf32>
    %broadcast_in_dim3A_2530 = arith.constant 3 : i32
    %broadcast_in_dim3A_2531 = vector.broadcast %broadcast_in_dim3A_2530 : i32 to vector<16xi32>
    %broadcast_in_dim3A_2532 = vector.shape_cast %broadcast_in_dim3A_2531 : vector<16xi32> to vector<16x1xi32>
    %gather3A_2533 = vector.shape_cast %broadcast_in_dim3A_2532 : vector<16x1xi32> to vector<16xi32>
    %gather3A_2534 = tpu.dynamic_gather %max3A_2454[%gather3A_2533] in [0] : vector<16xf32>, vector<16xi32> -> vector<16xf32>
    %get3A_2535 = arith.constant 6336 : index
    %get3A_2536 = tpu.vector_load %arg9[%get3A_2535] {strides = array<i32>} : memref<8192xf32, #tpu.memory_space<vmem>>, vector<16xf32>,
    %get3A_2537 = vector.shape_cast %get3A_2536 : vector<16xf32> to vector<16xf32>
    %mul3A_2538 = arith.mulf %gather3A_2534, %get3A_2537 : vector<16xf32>
    %add3A_2539 = arith.addf %add3A_2514, %mul3A_2538 : vector<16xf32>
    %get3A_2540 = arith.constant 6352 : index
    %get3A_2541 = tpu.vector_load %arg9[%get3A_2540] {strides = array<i32>} : memref<8192xf32, #tpu.memory_space<vmem>>, vector<16xf32>,
    %get3A_2542 = vector.shape_cast %get3A_2541 : vector<16xf32> to vector<16xf32>
    %mul3A_2543 = arith.mulf %gather3A_2534, %get3A_2542 : vector<16xf32>
    %add3A_2544 = arith.addf %add3A_2519, %mul3A_2543 : vector<16xf32>
    %get3A_2545 = arith.constant 6368 : index
    %get3A_2546 = tpu.vector_load %arg9[%get3A_2545] {strides = array<i32>} : memref<8192xf32, #tpu.memory_space<vmem>>, vector<16xf32>,
    %get3A_2547 = vector.shape_cast %get3A_2546 : vector<16xf32> to vector<16xf32>
    %mul3A_2548 = arith.mulf %gather3A_2534, %get3A_2547 : vector<16xf32>
    %add3A_2549 = arith.addf %add3A_2524, %mul3A_2548 : vector<16xf32>
    %get3A_2550 = arith.constant 6384 : index
    %get3A_2551 = tpu.vector_load %arg9[%get3A_2550] {strides = array<i32>} : memref<8192xf32, #tpu.memory_space<vmem>>, vector<16xf32>,
    %get3A_2552 = vector.shape_cast %get3A_2551 : vector<16xf32> to vector<16xf32>
    %mul3A_2553 = arith.mulf %gather3A_2534, %get3A_2552 : vector<16xf32>
    %add3A_2554 = arith.addf %add3A_2529, %mul3A_2553 : vector<16xf32>
    %broadcast_in_dim3A_2555 = arith.constant 4 : i32
    %broadcast_in_dim3A_2556 = vector.broadcast %broadcast_in_dim3A_2555 : i32 to vector<16xi32>
    %broadcast_in_dim3A_2557 = vector.shape_cast %broadcast_in_dim3A_2556 : vector<16xi32> to vector<16x1xi32>
    %gather3A_2558 = vector.shape_cast %broadcast_in_dim3A_2557 : vector<16x1xi32> to vector<16xi32>
    %gather3A_2559 = tpu.dynamic_gather %max3A_2454[%gather3A_2558] in [0] : vector<16xf32>, vector<16xi32> -> vector<16xf32>
    %get3A_2560 = arith.constant 6400 : index
    %get3A_2561 = tpu.vector_load %arg9[%get3A_2560] {strides = array<i32>} : memref<8192xf32, #tpu.memory_space<vmem>>, vector<16xf32>,
    %get3A_2562 = vector.shape_cast %get3A_2561 : vector<16xf32> to vector<16xf32>
    %mul3A_2563 = arith.mulf %gather3A_2559, %get3A_2562 : vector<16xf32>
    %add3A_2564 = arith.addf %add3A_2539, %mul3A_2563 : vector<16xf32>
    %get3A_2565 = arith.constant 6416 : index
    %get3A_2566 = tpu.vector_load %arg9[%get3A_2565] {strides = array<i32>} : memref<8192xf32, #tpu.memory_space<vmem>>, vector<16xf32>,
    %get3A_2567 = vector.shape_cast %get3A_2566 : vector<16xf32> to vector<16xf32>
    %mul3A_2568 = arith.mulf %gather3A_2559, %get3A_2567 : vector<16xf32>
    %add3A_2569 = arith.addf %add3A_2544, %mul3A_2568 : vector<16xf32>
    %get3A_2570 = arith.constant 6432 : index
    %get3A_2571 = tpu.vector_load %arg9[%get3A_2570] {strides = array<i32>} : memref<8192xf32, #tpu.memory_space<vmem>>, vector<16xf32>,
    %get3A_2572 = vector.shape_cast %get3A_2571 : vector<16xf32> to vector<16xf32>
    %mul3A_2573 = arith.mulf %gather3A_2559, %get3A_2572 : vector<16xf32>
    %add3A_2574 = arith.addf %add3A_2549, %mul3A_2573 : vector<16xf32>
    %get3A_2575 = arith.constant 6448 : index
    %get3A_2576 = tpu.vector_load %arg9[%get3A_2575] {strides = array<i32>} : memref<8192xf32, #tpu.memory_space<vmem>>, vector<16xf32>,
    %get3A_2577 = vector.shape_cast %get3A_2576 : vector<16xf32> to vector<16xf32>
    %mul3A_2578 = arith.mulf %gather3A_2559, %get3A_2577 : vector<16xf32>
    %add3A_2579 = arith.addf %add3A_2554, %mul3A_2578 : vector<16xf32>
    %broadcast_in_dim3A_2580 = arith.constant 5 : i32
    %broadcast_in_dim3A_2581 = vector.broadcast %broadcast_in_dim3A_2580 : i32 to vector<16xi32>
    %broadcast_in_dim3A_2582 = vector.shape_cast %broadcast_in_dim3A_2581 : vector<16xi32> to vector<16x1xi32>
    %gather3A_2583 = vector.shape_cast %broadcast_in_dim3A_2582 : vector<16x1xi32> to vector<16xi32>
    %gather3A_2584 = tpu.dynamic_gather %max3A_2454[%gather3A_2583] in [0] : vector<16xf32>, vector<16xi32> -> vector<16xf32>
    %get3A_2585 = arith.constant 6464 : index
    %get3A_2586 = tpu.vector_load %arg9[%get3A_2585] {strides = array<i32>} : memref<8192xf32, #tpu.memory_space<vmem>>, vector<16xf32>,
    %get3A_2587 = vector.shape_cast %get3A_2586 : vector<16xf32> to vector<16xf32>
    %mul3A_2588 = arith.mulf %gather3A_2584, %get3A_2587 : vector<16xf32>
    %add3A_2589 = arith.addf %add3A_2564, %mul3A_2588 : vector<16xf32>
    %get3A_2590 = arith.constant 6480 : index
    %get3A_2591 = tpu.vector_load %arg9[%get3A_2590] {strides = array<i32>} : memref<8192xf32, #tpu.memory_space<vmem>>, vector<16xf32>,
    %get3A_2592 = vector.shape_cast %get3A_2591 : vector<16xf32> to vector<16xf32>
    %mul3A_2593 = arith.mulf %gather3A_2584, %get3A_2592 : vector<16xf32>
    %add3A_2594 = arith.addf %add3A_2569, %mul3A_2593 : vector<16xf32>
    %get3A_2595 = arith.constant 6496 : index
    %get3A_2596 = tpu.vector_load %arg9[%get3A_2595] {strides = array<i32>} : memref<8192xf32, #tpu.memory_space<vmem>>, vector<16xf32>,
    %get3A_2597 = vector.shape_cast %get3A_2596 : vector<16xf32> to vector<16xf32>
    %mul3A_2598 = arith.mulf %gather3A_2584, %get3A_2597 : vector<16xf32>
    %add3A_2599 = arith.addf %add3A_2574, %mul3A_2598 : vector<16xf32>
    %get3A_2600 = arith.constant 6512 : index
    %get3A_2601 = tpu.vector_load %arg9[%get3A_2600] {strides = array<i32>} : memref<8192xf32, #tpu.memory_space<vmem>>, vector<16xf32>,
    %get3A_2602 = vector.shape_cast %get3A_2601 : vector<16xf32> to vector<16xf32>
    %mul3A_2603 = arith.mulf %gather3A_2584, %get3A_2602 : vector<16xf32>
    %add3A_2604 = arith.addf %add3A_2579, %mul3A_2603 : vector<16xf32>
    %broadcast_in_dim3A_2605 = arith.constant 6 : i32
    %broadcast_in_dim3A_2606 = vector.broadcast %broadcast_in_dim3A_2605 : i32 to vector<16xi32>
    %broadcast_in_dim3A_2607 = vector.shape_cast %broadcast_in_dim3A_2606 : vector<16xi32> to vector<16x1xi32>
    %gather3A_2608 = vector.shape_cast %broadcast_in_dim3A_2607 : vector<16x1xi32> to vector<16xi32>
    %gather3A_2609 = tpu.dynamic_gather %max3A_2454[%gather3A_2608] in [0] : vector<16xf32>, vector<16xi32> -> vector<16xf32>
    %get3A_2610 = arith.constant 6528 : index
    %get3A_2611 = tpu.vector_load %arg9[%get3A_2610] {strides = array<i32>} : memref<8192xf32, #tpu.memory_space<vmem>>, vector<16xf32>,
    %get3A_2612 = vector.shape_cast %get3A_2611 : vector<16xf32> to vector<16xf32>
    %mul3A_2613 = arith.mulf %gather3A_2609, %get3A_2612 : vector<16xf32>
    %add3A_2614 = arith.addf %add3A_2589, %mul3A_2613 : vector<16xf32>
    %get3A_2615 = arith.constant 6544 : index
    %get3A_2616 = tpu.vector_load %arg9[%get3A_2615] {strides = array<i32>} : memref<8192xf32, #tpu.memory_space<vmem>>, vector<16xf32>,
    %get3A_2617 = vector.shape_cast %get3A_2616 : vector<16xf32> to vector<16xf32>
    %mul3A_2618 = arith.mulf %gather3A_2609, %get3A_2617 : vector<16xf32>
    %add3A_2619 = arith.addf %add3A_2594, %mul3A_2618 : vector<16xf32>
    %get3A_2620 = arith.constant 6560 : index
    %get3A_2621 = tpu.vector_load %arg9[%get3A_2620] {strides = array<i32>} : memref<8192xf32, #tpu.memory_space<vmem>>, vector<16xf32>,
    %get3A_2622 = vector.shape_cast %get3A_2621 : vector<16xf32> to vector<16xf32>
    %mul3A_2623 = arith.mulf %gather3A_2609, %get3A_2622 : vector<16xf32>
    %add3A_2624 = arith.addf %add3A_2599, %mul3A_2623 : vector<16xf32>
    %get3A_2625 = arith.constant 6576 : index
    %get3A_2626 = tpu.vector_load %arg9[%get3A_2625] {strides = array<i32>} : memref<8192xf32, #tpu.memory_space<vmem>>, vector<16xf32>,
    %get3A_2627 = vector.shape_cast %get3A_2626 : vector<16xf32> to vector<16xf32>
    %mul3A_2628 = arith.mulf %gather3A_2609, %get3A_2627 : vector<16xf32>
    %add3A_2629 = arith.addf %add3A_2604, %mul3A_2628 : vector<16xf32>
    %broadcast_in_dim3A_2630 = arith.constant 7 : i32
    %broadcast_in_dim3A_2631 = vector.broadcast %broadcast_in_dim3A_2630 : i32 to vector<16xi32>
    %broadcast_in_dim3A_2632 = vector.shape_cast %broadcast_in_dim3A_2631 : vector<16xi32> to vector<16x1xi32>
    %gather3A_2633 = vector.shape_cast %broadcast_in_dim3A_2632 : vector<16x1xi32> to vector<16xi32>
    %gather3A_2634 = tpu.dynamic_gather %max3A_2454[%gather3A_2633] in [0] : vector<16xf32>, vector<16xi32> -> vector<16xf32>
    %get3A_2635 = arith.constant 6592 : index
    %get3A_2636 = tpu.vector_load %arg9[%get3A_2635] {strides = array<i32>} : memref<8192xf32, #tpu.memory_space<vmem>>, vector<16xf32>,
    %get3A_2637 = vector.shape_cast %get3A_2636 : vector<16xf32> to vector<16xf32>
    %mul3A_2638 = arith.mulf %gather3A_2634, %get3A_2637 : vector<16xf32>
    %add3A_2639 = arith.addf %add3A_2614, %mul3A_2638 : vector<16xf32>
    %get3A_2640 = arith.constant 6608 : index
    %get3A_2641 = tpu.vector_load %arg9[%get3A_2640] {strides = array<i32>} : memref<8192xf32, #tpu.memory_space<vmem>>, vector<16xf32>,
    %get3A_2642 = vector.shape_cast %get3A_2641 : vector<16xf32> to vector<16xf32>
    %mul3A_2643 = arith.mulf %gather3A_2634, %get3A_2642 : vector<16xf32>
    %add3A_2644 = arith.addf %add3A_2619, %mul3A_2643 : vector<16xf32>
    %get3A_2645 = arith.constant 6624 : index
    %get3A_2646 = tpu.vector_load %arg9[%get3A_2645] {strides = array<i32>} : memref<8192xf32, #tpu.memory_space<vmem>>, vector<16xf32>,
    %get3A_2647 = vector.shape_cast %get3A_2646 : vector<16xf32> to vector<16xf32>
    %mul3A_2648 = arith.mulf %gather3A_2634, %get3A_2647 : vector<16xf32>
    %add3A_2649 = arith.addf %add3A_2624, %mul3A_2648 : vector<16xf32>
    %get3A_2650 = arith.constant 6640 : index
    %get3A_2651 = tpu.vector_load %arg9[%get3A_2650] {strides = array<i32>} : memref<8192xf32, #tpu.memory_space<vmem>>, vector<16xf32>,
    %get3A_2652 = vector.shape_cast %get3A_2651 : vector<16xf32> to vector<16xf32>
    %mul3A_2653 = arith.mulf %gather3A_2634, %get3A_2652 : vector<16xf32>
    %add3A_2654 = arith.addf %add3A_2629, %mul3A_2653 : vector<16xf32>
    %broadcast_in_dim3A_2655 = arith.constant 8 : i32
    %broadcast_in_dim3A_2656 = vector.broadcast %broadcast_in_dim3A_2655 : i32 to vector<16xi32>
    %broadcast_in_dim3A_2657 = vector.shape_cast %broadcast_in_dim3A_2656 : vector<16xi32> to vector<16x1xi32>
    %gather3A_2658 = vector.shape_cast %broadcast_in_dim3A_2657 : vector<16x1xi32> to vector<16xi32>
    %gather3A_2659 = tpu.dynamic_gather %max3A_2454[%gather3A_2658] in [0] : vector<16xf32>, vector<16xi32> -> vector<16xf32>
    %get3A_2660 = arith.constant 6656 : index
    %get3A_2661 = tpu.vector_load %arg9[%get3A_2660] {strides = array<i32>} : memref<8192xf32, #tpu.memory_space<vmem>>, vector<16xf32>,
    %get3A_2662 = vector.shape_cast %get3A_2661 : vector<16xf32> to vector<16xf32>
    %mul3A_2663 = arith.mulf %gather3A_2659, %get3A_2662 : vector<16xf32>
    %add3A_2664 = arith.addf %add3A_2639, %mul3A_2663 : vector<16xf32>
    %get3A_2665 = arith.constant 6672 : index
    %get3A_2666 = tpu.vector_load %arg9[%get3A_2665] {strides = array<i32>} : memref<8192xf32, #tpu.memory_space<vmem>>, vector<16xf32>,
    %get3A_2667 = vector.shape_cast %get3A_2666 : vector<16xf32> to vector<16xf32>
    %mul3A_2668 = arith.mulf %gather3A_2659, %get3A_2667 : vector<16xf32>
    %add3A_2669 = arith.addf %add3A_2644, %mul3A_2668 : vector<16xf32>
    %get3A_2670 = arith.constant 6688 : index
    %get3A_2671 = tpu.vector_load %arg9[%get3A_2670] {strides = array<i32>} : memref<8192xf32, #tpu.memory_space<vmem>>, vector<16xf32>,
    %get3A_2672 = vector.shape_cast %get3A_2671 : vector<16xf32> to vector<16xf32>
    %mul3A_2673 = arith.mulf %gather3A_2659, %get3A_2672 : vector<16xf32>
    %add3A_2674 = arith.addf %add3A_2649, %mul3A_2673 : vector<16xf32>
    %get3A_2675 = arith.constant 6704 : index
    %get3A_2676 = tpu.vector_load %arg9[%get3A_2675] {strides = array<i32>} : memref<8192xf32, #tpu.memory_space<vmem>>, vector<16xf32>,
    %get3A_2677 = vector.shape_cast %get3A_2676 : vector<16xf32> to vector<16xf32>
    %mul3A_2678 = arith.mulf %gather3A_2659, %get3A_2677 : vector<16xf32>
    %add3A_2679 = arith.addf %add3A_2654, %mul3A_2678 : vector<16xf32>
    %broadcast_in_dim3A_2680 = arith.constant 9 : i32
    %broadcast_in_dim3A_2681 = vector.broadcast %broadcast_in_dim3A_2680 : i32 to vector<16xi32>
    %broadcast_in_dim3A_2682 = vector.shape_cast %broadcast_in_dim3A_2681 : vector<16xi32> to vector<16x1xi32>
    %gather3A_2683 = vector.shape_cast %broadcast_in_dim3A_2682 : vector<16x1xi32> to vector<16xi32>
    %gather3A_2684 = tpu.dynamic_gather %max3A_2454[%gather3A_2683] in [0] : vector<16xf32>, vector<16xi32> -> vector<16xf32>
    %get3A_2685 = arith.constant 6720 : index
    %get3A_2686 = tpu.vector_load %arg9[%get3A_2685] {strides = array<i32>} : memref<8192xf32, #tpu.memory_space<vmem>>, vector<16xf32>,
    %get3A_2687 = vector.shape_cast %get3A_2686 : vector<16xf32> to vector<16xf32>
    %mul3A_2688 = arith.mulf %gather3A_2684, %get3A_2687 : vector<16xf32>
    %add3A_2689 = arith.addf %add3A_2664, %mul3A_2688 : vector<16xf32>
    %get3A_2690 = arith.constant 6736 : index
    %get3A_2691 = tpu.vector_load %arg9[%get3A_2690] {strides = array<i32>} : memref<8192xf32, #tpu.memory_space<vmem>>, vector<16xf32>,
    %get3A_2692 = vector.shape_cast %get3A_2691 : vector<16xf32> to vector<16xf32>
    %mul3A_2693 = arith.mulf %gather3A_2684, %get3A_2692 : vector<16xf32>
    %add3A_2694 = arith.addf %add3A_2669, %mul3A_2693 : vector<16xf32>
    %get3A_2695 = arith.constant 6752 : index
    %get3A_2696 = tpu.vector_load %arg9[%get3A_2695] {strides = array<i32>} : memref<8192xf32, #tpu.memory_space<vmem>>, vector<16xf32>,
    %get3A_2697 = vector.shape_cast %get3A_2696 : vector<16xf32> to vector<16xf32>
    %mul3A_2698 = arith.mulf %gather3A_2684, %get3A_2697 : vector<16xf32>
    %add3A_2699 = arith.addf %add3A_2674, %mul3A_2698 : vector<16xf32>
    %get3A_2700 = arith.constant 6768 : index
    %get3A_2701 = tpu.vector_load %arg9[%get3A_2700] {strides = array<i32>} : memref<8192xf32, #tpu.memory_space<vmem>>, vector<16xf32>,
    %get3A_2702 = vector.shape_cast %get3A_2701 : vector<16xf32> to vector<16xf32>
    %mul3A_2703 = arith.mulf %gather3A_2684, %get3A_2702 : vector<16xf32>
    %add3A_2704 = arith.addf %add3A_2679, %mul3A_2703 : vector<16xf32>
    %broadcast_in_dim3A_2705 = arith.constant 10 : i32
    %broadcast_in_dim3A_2706 = vector.broadcast %broadcast_in_dim3A_2705 : i32 to vector<16xi32>
    %broadcast_in_dim3A_2707 = vector.shape_cast %broadcast_in_dim3A_2706 : vector<16xi32> to vector<16x1xi32>
    %gather3A_2708 = vector.shape_cast %broadcast_in_dim3A_2707 : vector<16x1xi32> to vector<16xi32>
    %gather3A_2709 = tpu.dynamic_gather %max3A_2454[%gather3A_2708] in [0] : vector<16xf32>, vector<16xi32> -> vector<16xf32>
    %get3A_2710 = arith.constant 6784 : index
    %get3A_2711 = tpu.vector_load %arg9[%get3A_2710] {strides = array<i32>} : memref<8192xf32, #tpu.memory_space<vmem>>, vector<16xf32>,
    %get3A_2712 = vector.shape_cast %get3A_2711 : vector<16xf32> to vector<16xf32>
    %mul3A_2713 = arith.mulf %gather3A_2709, %get3A_2712 : vector<16xf32>
    %add3A_2714 = arith.addf %add3A_2689, %mul3A_2713 : vector<16xf32>
    %get3A_2715 = arith.constant 6800 : index
    %get3A_2716 = tpu.vector_load %arg9[%get3A_2715] {strides = array<i32>} : memref<8192xf32, #tpu.memory_space<vmem>>, vector<16xf32>,
    %get3A_2717 = vector.shape_cast %get3A_2716 : vector<16xf32> to vector<16xf32>
    %mul3A_2718 = arith.mulf %gather3A_2709, %get3A_2717 : vector<16xf32>
    %add3A_2719 = arith.addf %add3A_2694, %mul3A_2718 : vector<16xf32>
    %get3A_2720 = arith.constant 6816 : index
    %get3A_2721 = tpu.vector_load %arg9[%get3A_2720] {strides = array<i32>} : memref<8192xf32, #tpu.memory_space<vmem>>, vector<16xf32>,
    %get3A_2722 = vector.shape_cast %get3A_2721 : vector<16xf32> to vector<16xf32>
    %mul3A_2723 = arith.mulf %gather3A_2709, %get3A_2722 : vector<16xf32>
    %add3A_2724 = arith.addf %add3A_2699, %mul3A_2723 : vector<16xf32>
    %get3A_2725 = arith.constant 6832 : index
    %get3A_2726 = tpu.vector_load %arg9[%get3A_2725] {strides = array<i32>} : memref<8192xf32, #tpu.memory_space<vmem>>, vector<16xf32>,
    %get3A_2727 = vector.shape_cast %get3A_2726 : vector<16xf32> to vector<16xf32>
    %mul3A_2728 = arith.mulf %gather3A_2709, %get3A_2727 : vector<16xf32>
    %add3A_2729 = arith.addf %add3A_2704, %mul3A_2728 : vector<16xf32>
    %broadcast_in_dim3A_2730 = arith.constant 11 : i32
    %broadcast_in_dim3A_2731 = vector.broadcast %broadcast_in_dim3A_2730 : i32 to vector<16xi32>
    %broadcast_in_dim3A_2732 = vector.shape_cast %broadcast_in_dim3A_2731 : vector<16xi32> to vector<16x1xi32>
    %gather3A_2733 = vector.shape_cast %broadcast_in_dim3A_2732 : vector<16x1xi32> to vector<16xi32>
    %gather3A_2734 = tpu.dynamic_gather %max3A_2454[%gather3A_2733] in [0] : vector<16xf32>, vector<16xi32> -> vector<16xf32>
    %get3A_2735 = arith.constant 6848 : index
    %get3A_2736 = tpu.vector_load %arg9[%get3A_2735] {strides = array<i32>} : memref<8192xf32, #tpu.memory_space<vmem>>, vector<16xf32>,
    %get3A_2737 = vector.shape_cast %get3A_2736 : vector<16xf32> to vector<16xf32>
    %mul3A_2738 = arith.mulf %gather3A_2734, %get3A_2737 : vector<16xf32>
    %add3A_2739 = arith.addf %add3A_2714, %mul3A_2738 : vector<16xf32>
    %get3A_2740 = arith.constant 6864 : index
    %get3A_2741 = tpu.vector_load %arg9[%get3A_2740] {strides = array<i32>} : memref<8192xf32, #tpu.memory_space<vmem>>, vector<16xf32>,
    %get3A_2742 = vector.shape_cast %get3A_2741 : vector<16xf32> to vector<16xf32>
    %mul3A_2743 = arith.mulf %gather3A_2734, %get3A_2742 : vector<16xf32>
    %add3A_2744 = arith.addf %add3A_2719, %mul3A_2743 : vector<16xf32>
    %get3A_2745 = arith.constant 6880 : index
    %get3A_2746 = tpu.vector_load %arg9[%get3A_2745] {strides = array<i32>} : memref<8192xf32, #tpu.memory_space<vmem>>, vector<16xf32>,
    %get3A_2747 = vector.shape_cast %get3A_2746 : vector<16xf32> to vector<16xf32>
    %mul3A_2748 = arith.mulf %gather3A_2734, %get3A_2747 : vector<16xf32>
    %add3A_2749 = arith.addf %add3A_2724, %mul3A_2748 : vector<16xf32>
    %get3A_2750 = arith.constant 6896 : index
    %get3A_2751 = tpu.vector_load %arg9[%get3A_2750] {strides = array<i32>} : memref<8192xf32, #tpu.memory_space<vmem>>, vector<16xf32>,
    %get3A_2752 = vector.shape_cast %get3A_2751 : vector<16xf32> to vector<16xf32>
    %mul3A_2753 = arith.mulf %gather3A_2734, %get3A_2752 : vector<16xf32>
    %add3A_2754 = arith.addf %add3A_2729, %mul3A_2753 : vector<16xf32>
    %broadcast_in_dim3A_2755 = arith.constant 12 : i32
    %broadcast_in_dim3A_2756 = vector.broadcast %broadcast_in_dim3A_2755 : i32 to vector<16xi32>
    %broadcast_in_dim3A_2757 = vector.shape_cast %broadcast_in_dim3A_2756 : vector<16xi32> to vector<16x1xi32>
    %gather3A_2758 = vector.shape_cast %broadcast_in_dim3A_2757 : vector<16x1xi32> to vector<16xi32>
    %gather3A_2759 = tpu.dynamic_gather %max3A_2454[%gather3A_2758] in [0] : vector<16xf32>, vector<16xi32> -> vector<16xf32>
    %get3A_2760 = arith.constant 6912 : index
    %get3A_2761 = tpu.vector_load %arg9[%get3A_2760] {strides = array<i32>} : memref<8192xf32, #tpu.memory_space<vmem>>, vector<16xf32>,
    %get3A_2762 = vector.shape_cast %get3A_2761 : vector<16xf32> to vector<16xf32>
    %mul3A_2763 = arith.mulf %gather3A_2759, %get3A_2762 : vector<16xf32>
    %add3A_2764 = arith.addf %add3A_2739, %mul3A_2763 : vector<16xf32>
    %get3A_2765 = arith.constant 6928 : index
    %get3A_2766 = tpu.vector_load %arg9[%get3A_2765] {strides = array<i32>} : memref<8192xf32, #tpu.memory_space<vmem>>, vector<16xf32>,
    %get3A_2767 = vector.shape_cast %get3A_2766 : vector<16xf32> to vector<16xf32>
    %mul3A_2768 = arith.mulf %gather3A_2759, %get3A_2767 : vector<16xf32>
    %add3A_2769 = arith.addf %add3A_2744, %mul3A_2768 : vector<16xf32>
    %get3A_2770 = arith.constant 6944 : index
    %get3A_2771 = tpu.vector_load %arg9[%get3A_2770] {strides = array<i32>} : memref<8192xf32, #tpu.memory_space<vmem>>, vector<16xf32>,
    %get3A_2772 = vector.shape_cast %get3A_2771 : vector<16xf32> to vector<16xf32>
    %mul3A_2773 = arith.mulf %gather3A_2759, %get3A_2772 : vector<16xf32>
    %add3A_2774 = arith.addf %add3A_2749, %mul3A_2773 : vector<16xf32>
    %get3A_2775 = arith.constant 6960 : index
    %get3A_2776 = tpu.vector_load %arg9[%get3A_2775] {strides = array<i32>} : memref<8192xf32, #tpu.memory_space<vmem>>, vector<16xf32>,
    %get3A_2777 = vector.shape_cast %get3A_2776 : vector<16xf32> to vector<16xf32>
    %mul3A_2778 = arith.mulf %gather3A_2759, %get3A_2777 : vector<16xf32>
    %add3A_2779 = arith.addf %add3A_2754, %mul3A_2778 : vector<16xf32>
    %broadcast_in_dim3A_2780 = arith.constant 13 : i32
    %broadcast_in_dim3A_2781 = vector.broadcast %broadcast_in_dim3A_2780 : i32 to vector<16xi32>
    %broadcast_in_dim3A_2782 = vector.shape_cast %broadcast_in_dim3A_2781 : vector<16xi32> to vector<16x1xi32>
    %gather3A_2783 = vector.shape_cast %broadcast_in_dim3A_2782 : vector<16x1xi32> to vector<16xi32>
    %gather3A_2784 = tpu.dynamic_gather %max3A_2454[%gather3A_2783] in [0] : vector<16xf32>, vector<16xi32> -> vector<16xf32>
    %get3A_2785 = arith.constant 6976 : index
    %get3A_2786 = tpu.vector_load %arg9[%get3A_2785] {strides = array<i32>} : memref<8192xf32, #tpu.memory_space<vmem>>, vector<16xf32>,
    %get3A_2787 = vector.shape_cast %get3A_2786 : vector<16xf32> to vector<16xf32>
    %mul3A_2788 = arith.mulf %gather3A_2784, %get3A_2787 : vector<16xf32>
    %add3A_2789 = arith.addf %add3A_2764, %mul3A_2788 : vector<16xf32>
    %get3A_2790 = arith.constant 6992 : index
    %get3A_2791 = tpu.vector_load %arg9[%get3A_2790] {strides = array<i32>} : memref<8192xf32, #tpu.memory_space<vmem>>, vector<16xf32>,
    %get3A_2792 = vector.shape_cast %get3A_2791 : vector<16xf32> to vector<16xf32>
    %mul3A_2793 = arith.mulf %gather3A_2784, %get3A_2792 : vector<16xf32>
    %add3A_2794 = arith.addf %add3A_2769, %mul3A_2793 : vector<16xf32>
    %get3A_2795 = arith.constant 7008 : index
    %get3A_2796 = tpu.vector_load %arg9[%get3A_2795] {strides = array<i32>} : memref<8192xf32, #tpu.memory_space<vmem>>, vector<16xf32>,
    %get3A_2797 = vector.shape_cast %get3A_2796 : vector<16xf32> to vector<16xf32>
    %mul3A_2798 = arith.mulf %gather3A_2784, %get3A_2797 : vector<16xf32>
    %add3A_2799 = arith.addf %add3A_2774, %mul3A_2798 : vector<16xf32>
    %get3A_2800 = arith.constant 7024 : index
    %get3A_2801 = tpu.vector_load %arg9[%get3A_2800] {strides = array<i32>} : memref<8192xf32, #tpu.memory_space<vmem>>, vector<16xf32>,
    %get3A_2802 = vector.shape_cast %get3A_2801 : vector<16xf32> to vector<16xf32>
    %mul3A_2803 = arith.mulf %gather3A_2784, %get3A_2802 : vector<16xf32>
    %add3A_2804 = arith.addf %add3A_2779, %mul3A_2803 : vector<16xf32>
    %broadcast_in_dim3A_2805 = arith.constant 14 : i32
    %broadcast_in_dim3A_2806 = vector.broadcast %broadcast_in_dim3A_2805 : i32 to vector<16xi32>
    %broadcast_in_dim3A_2807 = vector.shape_cast %broadcast_in_dim3A_2806 : vector<16xi32> to vector<16x1xi32>
    %gather3A_2808 = vector.shape_cast %broadcast_in_dim3A_2807 : vector<16x1xi32> to vector<16xi32>
    %gather3A_2809 = tpu.dynamic_gather %max3A_2454[%gather3A_2808] in [0] : vector<16xf32>, vector<16xi32> -> vector<16xf32>
    %get3A_2810 = arith.constant 7040 : index
    %get3A_2811 = tpu.vector_load %arg9[%get3A_2810] {strides = array<i32>} : memref<8192xf32, #tpu.memory_space<vmem>>, vector<16xf32>,
    %get3A_2812 = vector.shape_cast %get3A_2811 : vector<16xf32> to vector<16xf32>
    %mul3A_2813 = arith.mulf %gather3A_2809, %get3A_2812 : vector<16xf32>
    %add3A_2814 = arith.addf %add3A_2789, %mul3A_2813 : vector<16xf32>
    %get3A_2815 = arith.constant 7056 : index
    %get3A_2816 = tpu.vector_load %arg9[%get3A_2815] {strides = array<i32>} : memref<8192xf32, #tpu.memory_space<vmem>>, vector<16xf32>,
    %get3A_2817 = vector.shape_cast %get3A_2816 : vector<16xf32> to vector<16xf32>
    %mul3A_2818 = arith.mulf %gather3A_2809, %get3A_2817 : vector<16xf32>
    %add3A_2819 = arith.addf %add3A_2794, %mul3A_2818 : vector<16xf32>
    %get3A_2820 = arith.constant 7072 : index
    %get3A_2821 = tpu.vector_load %arg9[%get3A_2820] {strides = array<i32>} : memref<8192xf32, #tpu.memory_space<vmem>>, vector<16xf32>,
    %get3A_2822 = vector.shape_cast %get3A_2821 : vector<16xf32> to vector<16xf32>
    %mul3A_2823 = arith.mulf %gather3A_2809, %get3A_2822 : vector<16xf32>
    %add3A_2824 = arith.addf %add3A_2799, %mul3A_2823 : vector<16xf32>
    %get3A_2825 = arith.constant 7088 : index
    %get3A_2826 = tpu.vector_load %arg9[%get3A_2825] {strides = array<i32>} : memref<8192xf32, #tpu.memory_space<vmem>>, vector<16xf32>,
    %get3A_2827 = vector.shape_cast %get3A_2826 : vector<16xf32> to vector<16xf32>
    %mul3A_2828 = arith.mulf %gather3A_2809, %get3A_2827 : vector<16xf32>
    %add3A_2829 = arith.addf %add3A_2804, %mul3A_2828 : vector<16xf32>
    %broadcast_in_dim3A_2830 = arith.constant 15 : i32
    %broadcast_in_dim3A_2831 = vector.broadcast %broadcast_in_dim3A_2830 : i32 to vector<16xi32>
    %broadcast_in_dim3A_2832 = vector.shape_cast %broadcast_in_dim3A_2831 : vector<16xi32> to vector<16x1xi32>
    %gather3A_2833 = vector.shape_cast %broadcast_in_dim3A_2832 : vector<16x1xi32> to vector<16xi32>
    %gather3A_2834 = tpu.dynamic_gather %max3A_2454[%gather3A_2833] in [0] : vector<16xf32>, vector<16xi32> -> vector<16xf32>
    %get3A_2835 = arith.constant 7104 : index
    %get3A_2836 = tpu.vector_load %arg9[%get3A_2835] {strides = array<i32>} : memref<8192xf32, #tpu.memory_space<vmem>>, vector<16xf32>,
    %get3A_2837 = vector.shape_cast %get3A_2836 : vector<16xf32> to vector<16xf32>
    %mul3A_2838 = arith.mulf %gather3A_2834, %get3A_2837 : vector<16xf32>
    %add3A_2839 = arith.addf %add3A_2814, %mul3A_2838 : vector<16xf32>
    %get3A_2840 = arith.constant 7120 : index
    %get3A_2841 = tpu.vector_load %arg9[%get3A_2840] {strides = array<i32>} : memref<8192xf32, #tpu.memory_space<vmem>>, vector<16xf32>,
    %get3A_2842 = vector.shape_cast %get3A_2841 : vector<16xf32> to vector<16xf32>
    %mul3A_2843 = arith.mulf %gather3A_2834, %get3A_2842 : vector<16xf32>
    %add3A_2844 = arith.addf %add3A_2819, %mul3A_2843 : vector<16xf32>
    %get3A_2845 = arith.constant 7136 : index
    %get3A_2846 = tpu.vector_load %arg9[%get3A_2845] {strides = array<i32>} : memref<8192xf32, #tpu.memory_space<vmem>>, vector<16xf32>,
    %get3A_2847 = vector.shape_cast %get3A_2846 : vector<16xf32> to vector<16xf32>
    %mul3A_2848 = arith.mulf %gather3A_2834, %get3A_2847 : vector<16xf32>
    %add3A_2849 = arith.addf %add3A_2824, %mul3A_2848 : vector<16xf32>
    %get3A_2850 = arith.constant 7152 : index
    %get3A_2851 = tpu.vector_load %arg9[%get3A_2850] {strides = array<i32>} : memref<8192xf32, #tpu.memory_space<vmem>>, vector<16xf32>,
    %get3A_2852 = vector.shape_cast %get3A_2851 : vector<16xf32> to vector<16xf32>
    %mul3A_2853 = arith.mulf %gather3A_2834, %get3A_2852 : vector<16xf32>
    %add3A_2854 = arith.addf %add3A_2829, %mul3A_2853 : vector<16xf32>
    %get3A_2855 = arith.constant 112 : index
    %get3A_2856 = tpu.vector_load %arg8[%get3A_2855] {strides = array<i32>} : memref<128xf32, #tpu.memory_space<vmem>>, vector<16xf32>,
    %get3A_2857 = vector.shape_cast %get3A_2856 : vector<16xf32> to vector<16xf32>
    %max3A_2858 = arith.constant 0.000000e+00 : f32
    %max3A_2859 = vector.broadcast %max3A_2858 : f32 to vector<16xf32>
    %max3A_2860 = arith.maximumf %get3A_2857, %max3A_2859 : vector<16xf32>
    %broadcast_in_dim3A_2861 = arith.constant 0 : i32
    %broadcast_in_dim3A_2862 = vector.broadcast %broadcast_in_dim3A_2861 : i32 to vector<16xi32>
    %broadcast_in_dim3A_2863 = vector.shape_cast %broadcast_in_dim3A_2862 : vector<16xi32> to vector<16x1xi32>
    %gather3A_2864 = vector.shape_cast %broadcast_in_dim3A_2863 : vector<16x1xi32> to vector<16xi32>
    %gather3A_2865 = tpu.dynamic_gather %max3A_2860[%gather3A_2864] in [0] : vector<16xf32>, vector<16xi32> -> vector<16xf32>
    %get3A_2866 = arith.constant 7168 : index
    %get3A_2867 = tpu.vector_load %arg9[%get3A_2866] {strides = array<i32>} : memref<8192xf32, #tpu.memory_space<vmem>>, vector<16xf32>,
    %get3A_2868 = vector.shape_cast %get3A_2867 : vector<16xf32> to vector<16xf32>
    %mul3A_2869 = arith.mulf %gather3A_2865, %get3A_2868 : vector<16xf32>
    %add3A_2870 = arith.addf %add3A_2839, %mul3A_2869 : vector<16xf32>
    %get3A_2871 = arith.constant 7184 : index
    %get3A_2872 = tpu.vector_load %arg9[%get3A_2871] {strides = array<i32>} : memref<8192xf32, #tpu.memory_space<vmem>>, vector<16xf32>,
    %get3A_2873 = vector.shape_cast %get3A_2872 : vector<16xf32> to vector<16xf32>
    %mul3A_2874 = arith.mulf %gather3A_2865, %get3A_2873 : vector<16xf32>
    %add3A_2875 = arith.addf %add3A_2844, %mul3A_2874 : vector<16xf32>
    %get3A_2876 = arith.constant 7200 : index
    %get3A_2877 = tpu.vector_load %arg9[%get3A_2876] {strides = array<i32>} : memref<8192xf32, #tpu.memory_space<vmem>>, vector<16xf32>,
    %get3A_2878 = vector.shape_cast %get3A_2877 : vector<16xf32> to vector<16xf32>
    %mul3A_2879 = arith.mulf %gather3A_2865, %get3A_2878 : vector<16xf32>
    %add3A_2880 = arith.addf %add3A_2849, %mul3A_2879 : vector<16xf32>
    %get3A_2881 = arith.constant 7216 : index
    %get3A_2882 = tpu.vector_load %arg9[%get3A_2881] {strides = array<i32>} : memref<8192xf32, #tpu.memory_space<vmem>>, vector<16xf32>,
    %get3A_2883 = vector.shape_cast %get3A_2882 : vector<16xf32> to vector<16xf32>
    %mul3A_2884 = arith.mulf %gather3A_2865, %get3A_2883 : vector<16xf32>
    %add3A_2885 = arith.addf %add3A_2854, %mul3A_2884 : vector<16xf32>
    %broadcast_in_dim3A_2886 = arith.constant 1 : i32
    %broadcast_in_dim3A_2887 = vector.broadcast %broadcast_in_dim3A_2886 : i32 to vector<16xi32>
    %broadcast_in_dim3A_2888 = vector.shape_cast %broadcast_in_dim3A_2887 : vector<16xi32> to vector<16x1xi32>
    %gather3A_2889 = vector.shape_cast %broadcast_in_dim3A_2888 : vector<16x1xi32> to vector<16xi32>
    %gather3A_2890 = tpu.dynamic_gather %max3A_2860[%gather3A_2889] in [0] : vector<16xf32>, vector<16xi32> -> vector<16xf32>
    %get3A_2891 = arith.constant 7232 : index
    %get3A_2892 = tpu.vector_load %arg9[%get3A_2891] {strides = array<i32>} : memref<8192xf32, #tpu.memory_space<vmem>>, vector<16xf32>,
    %get3A_2893 = vector.shape_cast %get3A_2892 : vector<16xf32> to vector<16xf32>
    %mul3A_2894 = arith.mulf %gather3A_2890, %get3A_2893 : vector<16xf32>
    %add3A_2895 = arith.addf %add3A_2870, %mul3A_2894 : vector<16xf32>
    %get3A_2896 = arith.constant 7248 : index
    %get3A_2897 = tpu.vector_load %arg9[%get3A_2896] {strides = array<i32>} : memref<8192xf32, #tpu.memory_space<vmem>>, vector<16xf32>,
    %get3A_2898 = vector.shape_cast %get3A_2897 : vector<16xf32> to vector<16xf32>
    %mul3A_2899 = arith.mulf %gather3A_2890, %get3A_2898 : vector<16xf32>
    %add3A_2900 = arith.addf %add3A_2875, %mul3A_2899 : vector<16xf32>
    %get3A_2901 = arith.constant 7264 : index
    %get3A_2902 = tpu.vector_load %arg9[%get3A_2901] {strides = array<i32>} : memref<8192xf32, #tpu.memory_space<vmem>>, vector<16xf32>,
    %get3A_2903 = vector.shape_cast %get3A_2902 : vector<16xf32> to vector<16xf32>
    %mul3A_2904 = arith.mulf %gather3A_2890, %get3A_2903 : vector<16xf32>
    %add3A_2905 = arith.addf %add3A_2880, %mul3A_2904 : vector<16xf32>
    %get3A_2906 = arith.constant 7280 : index
    %get3A_2907 = tpu.vector_load %arg9[%get3A_2906] {strides = array<i32>} : memref<8192xf32, #tpu.memory_space<vmem>>, vector<16xf32>,
    %get3A_2908 = vector.shape_cast %get3A_2907 : vector<16xf32> to vector<16xf32>
    %mul3A_2909 = arith.mulf %gather3A_2890, %get3A_2908 : vector<16xf32>
    %add3A_2910 = arith.addf %add3A_2885, %mul3A_2909 : vector<16xf32>
    %broadcast_in_dim3A_2911 = arith.constant 2 : i32
    %broadcast_in_dim3A_2912 = vector.broadcast %broadcast_in_dim3A_2911 : i32 to vector<16xi32>
    %broadcast_in_dim3A_2913 = vector.shape_cast %broadcast_in_dim3A_2912 : vector<16xi32> to vector<16x1xi32>
    %gather3A_2914 = vector.shape_cast %broadcast_in_dim3A_2913 : vector<16x1xi32> to vector<16xi32>
    %gather3A_2915 = tpu.dynamic_gather %max3A_2860[%gather3A_2914] in [0] : vector<16xf32>, vector<16xi32> -> vector<16xf32>
    %get3A_2916 = arith.constant 7296 : index
    %get3A_2917 = tpu.vector_load %arg9[%get3A_2916] {strides = array<i32>} : memref<8192xf32, #tpu.memory_space<vmem>>, vector<16xf32>,
    %get3A_2918 = vector.shape_cast %get3A_2917 : vector<16xf32> to vector<16xf32>
    %mul3A_2919 = arith.mulf %gather3A_2915, %get3A_2918 : vector<16xf32>
    %add3A_2920 = arith.addf %add3A_2895, %mul3A_2919 : vector<16xf32>
    %get3A_2921 = arith.constant 7312 : index
    %get3A_2922 = tpu.vector_load %arg9[%get3A_2921] {strides = array<i32>} : memref<8192xf32, #tpu.memory_space<vmem>>, vector<16xf32>,
    %get3A_2923 = vector.shape_cast %get3A_2922 : vector<16xf32> to vector<16xf32>
    %mul3A_2924 = arith.mulf %gather3A_2915, %get3A_2923 : vector<16xf32>
    %add3A_2925 = arith.addf %add3A_2900, %mul3A_2924 : vector<16xf32>
    %get3A_2926 = arith.constant 7328 : index
    %get3A_2927 = tpu.vector_load %arg9[%get3A_2926] {strides = array<i32>} : memref<8192xf32, #tpu.memory_space<vmem>>, vector<16xf32>,
    %get3A_2928 = vector.shape_cast %get3A_2927 : vector<16xf32> to vector<16xf32>
    %mul3A_2929 = arith.mulf %gather3A_2915, %get3A_2928 : vector<16xf32>
    %add3A_2930 = arith.addf %add3A_2905, %mul3A_2929 : vector<16xf32>
    %get3A_2931 = arith.constant 7344 : index
    %get3A_2932 = tpu.vector_load %arg9[%get3A_2931] {strides = array<i32>} : memref<8192xf32, #tpu.memory_space<vmem>>, vector<16xf32>,
    %get3A_2933 = vector.shape_cast %get3A_2932 : vector<16xf32> to vector<16xf32>
    %mul3A_2934 = arith.mulf %gather3A_2915, %get3A_2933 : vector<16xf32>
    %add3A_2935 = arith.addf %add3A_2910, %mul3A_2934 : vector<16xf32>
    %broadcast_in_dim3A_2936 = arith.constant 3 : i32
    %broadcast_in_dim3A_2937 = vector.broadcast %broadcast_in_dim3A_2936 : i32 to vector<16xi32>
    %broadcast_in_dim3A_2938 = vector.shape_cast %broadcast_in_dim3A_2937 : vector<16xi32> to vector<16x1xi32>
    %gather3A_2939 = vector.shape_cast %broadcast_in_dim3A_2938 : vector<16x1xi32> to vector<16xi32>
    %gather3A_2940 = tpu.dynamic_gather %max3A_2860[%gather3A_2939] in [0] : vector<16xf32>, vector<16xi32> -> vector<16xf32>
    %get3A_2941 = arith.constant 7360 : index
    %get3A_2942 = tpu.vector_load %arg9[%get3A_2941] {strides = array<i32>} : memref<8192xf32, #tpu.memory_space<vmem>>, vector<16xf32>,
    %get3A_2943 = vector.shape_cast %get3A_2942 : vector<16xf32> to vector<16xf32>
    %mul3A_2944 = arith.mulf %gather3A_2940, %get3A_2943 : vector<16xf32>
    %add3A_2945 = arith.addf %add3A_2920, %mul3A_2944 : vector<16xf32>
    %get3A_2946 = arith.constant 7376 : index
    %get3A_2947 = tpu.vector_load %arg9[%get3A_2946] {strides = array<i32>} : memref<8192xf32, #tpu.memory_space<vmem>>, vector<16xf32>,
    %get3A_2948 = vector.shape_cast %get3A_2947 : vector<16xf32> to vector<16xf32>
    %mul3A_2949 = arith.mulf %gather3A_2940, %get3A_2948 : vector<16xf32>
    %add3A_2950 = arith.addf %add3A_2925, %mul3A_2949 : vector<16xf32>
    %get3A_2951 = arith.constant 7392 : index
    %get3A_2952 = tpu.vector_load %arg9[%get3A_2951] {strides = array<i32>} : memref<8192xf32, #tpu.memory_space<vmem>>, vector<16xf32>,
    %get3A_2953 = vector.shape_cast %get3A_2952 : vector<16xf32> to vector<16xf32>
    %mul3A_2954 = arith.mulf %gather3A_2940, %get3A_2953 : vector<16xf32>
    %add3A_2955 = arith.addf %add3A_2930, %mul3A_2954 : vector<16xf32>
    %get3A_2956 = arith.constant 7408 : index
    %get3A_2957 = tpu.vector_load %arg9[%get3A_2956] {strides = array<i32>} : memref<8192xf32, #tpu.memory_space<vmem>>, vector<16xf32>,
    %get3A_2958 = vector.shape_cast %get3A_2957 : vector<16xf32> to vector<16xf32>
    %mul3A_2959 = arith.mulf %gather3A_2940, %get3A_2958 : vector<16xf32>
    %add3A_2960 = arith.addf %add3A_2935, %mul3A_2959 : vector<16xf32>
    %broadcast_in_dim3A_2961 = arith.constant 4 : i32
    %broadcast_in_dim3A_2962 = vector.broadcast %broadcast_in_dim3A_2961 : i32 to vector<16xi32>
    %broadcast_in_dim3A_2963 = vector.shape_cast %broadcast_in_dim3A_2962 : vector<16xi32> to vector<16x1xi32>
    %gather3A_2964 = vector.shape_cast %broadcast_in_dim3A_2963 : vector<16x1xi32> to vector<16xi32>
    %gather3A_2965 = tpu.dynamic_gather %max3A_2860[%gather3A_2964] in [0] : vector<16xf32>, vector<16xi32> -> vector<16xf32>
    %get3A_2966 = arith.constant 7424 : index
    %get3A_2967 = tpu.vector_load %arg9[%get3A_2966] {strides = array<i32>} : memref<8192xf32, #tpu.memory_space<vmem>>, vector<16xf32>,
    %get3A_2968 = vector.shape_cast %get3A_2967 : vector<16xf32> to vector<16xf32>
    %mul3A_2969 = arith.mulf %gather3A_2965, %get3A_2968 : vector<16xf32>
    %add3A_2970 = arith.addf %add3A_2945, %mul3A_2969 : vector<16xf32>
    %get3A_2971 = arith.constant 7440 : index
    %get3A_2972 = tpu.vector_load %arg9[%get3A_2971] {strides = array<i32>} : memref<8192xf32, #tpu.memory_space<vmem>>, vector<16xf32>,
    %get3A_2973 = vector.shape_cast %get3A_2972 : vector<16xf32> to vector<16xf32>
    %mul3A_2974 = arith.mulf %gather3A_2965, %get3A_2973 : vector<16xf32>
    %add3A_2975 = arith.addf %add3A_2950, %mul3A_2974 : vector<16xf32>
    %get3A_2976 = arith.constant 7456 : index
    %get3A_2977 = tpu.vector_load %arg9[%get3A_2976] {strides = array<i32>} : memref<8192xf32, #tpu.memory_space<vmem>>, vector<16xf32>,
    %get3A_2978 = vector.shape_cast %get3A_2977 : vector<16xf32> to vector<16xf32>
    %mul3A_2979 = arith.mulf %gather3A_2965, %get3A_2978 : vector<16xf32>
    %add3A_2980 = arith.addf %add3A_2955, %mul3A_2979 : vector<16xf32>
    %get3A_2981 = arith.constant 7472 : index
    %get3A_2982 = tpu.vector_load %arg9[%get3A_2981] {strides = array<i32>} : memref<8192xf32, #tpu.memory_space<vmem>>, vector<16xf32>,
    %get3A_2983 = vector.shape_cast %get3A_2982 : vector<16xf32> to vector<16xf32>
    %mul3A_2984 = arith.mulf %gather3A_2965, %get3A_2983 : vector<16xf32>
    %add3A_2985 = arith.addf %add3A_2960, %mul3A_2984 : vector<16xf32>
    %broadcast_in_dim3A_2986 = arith.constant 5 : i32
    %broadcast_in_dim3A_2987 = vector.broadcast %broadcast_in_dim3A_2986 : i32 to vector<16xi32>
    %broadcast_in_dim3A_2988 = vector.shape_cast %broadcast_in_dim3A_2987 : vector<16xi32> to vector<16x1xi32>
    %gather3A_2989 = vector.shape_cast %broadcast_in_dim3A_2988 : vector<16x1xi32> to vector<16xi32>
    %gather3A_2990 = tpu.dynamic_gather %max3A_2860[%gather3A_2989] in [0] : vector<16xf32>, vector<16xi32> -> vector<16xf32>
    %get3A_2991 = arith.constant 7488 : index
    %get3A_2992 = tpu.vector_load %arg9[%get3A_2991] {strides = array<i32>} : memref<8192xf32, #tpu.memory_space<vmem>>, vector<16xf32>,
    %get3A_2993 = vector.shape_cast %get3A_2992 : vector<16xf32> to vector<16xf32>
    %mul3A_2994 = arith.mulf %gather3A_2990, %get3A_2993 : vector<16xf32>
    %add3A_2995 = arith.addf %add3A_2970, %mul3A_2994 : vector<16xf32>
    %get3A_2996 = arith.constant 7504 : index
    %get3A_2997 = tpu.vector_load %arg9[%get3A_2996] {strides = array<i32>} : memref<8192xf32, #tpu.memory_space<vmem>>, vector<16xf32>,
    %get3A_2998 = vector.shape_cast %get3A_2997 : vector<16xf32> to vector<16xf32>
    %mul3A_2999 = arith.mulf %gather3A_2990, %get3A_2998 : vector<16xf32>
    %add3A_3000 = arith.addf %add3A_2975, %mul3A_2999 : vector<16xf32>
    %get3A_3001 = arith.constant 7520 : index
    %get3A_3002 = tpu.vector_load %arg9[%get3A_3001] {strides = array<i32>} : memref<8192xf32, #tpu.memory_space<vmem>>, vector<16xf32>,
    %get3A_3003 = vector.shape_cast %get3A_3002 : vector<16xf32> to vector<16xf32>
    %mul3A_3004 = arith.mulf %gather3A_2990, %get3A_3003 : vector<16xf32>
    %add3A_3005 = arith.addf %add3A_2980, %mul3A_3004 : vector<16xf32>
    %get3A_3006 = arith.constant 7536 : index
    %get3A_3007 = tpu.vector_load %arg9[%get3A_3006] {strides = array<i32>} : memref<8192xf32, #tpu.memory_space<vmem>>, vector<16xf32>,
    %get3A_3008 = vector.shape_cast %get3A_3007 : vector<16xf32> to vector<16xf32>
    %mul3A_3009 = arith.mulf %gather3A_2990, %get3A_3008 : vector<16xf32>
    %add3A_3010 = arith.addf %add3A_2985, %mul3A_3009 : vector<16xf32>
    %broadcast_in_dim3A_3011 = arith.constant 6 : i32
    %broadcast_in_dim3A_3012 = vector.broadcast %broadcast_in_dim3A_3011 : i32 to vector<16xi32>
    %broadcast_in_dim3A_3013 = vector.shape_cast %broadcast_in_dim3A_3012 : vector<16xi32> to vector<16x1xi32>
    %gather3A_3014 = vector.shape_cast %broadcast_in_dim3A_3013 : vector<16x1xi32> to vector<16xi32>
    %gather3A_3015 = tpu.dynamic_gather %max3A_2860[%gather3A_3014] in [0] : vector<16xf32>, vector<16xi32> -> vector<16xf32>
    %get3A_3016 = arith.constant 7552 : index
    %get3A_3017 = tpu.vector_load %arg9[%get3A_3016] {strides = array<i32>} : memref<8192xf32, #tpu.memory_space<vmem>>, vector<16xf32>,
    %get3A_3018 = vector.shape_cast %get3A_3017 : vector<16xf32> to vector<16xf32>
    %mul3A_3019 = arith.mulf %gather3A_3015, %get3A_3018 : vector<16xf32>
    %add3A_3020 = arith.addf %add3A_2995, %mul3A_3019 : vector<16xf32>
    %get3A_3021 = arith.constant 7568 : index
    %get3A_3022 = tpu.vector_load %arg9[%get3A_3021] {strides = array<i32>} : memref<8192xf32, #tpu.memory_space<vmem>>, vector<16xf32>,
    %get3A_3023 = vector.shape_cast %get3A_3022 : vector<16xf32> to vector<16xf32>
    %mul3A_3024 = arith.mulf %gather3A_3015, %get3A_3023 : vector<16xf32>
    %add3A_3025 = arith.addf %add3A_3000, %mul3A_3024 : vector<16xf32>
    %get3A_3026 = arith.constant 7584 : index
    %get3A_3027 = tpu.vector_load %arg9[%get3A_3026] {strides = array<i32>} : memref<8192xf32, #tpu.memory_space<vmem>>, vector<16xf32>,
    %get3A_3028 = vector.shape_cast %get3A_3027 : vector<16xf32> to vector<16xf32>
    %mul3A_3029 = arith.mulf %gather3A_3015, %get3A_3028 : vector<16xf32>
    %add3A_3030 = arith.addf %add3A_3005, %mul3A_3029 : vector<16xf32>
    %get3A_3031 = arith.constant 7600 : index
    %get3A_3032 = tpu.vector_load %arg9[%get3A_3031] {strides = array<i32>} : memref<8192xf32, #tpu.memory_space<vmem>>, vector<16xf32>,
    %get3A_3033 = vector.shape_cast %get3A_3032 : vector<16xf32> to vector<16xf32>
    %mul3A_3034 = arith.mulf %gather3A_3015, %get3A_3033 : vector<16xf32>
    %add3A_3035 = arith.addf %add3A_3010, %mul3A_3034 : vector<16xf32>
    %broadcast_in_dim3A_3036 = arith.constant 7 : i32
    %broadcast_in_dim3A_3037 = vector.broadcast %broadcast_in_dim3A_3036 : i32 to vector<16xi32>
    %broadcast_in_dim3A_3038 = vector.shape_cast %broadcast_in_dim3A_3037 : vector<16xi32> to vector<16x1xi32>
    %gather3A_3039 = vector.shape_cast %broadcast_in_dim3A_3038 : vector<16x1xi32> to vector<16xi32>
    %gather3A_3040 = tpu.dynamic_gather %max3A_2860[%gather3A_3039] in [0] : vector<16xf32>, vector<16xi32> -> vector<16xf32>
    %get3A_3041 = arith.constant 7616 : index
    %get3A_3042 = tpu.vector_load %arg9[%get3A_3041] {strides = array<i32>} : memref<8192xf32, #tpu.memory_space<vmem>>, vector<16xf32>,
    %get3A_3043 = vector.shape_cast %get3A_3042 : vector<16xf32> to vector<16xf32>
    %mul3A_3044 = arith.mulf %gather3A_3040, %get3A_3043 : vector<16xf32>
    %add3A_3045 = arith.addf %add3A_3020, %mul3A_3044 : vector<16xf32>
    %get3A_3046 = arith.constant 7632 : index
    %get3A_3047 = tpu.vector_load %arg9[%get3A_3046] {strides = array<i32>} : memref<8192xf32, #tpu.memory_space<vmem>>, vector<16xf32>,
    %get3A_3048 = vector.shape_cast %get3A_3047 : vector<16xf32> to vector<16xf32>
    %mul3A_3049 = arith.mulf %gather3A_3040, %get3A_3048 : vector<16xf32>
    %add3A_3050 = arith.addf %add3A_3025, %mul3A_3049 : vector<16xf32>
    %get3A_3051 = arith.constant 7648 : index
    %get3A_3052 = tpu.vector_load %arg9[%get3A_3051] {strides = array<i32>} : memref<8192xf32, #tpu.memory_space<vmem>>, vector<16xf32>,
    %get3A_3053 = vector.shape_cast %get3A_3052 : vector<16xf32> to vector<16xf32>
    %mul3A_3054 = arith.mulf %gather3A_3040, %get3A_3053 : vector<16xf32>
    %add3A_3055 = arith.addf %add3A_3030, %mul3A_3054 : vector<16xf32>
    %get3A_3056 = arith.constant 7664 : index
    %get3A_3057 = tpu.vector_load %arg9[%get3A_3056] {strides = array<i32>} : memref<8192xf32, #tpu.memory_space<vmem>>, vector<16xf32>,
    %get3A_3058 = vector.shape_cast %get3A_3057 : vector<16xf32> to vector<16xf32>
    %mul3A_3059 = arith.mulf %gather3A_3040, %get3A_3058 : vector<16xf32>
    %add3A_3060 = arith.addf %add3A_3035, %mul3A_3059 : vector<16xf32>
    %broadcast_in_dim3A_3061 = arith.constant 8 : i32
    %broadcast_in_dim3A_3062 = vector.broadcast %broadcast_in_dim3A_3061 : i32 to vector<16xi32>
    %broadcast_in_dim3A_3063 = vector.shape_cast %broadcast_in_dim3A_3062 : vector<16xi32> to vector<16x1xi32>
    %gather3A_3064 = vector.shape_cast %broadcast_in_dim3A_3063 : vector<16x1xi32> to vector<16xi32>
    %gather3A_3065 = tpu.dynamic_gather %max3A_2860[%gather3A_3064] in [0] : vector<16xf32>, vector<16xi32> -> vector<16xf32>
    %get3A_3066 = arith.constant 7680 : index
    %get3A_3067 = tpu.vector_load %arg9[%get3A_3066] {strides = array<i32>} : memref<8192xf32, #tpu.memory_space<vmem>>, vector<16xf32>,
    %get3A_3068 = vector.shape_cast %get3A_3067 : vector<16xf32> to vector<16xf32>
    %mul3A_3069 = arith.mulf %gather3A_3065, %get3A_3068 : vector<16xf32>
    %add3A_3070 = arith.addf %add3A_3045, %mul3A_3069 : vector<16xf32>
    %get3A_3071 = arith.constant 7696 : index
    %get3A_3072 = tpu.vector_load %arg9[%get3A_3071] {strides = array<i32>} : memref<8192xf32, #tpu.memory_space<vmem>>, vector<16xf32>,
    %get3A_3073 = vector.shape_cast %get3A_3072 : vector<16xf32> to vector<16xf32>
    %mul3A_3074 = arith.mulf %gather3A_3065, %get3A_3073 : vector<16xf32>
    %add3A_3075 = arith.addf %add3A_3050, %mul3A_3074 : vector<16xf32>
    %get3A_3076 = arith.constant 7712 : index
    %get3A_3077 = tpu.vector_load %arg9[%get3A_3076] {strides = array<i32>} : memref<8192xf32, #tpu.memory_space<vmem>>, vector<16xf32>,
    %get3A_3078 = vector.shape_cast %get3A_3077 : vector<16xf32> to vector<16xf32>
    %mul3A_3079 = arith.mulf %gather3A_3065, %get3A_3078 : vector<16xf32>
    %add3A_3080 = arith.addf %add3A_3055, %mul3A_3079 : vector<16xf32>
    %get3A_3081 = arith.constant 7728 : index
    %get3A_3082 = tpu.vector_load %arg9[%get3A_3081] {strides = array<i32>} : memref<8192xf32, #tpu.memory_space<vmem>>, vector<16xf32>,
    %get3A_3083 = vector.shape_cast %get3A_3082 : vector<16xf32> to vector<16xf32>
    %mul3A_3084 = arith.mulf %gather3A_3065, %get3A_3083 : vector<16xf32>
    %add3A_3085 = arith.addf %add3A_3060, %mul3A_3084 : vector<16xf32>
    %broadcast_in_dim3A_3086 = arith.constant 9 : i32
    %broadcast_in_dim3A_3087 = vector.broadcast %broadcast_in_dim3A_3086 : i32 to vector<16xi32>
    %broadcast_in_dim3A_3088 = vector.shape_cast %broadcast_in_dim3A_3087 : vector<16xi32> to vector<16x1xi32>
    %gather3A_3089 = vector.shape_cast %broadcast_in_dim3A_3088 : vector<16x1xi32> to vector<16xi32>
    %gather3A_3090 = tpu.dynamic_gather %max3A_2860[%gather3A_3089] in [0] : vector<16xf32>, vector<16xi32> -> vector<16xf32>
    %get3A_3091 = arith.constant 7744 : index
    %get3A_3092 = tpu.vector_load %arg9[%get3A_3091] {strides = array<i32>} : memref<8192xf32, #tpu.memory_space<vmem>>, vector<16xf32>,
    %get3A_3093 = vector.shape_cast %get3A_3092 : vector<16xf32> to vector<16xf32>
    %mul3A_3094 = arith.mulf %gather3A_3090, %get3A_3093 : vector<16xf32>
    %add3A_3095 = arith.addf %add3A_3070, %mul3A_3094 : vector<16xf32>
    %get3A_3096 = arith.constant 7760 : index
    %get3A_3097 = tpu.vector_load %arg9[%get3A_3096] {strides = array<i32>} : memref<8192xf32, #tpu.memory_space<vmem>>, vector<16xf32>,
    %get3A_3098 = vector.shape_cast %get3A_3097 : vector<16xf32> to vector<16xf32>
    %mul3A_3099 = arith.mulf %gather3A_3090, %get3A_3098 : vector<16xf32>
    %add3A_3100 = arith.addf %add3A_3075, %mul3A_3099 : vector<16xf32>
    %get3A_3101 = arith.constant 7776 : index
    %get3A_3102 = tpu.vector_load %arg9[%get3A_3101] {strides = array<i32>} : memref<8192xf32, #tpu.memory_space<vmem>>, vector<16xf32>,
    %get3A_3103 = vector.shape_cast %get3A_3102 : vector<16xf32> to vector<16xf32>
    %mul3A_3104 = arith.mulf %gather3A_3090, %get3A_3103 : vector<16xf32>
    %add3A_3105 = arith.addf %add3A_3080, %mul3A_3104 : vector<16xf32>
    %get3A_3106 = arith.constant 7792 : index
    %get3A_3107 = tpu.vector_load %arg9[%get3A_3106] {strides = array<i32>} : memref<8192xf32, #tpu.memory_space<vmem>>, vector<16xf32>,
    %get3A_3108 = vector.shape_cast %get3A_3107 : vector<16xf32> to vector<16xf32>
    %mul3A_3109 = arith.mulf %gather3A_3090, %get3A_3108 : vector<16xf32>
    %add3A_3110 = arith.addf %add3A_3085, %mul3A_3109 : vector<16xf32>
    %broadcast_in_dim3A_3111 = arith.constant 10 : i32
    %broadcast_in_dim3A_3112 = vector.broadcast %broadcast_in_dim3A_3111 : i32 to vector<16xi32>
    %broadcast_in_dim3A_3113 = vector.shape_cast %broadcast_in_dim3A_3112 : vector<16xi32> to vector<16x1xi32>
    %gather3A_3114 = vector.shape_cast %broadcast_in_dim3A_3113 : vector<16x1xi32> to vector<16xi32>
    %gather3A_3115 = tpu.dynamic_gather %max3A_2860[%gather3A_3114] in [0] : vector<16xf32>, vector<16xi32> -> vector<16xf32>
    %get3A_3116 = arith.constant 7808 : index
    %get3A_3117 = tpu.vector_load %arg9[%get3A_3116] {strides = array<i32>} : memref<8192xf32, #tpu.memory_space<vmem>>, vector<16xf32>,
    %get3A_3118 = vector.shape_cast %get3A_3117 : vector<16xf32> to vector<16xf32>
    %mul3A_3119 = arith.mulf %gather3A_3115, %get3A_3118 : vector<16xf32>
    %add3A_3120 = arith.addf %add3A_3095, %mul3A_3119 : vector<16xf32>
    %get3A_3121 = arith.constant 7824 : index
    %get3A_3122 = tpu.vector_load %arg9[%get3A_3121] {strides = array<i32>} : memref<8192xf32, #tpu.memory_space<vmem>>, vector<16xf32>,
    %get3A_3123 = vector.shape_cast %get3A_3122 : vector<16xf32> to vector<16xf32>
    %mul3A_3124 = arith.mulf %gather3A_3115, %get3A_3123 : vector<16xf32>
    %add3A_3125 = arith.addf %add3A_3100, %mul3A_3124 : vector<16xf32>
    %get3A_3126 = arith.constant 7840 : index
    %get3A_3127 = tpu.vector_load %arg9[%get3A_3126] {strides = array<i32>} : memref<8192xf32, #tpu.memory_space<vmem>>, vector<16xf32>,
    %get3A_3128 = vector.shape_cast %get3A_3127 : vector<16xf32> to vector<16xf32>
    %mul3A_3129 = arith.mulf %gather3A_3115, %get3A_3128 : vector<16xf32>
    %add3A_3130 = arith.addf %add3A_3105, %mul3A_3129 : vector<16xf32>
    %get3A_3131 = arith.constant 7856 : index
    %get3A_3132 = tpu.vector_load %arg9[%get3A_3131] {strides = array<i32>} : memref<8192xf32, #tpu.memory_space<vmem>>, vector<16xf32>,
    %get3A_3133 = vector.shape_cast %get3A_3132 : vector<16xf32> to vector<16xf32>
    %mul3A_3134 = arith.mulf %gather3A_3115, %get3A_3133 : vector<16xf32>
    %add3A_3135 = arith.addf %add3A_3110, %mul3A_3134 : vector<16xf32>
    %broadcast_in_dim3A_3136 = arith.constant 11 : i32
    %broadcast_in_dim3A_3137 = vector.broadcast %broadcast_in_dim3A_3136 : i32 to vector<16xi32>
    %broadcast_in_dim3A_3138 = vector.shape_cast %broadcast_in_dim3A_3137 : vector<16xi32> to vector<16x1xi32>
    %gather3A_3139 = vector.shape_cast %broadcast_in_dim3A_3138 : vector<16x1xi32> to vector<16xi32>
    %gather3A_3140 = tpu.dynamic_gather %max3A_2860[%gather3A_3139] in [0] : vector<16xf32>, vector<16xi32> -> vector<16xf32>
    %get3A_3141 = arith.constant 7872 : index
    %get3A_3142 = tpu.vector_load %arg9[%get3A_3141] {strides = array<i32>} : memref<8192xf32, #tpu.memory_space<vmem>>, vector<16xf32>,
    %get3A_3143 = vector.shape_cast %get3A_3142 : vector<16xf32> to vector<16xf32>
    %mul3A_3144 = arith.mulf %gather3A_3140, %get3A_3143 : vector<16xf32>
    %add3A_3145 = arith.addf %add3A_3120, %mul3A_3144 : vector<16xf32>
    %get3A_3146 = arith.constant 7888 : index
    %get3A_3147 = tpu.vector_load %arg9[%get3A_3146] {strides = array<i32>} : memref<8192xf32, #tpu.memory_space<vmem>>, vector<16xf32>,
    %get3A_3148 = vector.shape_cast %get3A_3147 : vector<16xf32> to vector<16xf32>
    %mul3A_3149 = arith.mulf %gather3A_3140, %get3A_3148 : vector<16xf32>
    %add3A_3150 = arith.addf %add3A_3125, %mul3A_3149 : vector<16xf32>
    %get3A_3151 = arith.constant 7904 : index
    %get3A_3152 = tpu.vector_load %arg9[%get3A_3151] {strides = array<i32>} : memref<8192xf32, #tpu.memory_space<vmem>>, vector<16xf32>,
    %get3A_3153 = vector.shape_cast %get3A_3152 : vector<16xf32> to vector<16xf32>
    %mul3A_3154 = arith.mulf %gather3A_3140, %get3A_3153 : vector<16xf32>
    %add3A_3155 = arith.addf %add3A_3130, %mul3A_3154 : vector<16xf32>
    %get3A_3156 = arith.constant 7920 : index
    %get3A_3157 = tpu.vector_load %arg9[%get3A_3156] {strides = array<i32>} : memref<8192xf32, #tpu.memory_space<vmem>>, vector<16xf32>,
    %get3A_3158 = vector.shape_cast %get3A_3157 : vector<16xf32> to vector<16xf32>
    %mul3A_3159 = arith.mulf %gather3A_3140, %get3A_3158 : vector<16xf32>
    %add3A_3160 = arith.addf %add3A_3135, %mul3A_3159 : vector<16xf32>
    %broadcast_in_dim3A_3161 = arith.constant 12 : i32
    %broadcast_in_dim3A_3162 = vector.broadcast %broadcast_in_dim3A_3161 : i32 to vector<16xi32>
    %broadcast_in_dim3A_3163 = vector.shape_cast %broadcast_in_dim3A_3162 : vector<16xi32> to vector<16x1xi32>
    %gather3A_3164 = vector.shape_cast %broadcast_in_dim3A_3163 : vector<16x1xi32> to vector<16xi32>
    %gather3A_3165 = tpu.dynamic_gather %max3A_2860[%gather3A_3164] in [0] : vector<16xf32>, vector<16xi32> -> vector<16xf32>
    %get3A_3166 = arith.constant 7936 : index
    %get3A_3167 = tpu.vector_load %arg9[%get3A_3166] {strides = array<i32>} : memref<8192xf32, #tpu.memory_space<vmem>>, vector<16xf32>,
    %get3A_3168 = vector.shape_cast %get3A_3167 : vector<16xf32> to vector<16xf32>
    %mul3A_3169 = arith.mulf %gather3A_3165, %get3A_3168 : vector<16xf32>
    %add3A_3170 = arith.addf %add3A_3145, %mul3A_3169 : vector<16xf32>
    %get3A_3171 = arith.constant 7952 : index
    %get3A_3172 = tpu.vector_load %arg9[%get3A_3171] {strides = array<i32>} : memref<8192xf32, #tpu.memory_space<vmem>>, vector<16xf32>,
    %get3A_3173 = vector.shape_cast %get3A_3172 : vector<16xf32> to vector<16xf32>
    %mul3A_3174 = arith.mulf %gather3A_3165, %get3A_3173 : vector<16xf32>
    %add3A_3175 = arith.addf %add3A_3150, %mul3A_3174 : vector<16xf32>
    %get3A_3176 = arith.constant 7968 : index
    %get3A_3177 = tpu.vector_load %arg9[%get3A_3176] {strides = array<i32>} : memref<8192xf32, #tpu.memory_space<vmem>>, vector<16xf32>,
    %get3A_3178 = vector.shape_cast %get3A_3177 : vector<16xf32> to vector<16xf32>
    %mul3A_3179 = arith.mulf %gather3A_3165, %get3A_3178 : vector<16xf32>
    %add3A_3180 = arith.addf %add3A_3155, %mul3A_3179 : vector<16xf32>
    %get3A_3181 = arith.constant 7984 : index
    %get3A_3182 = tpu.vector_load %arg9[%get3A_3181] {strides = array<i32>} : memref<8192xf32, #tpu.memory_space<vmem>>, vector<16xf32>,
    %get3A_3183 = vector.shape_cast %get3A_3182 : vector<16xf32> to vector<16xf32>
    %mul3A_3184 = arith.mulf %gather3A_3165, %get3A_3183 : vector<16xf32>
    %add3A_3185 = arith.addf %add3A_3160, %mul3A_3184 : vector<16xf32>
    %broadcast_in_dim3A_3186 = arith.constant 13 : i32
    %broadcast_in_dim3A_3187 = vector.broadcast %broadcast_in_dim3A_3186 : i32 to vector<16xi32>
    %broadcast_in_dim3A_3188 = vector.shape_cast %broadcast_in_dim3A_3187 : vector<16xi32> to vector<16x1xi32>
    %gather3A_3189 = vector.shape_cast %broadcast_in_dim3A_3188 : vector<16x1xi32> to vector<16xi32>
    %gather3A_3190 = tpu.dynamic_gather %max3A_2860[%gather3A_3189] in [0] : vector<16xf32>, vector<16xi32> -> vector<16xf32>
    %get3A_3191 = arith.constant 8000 : index
    %get3A_3192 = tpu.vector_load %arg9[%get3A_3191] {strides = array<i32>} : memref<8192xf32, #tpu.memory_space<vmem>>, vector<16xf32>,
    %get3A_3193 = vector.shape_cast %get3A_3192 : vector<16xf32> to vector<16xf32>
    %mul3A_3194 = arith.mulf %gather3A_3190, %get3A_3193 : vector<16xf32>
    %add3A_3195 = arith.addf %add3A_3170, %mul3A_3194 : vector<16xf32>
    %get3A_3196 = arith.constant 8016 : index
    %get3A_3197 = tpu.vector_load %arg9[%get3A_3196] {strides = array<i32>} : memref<8192xf32, #tpu.memory_space<vmem>>, vector<16xf32>,
    %get3A_3198 = vector.shape_cast %get3A_3197 : vector<16xf32> to vector<16xf32>
    %mul3A_3199 = arith.mulf %gather3A_3190, %get3A_3198 : vector<16xf32>
    %add3A_3200 = arith.addf %add3A_3175, %mul3A_3199 : vector<16xf32>
    %get3A_3201 = arith.constant 8032 : index
    %get3A_3202 = tpu.vector_load %arg9[%get3A_3201] {strides = array<i32>} : memref<8192xf32, #tpu.memory_space<vmem>>, vector<16xf32>,
    %get3A_3203 = vector.shape_cast %get3A_3202 : vector<16xf32> to vector<16xf32>
    %mul3A_3204 = arith.mulf %gather3A_3190, %get3A_3203 : vector<16xf32>
    %add3A_3205 = arith.addf %add3A_3180, %mul3A_3204 : vector<16xf32>
    %get3A_3206 = arith.constant 8048 : index
    %get3A_3207 = tpu.vector_load %arg9[%get3A_3206] {strides = array<i32>} : memref<8192xf32, #tpu.memory_space<vmem>>, vector<16xf32>,
    %get3A_3208 = vector.shape_cast %get3A_3207 : vector<16xf32> to vector<16xf32>
    %mul3A_3209 = arith.mulf %gather3A_3190, %get3A_3208 : vector<16xf32>
    %add3A_3210 = arith.addf %add3A_3185, %mul3A_3209 : vector<16xf32>
    %broadcast_in_dim3A_3211 = arith.constant 14 : i32
    %broadcast_in_dim3A_3212 = vector.broadcast %broadcast_in_dim3A_3211 : i32 to vector<16xi32>
    %broadcast_in_dim3A_3213 = vector.shape_cast %broadcast_in_dim3A_3212 : vector<16xi32> to vector<16x1xi32>
    %gather3A_3214 = vector.shape_cast %broadcast_in_dim3A_3213 : vector<16x1xi32> to vector<16xi32>
    %gather3A_3215 = tpu.dynamic_gather %max3A_2860[%gather3A_3214] in [0] : vector<16xf32>, vector<16xi32> -> vector<16xf32>
    %get3A_3216 = arith.constant 8064 : index
    %get3A_3217 = tpu.vector_load %arg9[%get3A_3216] {strides = array<i32>} : memref<8192xf32, #tpu.memory_space<vmem>>, vector<16xf32>,
    %get3A_3218 = vector.shape_cast %get3A_3217 : vector<16xf32> to vector<16xf32>
    %mul3A_3219 = arith.mulf %gather3A_3215, %get3A_3218 : vector<16xf32>
    %add3A_3220 = arith.addf %add3A_3195, %mul3A_3219 : vector<16xf32>
    %get3A_3221 = arith.constant 8080 : index
    %get3A_3222 = tpu.vector_load %arg9[%get3A_3221] {strides = array<i32>} : memref<8192xf32, #tpu.memory_space<vmem>>, vector<16xf32>,
    %get3A_3223 = vector.shape_cast %get3A_3222 : vector<16xf32> to vector<16xf32>
    %mul3A_3224 = arith.mulf %gather3A_3215, %get3A_3223 : vector<16xf32>
    %add3A_3225 = arith.addf %add3A_3200, %mul3A_3224 : vector<16xf32>
    %get3A_3226 = arith.constant 8096 : index
    %get3A_3227 = tpu.vector_load %arg9[%get3A_3226] {strides = array<i32>} : memref<8192xf32, #tpu.memory_space<vmem>>, vector<16xf32>,
    %get3A_3228 = vector.shape_cast %get3A_3227 : vector<16xf32> to vector<16xf32>
    %mul3A_3229 = arith.mulf %gather3A_3215, %get3A_3228 : vector<16xf32>
    %add3A_3230 = arith.addf %add3A_3205, %mul3A_3229 : vector<16xf32>
    %get3A_3231 = arith.constant 8112 : index
    %get3A_3232 = tpu.vector_load %arg9[%get3A_3231] {strides = array<i32>} : memref<8192xf32, #tpu.memory_space<vmem>>, vector<16xf32>,
    %get3A_3233 = vector.shape_cast %get3A_3232 : vector<16xf32> to vector<16xf32>
    %mul3A_3234 = arith.mulf %gather3A_3215, %get3A_3233 : vector<16xf32>
    %add3A_3235 = arith.addf %add3A_3210, %mul3A_3234 : vector<16xf32>
    %broadcast_in_dim3A_3236 = arith.constant 15 : i32
    %broadcast_in_dim3A_3237 = vector.broadcast %broadcast_in_dim3A_3236 : i32 to vector<16xi32>
    %broadcast_in_dim3A_3238 = vector.shape_cast %broadcast_in_dim3A_3237 : vector<16xi32> to vector<16x1xi32>
    %gather3A_3239 = vector.shape_cast %broadcast_in_dim3A_3238 : vector<16x1xi32> to vector<16xi32>
    %gather3A_3240 = tpu.dynamic_gather %max3A_2860[%gather3A_3239] in [0] : vector<16xf32>, vector<16xi32> -> vector<16xf32>
    %get3A_3241 = arith.constant 8128 : index
    %get3A_3242 = tpu.vector_load %arg9[%get3A_3241] {strides = array<i32>} : memref<8192xf32, #tpu.memory_space<vmem>>, vector<16xf32>,
    %get3A_3243 = vector.shape_cast %get3A_3242 : vector<16xf32> to vector<16xf32>
    %mul3A_3244 = arith.mulf %gather3A_3240, %get3A_3243 : vector<16xf32>
    %add3A_3245 = arith.addf %add3A_3220, %mul3A_3244 : vector<16xf32>
    %get3A_3246 = arith.constant 8144 : index
    %get3A_3247 = tpu.vector_load %arg9[%get3A_3246] {strides = array<i32>} : memref<8192xf32, #tpu.memory_space<vmem>>, vector<16xf32>,
    %get3A_3248 = vector.shape_cast %get3A_3247 : vector<16xf32> to vector<16xf32>
    %mul3A_3249 = arith.mulf %gather3A_3240, %get3A_3248 : vector<16xf32>
    %add3A_3250 = arith.addf %add3A_3225, %mul3A_3249 : vector<16xf32>
    %get3A_3251 = arith.constant 8160 : index
    %get3A_3252 = tpu.vector_load %arg9[%get3A_3251] {strides = array<i32>} : memref<8192xf32, #tpu.memory_space<vmem>>, vector<16xf32>,
    %get3A_3253 = vector.shape_cast %get3A_3252 : vector<16xf32> to vector<16xf32>
    %mul3A_3254 = arith.mulf %gather3A_3240, %get3A_3253 : vector<16xf32>
    %add3A_3255 = arith.addf %add3A_3230, %mul3A_3254 : vector<16xf32>
    %get3A_3256 = arith.constant 8176 : index
    %get3A_3257 = tpu.vector_load %arg9[%get3A_3256] {strides = array<i32>} : memref<8192xf32, #tpu.memory_space<vmem>>, vector<16xf32>,
    %get3A_3258 = vector.shape_cast %get3A_3257 : vector<16xf32> to vector<16xf32>
    %mul3A_3259 = arith.mulf %gather3A_3240, %get3A_3258 : vector<16xf32>
    %add3A_3260 = arith.addf %add3A_3235, %mul3A_3259 : vector<16xf32>
    %get3A_3261 = arith.constant 64 : index
    %get3A_3262 = tpu.vector_load %arg10[%get3A_3261] {strides = array<i32>} : memref<80xf32, #tpu.memory_space<vmem>>, vector<16xf32>,
    %get3A_3263 = vector.shape_cast %get3A_3262 : vector<16xf32> to vector<16xf32>
    %slice3A = vector.extract_strided_slice %get3A_3263 {offsets = [0], sizes = [1], strides = [1]} : vector<16xf32> to vector<1xf32>
    %squeeze3A = vector.extract %slice3A[0] : f32 from vector<1xf32>
    %convert_element_type3A = arith.fptosi %squeeze3A : f32 to i32
    %slice3A_3264 = vector.extract_strided_slice %get3A_3263 {offsets = [1], sizes = [1], strides = [1]} : vector<16xf32> to vector<1xf32>
    %squeeze3A_3265 = vector.extract %slice3A_3264[0] : f32 from vector<1xf32>
    %convert_element_type3A_3266 = arith.fptosi %squeeze3A_3265 : f32 to i32
    %mul3A_3267 = arith.constant 64 : i32
    %mul3A_3268 = arith.muli %add3A, %mul3A_3267 : i32
    %sub3A = arith.subi %convert_element_type3A, %mul3A_3268 : i32
    %jit3A = arith.constant 0 : i32
    %jit3A_3269 = arith.constant 64 : i32
    %max3A_3270 = arith.maxsi %jit3A, %sub3A : i32
    %min3A = arith.minsi %jit3A_3269, %max3A_3270 : i32
    %sub3A_3271 = arith.subi %convert_element_type3A_3266, %mul3A_3268 : i32
    %jit3A_3272 = arith.constant 0 : i32
    %jit3A_3273 = arith.constant 64 : i32
    %max3A_3274 = arith.maxsi %jit3A_3272, %sub3A_3271 : i32
    %min3A_3275 = arith.minsi %jit3A_3273, %max3A_3274 : i32
    %while3A = arith.subi %min3A_3275, %min3A : i32
    %while3A_3276 = arith.addi %min3A, %while3A : i32
    %while3A_3277 = arith.constant 1 : i32
    %while3A_3278 = arith.divsi %while3A, %while3A_3277 : i32
    %while3A_3279 = arith.muli %while3A_3278, %while3A_3277 : i32
    %while3A_3280 = arith.addi %min3A, %while3A_3279 : i32
    %while3A_3281 = arith.constant 1 : i32
    %while3A_3282:8 = scf.for %while3A_3298 = %min3A to %while3A_3280 step %while3A_3281 iter_args(%while3A_3299 = %broadcast_in_dim3A_3, %while3A_3300 = %broadcast_in_dim3A_3, %while3A_3301 = %broadcast_in_dim3A_3, %while3A_3302 = %broadcast_in_dim3A_3, %while3A_3303 = %broadcast_in_dim3A_3, %while3A_3304 = %broadcast_in_dim3A_3, %while3A_3305 = %broadcast_in_dim3A_3, %while3A_3306 = %broadcast_in_dim3A_3) -> (vector<16xf32>, vector<16xf32>, vector<16xf32>, vector<16xf32>, vector<16xf32>, vector<16xf32>, vector<16xf32>, vector<16xf32>)  : i32 {
      %mul3A_3307 = arith.constant 64 : i32
      %mul3A_3308 = arith.muli %while3A_3298, %mul3A_3307 : i32
      %add3A_3309 = arith.constant 0 : i32
      %add3A_3310 = arith.addi %mul3A_3308, %add3A_3309 : i32
      %get3A_3311 = arith.index_cast %add3A_3310 : i32 to index
      %get3A_3312 = tpu.vector_load %arg6[%get3A_3311] {strides = array<i32>} : memref<4096xf32, #tpu.memory_space<vmem>>, vector<16xf32>,
      %get3A_3313 = vector.shape_cast %get3A_3312 : vector<16xf32> to vector<16xf32>
      %add3A_3314 = arith.constant 0 : i32
      %add3A_3315 = arith.addi %mul3A_3308, %add3A_3314 : i32
      %get3A_3316 = arith.index_cast %add3A_3315 : i32 to index
      %get3A_3317 = tpu.vector_load %arg7[%get3A_3316] {strides = array<i32>} : memref<4096xf32, #tpu.memory_space<vmem>>, vector<16xf32>,
      %get3A_3318 = vector.shape_cast %get3A_3317 : vector<16xf32> to vector<16xf32>
      %sub3A_3319 = arith.subf %get3A_3313, %add3A_3245 : vector<16xf32>
      %abs3A = math.absf %sub3A_3319 : vector<16xf32>
      %mul3A_3320 = arith.mulf %abs3A, %get3A_3318 : vector<16xf32>
      %add3A_3321 = arith.addf %while3A_3299, %mul3A_3320 : vector<16xf32>
      %add3A_3322 = arith.addf %while3A_3303, %get3A_3318 : vector<16xf32>
      %add3A_3323 = arith.constant 16 : i32
      %add3A_3324 = arith.addi %mul3A_3308, %add3A_3323 : i32
      %get3A_3325 = arith.index_cast %add3A_3324 : i32 to index
      %get3A_3326 = tpu.vector_load %arg6[%get3A_3325] {strides = array<i32>} : memref<4096xf32, #tpu.memory_space<vmem>>, vector<16xf32>,
      %get3A_3327 = vector.shape_cast %get3A_3326 : vector<16xf32> to vector<16xf32>
      %add3A_3328 = arith.constant 16 : i32
      %add3A_3329 = arith.addi %mul3A_3308, %add3A_3328 : i32
      %get3A_3330 = arith.index_cast %add3A_3329 : i32 to index
      %get3A_3331 = tpu.vector_load %arg7[%get3A_3330] {strides = array<i32>} : memref<4096xf32, #tpu.memory_space<vmem>>, vector<16xf32>,
      %get3A_3332 = vector.shape_cast %get3A_3331 : vector<16xf32> to vector<16xf32>
      %sub3A_3333 = arith.subf %get3A_3327, %add3A_3250 : vector<16xf32>
      %abs3A_3334 = math.absf %sub3A_3333 : vector<16xf32>
      %mul3A_3335 = arith.mulf %abs3A_3334, %get3A_3332 : vector<16xf32>
      %add3A_3336 = arith.addf %while3A_3300, %mul3A_3335 : vector<16xf32>
      %add3A_3337 = arith.addf %while3A_3304, %get3A_3332 : vector<16xf32>
      %add3A_3338 = arith.constant 32 : i32
      %add3A_3339 = arith.addi %mul3A_3308, %add3A_3338 : i32
      %get3A_3340 = arith.index_cast %add3A_3339 : i32 to index
      %get3A_3341 = tpu.vector_load %arg6[%get3A_3340] {strides = array<i32>} : memref<4096xf32, #tpu.memory_space<vmem>>, vector<16xf32>,
      %get3A_3342 = vector.shape_cast %get3A_3341 : vector<16xf32> to vector<16xf32>
      %add3A_3343 = arith.constant 32 : i32
      %add3A_3344 = arith.addi %mul3A_3308, %add3A_3343 : i32
      %get3A_3345 = arith.index_cast %add3A_3344 : i32 to index
      %get3A_3346 = tpu.vector_load %arg7[%get3A_3345] {strides = array<i32>} : memref<4096xf32, #tpu.memory_space<vmem>>, vector<16xf32>,
      %get3A_3347 = vector.shape_cast %get3A_3346 : vector<16xf32> to vector<16xf32>
      %sub3A_3348 = arith.subf %get3A_3342, %add3A_3255 : vector<16xf32>
      %abs3A_3349 = math.absf %sub3A_3348 : vector<16xf32>
      %mul3A_3350 = arith.mulf %abs3A_3349, %get3A_3347 : vector<16xf32>
      %add3A_3351 = arith.addf %while3A_3301, %mul3A_3350 : vector<16xf32>
      %add3A_3352 = arith.addf %while3A_3305, %get3A_3347 : vector<16xf32>
      %add3A_3353 = arith.constant 48 : i32
      %add3A_3354 = arith.addi %mul3A_3308, %add3A_3353 : i32
      %get3A_3355 = arith.index_cast %add3A_3354 : i32 to index
      %get3A_3356 = tpu.vector_load %arg6[%get3A_3355] {strides = array<i32>} : memref<4096xf32, #tpu.memory_space<vmem>>, vector<16xf32>,
      %get3A_3357 = vector.shape_cast %get3A_3356 : vector<16xf32> to vector<16xf32>
      %add3A_3358 = arith.constant 48 : i32
      %add3A_3359 = arith.addi %mul3A_3308, %add3A_3358 : i32
      %get3A_3360 = arith.index_cast %add3A_3359 : i32 to index
      %get3A_3361 = tpu.vector_load %arg7[%get3A_3360] {strides = array<i32>} : memref<4096xf32, #tpu.memory_space<vmem>>, vector<16xf32>,
      %get3A_3362 = vector.shape_cast %get3A_3361 : vector<16xf32> to vector<16xf32>
      %sub3A_3363 = arith.subf %get3A_3357, %add3A_3260 : vector<16xf32>
      %abs3A_3364 = math.absf %sub3A_3363 : vector<16xf32>
      %mul3A_3365 = arith.mulf %abs3A_3364, %get3A_3362 : vector<16xf32>
      %add3A_3366 = arith.addf %while3A_3302, %mul3A_3365 : vector<16xf32>
      %add3A_3367 = arith.addf %while3A_3306, %get3A_3362 : vector<16xf32>
      scf.yield %add3A_3321, %add3A_3336, %add3A_3351, %add3A_3366, %add3A_3322, %add3A_3337, %add3A_3352, %add3A_3367 : vector<16xf32>, vector<16xf32>, vector<16xf32>, vector<16xf32>, vector<16xf32>, vector<16xf32>, vector<16xf32>, vector<16xf32>
    }
    %while3A_3283 = arith.constant 1 : i32
    %while3A_3284:8 = scf.for %while3A_3298 = %while3A_3280 to %while3A_3276 step %while3A_3283 iter_args(%while3A_3299 = %while3A_3282#0, %while3A_3300 = %while3A_3282#1, %while3A_3301 = %while3A_3282#2, %while3A_3302 = %while3A_3282#3, %while3A_3303 = %while3A_3282#4, %while3A_3304 = %while3A_3282#5, %while3A_3305 = %while3A_3282#6, %while3A_3306 = %while3A_3282#7) -> (vector<16xf32>, vector<16xf32>, vector<16xf32>, vector<16xf32>, vector<16xf32>, vector<16xf32>, vector<16xf32>, vector<16xf32>)  : i32 {
      %mul3A_3307 = arith.constant 64 : i32
      %mul3A_3308 = arith.muli %while3A_3298, %mul3A_3307 : i32
      %add3A_3309 = arith.constant 0 : i32
      %add3A_3310 = arith.addi %mul3A_3308, %add3A_3309 : i32
      %get3A_3311 = arith.index_cast %add3A_3310 : i32 to index
      %get3A_3312 = tpu.vector_load %arg6[%get3A_3311] {strides = array<i32>} : memref<4096xf32, #tpu.memory_space<vmem>>, vector<16xf32>,
      %get3A_3313 = vector.shape_cast %get3A_3312 : vector<16xf32> to vector<16xf32>
      %add3A_3314 = arith.constant 0 : i32
      %add3A_3315 = arith.addi %mul3A_3308, %add3A_3314 : i32
      %get3A_3316 = arith.index_cast %add3A_3315 : i32 to index
      %get3A_3317 = tpu.vector_load %arg7[%get3A_3316] {strides = array<i32>} : memref<4096xf32, #tpu.memory_space<vmem>>, vector<16xf32>,
      %get3A_3318 = vector.shape_cast %get3A_3317 : vector<16xf32> to vector<16xf32>
      %sub3A_3319 = arith.subf %get3A_3313, %add3A_3245 : vector<16xf32>
      %abs3A = math.absf %sub3A_3319 : vector<16xf32>
      %mul3A_3320 = arith.mulf %abs3A, %get3A_3318 : vector<16xf32>
      %add3A_3321 = arith.addf %while3A_3299, %mul3A_3320 : vector<16xf32>
      %add3A_3322 = arith.addf %while3A_3303, %get3A_3318 : vector<16xf32>
      %add3A_3323 = arith.constant 16 : i32
      %add3A_3324 = arith.addi %mul3A_3308, %add3A_3323 : i32
      %get3A_3325 = arith.index_cast %add3A_3324 : i32 to index
      %get3A_3326 = tpu.vector_load %arg6[%get3A_3325] {strides = array<i32>} : memref<4096xf32, #tpu.memory_space<vmem>>, vector<16xf32>,
      %get3A_3327 = vector.shape_cast %get3A_3326 : vector<16xf32> to vector<16xf32>
      %add3A_3328 = arith.constant 16 : i32
      %add3A_3329 = arith.addi %mul3A_3308, %add3A_3328 : i32
      %get3A_3330 = arith.index_cast %add3A_3329 : i32 to index
      %get3A_3331 = tpu.vector_load %arg7[%get3A_3330] {strides = array<i32>} : memref<4096xf32, #tpu.memory_space<vmem>>, vector<16xf32>,
      %get3A_3332 = vector.shape_cast %get3A_3331 : vector<16xf32> to vector<16xf32>
      %sub3A_3333 = arith.subf %get3A_3327, %add3A_3250 : vector<16xf32>
      %abs3A_3334 = math.absf %sub3A_3333 : vector<16xf32>
      %mul3A_3335 = arith.mulf %abs3A_3334, %get3A_3332 : vector<16xf32>
      %add3A_3336 = arith.addf %while3A_3300, %mul3A_3335 : vector<16xf32>
      %add3A_3337 = arith.addf %while3A_3304, %get3A_3332 : vector<16xf32>
      %add3A_3338 = arith.constant 32 : i32
      %add3A_3339 = arith.addi %mul3A_3308, %add3A_3338 : i32
      %get3A_3340 = arith.index_cast %add3A_3339 : i32 to index
      %get3A_3341 = tpu.vector_load %arg6[%get3A_3340] {strides = array<i32>} : memref<4096xf32, #tpu.memory_space<vmem>>, vector<16xf32>,
      %get3A_3342 = vector.shape_cast %get3A_3341 : vector<16xf32> to vector<16xf32>
      %add3A_3343 = arith.constant 32 : i32
      %add3A_3344 = arith.addi %mul3A_3308, %add3A_3343 : i32
      %get3A_3345 = arith.index_cast %add3A_3344 : i32 to index
      %get3A_3346 = tpu.vector_load %arg7[%get3A_3345] {strides = array<i32>} : memref<4096xf32, #tpu.memory_space<vmem>>, vector<16xf32>,
      %get3A_3347 = vector.shape_cast %get3A_3346 : vector<16xf32> to vector<16xf32>
      %sub3A_3348 = arith.subf %get3A_3342, %add3A_3255 : vector<16xf32>
      %abs3A_3349 = math.absf %sub3A_3348 : vector<16xf32>
      %mul3A_3350 = arith.mulf %abs3A_3349, %get3A_3347 : vector<16xf32>
      %add3A_3351 = arith.addf %while3A_3301, %mul3A_3350 : vector<16xf32>
      %add3A_3352 = arith.addf %while3A_3305, %get3A_3347 : vector<16xf32>
      %add3A_3353 = arith.constant 48 : i32
      %add3A_3354 = arith.addi %mul3A_3308, %add3A_3353 : i32
      %get3A_3355 = arith.index_cast %add3A_3354 : i32 to index
      %get3A_3356 = tpu.vector_load %arg6[%get3A_3355] {strides = array<i32>} : memref<4096xf32, #tpu.memory_space<vmem>>, vector<16xf32>,
      %get3A_3357 = vector.shape_cast %get3A_3356 : vector<16xf32> to vector<16xf32>
      %add3A_3358 = arith.constant 48 : i32
      %add3A_3359 = arith.addi %mul3A_3308, %add3A_3358 : i32
      %get3A_3360 = arith.index_cast %add3A_3359 : i32 to index
      %get3A_3361 = tpu.vector_load %arg7[%get3A_3360] {strides = array<i32>} : memref<4096xf32, #tpu.memory_space<vmem>>, vector<16xf32>,
      %get3A_3362 = vector.shape_cast %get3A_3361 : vector<16xf32> to vector<16xf32>
      %sub3A_3363 = arith.subf %get3A_3357, %add3A_3260 : vector<16xf32>
      %abs3A_3364 = math.absf %sub3A_3363 : vector<16xf32>
      %mul3A_3365 = arith.mulf %abs3A_3364, %get3A_3362 : vector<16xf32>
      %add3A_3366 = arith.addf %while3A_3302, %mul3A_3365 : vector<16xf32>
      %add3A_3367 = arith.addf %while3A_3306, %get3A_3362 : vector<16xf32>
      scf.yield %add3A_3321, %add3A_3336, %add3A_3351, %add3A_3366, %add3A_3322, %add3A_3337, %add3A_3352, %add3A_3367 : vector<16xf32>, vector<16xf32>, vector<16xf32>, vector<16xf32>, vector<16xf32>, vector<16xf32>, vector<16xf32>, vector<16xf32>
    }
    %add3A_3285 = arith.addf %while3A_3284#0, %while3A_3284#1 : vector<16xf32>
    %add3A_3286 = arith.addf %add3A_3285, %while3A_3284#2 : vector<16xf32>
    %add3A_3287 = arith.addf %add3A_3286, %while3A_3284#3 : vector<16xf32>
    %swap3A = arith.constant 0 : index
    %swap3A_3288 = tpu.vector_load %arg11[%swap3A] {strides = array<i32>} : memref<32xf32, #tpu.memory_space<vmem>>, vector<16xf32>,
    %swap3A_3289 = vector.shape_cast %swap3A_3288 : vector<16xf32> to vector<16xf32>
    %swap3A_3290 = vector.shape_cast %add3A_3287 : vector<16xf32> to vector<16xf32>
    tpu.vector_store %arg11[%swap3A], %swap3A_3290 {strides = array<i32>} : memref<32xf32, #tpu.memory_space<vmem>>, vector<16xf32>,
    %add3A_3291 = arith.addf %while3A_3284#4, %while3A_3284#5 : vector<16xf32>
    %add3A_3292 = arith.addf %add3A_3291, %while3A_3284#6 : vector<16xf32>
    %add3A_3293 = arith.addf %add3A_3292, %while3A_3284#7 : vector<16xf32>
    %swap3A_3294 = arith.constant 16 : index
    %swap3A_3295 = tpu.vector_load %arg11[%swap3A_3294] {strides = array<i32>} : memref<32xf32, #tpu.memory_space<vmem>>, vector<16xf32>,
    %swap3A_3296 = vector.shape_cast %swap3A_3295 : vector<16xf32> to vector<16xf32>
    %swap3A_3297 = vector.shape_cast %add3A_3293 : vector<16xf32> to vector<16xf32>
    tpu.vector_store %arg11[%swap3A_3294], %swap3A_3297 {strides = array<i32>} : memref<32xf32, #tpu.memory_space<vmem>>, vector<16xf32>,
    "tpu.region"() ({
      %run_scoped3A = tpu.sem_alloc : memref<!tpu.dma_semaphore, #tpu.memory_space<semaphore_mem>>
      %dma_start3A = arith.constant 0 : i32
      %dma_start3A_3298 = tpu.memref_slice %arg5[%add3A, %dma_start3A] : memref<32x32xf32, #tpu.memory_space<hbm>> -> memref<1x32xf32, #tpu.memory_space<hbm>>
      %dma_start3A_3299 = tpu.memref_squeeze %dma_start3A_3298 : memref<1x32xf32, #tpu.memory_space<hbm>> -> memref<32xf32, #tpu.memory_space<hbm>>
      %dma_start3A_3300 = arith.constant 0 : i32
      %dma_start3A_3301 = tpu.memref_slice %arg5[%add3A, %dma_start3A_3300] : memref<32x32xf32, #tpu.memory_space<hbm>> -> memref<1x32xf32, #tpu.memory_space<hbm>>
      %dma_start3A_3302 = tpu.memref_squeeze %dma_start3A_3301 : memref<1x32xf32, #tpu.memory_space<hbm>> -> memref<32xf32, #tpu.memory_space<hbm>>
      tpu.enqueue_dma source(%arg11 : memref<32xf32, #tpu.memory_space<vmem>>) target(%dma_start3A_3302 : memref<32xf32, #tpu.memory_space<hbm>>) target_semaphore(%run_scoped3A : memref<!tpu.dma_semaphore, #tpu.memory_space<semaphore_mem>>)
      %dma_wait3A = arith.constant 0 : i32
      %dma_wait3A_3303 = tpu.memref_slice %arg5[%add3A, %dma_wait3A] : memref<32x32xf32, #tpu.memory_space<hbm>> -> memref<1x32xf32, #tpu.memory_space<hbm>>
      %dma_wait3A_3304 = tpu.memref_squeeze %dma_wait3A_3303 : memref<1x32xf32, #tpu.memory_space<hbm>> -> memref<32xf32, #tpu.memory_space<hbm>>
      %dma_wait3A_3305 = arith.constant 0 : i32
      %dma_wait3A_3306 = tpu.memref_slice %arg5[%add3A, %dma_wait3A_3305] : memref<32x32xf32, #tpu.memory_space<hbm>> -> memref<1x32xf32, #tpu.memory_space<hbm>>
      %dma_wait3A_3307 = tpu.memref_squeeze %dma_wait3A_3306 : memref<1x32xf32, #tpu.memory_space<hbm>> -> memref<32xf32, #tpu.memory_space<hbm>>
      tpu.wait_dma2 semaphore(%run_scoped3A : memref<!tpu.dma_semaphore, #tpu.memory_space<semaphore_mem>>) src(%arg11 : memref<32xf32, #tpu.memory_space<vmem>>) dst(%dma_wait3A_3307 : memref<32xf32, #tpu.memory_space<hbm>>)
      tpu.yield
    }) : () -> ()
    return
  }
}

module attributes {stable_mosaic.version = 14 : i64} {
  func.func @_fin_body(%arg0: memref<32x32xf32, #tpu.memory_space<vmem>>, %arg1: memref<1x1xf32, #tpu.memory_space<vmem>>, %arg2: memref<1x1xf32, #tpu.memory_space<vmem>>) attributes {dimension_semantics = [], scalar_prefetch = 0 : i64, scratch_operands = 0 : i64, tpu.core_type = #tpu.core_type<tc>} {
    %get3A = arith.constant 0 : index
    %get3A_0 = arith.constant 0 : index
    %get3A_1 = vector.load %arg0[%get3A, %get3A_0] : memref<32x32xf32, #tpu.memory_space<vmem>>, vector<32x16xf32>
    %reduce_sum3A = vector.shape_cast %get3A_1 : vector<32x16xf32> to vector<1x32x16xf32>
    %reduce_sum3A_2 = arith.constant dense<0.000000e+00> : vector<1xf32>
    %reduce_sum3A_3 = vector.multi_reduction <add>, %reduce_sum3A, %reduce_sum3A_2 [1, 2] : vector<1x32x16xf32> to vector<1xf32>
    %reduce_sum3A_4 = vector.shape_cast %reduce_sum3A_3 : vector<1xf32> to vector<1x1x1xf32>
    %reduce_sum3A_5 = vector.extract %reduce_sum3A_4[0, 0, 0] : f32 from vector<1x1x1xf32>
    %get3A_6 = arith.constant 0 : index
    %get3A_7 = arith.constant 16 : index
    %get3A_8 = vector.load %arg0[%get3A_6, %get3A_7] : memref<32x32xf32, #tpu.memory_space<vmem>>, vector<32x16xf32>
    %reduce_sum3A_9 = vector.shape_cast %get3A_8 : vector<32x16xf32> to vector<1x32x16xf32>
    %reduce_sum3A_10 = arith.constant dense<0.000000e+00> : vector<1xf32>
    %reduce_sum3A_11 = vector.multi_reduction <add>, %reduce_sum3A_9, %reduce_sum3A_10 [1, 2] : vector<1x32x16xf32> to vector<1xf32>
    %reduce_sum3A_12 = vector.shape_cast %reduce_sum3A_11 : vector<1xf32> to vector<1x1x1xf32>
    %reduce_sum3A_13 = vector.extract %reduce_sum3A_12[0, 0, 0] : f32 from vector<1x1x1xf32>
    %broadcast_in_dim3A = vector.broadcast %reduce_sum3A_5 : f32 to vector<1x1xf32>
    %swap3A = arith.constant 0 : index
    %swap3A_14 = arith.constant 0 : index
    %swap3A_15 = vector.load %arg1[%swap3A, %swap3A_14] : memref<1x1xf32, #tpu.memory_space<vmem>>, vector<1x1xf32>
    tpu.vector_store %arg1[%swap3A, %swap3A_14], %broadcast_in_dim3A {strides = array<i32>} : memref<1x1xf32, #tpu.memory_space<vmem>>, vector<1x1xf32>,
    %div3A = arith.divf %reduce_sum3A_5, %reduce_sum3A_13 : f32
    %broadcast_in_dim3A_16 = vector.broadcast %div3A : f32 to vector<1x1xf32>
    %swap3A_17 = arith.constant 0 : index
    %swap3A_18 = arith.constant 0 : index
    %swap3A_19 = vector.load %arg2[%swap3A_17, %swap3A_18] : memref<1x1xf32, #tpu.memory_space<vmem>>, vector<1x1xf32>
    tpu.vector_store %arg2[%swap3A_17, %swap3A_18], %broadcast_in_dim3A_16 {strides = array<i32>} : memref<1x1xf32, #tpu.memory_space<vmem>>, vector<1x1xf32>,
    return
  }
}

</mosaic_0001>

<sc_bundles>
// kernel: kernel.4.cloned.1.call-start
scs
__scs_entry_jumppad:
0x0: {  	(pc) =	sbr.rel $0x88, $3  }
0x1: {  	(tag) =	ssettag $0x0;
	lr =	simm.s32 $0x1  }
0x2: {  	[smem:$0x3F9B] =	sst lr;
	_ =	strace $0xD0000000  }
0x3: {  	_ = 	snop  }
0x4: {  	_ = 	snop  }
0x5: {  	_ = 	snop  }
0x6: {  	_ = 	snop  }
0x7: {  	_ = 	snop  }
__scs_overlays_trampoline_lowered:
0x8: {  	[smem:$0x3FAA] =	sst s0  }
0x9: {  	[smem:$0x3FAB] =	sst s1  }
0xa: {  	[smem:$0x3FAC] =	sst s2  }
0xb: {  	[smem:$0x3FAD] =	sst s3  }
0xc: {  	[smem:$0x3FAE] =	sst s4  }
0xd: {  	[smem:$0x3FAF] =	sst s5  }
0xe: {  	[smem:$0x3FB0] =	sst s6  }
0xf: {  	[smem:$0x3FB1] =	sst s7  }
0x10: {  	[smem:$0x3FB2] =	sst s8  }
0x11: {  	[smem:$0x3FB3] =	sst s9;
	s0 =	simm.s32 @!p0 $0x0  }
0x12: {  	s1 =	sld [smem:$0x3F99];
	s0 =	simm.s32 @p0 $0x1  }
0x13: {  	[smem:$0x3FB4] =	sst s0;
	s0 =	simm.s32 @!p1 $0x0  }
0x14: {  	s2 =	sld [smem:$0x3F98];
	s0 =	simm.s32 @p1 $0x1  }
0x15: {  	[smem:$0x3FB5] =	sst s0;
	s0 =	simm.s32 @!p2 $0x0  }
0x16: {  	s3 =	sld [smem:$0x3FDB];
	s0 =	simm.s32 @p2 $0x1  }
0x17: {  	s4 =	simm.s32 $0x1BF5;
	[smem:$0x3FB7] =	sst s0  }
0x18: {  	s0 =	sld [smem:$0x3F9A];
	_ =	swait.ge [sflag:s4], $0x0  }
0x19: {  	s7 =	sld [smem:$0x3F9B]  }
0x1a: {  	s8 =	sadd.s32 $0xFFFFE003, lr  }
0x1b: {  	s9 =	sadd.s32 $0xFFFFFEF7, lr;
	s5 =	simm.s32 $0xFFFFFFFF;
	p2 =	slt.u32 s8, $0xFFFFF086  }
0x1c: {  	p1 =	slt.u32 s9, $0xF7A;
	s5 =	simm.s32 @!p2 $0x0  }
0x1d: {  	s5 =	simm.s32 @p1 $0x1;
	p0 =	seq.s32 s7, s2  }
0x1e: {  	s7 =	smul.u32 @!p0 $0xF7A, s2;
	p2 =	seq.s32 @!p0 s5, $0x0  }
0x1f: {  	s9 =	smul.u32 $0xF7A, s1;
	s8 =	simm.s32 @!p0 $0x1BF5;
	p2 =	por !p2, p0  }
0x20: {  	[sflag:s8] =	ssyncset.s32 @!p0 $0xFFFFF086;
	s6 =	sadd.s32 @!p0 s3, s7;
	s7 =	simm.s32 @!p0 $0x108  }
0x21: {  	s3 =	sadd.s32 s3, s9;
	s6 =	sadd.s32 @!p0 $0x88, s6;
	s7 =	simm.s32 @p2 $0x1082  }
0x22: {  	[simem:s7], [sflag:s8] =	dma.local @!p0 [hbm:s6], $0xF7A  }
0x23: {  	s9 =	sor.u32 $0xD0000000, s2;
	s6 =	simm.s32 $0x108;
	_ =	swait.ge @!p0 [sflag:s8], $0x0  }
0x24: {  	s3 =	sadd.s32 $0x88, s3;
	s6 =	simm.s32 @!p1 $0x1082;
	[sflag:s4] =	ssyncset.s32 $0xFFFFF086  }
0x25: {  	[simem:s6], [sflag:s4] =	dma.local [hbm:s3], $0xF7A  }
0x26: {  	[smem:$0x3F9B] =	sst s1;
	(tag) =	ssettag s2;
	_ =	strace s9  }
0x27: {  	s1 =	sld [smem:$0x3FAB]  }
0x28: {  	s2 =	sld [smem:$0x3FAC]  }
0x29: {  	s4 =	sld [smem:$0x3FAE]  }
0x2a: {  	p0 =	seq.s32 s5, $0x0;
	s5 =	sld [smem:$0x3FAF]  }
0x2b: {  	s6 =	sld [smem:$0x3FB0]  }
0x2c: {  	s7 =	sld [smem:$0x3FB1]  }
0x2d: {  	s3 =	simm.s32 $0x108;
	s8 =	sld [smem:$0x3FB2]  }
0x2e: {  	s3 =	simm.s32 @!p0 $0x1082;
	s9 =	sld [smem:$0x3FB3]  }
0x2f: {  	lr =	sadd.s32 s0, s3;
	s0 =	sld [smem:$0x3FAA]  }
0x30: {  	s3 =	sld [smem:$0x3FAD]  }
0x31: {  	[smem:$0x3FB6] =	sst s10  }
0x32: {  	s10 =	sld [smem:$0x3FB4];
	_ =	sdelay $0x3  }
0x33: {  	p0 =	seq.s32 s10, $0x1;
	s10 =	sld [smem:$0x3FB6];
	_ =	sdelay $0x3  }
0x34: {  	[smem:$0x3FB6] =	sst s10  }
0x35: {  	s10 =	sld [smem:$0x3FB5];
	_ =	sdelay $0x3  }
0x36: {  	p1 =	seq.s32 s10, $0x1;
	s10 =	sld [smem:$0x3FB6];
	_ =	sdelay $0x3  }
0x37: {  	[smem:$0x3FB6] =	sst s10  }
0x38: {  	s10 =	sld [smem:$0x3FB7]  }
0x39: {  	_ = 	snop;
	(pc) =	sbr.ind lr, $3  }
0x3a: {  	_ = 	snop  }
0x3b: {  	_ = 	snop  }
0x3c: {  	p2 =	seq.s32 s10, $0x1;
	s10 =	sld [smem:$0x3FB6]  }
0x3d: {  	_ =	shalt  }
0x3e: {  	_ =	shalt  }
0x3f: {  	_ =	shalt  }
0x40: {  	_ =	shalt  }
0x41: {  	_ =	shalt  }
0x42: {  	_ =	shalt  }
0x43: {  	_ =	shalt  }
0x44: {  	_ =	shalt  }
0x45: {  	_ =	shalt  }
0x46: {  	_ =	shalt  }
0x47: {  	_ =	shalt  }
0x48: {  	_ =	shalt  }
0x49: {  	_ =	shalt  }
0x4a: {  	_ =	shalt  }
0x4b: {  	_ =	shalt  }
0x4c: {  	_ =	shalt  }
0x4d: {  	_ =	shalt  }
0x4e: {  	_ =	shalt  }
0x4f: {  	_ =	shalt  }
0x50: {  	_ =	shalt  }
0x51: {  	_ =	shalt  }
0x52: {  	_ =	shalt  }
0x53: {  	_ =	shalt  }
0x54: {  	_ =	shalt  }
0x55: {  	_ =	shalt  }
0x56: {  	_ =	shalt  }
0x57: {  	_ =	shalt  }
0x58: {  	_ =	shalt  }
0x59: {  	_ =	shalt  }
0x5a: {  	_ =	shalt  }
0x5b: {  	_ =	shalt  }
0x5c: {  	_ =	shalt  }
0x5d: {  	_ =	shalt  }
0x5e: {  	_ =	shalt  }
0x5f: {  	_ =	shalt  }
0x60: {  	_ =	shalt  }
0x61: {  	_ =	shalt  }
0x62: {  	_ =	shalt  }
0x63: {  	_ =	shalt  }
0x64: {  	_ =	shalt  }
0x65: {  	_ =	shalt  }
0x66: {  	_ =	shalt  }
0x67: {  	_ =	shalt  }
0x68: {  	_ =	shalt  }
0x69: {  	_ =	shalt  }
0x6a: {  	_ =	shalt  }
0x6b: {  	_ =	shalt  }
0x6c: {  	_ =	shalt  }
0x6d: {  	_ =	shalt  }
0x6e: {  	_ =	shalt  }
0x6f: {  	_ =	shalt  }
0x70: {  	_ =	shalt  }
0x71: {  	_ =	shalt  }
0x72: {  	_ =	shalt  }
0x73: {  	_ =	shalt  }
0x74: {  	_ =	shalt  }
0x75: {  	_ =	shalt  }
0x76: {  	_ =	shalt  }
0x77: {  	_ =	shalt  }
0x78: {  	_ =	shalt  }
0x79: {  	_ =	shalt  }
0x7a: {  	_ =	shalt  }
0x7b: {  	_ =	shalt  }
0x7c: {  	_ =	shalt  }
0x7d: {  	_ =	shalt  }
0x7e: {  	_ =	shalt  }
0x7f: {  	_ =	shalt  }
0x80: {  	_ =	shalt  }
0x81: {  	_ =	shalt  }
0x82: {  	_ =	shalt  }
0x83: {  	_ =	shalt  }
0x84: {  	_ =	shalt  }
0x85: {  	_ =	shalt  }
0x86: {  	_ =	shalt  }
0x87: {  	_ =	shalt  }
.Lfunc_end0:
.L_simem_size_0:
called_computation_lowered:
.L_overlay_start_0:
0x88: {  	s2 =	sld [smem:$0x3FD9]  }
0x89: {  	s3 =	sld [smem:$0x3FFE];
	_ =	sdelay $0x1  }
0x8a: {  	s1 =	srdreg.scid  }
0x8b: {  	s0 =	sand.u32 $0x1, s1  }
0x8c: {  	s16 =	sshll.u32 s0, $0xA;
	s2 =	sadd.s32 s3, s2  }
0x8d: {  	s2 =	sadd.s32 s2, s16  }
0x8e: {  	[smem:$0x3FC2] =	sst s2  }
0x8f: {  	_ = 	snop  }
0x90: {  	(tm) =	ssettm $0x1  }
0x91: {  	s17 =	sld [smem:$0x3FFB];
	_ =	sdelay $0x3  }
0x92: {  	_ =	strace s17  }
0x93: {  	s2 =	sld [smem:$0x3FFC];
	_ =	sdelay $0x3  }
0x94: {  	_ =	strace s2  }
0x95: {  	s2 =	sld [smem:$0x3FFD];
	_ =	sdelay $0x3  }
0x96: {  	_ =	strace s2  }
0x97: {  	_ =	strace $0x8FFFFFFF  }
0x98: {  	s18 =	sld [smem:$0x3FDB];
	_ =	sdelay $0x1  }
0x99: {  	s19 =	simm.s32 $_scs_section_size  }
0x9a: {  	s4 =	simm.s32 $_size__tile_overlayer_lowered;
	s5 =	simm.s32 $_tile_overlayer_lowered  }
0x9b: {  	s22 =	simm.s32 $0x1BFF;
	s21 =	sshll.u32 s5, $0x1;
	s2 =	sadd.s32 s19, s18  }
0x9c: {  	s6 =	simm.s32 $0x0;
	s20 =	sshll.u32 s4, $0x1;
	s4 =	sadd.s32 s21, s2  }
0x9d: {  	[timem:s6], [sflag:s22] =	dma.local [hbm:s4], s20  }
0x9e: {  	_ =	swait.ge [sflag:s22], s20  }
0x9f: {  	s3 =	ssub.s32 $0x0, s20;
	[sflag:s22] =	ssyncset.done $0x0  }
0xa0: {  	[sflag:s22] =	ssyncadd.s32 s3;
	_ =	sdelay $0x1  }
0xa1: {  	s23 =	simm.s32 $0x1B8B  }
0xa2: {  	_ =	swait.ge [sflag:s23], $0x1  }
0xa3: {  	[sflag:s23] =	ssyncset.done $0x0  }
0xa4: {  	s25 =	simm.s32 $0x1B8E;
	s24 =	sld [smem:$0x3FFE];
	[sflag:s23] =	ssyncadd.s32 $0xFFFFFFFF  }
0xa5: {  	s26 =	simm.s32 $execute0_lowered;
	[smem:$0x3FD2] =	sst s25  }
0xa6: {  	s4 =	sshll.u32 s26, $0x1;
	_ =	strace $0x80000046;
	[dreg:$0x1] =	wrdreg $0xFFFFFFFF  }
0xa7: {  	s28 =	simm.s32 $_size_execute0_lowered;
	s2 =	sadd.s32 s2, s4;
	[dreg:$0x0] =	wrdreg $0x0  }
0xa8: {  	s4 =	sshll.u32 s28, $0x1;
	[dreg:$0x2] =	wrdreg s2  }
0xa9: {  	[dreg:$0x3] =	wrdreg s4  }
0xaa: {  	[dreg:$0x4] =	wrdreg $0xC0  }
0xab: {  	_ =	task [dreg:s6], $0x5FFFF  }
0xac: {  	[dreg:$0x1] =	wrdreg $0xFFFFFFFF  }
0xad: {  	[dreg:$0x0] =	wrdreg $0x60  }
0xae: {  	[dreg:$0x2] =	wrdreg s24  }
0xaf: {  	[dreg:$0x3] =	wrdreg $0x9  }
0xb0: {  	_ =	task.clear_ibuf [dreg:s6], $0x4FFFF;
	_ =	strace $0x90000046  }
0xb1: {  	s29 =	simm.s32 $0x9;
	_ =	strace $0x80000048  }
0xb2: {  	_ =	swait.ge [sflag:s29], $0x1  }
0xb3: {  	[sflag:s29] =	ssyncadd.s32 $0xFFFFFFFF  }
0xb4: {  	_ =	strace $0x90000048  }
0xb5: {  	_ =	sfence  }
0xb6: {  	s30 =	sld [smem:$0x0];
	_ =	sdelay $0x2  }
0xb7: {  	s31 =	sshll.u32 s1, $0xD;
	s1 =	sshrl.u32 s1, $0x2  }
0xb8: {  	s3 =	sand.u32 $0x4000, s31;
	s1 =	sadd.s32 s1, s30  }
0xb9: {  	s0 =	sor.u32 s3, s0;
	s1 =	sshll.u32 s1, $0x11  }
0xba: {  	s0 =	sor.u32 s1, s0  }
0xbb: {  	s0 =	sadd.s32 $0x8F2B, s0  }
0xbc: {  	[sflag:s0] =	ssyncadd.remote.s32 $0x1  }
0xbd: {  	_ =	sfence.sel $0xFFFF  }
0xbe: {  	[dreg:$0x0] =	wrdreg $0xFFFFFFFF;
	(pc) =	sbr.abs _section_cstart, $3  }
0xbf: {  	[dreg:$0x1] =	wrdreg $0xFFFFFFFF  }
0xc0: {  	_ =	task.clear_ibuf [dreg:s6], $0x2FFFF;
	_ =	strace $0x9FFFFFFF  }
0xc1: {  	(tm) =	ssettm $0x7FFFFFFF  }
tec
execute0_lowered:
.L_overlay_start_1:
0x0: {  	(tag) =	ssettag $0x1  }
0x1: {  	s7 =	rddreg [dreg:$0x0]  }
0x2: {  	s0 =	rddreg [dreg:$0x1];
	s2 =	simm.s32 $0x0  }
0x3: {  	s3 =	srdreg.scid;
	s1 =	stileid.u32;
	s11 =	simm.s32 $0x1  }
0x4: {  	s12 =	simm.s32 $0x1000;
	s13 =	simm.s32 $0x2000;
	s14 =	simm.s32 $0x2080  }
0x5: {  	s15 =	simm.s32 $0x4080;
	s16 =	simm.s32 $0x4100;
	s17 =	simm.s32 $0x0  }
0x6: {  	[smem:$0x7FF] =	sst s2;
	s4 =	sand.u32 $0x1, s3;
	s5 =	sshll.u32 s1, $0x1  }
0x7: {  	s3 =	sadd.s32 $0x9200, s7;
	_ =	strace $0x80000047;
	s8 =	sor.u32 s4, s5  }
.Ltmp0:
0x8: {  	s4 =	ssub.s32 $0x2, s4;
	s5 =	sshll.u32 s8, $0x9;
	(pc) =	sbr.rel .LBB2_1-.Ltmp0, $4  }
0x9: {  	s6 =	sshll.u32 s8, $0x4;
	s31 =	sshrl.u32 s4, $0x1;
	s8 =	sshll.u32 s8, $0x6  }
0xa: {  	s5 =	sadd.s32 s5, s7;
	s9 =	sadd.s32 s6, s7;
	s10 =	ssub.s32 s4, s31  }
0xb: {  	s6 =	sadd.s32 $0x9212, s7;
	s7 =	sadd.s32 $0x9612, s7;
	s4 =	sadd.s32 $0x1200, s5  }
0xc: {  	s5 =	sadd.s32 $0x5200, s5;
	s9 =	sadd.s32 $0x9800, s9;
	s10 =	smax.u32 s10, $0x1  }
.LBB2_3:
0xd: {  	v8 =	vimm.f32 $0.0e+00;
	v11 =	vimm.f32 $0.0e+00  }
0xe: {  	v9 =	vimm.f32 $0.0e+00;
	v10 =	vimm.f32 $0.0e+00;
	v12 =	vimm.f32 $0.0e+00  }
0xf: {  	s20 =	smov.u32 s18;
	v17 =	vimm.f32 $0.0e+00;
	v16 =	vimm.f32 $0.0e+00;
	v5 =	vimm.f32 $0.0e+00  }
.LBB2_7:
0x10: {  	v21 =	vld [tilespmem:s19+$0xFFFFFFF0];
	v15 =	vsub.f32 @p0 v15, v1  }
0x11: {  	v19 =	vand.u32 @p0 $0x7FFFFFFF, v19;
	v8 =	vadd.f32 @p0 v6, v8;
	v11 =	vadd.f32 @p0 v20, v11;
	s20 =	sadd.s32 @p0 $0x40, s20;
	v55 =	vld [tilespmem:s19+$0xFFFFFFE0]  }
0x12: {  	v22 =	vld [tilespmem:s19+$0x0];
	v18 =	vmul.f32 @p0 v18, v13;
	v9 =	vadd.f32 @p0 v13, v9;
	v4 =	vsub.f32 v7, v4;
	s18 =	smov.u32 @p0 s20  }
0x13: {  	v10 =	vadd.f32 @p0 v14, v10;
	v7 =	vmul.f32 @p0 v19, v14;
	v15 =	vand.u32 @p0 $0x7FFFFFFF, v15;
	v56 =	vld [tilespmem:s18+$0xFFFFFFE0]  }
0x14: {  	v12 =	vadd.f32 @p0 v18, v12;
	v57 =	vld [tilespmem:s18+$0xFFFFFFF0];
	v4 =	vand.u32 $0x7FFFFFFF, v4;
	v8 =	vpsel p0, v8, v0  }
0x15: {  	v9 =	vpsel p0, v9, v0;
	v6 =	vmul.f32 @p0 v15, v6;
	v7 =	vadd.f32 @p0 v7, v16  }
0x16: {  	v58 =	vld [tilespmem:s18+$0x0];
	v10 =	vpsel p0, v10, v0;
	v2 =	vsub.f32 v21, v2;
	v59 =	vsub.f32 v55, v1  }
0x17: {  	v60 =	vld [tilespmem:s18+$0x10];
	v12 =	vpsel p0, v12, v0;
	v6 =	vadd.f32 @p0 v6, v17;
	v3 =	vsub.f32 v22, v3  }
0x18: {  	v7 =	vpsel p0, v7, v0;
	v2 =	vand.u32 $0x7FFFFFFF, v2;
	v1 =	vand.u32 $0x7FFFFFFF, v59  }
0x19: {  	v6 =	vpsel p0, v6, v0;
	v2 =	vmul.f32 v2, v57;
	v1 =	vmul.f32 v1, v56  }
0x1a: {  	v3 =	vand.u32 $0x7FFFFFFF, v3;
	v8 =	vadd.f32 v56, v8;
	v9 =	vadd.f32 v57, v9  }
0x1b: {  	v3 =	vmul.f32 v3, v58;
	v2 =	vadd.f32 v2, v12;
	v1 =	vadd.f32 v1, v6  }
0x1c: {  	v4 =	vmul.f32 v4, v60;
	v61 =	vadd.f32 v58, v10;
	v63 =	vadd.f32 v9, v8  }
0x1d: {  	v62 =	vpsel p0, v11, v0;
	v3 =	vadd.f32 v3, v7;
	v1 =	vadd.f32 v2, v1  }
0x1e: {  	v5 =	vadd.f32 v60, v5;
	v0 =	vadd.f32 v4, v62  }
0x1f: {  	v2 =	vadd.f32 v61, v63;
	v1 =	vadd.f32 v3, v1;
	_ =	sdelay $0x1  }
0x20: {  	v29 =	vadd.f32 v5, v2;
	v28 =	vadd.f32 v0, v1  }
.LBB2_8:
0x21: {  	s17 =	sadd.s32 $0x1, s17  }
0x22: {  	[tilespmem:$0x4100] =	vst v28;
	p0 =	sne.s32 s17, s10  }
.Ltmp1:
0x23: {  	[tilespmem:$0x4110] =	vst v29;
	(pc) =	sbr.rel @!p0 .LBB2_9-.Ltmp1, $4  }
0x24: {  	[hbm4b:s9+s2] =	stream.linear.scatter [tilespmem:s16], [sflag:$0x1], $0x80, $0x38;
	[tilespmem:$0x4180] =	vst v63  }
0x25: {  	_ =	swait.ge [sflag:s11], $0x80  }
0x26: {  	[sflag:s11] =	ssyncset.done $0x0  }
0x27: {  	[sflag:s11] =	ssyncadd.s32 $0xFFFFFF80  }
.LBB2_1:
0x28: {  	[tilespmem:s2], [sflag:$0x1] =	stream.linear.gather [hbm4b:s4+s2], $0x1000, $0x38;
	[tilespmem:$0x4180] =	vst v63  }
0x29: {  	_ =	swait.ge [sflag:s11], $0x1000  }
0x2a: {  	[sflag:s11] =	ssyncset.done $0x0  }
0x2b: {  	[sflag:s11] =	ssyncadd.s32 $0xFFFFF000  }
0x2c: {  	[tilespmem:s12], [sflag:$0x1] =	stream.linear.gather [hbm4b:s5+s2], $0x1000, $0x38;
	[tilespmem:$0x4180] =	vst v63  }
0x2d: {  	_ =	swait.ge [sflag:s11], $0x1000  }
0x2e: {  	[sflag:s11] =	ssyncset.done $0x0  }
0x2f: {  	[sflag:s11] =	ssyncadd.s32 $0xFFFFF000  }
0x30: {  	[tilespmem:s13], [sflag:$0x1] =	stream.linear.gather [hbm4b:s3+s2], $0x80, $0x38;
	[tilespmem:$0x4180] =	vst v63  }
0x31: {  	_ =	swait.ge [sflag:s11], $0x80  }
0x32: {  	[sflag:s11] =	ssyncset.done $0x0  }
0x33: {  	[sflag:s11] =	ssyncadd.s32 $0xFFFFFF80  }
0x34: {  	[tilespmem:s14], [sflag:$0x1] =	stream.linear.gather [hbm4b:s6+s2], $0x2000, $0x38;
	[tilespmem:$0x4180] =	vst v63  }
0x35: {  	_ =	swait.ge [sflag:s11], $0x2000  }
0x36: {  	[sflag:s11] =	ssyncset.done $0x0  }
0x37: {  	[sflag:s11] =	ssyncadd.s32 $0xFFFFE000  }
0x38: {  	[tilespmem:s15], [sflag:$0x1] =	stream.linear.gather [hbm4b:s7+s2], $0x50, $0x38;
	[tilespmem:$0x4180] =	vst v63  }
0x39: {  	_ =	swait.ge [sflag:s11], $0x50  }
0x3a: {  	[sflag:s11] =	ssyncset.done $0x0  }
0x3b: {  	[sflag:s11] =	ssyncadd.s32 $0xFFFFFFB0  }
0x3c: {  	v28 =	vld [tilespmem:$0x2410];
	_ =	sdelay $0x4  }
0x3d: {  	[tilespmem:$0x1E320] =	vst v28;
	v28 =	vld [tilespmem:$0x2420];
	_ =	sdelay $0x4  }
0x3e: {  	[tilespmem:$0x1E330] =	vst v28;
	v28 =	vld [tilespmem:$0x2430];
	_ =	sdelay $0x4  }
0x3f: {  	[tilespmem:$0x1E340] =	vst v28;
	v28 =	vld [tilespmem:$0x2440];
	_ =	sdelay $0x4  }
0x40: {  	[tilespmem:$0x1E350] =	vst v28;
	v28 =	vld [tilespmem:$0x2450];
	_ =	sdelay $0x4  }
0x41: {  	[tilespmem:$0x1E360] =	vst v28;
	v28 =	vld [tilespmem:$0x2460];
	_ =	sdelay $0x4  }
0x42: {  	[tilespmem:$0x1E370] =	vst v28;
	v28 =	vld [tilespmem:$0x2470];
	_ =	sdelay $0x4  }
0x43: {  	[tilespmem:$0x1E380] =	vst v28;
	v28 =	vld [tilespmem:$0x2010];
	_ =	sdelay $0x4  }
0x44: {  	[tilespmem:$0x1E390] =	vst v28;
	v28 =	vld [tilespmem:$0x2480];
	_ =	sdelay $0x4  }
0x45: {  	[tilespmem:$0x1E3A0] =	vst v28;
	v28 =	vld [tilespmem:$0x2490];
	_ =	sdelay $0x4  }
0x46: {  	[tilespmem:$0x1E3B0] =	vst v28;
	v28 =	vld [tilespmem:$0x24A0];
	_ =	sdelay $0x4  }
0x47: {  	[tilespmem:$0x1E3C0] =	vst v28;
	v28 =	vld [tilespmem:$0x24B0];
	_ =	sdelay $0x4  }
0x48: {  	[tilespmem:$0x1E3D0] =	vst v28;
	v28 =	vld [tilespmem:$0x24C0];
	_ =	sdelay $0x4  }
0x49: {  	[tilespmem:$0x1E3E0] =	vst v28;
	v28 =	vld [tilespmem:$0x24D0];
	_ =	sdelay $0x4  }
0x4a: {  	[tilespmem:$0x1E3F0] =	vst v28;
	v28 =	vld [tilespmem:$0x24E0];
	_ =	sdelay $0x4  }
0x4b: {  	[tilespmem:$0x1E400] =	vst v28;
	v28 =	vld [tilespmem:$0x24F0];
	_ =	sdelay $0x4  }
0x4c: {  	[tilespmem:$0x1E410] =	vst v28;
	v28 =	vld [tilespmem:$0x2500];
	_ =	sdelay $0x4  }
0x4d: {  	[tilespmem:$0x1E420] =	vst v28;
	v28 =	vld [tilespmem:$0x2510];
	_ =	sdelay $0x4  }
0x4e: {  	[tilespmem:$0x1E430] =	vst v28;
	v28 =	vld [tilespmem:$0x2520];
	_ =	sdelay $0x4  }
0x4f: {  	[tilespmem:$0x1E440] =	vst v28;
	v28 =	vld [tilespmem:$0x2530];
	_ =	sdelay $0x4  }
0x50: {  	[tilespmem:$0x1E450] =	vst v28;
	v28 =	vld [tilespmem:$0x2540];
	_ =	sdelay $0x4  }
0x51: {  	[tilespmem:$0x1E460] =	vst v28;
	v28 =	vld [tilespmem:$0x2550];
	_ =	sdelay $0x4  }
0x52: {  	[tilespmem:$0x1E470] =	vst v28;
	v28 =	vld [tilespmem:$0x2560];
	_ =	sdelay $0x4  }
0x53: {  	[tilespmem:$0x1E480] =	vst v28;
	v28 =	vld [tilespmem:$0x2570];
	_ =	sdelay $0x4  }
0x54: {  	[tilespmem:$0x1E490] =	vst v28;
	v28 =	vld [tilespmem:$0x2580];
	_ =	sdelay $0x4  }
0x55: {  	[tilespmem:$0x1E4A0] =	vst v28;
	v28 =	vld [tilespmem:$0x2590];
	_ =	sdelay $0x4  }
0x56: {  	[tilespmem:$0x1E4B0] =	vst v28;
	v28 =	vld [tilespmem:$0x25A0];
	_ =	sdelay $0x4  }
0x57: {  	[tilespmem:$0x1E4C0] =	vst v28;
	v28 =	vld [tilespmem:$0x25B0];
	_ =	sdelay $0x4  }
0x58: {  	[tilespmem:$0x1E4D0] =	vst v28;
	v28 =	vld [tilespmem:$0x25C0];
	_ =	sdelay $0x4  }
0x59: {  	[tilespmem:$0x1E4E0] =	vst v28;
	v28 =	vld [tilespmem:$0x25D0];
	_ =	sdelay $0x4  }
0x5a: {  	[tilespmem:$0x1E4F0] =	vst v28;
	v28 =	vld [tilespmem:$0x25E0];
	_ =	sdelay $0x4  }
0x5b: {  	[tilespmem:$0x1E500] =	vst v28;
	v28 =	vld [tilespmem:$0x25F0];
	_ =	sdelay $0x4  }
0x5c: {  	[tilespmem:$0x1E510] =	vst v28;
	v28 =	vld [tilespmem:$0x2600];
	_ =	sdelay $0x4  }
0x5d: {  	[tilespmem:$0x1E520] =	vst v28;
	v28 =	vld [tilespmem:$0x2610];
	_ =	sdelay $0x4  }
0x5e: {  	[tilespmem:$0x1E530] =	vst v28;
	v28 =	vld [tilespmem:$0x2620];
	_ =	sdelay $0x4  }
0x5f: {  	[tilespmem:$0x1E540] =	vst v28;
	v28 =	vld [tilespmem:$0x2630];
	_ =	sdelay $0x4  }
0x60: {  	[tilespmem:$0x1E550] =	vst v28;
	v28 =	vld [tilespmem:$0x2640];
	_ =	sdelay $0x4  }
0x61: {  	[tilespmem:$0x1E560] =	vst v28;
	v28 =	vld [tilespmem:$0x2650];
	_ =	sdelay $0x4  }
0x62: {  	[tilespmem:$0x1E570] =	vst v28;
	v28 =	vld [tilespmem:$0x2660];
	_ =	sdelay $0x4  }
0x63: {  	[tilespmem:$0x1E580] =	vst v28;
	v28 =	vld [tilespmem:$0x2670];
	_ =	sdelay $0x4  }
0x64: {  	[tilespmem:$0x1E590] =	vst v28;
	v28 =	vld [tilespmem:$0x2680];
	_ =	sdelay $0x4  }
0x65: {  	[tilespmem:$0x1E5A0] =	vst v28;
	v28 =	vld [tilespmem:$0x2690];
	_ =	sdelay $0x4  }
0x66: {  	[tilespmem:$0x1E5B0] =	vst v28;
	v28 =	vld [tilespmem:$0x26A0];
	_ =	sdelay $0x4  }
0x67: {  	[tilespmem:$0x1E5C0] =	vst v28;
	v28 =	vld [tilespmem:$0x26B0];
	_ =	sdelay $0x4  }
0x68: {  	[tilespmem:$0x1E5D0] =	vst v28;
	v28 =	vld [tilespmem:$0x26C0];
	_ =	sdelay $0x4  }
0x69: {  	[tilespmem:$0x1E5E0] =	vst v28;
	v28 =	vld [tilespmem:$0x26D0];
	_ =	sdelay $0x4  }
0x6a: {  	[tilespmem:$0x1E5F0] =	vst v28;
	v28 =	vld [tilespmem:$0x26E0];
	_ =	sdelay $0x4  }
0x6b: {  	[tilespmem:$0x1E600] =	vst v28;
	v28 =	vld [tilespmem:$0x26F0];
	_ =	sdelay $0x4  }
0x6c: {  	[tilespmem:$0x1E610] =	vst v28;
	v28 =	vld [tilespmem:$0x2700];
	_ =	sdelay $0x4  }
0x6d: {  	[tilespmem:$0x1E620] =	vst v28;
	v28 =	vld [tilespmem:$0x2710];
	_ =	sdelay $0x4  }
0x6e: {  	[tilespmem:$0x1E630] =	vst v28;
	v28 =	vld [tilespmem:$0x2720];
	_ =	sdelay $0x4  }
0x6f: {  	[tilespmem:$0x1E640] =	vst v28;
	v28 =	vld [tilespmem:$0x2730];
	_ =	sdelay $0x4  }
0x70: {  	[tilespmem:$0x1E650] =	vst v28;
	v28 =	vld [tilespmem:$0x2740];
	_ =	sdelay $0x4  }
0x71: {  	[tilespmem:$0x1E660] =	vst v28;
	v28 =	vld [tilespmem:$0x2750];
	_ =	sdelay $0x4  }
0x72: {  	[tilespmem:$0x1E670] =	vst v28;
	v28 =	vld [tilespmem:$0x2760];
	_ =	sdelay $0x4  }
0x73: {  	[tilespmem:$0x1E680] =	vst v28;
	v28 =	vld [tilespmem:$0x2770];
	_ =	sdelay $0x4  }
0x74: {  	[tilespmem:$0x1E690] =	vst v28;
	v28 =	vld [tilespmem:$0x2780];
	_ =	sdelay $0x4  }
0x75: {  	[tilespmem:$0x1E6A0] =	vst v28;
	v28 =	vld [tilespmem:$0x2790];
	_ =	sdelay $0x4  }
0x76: {  	[tilespmem:$0x1E6B0] =	vst v28;
	v28 =	vld [tilespmem:$0x27A0];
	_ =	sdelay $0x4  }
0x77: {  	[tilespmem:$0x1E6C0] =	vst v28;
	v28 =	vld [tilespmem:$0x27B0];
	_ =	sdelay $0x4  }
0x78: {  	[tilespmem:$0x1E6D0] =	vst v28;
	v28 =	vld [tilespmem:$0x27C0];
	_ =	sdelay $0x4  }
0x79: {  	[tilespmem:$0x1E6E0] =	vst v28;
	v28 =	vld [tilespmem:$0x27D0];
	_ =	sdelay $0x4  }
0x7a: {  	[tilespmem:$0x1E6F0] =	vst v28;
	v28 =	vld [tilespmem:$0x27E0];
	_ =	sdelay $0x4  }
0x7b: {  	[tilespmem:$0x1E700] =	vst v28;
	v28 =	vld [tilespmem:$0x27F0];
	_ =	sdelay $0x4  }
0x7c: {  	[tilespmem:$0x1E710] =	vst v28;
	v28 =	vld [tilespmem:$0x2800];
	_ =	sdelay $0x4  }
0x7d: {  	[tilespmem:$0x1E720] =	vst v28;
	v28 =	vld [tilespmem:$0x2810];
	_ =	sdelay $0x4  }
0x7e: {  	[tilespmem:$0x1E730] =	vst v28;
	v28 =	vld [tilespmem:$0x2820];
	_ =	sdelay $0x4  }
0x7f: {  	[tilespmem:$0x1E740] =	vst v28;
	v28 =	vld [tilespmem:$0x2830];
	_ =	sdelay $0x4  }
0x80: {  	[tilespmem:$0x1E750] =	vst v28;
	v28 =	vld [tilespmem:$0x2840];
	_ =	sdelay $0x4  }
0x81: {  	[tilespmem:$0x1E760] =	vst v28;
	v28 =	vld [tilespmem:$0x2850];
	_ =	sdelay $0x4  }
0x82: {  	[tilespmem:$0x1E770] =	vst v28;
	v28 =	vld [tilespmem:$0x2860];
	_ =	sdelay $0x4  }
0x83: {  	[tilespmem:$0x1E780] =	vst v28;
	v28 =	vld [tilespmem:$0x2870];
	_ =	sdelay $0x4  }
0x84: {  	[tilespmem:$0x1E790] =	vst v28;
	v28 =	vld [tilespmem:$0x2020];
	_ =	sdelay $0x4  }
0x85: {  	[tilespmem:$0x1E7A0] =	vst v28;
	v28 =	vld [tilespmem:$0x2880];
	_ =	sdelay $0x4  }
0x86: {  	[tilespmem:$0x1E7B0] =	vst v28;
	v28 =	vld [tilespmem:$0x2890];
	_ =	sdelay $0x4  }
0x87: {  	[tilespmem:$0x1E7C0] =	vst v28;
	v28 =	vld [tilespmem:$0x28A0];
	_ =	sdelay $0x4  }
0x88: {  	[tilespmem:$0x1E7D0] =	vst v28;
	v28 =	vld [tilespmem:$0x28B0];
	_ =	sdelay $0x4  }
0x89: {  	[tilespmem:$0x1E7E0] =	vst v28;
	v28 =	vld [tilespmem:$0x28C0];
	_ =	sdelay $0x4  }
0x8a: {  	[tilespmem:$0x1E7F0] =	vst v28;
	v28 =	vld [tilespmem:$0x28D0];
	_ =	sdelay $0x4  }
0x8b: {  	[tilespmem:$0x1E800] =	vst v28;
	v28 =	vld [tilespmem:$0x28E0];
	_ =	sdelay $0x4  }
0x8c: {  	[tilespmem:$0x1E810] =	vst v28;
	v28 =	vld [tilespmem:$0x28F0];
	_ =	sdelay $0x4  }
0x8d: {  	[tilespmem:$0x1E820] =	vst v28;
	v28 =	vld [tilespmem:$0x2900];
	_ =	sdelay $0x4  }
0x8e: {  	[tilespmem:$0x1E830] =	vst v28;
	v28 =	vld [tilespmem:$0x2910];
	_ =	sdelay $0x4  }
0x8f: {  	[tilespmem:$0x1E840] =	vst v28;
	v28 =	vld [tilespmem:$0x2920];
	_ =	sdelay $0x4  }
0x90: {  	[tilespmem:$0x1E850] =	vst v28;
	v28 =	vld [tilespmem:$0x2930];
	_ =	sdelay $0x4  }
0x91: {  	[tilespmem:$0x1E860] =	vst v28;
	v28 =	vld [tilespmem:$0x2940];
	_ =	sdelay $0x4  }
0x92: {  	[tilespmem:$0x1E870] =	vst v28;
	v28 =	vld [tilespmem:$0x2950];
	_ =	sdelay $0x4  }
0x93: {  	[tilespmem:$0x1E880] =	vst v28;
	v28 =	vld [tilespmem:$0x2960];
	_ =	sdelay $0x4  }
0x94: {  	[tilespmem:$0x1E890] =	vst v28;
	v28 =	vld [tilespmem:$0x2970];
	_ =	sdelay $0x4  }
0x95: {  	[tilespmem:$0x1E8A0] =	vst v28;
	v28 =	vld [tilespmem:$0x2980];
	_ =	sdelay $0x4  }
0x96: {  	[tilespmem:$0x1E8B0] =	vst v28;
	v28 =	vld [tilespmem:$0x2990];
	_ =	sdelay $0x4  }
0x97: {  	[tilespmem:$0x1E8C0] =	vst v28;
	v28 =	vld [tilespmem:$0x29A0];
	_ =	sdelay $0x4  }
0x98: {  	[tilespmem:$0x1E8D0] =	vst v28;
	v28 =	vld [tilespmem:$0x29B0];
	_ =	sdelay $0x4  }
0x99: {  	[tilespmem:$0x1E8E0] =	vst v28;
	v28 =	vld [tilespmem:$0x29C0];
	_ =	sdelay $0x4  }
0x9a: {  	[tilespmem:$0x1E8F0] =	vst v28;
	v28 =	vld [tilespmem:$0x29D0];
	_ =	sdelay $0x4  }
0x9b: {  	[tilespmem:$0x1E900] =	vst v28;
	v28 =	vld [tilespmem:$0x29E0];
	_ =	sdelay $0x4  }
0x9c: {  	[tilespmem:$0x1E910] =	vst v28;
	v28 =	vld [tilespmem:$0x29F0];
	_ =	sdelay $0x4  }
0x9d: {  	[tilespmem:$0x1E920] =	vst v28;
	v28 =	vld [tilespmem:$0x2A00];
	_ =	sdelay $0x4  }
0x9e: {  	[tilespmem:$0x1E930] =	vst v28;
	v28 =	vld [tilespmem:$0x2A10];
	_ =	sdelay $0x4  }
0x9f: {  	[tilespmem:$0x1E940] =	vst v28;
	v28 =	vld [tilespmem:$0x2A20];
	_ =	sdelay $0x4  }
0xa0: {  	[tilespmem:$0x1E950] =	vst v28;
	v28 =	vld [tilespmem:$0x2A30];
	_ =	sdelay $0x4  }
0xa1: {  	[tilespmem:$0x1E960] =	vst v28;
	v28 =	vld [tilespmem:$0x2A40];
	_ =	sdelay $0x4  }
0xa2: {  	[tilespmem:$0x1E970] =	vst v28;
	v28 =	vld [tilespmem:$0x2A50];
	_ =	sdelay $0x4  }
0xa3: {  	[tilespmem:$0x1E980] =	vst v28;
	v28 =	vld [tilespmem:$0x2A60];
	_ =	sdelay $0x4  }
0xa4: {  	[tilespmem:$0x1E990] =	vst v28;
	v28 =	vld [tilespmem:$0x2A70];
	_ =	sdelay $0x4  }
0xa5: {  	[tilespmem:$0x1E9A0] =	vst v28;
	v28 =	vld [tilespmem:$0x2A80];
	_ =	sdelay $0x4  }
0xa6: {  	[tilespmem:$0x1E9B0] =	vst v28;
	v28 =	vld [tilespmem:$0x2A90];
	_ =	sdelay $0x4  }
0xa7: {  	[tilespmem:$0x1E9C0] =	vst v28;
	v28 =	vld [tilespmem:$0x2AA0];
	_ =	sdelay $0x4  }
0xa8: {  	[tilespmem:$0x1E9D0] =	vst v28;
	v28 =	vld [tilespmem:$0x2AB0];
	_ =	sdelay $0x4  }
0xa9: {  	[tilespmem:$0x1E9E0] =	vst v28;
	v28 =	vld [tilespmem:$0x2AC0];
	_ =	sdelay $0x4  }
0xaa: {  	[tilespmem:$0x1E9F0] =	vst v28;
	v28 =	vld [tilespmem:$0x2AD0];
	_ =	sdelay $0x4  }
0xab: {  	[tilespmem:$0x1EA00] =	vst v28;
	v28 =	vld [tilespmem:$0x2AE0];
	_ =	sdelay $0x4  }
0xac: {  	[tilespmem:$0x1EA10] =	vst v28;
	v28 =	vld [tilespmem:$0x2AF0];
	_ =	sdelay $0x4  }
0xad: {  	[tilespmem:$0x1EA20] =	vst v28;
	v28 =	vld [tilespmem:$0x2B00];
	_ =	sdelay $0x4  }
0xae: {  	[tilespmem:$0x1EA30] =	vst v28;
	v28 =	vld [tilespmem:$0x2B10];
	_ =	sdelay $0x4  }
0xaf: {  	[tilespmem:$0x1EA40] =	vst v28;
	v28 =	vld [tilespmem:$0x2B20];
	_ =	sdelay $0x4  }
0xb0: {  	[tilespmem:$0x1EA50] =	vst v28;
	v28 =	vld [tilespmem:$0x2B30];
	_ =	sdelay $0x4  }
0xb1: {  	[tilespmem:$0x1EA60] =	vst v28;
	v28 =	vld [tilespmem:$0x2B40];
	_ =	sdelay $0x4  }
0xb2: {  	[tilespmem:$0x1EA70] =	vst v28;
	v28 =	vld [tilespmem:$0x2B50];
	_ =	sdelay $0x4  }
0xb3: {  	[tilespmem:$0x1EA80] =	vst v28;
	v28 =	vld [tilespmem:$0x2B60];
	_ =	sdelay $0x4  }
0xb4: {  	[tilespmem:$0x1EA90] =	vst v28;
	v28 =	vld [tilespmem:$0x2B70];
	_ =	sdelay $0x4  }
0xb5: {  	[tilespmem:$0x1EAA0] =	vst v28;
	v28 =	vld [tilespmem:$0x2B80];
	_ =	sdelay $0x4  }
0xb6: {  	[tilespmem:$0x1EAB0] =	vst v28;
	v28 =	vld [tilespmem:$0x2B90];
	_ =	sdelay $0x4  }
0xb7: {  	[tilespmem:$0x1EAC0] =	vst v28;
	v28 =	vld [tilespmem:$0x2BA0];
	_ =	sdelay $0x4  }
0xb8: {  	[tilespmem:$0x1EAD0] =	vst v28;
	v28 =	vld [tilespmem:$0x2BB0];
	_ =	sdelay $0x4  }
0xb9: {  	[tilespmem:$0x1EAE0] =	vst v28;
	v28 =	vld [tilespmem:$0x2BC0];
	_ =	sdelay $0x4  }
0xba: {  	[tilespmem:$0x1EAF0] =	vst v28;
	v28 =	vld [tilespmem:$0x2BD0];
	_ =	sdelay $0x4  }
0xbb: {  	[tilespmem:$0x1EB00] =	vst v28;
	v28 =	vld [tilespmem:$0x2BE0];
	_ =	sdelay $0x4  }
0xbc: {  	[tilespmem:$0x1EB10] =	vst v28;
	v28 =	vld [tilespmem:$0x2BF0];
	_ =	sdelay $0x4  }
0xbd: {  	[tilespmem:$0x1EB20] =	vst v28;
	v28 =	vld [tilespmem:$0x2C00];
	_ =	sdelay $0x4  }
0xbe: {  	[tilespmem:$0x1EB30] =	vst v28;
	v28 =	vld [tilespmem:$0x2C10];
	_ =	sdelay $0x4  }
0xbf: {  	[tilespmem:$0x1EB40] =	vst v28;
	v28 =	vld [tilespmem:$0x2C20];
	_ =	sdelay $0x4  }
0xc0: {  	[tilespmem:$0x1EB50] =	vst v28;
	v28 =	vld [tilespmem:$0x2C30];
	_ =	sdelay $0x4  }
0xc1: {  	[tilespmem:$0x1EB60] =	vst v28;
	v28 =	vld [tilespmem:$0x2C40];
	_ =	sdelay $0x4  }
0xc2: {  	[tilespmem:$0x1EB70] =	vst v28;
	v28 =	vld [tilespmem:$0x2C50];
	_ =	sdelay $0x4  }
0xc3: {  	[tilespmem:$0x1EB80] =	vst v28;
	v28 =	vld [tilespmem:$0x2C60];
	_ =	sdelay $0x4  }
0xc4: {  	[tilespmem:$0x1EB90] =	vst v28;
	v28 =	vld [tilespmem:$0x2C70];
	_ =	sdelay $0x4  }
0xc5: {  	[tilespmem:$0x1EBA0] =	vst v28;
	v28 =	vld [tilespmem:$0x2030];
	_ =	sdelay $0x4  }
0xc6: {  	[tilespmem:$0x1EBB0] =	vst v28;
	v28 =	vld [tilespmem:$0x2C80];
	_ =	sdelay $0x4  }
0xc7: {  	[tilespmem:$0x1EBC0] =	vst v28;
	v28 =	vld [tilespmem:$0x2C90];
	_ =	sdelay $0x4  }
0xc8: {  	[tilespmem:$0x1EBD0] =	vst v28;
	v28 =	vld [tilespmem:$0x2CA0];
	_ =	sdelay $0x4  }
0xc9: {  	[tilespmem:$0x1EBE0] =	vst v28;
	v28 =	vld [tilespmem:$0x2CB0];
	_ =	sdelay $0x4  }
0xca: {  	[tilespmem:$0x1EBF0] =	vst v28;
	v28 =	vld [tilespmem:$0x2CC0];
	_ =	sdelay $0x4  }
0xcb: {  	[tilespmem:$0x1EC00] =	vst v28;
	v28 =	vld [tilespmem:$0x2CD0];
	_ =	sdelay $0x4  }
0xcc: {  	[tilespmem:$0x1EC10] =	vst v28;
	v28 =	vld [tilespmem:$0x2CE0];
	_ =	sdelay $0x4  }
0xcd: {  	[tilespmem:$0x1EC20] =	vst v28;
	v28 =	vld [tilespmem:$0x2CF0];
	_ =	sdelay $0x4  }
0xce: {  	[tilespmem:$0x1EC30] =	vst v28;
	v28 =	vld [tilespmem:$0x2D00];
	_ =	sdelay $0x4  }
0xcf: {  	[tilespmem:$0x1EC40] =	vst v28;
	v28 =	vld [tilespmem:$0x2D10];
	_ =	sdelay $0x4  }
0xd0: {  	[tilespmem:$0x1EC50] =	vst v28;
	v28 =	vld [tilespmem:$0x2D20];
	_ =	sdelay $0x4  }
0xd1: {  	[tilespmem:$0x1EC60] =	vst v28;
	v28 =	vld [tilespmem:$0x2D30];
	_ =	sdelay $0x4  }
0xd2: {  	[tilespmem:$0x1EC70] =	vst v28;
	v28 =	vld [tilespmem:$0x2D40];
	_ =	sdelay $0x4  }
0xd3: {  	[tilespmem:$0x1EC80] =	vst v28;
	v28 =	vld [tilespmem:$0x2D50];
	_ =	sdelay $0x4  }
0xd4: {  	[tilespmem:$0x1EC90] =	vst v28;
	v28 =	vld [tilespmem:$0x2D60];
	_ =	sdelay $0x4  }
0xd5: {  	[tilespmem:$0x1ECA0] =	vst v28;
	v28 =	vld [tilespmem:$0x2D70];
	_ =	sdelay $0x4  }
0xd6: {  	[tilespmem:$0x1ECB0] =	vst v28;
	v28 =	vld [tilespmem:$0x2D80];
	_ =	sdelay $0x4  }
0xd7: {  	[tilespmem:$0x1ECC0] =	vst v28;
	v28 =	vld [tilespmem:$0x2D90];
	_ =	sdelay $0x4  }
0xd8: {  	[tilespmem:$0x1ECD0] =	vst v28;
	v28 =	vld [tilespmem:$0x2DA0];
	_ =	sdelay $0x4  }
0xd9: {  	[tilespmem:$0x1ECE0] =	vst v28;
	v28 =	vld [tilespmem:$0x2DB0];
	_ =	sdelay $0x4  }
0xda: {  	[tilespmem:$0x1ECF0] =	vst v28;
	v28 =	vld [tilespmem:$0x2DC0];
	_ =	sdelay $0x4  }
0xdb: {  	[tilespmem:$0x1ED00] =	vst v28;
	v28 =	vld [tilespmem:$0x2DD0];
	_ =	sdelay $0x4  }
0xdc: {  	[tilespmem:$0x1ED10] =	vst v28;
	v28 =	vld [tilespmem:$0x2DE0];
	_ =	sdelay $0x4  }
0xdd: {  	[tilespmem:$0x1ED20] =	vst v28;
	v28 =	vld [tilespmem:$0x2DF0];
	_ =	sdelay $0x4  }
0xde: {  	[tilespmem:$0x1ED30] =	vst v28;
	v28 =	vld [tilespmem:$0x2E00];
	_ =	sdelay $0x4  }
0xdf: {  	[tilespmem:$0x1ED40] =	vst v28;
	v28 =	vld [tilespmem:$0x2E10];
	_ =	sdelay $0x4  }
0xe0: {  	[tilespmem:$0x1ED50] =	vst v28;
	v28 =	vld [tilespmem:$0x2E20];
	_ =	sdelay $0x4  }
0xe1: {  	[tilespmem:$0x1ED60] =	vst v28;
	v28 =	vld [tilespmem:$0x2E30];
	_ =	sdelay $0x4  }
0xe2: {  	[tilespmem:$0x1ED70] =	vst v28;
	v28 =	vld [tilespmem:$0x2E40];
	_ =	sdelay $0x4  }
0xe3: {  	[tilespmem:$0x1ED80] =	vst v28;
	v28 =	vld [tilespmem:$0x2E50];
	_ =	sdelay $0x4  }
0xe4: {  	[tilespmem:$0x1ED90] =	vst v28;
	v28 =	vld [tilespmem:$0x2E60];
	_ =	sdelay $0x4  }
0xe5: {  	[tilespmem:$0x1EDA0] =	vst v28;
	v28 =	vld [tilespmem:$0x2E70];
	_ =	sdelay $0x4  }
0xe6: {  	[tilespmem:$0x1EDB0] =	vst v28;
	v28 =	vld [tilespmem:$0x2E80];
	_ =	sdelay $0x4  }
0xe7: {  	[tilespmem:$0x1EDC0] =	vst v28;
	v28 =	vld [tilespmem:$0x2E90];
	_ =	sdelay $0x4  }
0xe8: {  	[tilespmem:$0x1EDD0] =	vst v28;
	v28 =	vld [tilespmem:$0x2EA0];
	_ =	sdelay $0x4  }
0xe9: {  	[tilespmem:$0x1EDE0] =	vst v28;
	v28 =	vld [tilespmem:$0x2EB0];
	_ =	sdelay $0x4  }
0xea: {  	[tilespmem:$0x1EDF0] =	vst v28;
	v28 =	vld [tilespmem:$0x2EC0];
	_ =	sdelay $0x4  }
0xeb: {  	[tilespmem:$0x1EE00] =	vst v28;
	v28 =	vld [tilespmem:$0x2ED0];
	_ =	sdelay $0x4  }
0xec: {  	[tilespmem:$0x1EE10] =	vst v28;
	v28 =	vld [tilespmem:$0x2EE0];
	_ =	sdelay $0x4  }
0xed: {  	[tilespmem:$0x1EE20] =	vst v28;
	v28 =	vld [tilespmem:$0x2EF0];
	_ =	sdelay $0x4  }
0xee: {  	[tilespmem:$0x1EE30] =	vst v28;
	v28 =	vld [tilespmem:$0x2F00];
	_ =	sdelay $0x4  }
0xef: {  	[tilespmem:$0x1EE40] =	vst v28;
	v28 =	vld [tilespmem:$0x2F10];
	_ =	sdelay $0x4  }
0xf0: {  	[tilespmem:$0x1EE50] =	vst v28;
	v28 =	vld [tilespmem:$0x2F20];
	_ =	sdelay $0x4  }
0xf1: {  	[tilespmem:$0x1EE60] =	vst v28;
	v28 =	vld [tilespmem:$0x2F30];
	_ =	sdelay $0x4  }
0xf2: {  	[tilespmem:$0x1EE70] =	vst v28;
	v28 =	vld [tilespmem:$0x2F40];
	_ =	sdelay $0x4  }
0xf3: {  	[tilespmem:$0x1EE80] =	vst v28;
	v28 =	vld [tilespmem:$0x2F50];
	_ =	sdelay $0x4  }
0xf4: {  	[tilespmem:$0x1EE90] =	vst v28;
	v28 =	vld [tilespmem:$0x2F60];
	_ =	sdelay $0x4  }
0xf5: {  	[tilespmem:$0x1EEA0] =	vst v28;
	v28 =	vld [tilespmem:$0x2F70];
	_ =	sdelay $0x4  }
0xf6: {  	[tilespmem:$0x1EEB0] =	vst v28;
	v28 =	vld [tilespmem:$0x2F80];
	_ =	sdelay $0x4  }
0xf7: {  	[tilespmem:$0x1EEC0] =	vst v28;
	v28 =	vld [tilespmem:$0x2F90];
	_ =	sdelay $0x4  }
0xf8: {  	[tilespmem:$0x1EED0] =	vst v28;
	v28 =	vld [tilespmem:$0x2FA0];
	_ =	sdelay $0x4  }
0xf9: {  	[tilespmem:$0x1EEE0] =	vst v28;
	v28 =	vld [tilespmem:$0x2FB0];
	_ =	sdelay $0x4  }
0xfa: {  	[tilespmem:$0x1EEF0] =	vst v28;
	v28 =	vld [tilespmem:$0x2FC0];
	_ =	sdelay $0x4  }
0xfb: {  	[tilespmem:$0x1EF00] =	vst v28;
	v28 =	vld [tilespmem:$0x2FD0];
	_ =	sdelay $0x4  }
0xfc: {  	[tilespmem:$0x1EF10] =	vst v28;
	v28 =	vld [tilespmem:$0x2FE0];
	_ =	sdelay $0x4  }
0xfd: {  	[tilespmem:$0x1EF20] =	vst v28;
	v28 =	vld [tilespmem:$0x2FF0];
	_ =	sdelay $0x4  }
0xfe: {  	[tilespmem:$0x1EF30] =	vst v28;
	v28 =	vld [tilespmem:$0x3000];
	_ =	sdelay $0x4  }
0xff: {  	[tilespmem:$0x1EF40] =	vst v28;
	v28 =	vld [tilespmem:$0x3010];
	_ =	sdelay $0x4  }
0x100: {  	[tilespmem:$0x1EF50] =	vst v28;
	v28 =	vld [tilespmem:$0x3020];
	_ =	sdelay $0x4  }
0x101: {  	[tilespmem:$0x1EF60] =	vst v28;
	v28 =	vld [tilespmem:$0x3030];
	_ =	sdelay $0x4  }
0x102: {  	[tilespmem:$0x1EF70] =	vst v28;
	v28 =	vld [tilespmem:$0x3040];
	_ =	sdelay $0x4  }
0x103: {  	[tilespmem:$0x1EF80] =	vst v28;
	v28 =	vld [tilespmem:$0x3050];
	_ =	sdelay $0x3  }
0x104: {  	v17 =	vld [tilespmem:$0x4080]  }
0x105: {  	[tilespmem:$0x1EF90] =	vst v28;
	v28 =	vld [tilespmem:$0x3060]  }
0x106: {  	v15 =	vld [tilespmem:$0x4090]  }
0x107: {  	v14 =	vld [tilespmem:$0x40A0]  }
0x108: {  	v10 =	vld [tilespmem:$0x40B0]  }
0x109: {  	v27 =	vld [tilespmem:$0x2000]  }
0x10a: {  	[tilespmem:$0x1EFA0] =	vst v28;
	v28 =	vld [tilespmem:$0x3070]  }
0x10b: {  	v25 =	vld [tilespmem:$0x2080]  }
0x10c: {  	v26 =	vld [tilespmem:$0x2090]  }
0x10d: {  	v24 =	vld [tilespmem:$0x20A0]  }
0x10e: {  	v22 =	vld [tilespmem:$0x20B0]  }
0x10f: {  	[tilespmem:$0x1EFB0] =	vst v28;
	v28 =	vld [tilespmem:$0x2040]  }
0x110: {  	v23 =	vld [tilespmem:$0x20C0]  }
0x111: {  	v21 =	vld [tilespmem:$0x20D0]  }
0x112: {  	v20 =	vld [tilespmem:$0x20E0]  }
0x113: {  	v18 =	vld [tilespmem:$0x20F0]  }
0x114: {  	[tilespmem:$0x1EFC0] =	vst v28;
	v28 =	vld [tilespmem:$0x3080]  }
0x115: {  	v19 =	vld [tilespmem:$0x2100]  }
0x116: {  	v16 =	vld [tilespmem:$0x2110]  }
0x117: {  	v13 =	vld [tilespmem:$0x2120]  }
0x118: {  	v11 =	vld [tilespmem:$0x2130]  }
0x119: {  	[tilespmem:$0x1EFD0] =	vst v28;
	v28 =	vld [tilespmem:$0x3090]  }
0x11a: {  	v12 =	vld [tilespmem:$0x2140]  }
0x11b: {  	v9 =	vld [tilespmem:$0x2150]  }
0x11c: {  	v8 =	vld [tilespmem:$0x2160]  }
0x11d: {  	v6 =	vld [tilespmem:$0x2170]  }
0x11e: {  	[tilespmem:$0x1EFE0] =	vst v28;
	v28 =	vld [tilespmem:$0x30A0]  }
0x11f: {  	v7 =	vld [tilespmem:$0x2180]  }
0x120: {  	v5 =	vld [tilespmem:$0x2190]  }
0x121: {  	v4 =	vld [tilespmem:$0x21A0]  }
0x122: {  	v2 =	vld [tilespmem:$0x21B0]  }
0x123: {  	[tilespmem:$0x1EFF0] =	vst v28;
	v28 =	vld [tilespmem:$0x30B0]  }
0x124: {  	v3 =	vld [tilespmem:$0x21C0]  }
0x125: {  	v63 =	vld [tilespmem:$0x21D0]  }
0x126: {  	v1 =	vld [tilespmem:$0x21E0]  }
0x127: {  	v62 =	vld [tilespmem:$0x21F0]  }
0x128: {  	[tilespmem:$0x1F000] =	vst v28;
	v28 =	vld [tilespmem:$0x30C0]  }
0x129: {  	v0 =	vld [tilespmem:$0x2200]  }
0x12a: {  	v61 =	vld [tilespmem:$0x2210]  }
0x12b: {  	v60 =	vld [tilespmem:$0x2220]  }
0x12c: {  	v58 =	vld [tilespmem:$0x2230]  }
0x12d: {  	[tilespmem:$0x1F010] =	vst v28;
	v28 =	vld [tilespmem:$0x30D0]  }
0x12e: {  	v59 =	vld [tilespmem:$0x2240]  }
0x12f: {  	v57 =	vld [tilespmem:$0x2250]  }
0x130: {  	v56 =	vld [tilespmem:$0x2260]  }
0x131: {  	v54 =	vld [tilespmem:$0x2270]  }
0x132: {  	[tilespmem:$0x1F020] =	vst v28;
	v28 =	vld [tilespmem:$0x30E0]  }
0x133: {  	v55 =	vld [tilespmem:$0x2280]  }
0x134: {  	v53 =	vld [tilespmem:$0x2290]  }
0x135: {  	v52 =	vld [tilespmem:$0x22A0]  }
0x136: {  	v50 =	vld [tilespmem:$0x22B0]  }
0x137: {  	[tilespmem:$0x1F030] =	vst v28;
	v28 =	vld [tilespmem:$0x30F0]  }
0x138: {  	v51 =	vld [tilespmem:$0x22C0]  }
0x139: {  	v49 =	vld [tilespmem:$0x22D0]  }
0x13a: {  	v48 =	vld [tilespmem:$0x22E0]  }
0x13b: {  	v46 =	vld [tilespmem:$0x22F0]  }
0x13c: {  	[tilespmem:$0x1F040] =	vst v28;
	v28 =	vld [tilespmem:$0x3100]  }
0x13d: {  	v47 =	vld [tilespmem:$0x2300]  }
0x13e: {  	v45 =	vld [tilespmem:$0x2310]  }
0x13f: {  	v44 =	vld [tilespmem:$0x2320]  }
0x140: {  	v42 =	vld [tilespmem:$0x2330]  }
0x141: {  	[tilespmem:$0x1F050] =	vst v28;
	v28 =	vld [tilespmem:$0x3110]  }
0x142: {  	v43 =	vld [tilespmem:$0x2340]  }
0x143: {  	v41 =	vld [tilespmem:$0x2350]  }
0x144: {  	v40 =	vld [tilespmem:$0x2360]  }
0x145: {  	v38 =	vld [tilespmem:$0x2370]  }
0x146: {  	[tilespmem:$0x1F060] =	vst v28;
	v28 =	vld [tilespmem:$0x3120]  }
0x147: {  	v39 =	vld [tilespmem:$0x2380]  }
0x148: {  	v37 =	vld [tilespmem:$0x2390]  }
0x149: {  	v36 =	vld [tilespmem:$0x23A0]  }
0x14a: {  	v34 =	vld [tilespmem:$0x23B0]  }
0x14b: {  	[tilespmem:$0x1F070] =	vst v28;
	v28 =	vld [tilespmem:$0x3130]  }
0x14c: {  	v35 =	vld [tilespmem:$0x23C0]  }
0x14d: {  	v33 =	vld [tilespmem:$0x23D0]  }
0x14e: {  	v32 =	vld [tilespmem:$0x23E0]  }
0x14f: {  	v30 =	vld [tilespmem:$0x23F0]  }
0x150: {  	v31 =	vld [tilespmem:$0x2400];
	[tilespmem:$0x1F080] =	vst v28  }
0x151: {  	v28 =	vld [tilespmem:$0x3140];
	_ =	sdelay $0x4  }
0x152: {  	[tilespmem:$0x1F090] =	vst v28;
	v28 =	vld [tilespmem:$0x3150];
	_ =	sdelay $0x4  }
0x153: {  	[tilespmem:$0x1F0A0] =	vst v28;
	v28 =	vld [tilespmem:$0x3160];
	_ =	sdelay $0x4  }
0x154: {  	[tilespmem:$0x1F0B0] =	vst v28;
	v28 =	vld [tilespmem:$0x3170];
	_ =	sdelay $0x4  }
0x155: {  	[tilespmem:$0x1F0C0] =	vst v28;
	v28 =	vld [tilespmem:$0x3180];
	_ =	sdelay $0x4  }
0x156: {  	[tilespmem:$0x1F0D0] =	vst v28;
	v28 =	vld [tilespmem:$0x3190];
	_ =	sdelay $0x4  }
0x157: {  	[tilespmem:$0x1F0E0] =	vst v28;
	v28 =	vld [tilespmem:$0x31A0];
	_ =	sdelay $0x4  }
0x158: {  	[tilespmem:$0x1F0F0] =	vst v28;
	v28 =	vld [tilespmem:$0x31B0];
	_ =	sdelay $0x4  }
0x159: {  	[tilespmem:$0x1F100] =	vst v28;
	v28 =	vld [tilespmem:$0x31C0];
	_ =	sdelay $0x4  }
0x15a: {  	[tilespmem:$0x1F110] =	vst v28;
	v28 =	vld [tilespmem:$0x31D0];
	_ =	sdelay $0x4  }
0x15b: {  	[tilespmem:$0x1F120] =	vst v28;
	v28 =	vld [tilespmem:$0x31E0];
	_ =	sdelay $0x4  }
0x15c: {  	[tilespmem:$0x1F130] =	vst v28;
	v28 =	vld [tilespmem:$0x31F0];
	_ =	sdelay $0x4  }
0x15d: {  	[tilespmem:$0x1F140] =	vst v28;
	v28 =	vld [tilespmem:$0x3200];
	_ =	sdelay $0x4  }
0x15e: {  	[tilespmem:$0x1F150] =	vst v28;
	v28 =	vld [tilespmem:$0x3210];
	_ =	sdelay $0x4  }
0x15f: {  	[tilespmem:$0x1F160] =	vst v28;
	v28 =	vld [tilespmem:$0x3220];
	_ =	sdelay $0x4  }
0x160: {  	[tilespmem:$0x1F170] =	vst v28;
	v28 =	vld [tilespmem:$0x3230];
	_ =	sdelay $0x4  }
0x161: {  	[tilespmem:$0x1F180] =	vst v28;
	v28 =	vld [tilespmem:$0x3240];
	_ =	sdelay $0x4  }
0x162: {  	[tilespmem:$0x1F190] =	vst v28;
	v28 =	vld [tilespmem:$0x3250];
	_ =	sdelay $0x4  }
0x163: {  	[tilespmem:$0x1F1A0] =	vst v28;
	v28 =	vld [tilespmem:$0x3260];
	_ =	sdelay $0x4  }
0x164: {  	[tilespmem:$0x1F1B0] =	vst v28;
	v28 =	vld [tilespmem:$0x3270];
	_ =	sdelay $0x4  }
0x165: {  	[tilespmem:$0x1F1C0] =	vst v28;
	v28 =	vld [tilespmem:$0x3280];
	_ =	sdelay $0x4  }
0x166: {  	[tilespmem:$0x1F1D0] =	vst v28;
	v28 =	vld [tilespmem:$0x3290];
	_ =	sdelay $0x4  }
0x167: {  	[tilespmem:$0x1F1E0] =	vst v28;
	v28 =	vld [tilespmem:$0x32A0];
	_ =	sdelay $0x4  }
0x168: {  	[tilespmem:$0x1F1F0] =	vst v28;
	v28 =	vld [tilespmem:$0x32B0];
	_ =	sdelay $0x4  }
0x169: {  	[tilespmem:$0x1F200] =	vst v28;
	v28 =	vld [tilespmem:$0x32C0];
	_ =	sdelay $0x4  }
0x16a: {  	[tilespmem:$0x1F210] =	vst v28;
	v28 =	vld [tilespmem:$0x32D0];
	_ =	sdelay $0x4  }
0x16b: {  	[tilespmem:$0x1F220] =	vst v28;
	v28 =	vld [tilespmem:$0x32E0];
	_ =	sdelay $0x4  }
0x16c: {  	[tilespmem:$0x1F230] =	vst v28;
	v28 =	vld [tilespmem:$0x32F0];
	_ =	sdelay $0x4  }
0x16d: {  	[tilespmem:$0x1F240] =	vst v28;
	v28 =	vld [tilespmem:$0x3300];
	_ =	sdelay $0x4  }
0x16e: {  	[tilespmem:$0x1F250] =	vst v28;
	v28 =	vld [tilespmem:$0x3310];
	_ =	sdelay $0x4  }
0x16f: {  	[tilespmem:$0x1F260] =	vst v28;
	v28 =	vld [tilespmem:$0x3320];
	_ =	sdelay $0x4  }
0x170: {  	[tilespmem:$0x1F270] =	vst v28;
	v28 =	vld [tilespmem:$0x3330];
	_ =	sdelay $0x4  }
0x171: {  	[tilespmem:$0x1F280] =	vst v28;
	v28 =	vld [tilespmem:$0x3340];
	_ =	sdelay $0x4  }
0x172: {  	[tilespmem:$0x1F290] =	vst v28;
	v28 =	vld [tilespmem:$0x3350];
	_ =	sdelay $0x4  }
0x173: {  	[tilespmem:$0x1F2A0] =	vst v28;
	v28 =	vld [tilespmem:$0x3360];
	_ =	sdelay $0x4  }
0x174: {  	[tilespmem:$0x1F2B0] =	vst v28;
	v28 =	vld [tilespmem:$0x3370];
	_ =	sdelay $0x4  }
0x175: {  	[tilespmem:$0x1F2C0] =	vst v28;
	v28 =	vld [tilespmem:$0x3380];
	_ =	sdelay $0x4  }
0x176: {  	[tilespmem:$0x1F2D0] =	vst v28;
	v28 =	vld [tilespmem:$0x3390];
	_ =	sdelay $0x4  }
0x177: {  	[tilespmem:$0x1F2E0] =	vst v28;
	v28 =	vld [tilespmem:$0x33A0];
	_ =	sdelay $0x4  }
0x178: {  	[tilespmem:$0x1F2F0] =	vst v28;
	v28 =	vld [tilespmem:$0x33B0];
	_ =	sdelay $0x4  }
0x179: {  	[tilespmem:$0x1F300] =	vst v28;
	v28 =	vld [tilespmem:$0x33C0];
	_ =	sdelay $0x4  }
0x17a: {  	[tilespmem:$0x1F310] =	vst v28;
	v28 =	vld [tilespmem:$0x33D0];
	_ =	sdelay $0x4  }
0x17b: {  	[tilespmem:$0x1F320] =	vst v28;
	v28 =	vld [tilespmem:$0x33E0];
	_ =	sdelay $0x4  }
0x17c: {  	[tilespmem:$0x1F330] =	vst v28;
	v28 =	vld [tilespmem:$0x33F0];
	_ =	sdelay $0x4  }
0x17d: {  	[tilespmem:$0x1F340] =	vst v28;
	v28 =	vld [tilespmem:$0x3400];
	_ =	sdelay $0x4  }
0x17e: {  	[tilespmem:$0x1F350] =	vst v28;
	v28 =	vld [tilespmem:$0x3410];
	_ =	sdelay $0x4  }
0x17f: {  	[tilespmem:$0x1F360] =	vst v28;
	v28 =	vld [tilespmem:$0x3420];
	_ =	sdelay $0x4  }
0x180: {  	[tilespmem:$0x1F370] =	vst v28;
	v28 =	vld [tilespmem:$0x3430];
	_ =	sdelay $0x4  }
0x181: {  	[tilespmem:$0x1F380] =	vst v28;
	v28 =	vld [tilespmem:$0x3440];
	_ =	sdelay $0x4  }
0x182: {  	[tilespmem:$0x1F390] =	vst v28;
	v28 =	vld [tilespmem:$0x3450];
	_ =	sdelay $0x4  }
0x183: {  	[tilespmem:$0x1F3A0] =	vst v28;
	v28 =	vld [tilespmem:$0x3460];
	_ =	sdelay $0x4  }
0x184: {  	[tilespmem:$0x1F3B0] =	vst v28;
	v28 =	vld [tilespmem:$0x3470];
	_ =	sdelay $0x4  }
0x185: {  	[tilespmem:$0x1F3C0] =	vst v28;
	v28 =	vld [tilespmem:$0x2050];
	_ =	sdelay $0x4  }
0x186: {  	[tilespmem:$0x1F3D0] =	vst v28;
	v28 =	vld [tilespmem:$0x3480];
	_ =	sdelay $0x4  }
0x187: {  	[tilespmem:$0x1F3E0] =	vst v28;
	v28 =	vld [tilespmem:$0x3490];
	_ =	sdelay $0x4  }
0x188: {  	[tilespmem:$0x1F3F0] =	vst v28;
	v28 =	vld [tilespmem:$0x34A0];
	_ =	sdelay $0x4  }
0x189: {  	[tilespmem:$0x1F400] =	vst v28;
	v28 =	vld [tilespmem:$0x34B0];
	_ =	sdelay $0x4  }
0x18a: {  	[tilespmem:$0x1F410] =	vst v28;
	v28 =	vld [tilespmem:$0x34C0];
	_ =	sdelay $0x4  }
0x18b: {  	[tilespmem:$0x1F420] =	vst v28;
	v28 =	vld [tilespmem:$0x34D0];
	_ =	sdelay $0x4  }
0x18c: {  	[tilespmem:$0x1F430] =	vst v28;
	v28 =	vld [tilespmem:$0x34E0];
	_ =	sdelay $0x4  }
0x18d: {  	[tilespmem:$0x1F440] =	vst v28;
	v28 =	vld [tilespmem:$0x34F0];
	_ =	sdelay $0x4  }
0x18e: {  	[tilespmem:$0x1F450] =	vst v28;
	v28 =	vld [tilespmem:$0x3500];
	_ =	sdelay $0x4  }
0x18f: {  	[tilespmem:$0x1F460] =	vst v28;
	v28 =	vld [tilespmem:$0x3510];
	_ =	sdelay $0x4  }
0x190: {  	[tilespmem:$0x1F470] =	vst v28;
	v28 =	vld [tilespmem:$0x3520];
	_ =	sdelay $0x4  }
0x191: {  	[tilespmem:$0x1F480] =	vst v28;
	v28 =	vld [tilespmem:$0x3530];
	_ =	sdelay $0x4  }
0x192: {  	[tilespmem:$0x1F490] =	vst v28;
	v28 =	vld [tilespmem:$0x3540];
	_ =	sdelay $0x4  }
0x193: {  	[tilespmem:$0x1F4A0] =	vst v28;
	v28 =	vld [tilespmem:$0x3550];
	_ =	sdelay $0x4  }
0x194: {  	[tilespmem:$0x1F4B0] =	vst v28;
	v28 =	vld [tilespmem:$0x3560];
	_ =	sdelay $0x4  }
0x195: {  	[tilespmem:$0x1F4C0] =	vst v28;
	v28 =	vld [tilespmem:$0x3570];
	_ =	sdelay $0x4  }
0x196: {  	[tilespmem:$0x1F4D0] =	vst v28;
	v28 =	vld [tilespmem:$0x3580];
	_ =	sdelay $0x4  }
0x197: {  	[tilespmem:$0x1F4E0] =	vst v28;
	v28 =	vld [tilespmem:$0x3590];
	_ =	sdelay $0x4  }
0x198: {  	[tilespmem:$0x1F4F0] =	vst v28;
	v28 =	vld [tilespmem:$0x35A0];
	_ =	sdelay $0x4  }
0x199: {  	[tilespmem:$0x1F500] =	vst v28;
	v28 =	vld [tilespmem:$0x35B0];
	_ =	sdelay $0x4  }
0x19a: {  	[tilespmem:$0x1F510] =	vst v28;
	v28 =	vld [tilespmem:$0x35C0];
	_ =	sdelay $0x4  }
0x19b: {  	[tilespmem:$0x1F520] =	vst v28;
	v28 =	vld [tilespmem:$0x35D0];
	_ =	sdelay $0x4  }
0x19c: {  	[tilespmem:$0x1F530] =	vst v28;
	v28 =	vld [tilespmem:$0x35E0];
	_ =	sdelay $0x4  }
0x19d: {  	[tilespmem:$0x1F540] =	vst v28;
	v28 =	vld [tilespmem:$0x35F0];
	_ =	sdelay $0x4  }
0x19e: {  	[tilespmem:$0x1F550] =	vst v28;
	v28 =	vld [tilespmem:$0x3600];
	_ =	sdelay $0x4  }
0x19f: {  	[tilespmem:$0x1F560] =	vst v28;
	v28 =	vld [tilespmem:$0x3610];
	_ =	sdelay $0x4  }
0x1a0: {  	[tilespmem:$0x1F570] =	vst v28;
	v28 =	vld [tilespmem:$0x3620];
	_ =	sdelay $0x4  }
0x1a1: {  	[tilespmem:$0x1F580] =	vst v28;
	v28 =	vld [tilespmem:$0x3630];
	_ =	sdelay $0x4  }
0x1a2: {  	[tilespmem:$0x1F590] =	vst v28;
	v28 =	vld [tilespmem:$0x3640];
	_ =	sdelay $0x4  }
0x1a3: {  	[tilespmem:$0x1F5A0] =	vst v28;
	v28 =	vld [tilespmem:$0x3650];
	_ =	sdelay $0x4  }
0x1a4: {  	[tilespmem:$0x1F5B0] =	vst v28;
	v28 =	vld [tilespmem:$0x3660];
	_ =	sdelay $0x4  }
0x1a5: {  	[tilespmem:$0x1F5C0] =	vst v28;
	v28 =	vld [tilespmem:$0x3670];
	_ =	sdelay $0x4  }
0x1a6: {  	[tilespmem:$0x1F5D0] =	vst v28;
	v28 =	vld [tilespmem:$0x3680];
	_ =	sdelay $0x4  }
0x1a7: {  	[tilespmem:$0x1F5E0] =	vst v28;
	v28 =	vld [tilespmem:$0x3690];
	_ =	sdelay $0x4  }
0x1a8: {  	[tilespmem:$0x1F5F0] =	vst v28;
	v28 =	vld [tilespmem:$0x36A0];
	_ =	sdelay $0x4  }
0x1a9: {  	[tilespmem:$0x1F600] =	vst v28;
	v28 =	vld [tilespmem:$0x36B0];
	_ =	sdelay $0x4  }
0x1aa: {  	[tilespmem:$0x1F610] =	vst v28;
	v28 =	vld [tilespmem:$0x36C0];
	_ =	sdelay $0x4  }
0x1ab: {  	[tilespmem:$0x1F620] =	vst v28;
	v28 =	vld [tilespmem:$0x36D0];
	_ =	sdelay $0x4  }
0x1ac: {  	[tilespmem:$0x1F630] =	vst v28;
	v28 =	vld [tilespmem:$0x36E0];
	_ =	sdelay $0x4  }
0x1ad: {  	[tilespmem:$0x1F640] =	vst v28;
	v28 =	vld [tilespmem:$0x36F0];
	_ =	sdelay $0x4  }
0x1ae: {  	[tilespmem:$0x1F650] =	vst v28;
	v28 =	vld [tilespmem:$0x3700];
	_ =	sdelay $0x4  }
0x1af: {  	[tilespmem:$0x1F660] =	vst v28;
	v28 =	vld [tilespmem:$0x3710];
	_ =	sdelay $0x4  }
0x1b0: {  	[tilespmem:$0x1F670] =	vst v28;
	v28 =	vld [tilespmem:$0x3720];
	_ =	sdelay $0x4  }
0x1b1: {  	[tilespmem:$0x1F680] =	vst v28;
	v28 =	vld [tilespmem:$0x3730];
	_ =	sdelay $0x4  }
0x1b2: {  	[tilespmem:$0x1F690] =	vst v28;
	v28 =	vld [tilespmem:$0x3740];
	_ =	sdelay $0x4  }
0x1b3: {  	[tilespmem:$0x1F6A0] =	vst v28;
	v28 =	vld [tilespmem:$0x3750];
	_ =	sdelay $0x4  }
0x1b4: {  	[tilespmem:$0x1F6B0] =	vst v28;
	v28 =	vld [tilespmem:$0x3760];
	_ =	sdelay $0x4  }
0x1b5: {  	[tilespmem:$0x1F6C0] =	vst v28;
	v28 =	vld [tilespmem:$0x3770];
	_ =	sdelay $0x4  }
0x1b6: {  	[tilespmem:$0x1F6D0] =	vst v28;
	v28 =	vld [tilespmem:$0x3780];
	_ =	sdelay $0x4  }
0x1b7: {  	[tilespmem:$0x1F6E0] =	vst v28;
	v28 =	vld [tilespmem:$0x3790];
	_ =	sdelay $0x4  }
0x1b8: {  	[tilespmem:$0x1F6F0] =	vst v28;
	v28 =	vld [tilespmem:$0x37A0];
	_ =	sdelay $0x4  }
0x1b9: {  	[tilespmem:$0x1F700] =	vst v28;
	v28 =	vld [tilespmem:$0x37B0];
	_ =	sdelay $0x4  }
0x1ba: {  	[tilespmem:$0x1F710] =	vst v28;
	v28 =	vld [tilespmem:$0x37C0];
	_ =	sdelay $0x4  }
0x1bb: {  	[tilespmem:$0x1F720] =	vst v28;
	v28 =	vld [tilespmem:$0x37D0];
	_ =	sdelay $0x4  }
0x1bc: {  	[tilespmem:$0x1F730] =	vst v28;
	v28 =	vld [tilespmem:$0x37E0];
	_ =	sdelay $0x4  }
0x1bd: {  	[tilespmem:$0x1F740] =	vst v28;
	v28 =	vld [tilespmem:$0x37F0];
	_ =	sdelay $0x4  }
0x1be: {  	[tilespmem:$0x1F750] =	vst v28;
	v28 =	vld [tilespmem:$0x3800];
	_ =	sdelay $0x4  }
0x1bf: {  	[tilespmem:$0x1F760] =	vst v28;
	v28 =	vld [tilespmem:$0x3810];
	_ =	sdelay $0x4  }
0x1c0: {  	[tilespmem:$0x1F770] =	vst v28;
	v28 =	vld [tilespmem:$0x3820];
	_ =	sdelay $0x4  }
0x1c1: {  	[tilespmem:$0x1F780] =	vst v28;
	v28 =	vld [tilespmem:$0x3830];
	_ =	sdelay $0x4  }
0x1c2: {  	[tilespmem:$0x1F790] =	vst v28;
	v28 =	vld [tilespmem:$0x3840];
	_ =	sdelay $0x4  }
0x1c3: {  	[tilespmem:$0x1F7A0] =	vst v28;
	v28 =	vld [tilespmem:$0x3850];
	_ =	sdelay $0x4  }
0x1c4: {  	[tilespmem:$0x1F7B0] =	vst v28;
	v28 =	vld [tilespmem:$0x3860];
	_ =	sdelay $0x4  }
0x1c5: {  	[tilespmem:$0x1F7C0] =	vst v28;
	v28 =	vld [tilespmem:$0x3870];
	_ =	sdelay $0x4  }
0x1c6: {  	[tilespmem:$0x1F7D0] =	vst v28;
	v28 =	vld [tilespmem:$0x2060];
	_ =	sdelay $0x4  }
0x1c7: {  	[tilespmem:$0x1F7E0] =	vst v28;
	v28 =	vld [tilespmem:$0x3880];
	_ =	sdelay $0x4  }
0x1c8: {  	[tilespmem:$0x1F7F0] =	vst v28;
	v28 =	vld [tilespmem:$0x3890];
	_ =	sdelay $0x4  }
0x1c9: {  	[tilespmem:$0x1F800] =	vst v28;
	v28 =	vld [tilespmem:$0x38A0];
	_ =	sdelay $0x4  }
0x1ca: {  	[tilespmem:$0x1F810] =	vst v28;
	v28 =	vld [tilespmem:$0x38B0];
	_ =	sdelay $0x4  }
0x1cb: {  	[tilespmem:$0x1F820] =	vst v28;
	v28 =	vld [tilespmem:$0x38C0];
	_ =	sdelay $0x4  }
0x1cc: {  	[tilespmem:$0x1F830] =	vst v28;
	v28 =	vld [tilespmem:$0x38D0];
	_ =	sdelay $0x4  }
0x1cd: {  	[tilespmem:$0x1F840] =	vst v28;
	v28 =	vld [tilespmem:$0x38E0];
	_ =	sdelay $0x4  }
0x1ce: {  	[tilespmem:$0x1F850] =	vst v28;
	v28 =	vld [tilespmem:$0x38F0];
	_ =	sdelay $0x4  }
0x1cf: {  	[tilespmem:$0x1F860] =	vst v28;
	v28 =	vld [tilespmem:$0x3900];
	_ =	sdelay $0x4  }
0x1d0: {  	[tilespmem:$0x1F870] =	vst v28;
	v28 =	vld [tilespmem:$0x3910];
	_ =	sdelay $0x4  }
0x1d1: {  	[tilespmem:$0x1F880] =	vst v28;
	v28 =	vld [tilespmem:$0x3920];
	_ =	sdelay $0x4  }
0x1d2: {  	[tilespmem:$0x1F890] =	vst v28;
	v28 =	vld [tilespmem:$0x3930];
	_ =	sdelay $0x4  }
0x1d3: {  	[tilespmem:$0x1F8A0] =	vst v28;
	v28 =	vld [tilespmem:$0x3940];
	_ =	sdelay $0x4  }
0x1d4: {  	[tilespmem:$0x1F8B0] =	vst v28;
	v28 =	vld [tilespmem:$0x3950];
	_ =	sdelay $0x4  }
0x1d5: {  	[tilespmem:$0x1F8C0] =	vst v28;
	v28 =	vld [tilespmem:$0x3960];
	_ =	sdelay $0x4  }
0x1d6: {  	[tilespmem:$0x1F8D0] =	vst v28;
	v28 =	vld [tilespmem:$0x3970];
	_ =	sdelay $0x4  }
0x1d7: {  	[tilespmem:$0x1F8E0] =	vst v28;
	v28 =	vld [tilespmem:$0x3980];
	_ =	sdelay $0x4  }
0x1d8: {  	[tilespmem:$0x1F8F0] =	vst v28;
	v28 =	vld [tilespmem:$0x3990];
	_ =	sdelay $0x4  }
0x1d9: {  	[tilespmem:$0x1F900] =	vst v28;
	v28 =	vld [tilespmem:$0x39A0];
	_ =	sdelay $0x4  }
0x1da: {  	[tilespmem:$0x1F910] =	vst v28;
	v28 =	vld [tilespmem:$0x39B0];
	_ =	sdelay $0x4  }
0x1db: {  	[tilespmem:$0x1F920] =	vst v28;
	v28 =	vld [tilespmem:$0x39C0];
	_ =	sdelay $0x4  }
0x1dc: {  	[tilespmem:$0x1F930] =	vst v28;
	v28 =	vld [tilespmem:$0x39D0];
	_ =	sdelay $0x4  }
0x1dd: {  	[tilespmem:$0x1F940] =	vst v28;
	v28 =	vld [tilespmem:$0x39E0];
	_ =	sdelay $0x4  }
0x1de: {  	[tilespmem:$0x1F950] =	vst v28;
	v28 =	vld [tilespmem:$0x39F0];
	_ =	sdelay $0x4  }
0x1df: {  	[tilespmem:$0x1F960] =	vst v28;
	v28 =	vld [tilespmem:$0x3A00];
	_ =	sdelay $0x4  }
0x1e0: {  	[tilespmem:$0x1F970] =	vst v28;
	v28 =	vld [tilespmem:$0x3A10];
	_ =	sdelay $0x4  }
0x1e1: {  	[tilespmem:$0x1F980] =	vst v28;
	v28 =	vld [tilespmem:$0x3A20];
	_ =	sdelay $0x4  }
0x1e2: {  	[tilespmem:$0x1F990] =	vst v28;
	v28 =	vld [tilespmem:$0x3A30];
	_ =	sdelay $0x4  }
0x1e3: {  	[tilespmem:$0x1F9A0] =	vst v28;
	v28 =	vld [tilespmem:$0x3A40];
	_ =	sdelay $0x4  }
0x1e4: {  	[tilespmem:$0x1F9B0] =	vst v28;
	v28 =	vld [tilespmem:$0x3A50];
	_ =	sdelay $0x4  }
0x1e5: {  	[tilespmem:$0x1F9C0] =	vst v28;
	v28 =	vld [tilespmem:$0x3A60];
	_ =	sdelay $0x4  }
0x1e6: {  	[tilespmem:$0x1F9D0] =	vst v28;
	v28 =	vld [tilespmem:$0x3A70];
	_ =	sdelay $0x4  }
0x1e7: {  	[tilespmem:$0x1F9E0] =	vst v28;
	v28 =	vld [tilespmem:$0x3A80];
	_ =	sdelay $0x4  }
0x1e8: {  	[tilespmem:$0x1F9F0] =	vst v28;
	v28 =	vld [tilespmem:$0x3A90];
	_ =	sdelay $0x4  }
0x1e9: {  	[tilespmem:$0x1FA00] =	vst v28;
	v28 =	vld [tilespmem:$0x3AA0];
	_ =	sdelay $0x4  }
0x1ea: {  	[tilespmem:$0x1FA10] =	vst v28;
	v28 =	vld [tilespmem:$0x3AB0];
	_ =	sdelay $0x4  }
0x1eb: {  	[tilespmem:$0x1FA20] =	vst v28;
	v28 =	vld [tilespmem:$0x3AC0];
	_ =	sdelay $0x4  }
0x1ec: {  	[tilespmem:$0x1FA30] =	vst v28;
	v28 =	vld [tilespmem:$0x3AD0];
	_ =	sdelay $0x4  }
0x1ed: {  	[tilespmem:$0x1FA40] =	vst v28;
	v28 =	vld [tilespmem:$0x3AE0];
	_ =	sdelay $0x4  }
0x1ee: {  	[tilespmem:$0x1FA50] =	vst v28;
	v28 =	vld [tilespmem:$0x3AF0];
	_ =	sdelay $0x4  }
0x1ef: {  	[tilespmem:$0x1FA60] =	vst v28;
	v28 =	vld [tilespmem:$0x3B00];
	_ =	sdelay $0x4  }
0x1f0: {  	[tilespmem:$0x1FA70] =	vst v28;
	v28 =	vld [tilespmem:$0x3B10];
	_ =	sdelay $0x4  }
0x1f1: {  	[tilespmem:$0x1FA80] =	vst v28;
	v28 =	vld [tilespmem:$0x3B20];
	_ =	sdelay $0x4  }
0x1f2: {  	[tilespmem:$0x1FA90] =	vst v28;
	v28 =	vld [tilespmem:$0x3B30];
	_ =	sdelay $0x4  }
0x1f3: {  	[tilespmem:$0x1FAA0] =	vst v28;
	v28 =	vld [tilespmem:$0x3B40];
	_ =	sdelay $0x4  }
0x1f4: {  	[tilespmem:$0x1FAB0] =	vst v28;
	v28 =	vld [tilespmem:$0x3B50];
	_ =	sdelay $0x4  }
0x1f5: {  	[tilespmem:$0x1FAC0] =	vst v28;
	v28 =	vld [tilespmem:$0x3B60];
	_ =	sdelay $0x4  }
0x1f6: {  	[tilespmem:$0x1FAD0] =	vst v28;
	v28 =	vld [tilespmem:$0x3B70];
	_ =	sdelay $0x4  }
0x1f7: {  	[tilespmem:$0x1FAE0] =	vst v28;
	v28 =	vld [tilespmem:$0x3B80];
	_ =	sdelay $0x4  }
0x1f8: {  	[tilespmem:$0x1FAF0] =	vst v28;
	v28 =	vld [tilespmem:$0x3B90];
	_ =	sdelay $0x4  }
0x1f9: {  	[tilespmem:$0x1FB00] =	vst v28;
	v28 =	vld [tilespmem:$0x3BA0];
	_ =	sdelay $0x4  }
0x1fa: {  	[tilespmem:$0x1FB10] =	vst v28;
	v28 =	vld [tilespmem:$0x3BB0];
	_ =	sdelay $0x4  }
0x1fb: {  	[tilespmem:$0x1FB20] =	vst v28;
	v28 =	vld [tilespmem:$0x3BC0];
	_ =	sdelay $0x4  }
0x1fc: {  	[tilespmem:$0x1FB30] =	vst v28;
	v28 =	vld [tilespmem:$0x3BD0];
	_ =	sdelay $0x4  }
0x1fd: {  	[tilespmem:$0x1FB40] =	vst v28;
	v28 =	vld [tilespmem:$0x3BE0];
	_ =	sdelay $0x4  }
0x1fe: {  	[tilespmem:$0x1FB50] =	vst v28;
	v28 =	vld [tilespmem:$0x3BF0];
	_ =	sdelay $0x4  }
0x1ff: {  	[tilespmem:$0x1FB60] =	vst v28;
	v28 =	vld [tilespmem:$0x3C00];
	_ =	sdelay $0x4  }
0x200: {  	[tilespmem:$0x1FB70] =	vst v28;
	v28 =	vld [tilespmem:$0x3C10];
	_ =	sdelay $0x4  }
0x201: {  	[tilespmem:$0x1FB80] =	vst v28;
	v28 =	vld [tilespmem:$0x3C20];
	_ =	sdelay $0x4  }
0x202: {  	[tilespmem:$0x1FB90] =	vst v28;
	v28 =	vld [tilespmem:$0x3C30];
	_ =	sdelay $0x4  }
0x203: {  	[tilespmem:$0x1FBA0] =	vst v28;
	v28 =	vld [tilespmem:$0x3C40];
	_ =	sdelay $0x4  }
0x204: {  	[tilespmem:$0x1FBB0] =	vst v28;
	v28 =	vld [tilespmem:$0x3C50];
	_ =	sdelay $0x4  }
0x205: {  	[tilespmem:$0x1FBC0] =	vst v28;
	v28 =	vld [tilespmem:$0x3C60];
	_ =	sdelay $0x4  }
0x206: {  	[tilespmem:$0x1FBD0] =	vst v28;
	v28 =	vld [tilespmem:$0x3C70];
	_ =	sdelay $0x4  }
0x207: {  	[tilespmem:$0x1FBE0] =	vst v28;
	v28 =	vld [tilespmem:$0x2070];
	_ =	sdelay $0x4  }
0x208: {  	[tilespmem:$0x1FBF0] =	vst v28;
	v28 =	vld [tilespmem:$0x3C80];
	_ =	sdelay $0x4  }
0x209: {  	[tilespmem:$0x1FC00] =	vst v28;
	v28 =	vld [tilespmem:$0x3C90];
	_ =	sdelay $0x4  }
0x20a: {  	[tilespmem:$0x1FC10] =	vst v28;
	v28 =	vld [tilespmem:$0x3CA0];
	_ =	sdelay $0x4  }
0x20b: {  	[tilespmem:$0x1FC20] =	vst v28;
	v28 =	vld [tilespmem:$0x3CB0];
	_ =	sdelay $0x4  }
0x20c: {  	[tilespmem:$0x1FC30] =	vst v28;
	v28 =	vld [tilespmem:$0x3CC0];
	_ =	sdelay $0x4  }
0x20d: {  	[tilespmem:$0x1FC40] =	vst v28;
	v28 =	vld [tilespmem:$0x3CD0];
	_ =	sdelay $0x4  }
0x20e: {  	[tilespmem:$0x1FC50] =	vst v28;
	v28 =	vld [tilespmem:$0x3CE0];
	_ =	sdelay $0x4  }
0x20f: {  	[tilespmem:$0x1FC60] =	vst v28;
	v28 =	vld [tilespmem:$0x3CF0];
	_ =	sdelay $0x4  }
0x210: {  	[tilespmem:$0x1FC70] =	vst v28;
	v28 =	vld [tilespmem:$0x3D00];
	_ =	sdelay $0x4  }
0x211: {  	[tilespmem:$0x1FC80] =	vst v28;
	v28 =	vld [tilespmem:$0x3D10];
	_ =	sdelay $0x4  }
0x212: {  	[tilespmem:$0x1FC90] =	vst v28;
	v28 =	vld [tilespmem:$0x3D20];
	_ =	sdelay $0x4  }
0x213: {  	[tilespmem:$0x1FCA0] =	vst v28;
	v28 =	vld [tilespmem:$0x3D30];
	_ =	sdelay $0x4  }
0x214: {  	[tilespmem:$0x1FCB0] =	vst v28;
	v28 =	vld [tilespmem:$0x3D40];
	_ =	sdelay $0x4  }
0x215: {  	[tilespmem:$0x1FCC0] =	vst v28;
	v28 =	vld [tilespmem:$0x3D50];
	_ =	sdelay $0x4  }
0x216: {  	[tilespmem:$0x1FCD0] =	vst v28;
	v28 =	vld [tilespmem:$0x3D60];
	_ =	sdelay $0x4  }
0x217: {  	[tilespmem:$0x1FCE0] =	vst v28;
	v28 =	vld [tilespmem:$0x3D70];
	_ =	sdelay $0x4  }
0x218: {  	[tilespmem:$0x1FCF0] =	vst v28;
	v28 =	vld [tilespmem:$0x3D80];
	_ =	sdelay $0x4  }
0x219: {  	[tilespmem:$0x1FD00] =	vst v28;
	v28 =	vld [tilespmem:$0x3D90];
	_ =	sdelay $0x4  }
0x21a: {  	[tilespmem:$0x1FD10] =	vst v28;
	v28 =	vld [tilespmem:$0x3DA0];
	_ =	sdelay $0x4  }
0x21b: {  	[tilespmem:$0x1FD20] =	vst v28;
	v28 =	vld [tilespmem:$0x3DB0];
	_ =	sdelay $0x4  }
0x21c: {  	[tilespmem:$0x1FD30] =	vst v28;
	v28 =	vld [tilespmem:$0x3DC0];
	_ =	sdelay $0x4  }
0x21d: {  	[tilespmem:$0x1FD40] =	vst v28;
	v28 =	vld [tilespmem:$0x3DD0];
	_ =	sdelay $0x4  }
0x21e: {  	[tilespmem:$0x1FD50] =	vst v28;
	v28 =	vld [tilespmem:$0x3DE0];
	_ =	sdelay $0x4  }
0x21f: {  	[tilespmem:$0x1FD60] =	vst v28;
	v28 =	vld [tilespmem:$0x3DF0];
	_ =	sdelay $0x4  }
0x220: {  	[tilespmem:$0x1FD70] =	vst v28;
	v28 =	vld [tilespmem:$0x3E00];
	_ =	sdelay $0x4  }
0x221: {  	[tilespmem:$0x1FD80] =	vst v28;
	v28 =	vld [tilespmem:$0x3E10];
	_ =	sdelay $0x4  }
0x222: {  	[tilespmem:$0x1FD90] =	vst v28;
	v28 =	vld [tilespmem:$0x3E20];
	_ =	sdelay $0x4  }
0x223: {  	[tilespmem:$0x1FDA0] =	vst v28;
	v28 =	vld [tilespmem:$0x3E30];
	_ =	sdelay $0x4  }
0x224: {  	[tilespmem:$0x1FDB0] =	vst v28;
	v28 =	vld [tilespmem:$0x3E40];
	_ =	sdelay $0x4  }
0x225: {  	[tilespmem:$0x1FDC0] =	vst v28;
	v28 =	vld [tilespmem:$0x3E50];
	_ =	sdelay $0x4  }
0x226: {  	[tilespmem:$0x1FDD0] =	vst v28;
	v28 =	vld [tilespmem:$0x3E60];
	_ =	sdelay $0x4  }
0x227: {  	[tilespmem:$0x1FDE0] =	vst v28;
	v28 =	vld [tilespmem:$0x3E70];
	_ =	sdelay $0x4  }
0x228: {  	[tilespmem:$0x1FDF0] =	vst v28;
	v28 =	vld [tilespmem:$0x3E80];
	_ =	sdelay $0x4  }
0x229: {  	[tilespmem:$0x1FE00] =	vst v28;
	v28 =	vld [tilespmem:$0x3E90];
	_ =	sdelay $0x4  }
0x22a: {  	[tilespmem:$0x1FE10] =	vst v28;
	v28 =	vld [tilespmem:$0x3EA0];
	_ =	sdelay $0x4  }
0x22b: {  	[tilespmem:$0x1FE20] =	vst v28;
	v28 =	vld [tilespmem:$0x40C0];
	_ =	sdelay $0x4  }
0x22c: {  	(v2sf) =	vpush v28, $0x0  }
0x22d: {  	(v2sf) =	vpush v28, $0x1;
	v28 =	vld [tilespmem:$0x3F00];
	_ =	sdelay $0x4  }
0x22e: {  	[tilespmem:$0x1FE80] =	vst v28;
	v28 =	vld [tilespmem:$0x3F10];
	_ =	sdelay $0x4  }
0x22f: {  	[tilespmem:$0x1FE90] =	vst v28;
	v28 =	vld [tilespmem:$0x3F20];
	_ =	sdelay $0x4  }
0x230: {  	[tilespmem:$0x1FEA0] =	vst v28;
	v28 =	vld [tilespmem:$0x3F30];
	_ =	sdelay $0x4  }
0x231: {  	[tilespmem:$0x1FEB0] =	vst v28;
	v28 =	vld [tilespmem:$0x3F40];
	_ =	sdelay $0x4  }
0x232: {  	[tilespmem:$0x1FEC0] =	vst v28;
	v28 =	vld [tilespmem:$0x3F50];
	_ =	sdelay $0x4  }
0x233: {  	[tilespmem:$0x1FED0] =	vst v28;
	v28 =	vld [tilespmem:$0x3F60];
	_ =	sdelay $0x4  }
0x234: {  	[tilespmem:$0x1FEE0] =	vst v28;
	v28 =	vld [tilespmem:$0x3F70];
	_ =	sdelay $0x4  }
0x235: {  	[tilespmem:$0x1FEF0] =	vst v28;
	v28 =	vld [tilespmem:$0x3F80];
	_ =	sdelay $0x4  }
0x236: {  	[tilespmem:$0x1FF00] =	vst v28;
	v28 =	vld [tilespmem:$0x3F90];
	_ =	sdelay $0x4  }
0x237: {  	[tilespmem:$0x1FF10] =	vst v28;
	v28 =	vld [tilespmem:$0x3FA0];
	_ =	sdelay $0x4  }
0x238: {  	[tilespmem:$0x1FF20] =	vst v28;
	v28 =	vld [tilespmem:$0x3FB0];
	_ =	sdelay $0x4  }
0x239: {  	[tilespmem:$0x1FF30] =	vst v28;
	v28 =	vld [tilespmem:$0x3FC0];
	_ =	sdelay $0x4  }
0x23a: {  	[tilespmem:$0x1FF40] =	vst v28;
	v28 =	vld [tilespmem:$0x3FD0];
	_ =	sdelay $0x4  }
0x23b: {  	[tilespmem:$0x1FF50] =	vst v28;
	v28 =	vld [tilespmem:$0x3FE0];
	_ =	sdelay $0x4  }
0x23c: {  	[tilespmem:$0x1FF60] =	vst v28;
	v28 =	vld [tilespmem:$0x3FF0];
	_ =	sdelay $0x4  }
0x23d: {  	[tilespmem:$0x1FF70] =	vst v28;
	v28 =	vld [tilespmem:$0x4000];
	_ =	sdelay $0x3  }
0x23e: {  	v29 =	vld [tilespmem:$0x3EB0]  }
0x23f: {  	[tilespmem:$0x1FF80] =	vst v28;
	v28 =	vld [tilespmem:$0x4010];
	_ =	sdelay $0x3  }
0x240: {  	[tilespmem:$0x1FE30] =	vst v29;
	v29 =	vld [tilespmem:$0x3EC0]  }
0x241: {  	[tilespmem:$0x1FF90] =	vst v28;
	v28 =	vld [tilespmem:$0x4020];
	_ =	sdelay $0x3  }
0x242: {  	[tilespmem:$0x1FE40] =	vst v29;
	v29 =	vld [tilespmem:$0x3ED0]  }
0x243: {  	[tilespmem:$0x1FFA0] =	vst v28;
	v28 =	vld [tilespmem:$0x4030];
	_ =	sdelay $0x3  }
0x244: {  	[tilespmem:$0x1FE50] =	vst v29;
	v29 =	vld [tilespmem:$0x3EE0]  }
0x245: {  	[tilespmem:$0x1FFB0] =	vst v28;
	v28 =	vld [tilespmem:$0x4040];
	_ =	sdelay $0x1  }
0x246: {  	s18 =	spop (v2sf)  }
0x247: {  	s19 =	spop (v2sf)  }
0x248: {  	[tilespmem:$0x1FE60] =	vst v29;
	v29 =	vld [tilespmem:$0x3EF0];
	s19 =	scvt.f32.s32 s19  }
0x249: {  	s18 =	scvt.f32.s32 s18;
	[tilespmem:$0x1FFC0] =	vst v28;
	v28 =	vld [tilespmem:$0x4050]  }
0x24a: {  	s19 =	ssub.s32 s19, s8  }
0x24b: {  	s18 =	ssub.s32 s18, s8;
	p0 =	sgt.s32 s19, $0x0  }
0x24c: {  	s19 =	simm.s32 @!p0 $0x0;
	p0 =	sgt.s32 s18, $0x0  }
0x24d: {  	[tilespmem:$0x1FE70] =	vst v29;
	v29 =	vld [tilespmem:$0x4070];
	s18 =	simm.s32 @!p0 $0x0;
	s19 =	smin.u32 s19, $0x40  }
0x24e: {  	p0 =	sle.u32 s19, s18;
	[tilespmem:$0x1FFD0] =	vst v28;
	v28 =	vld [tilespmem:$0x4060]  }
.Ltmp2:
0x24f: {  	_ = 	snop;
	(pc) =	sbr.rel @p0 .LBB2_8-.Ltmp2, $3  }
0x250: {  	_ =	sdelay $0x1  }
0x251: {  	[tilespmem:$0x1FFF0] =	vst v29  }
0x252: {  	v29 =	vimm.f32 $0.0e+00;
	[tilespmem:$0x1FFE0] =	vst v28;
	v28 =	vimm.f32 $0.0e+00  }
0x253: {  	v27 =	vmax.f32 v27, $0.0e+00;
	v28 =	vimm.s32 $0x0  }
0x254: {  	v28 =	vperm.xlane v27, v28  }
0x255: {  	v29 =	vimm.s32 $0x1  }
0x256: {  	v29 =	vperm.xlane v27, v29;
	v25 =	vmul.f32 v25, v28  }
0x257: {  	v26 =	vmul.f32 v26, v28;
	v24 =	vmul.f32 v24, v28  }
0x258: {  	v22 =	vmul.f32 v22, v28;
	v23 =	vmul.f32 v23, v29  }
0x259: {  	v21 =	vmul.f32 v21, v29;
	v20 =	vmul.f32 v20, v29  }
0x25a: {  	v18 =	vmul.f32 v18, v29;
	v17 =	vadd.f32 v25, v17;
	v15 =	vadd.f32 v26, v15  }
0x25b: {  	v14 =	vadd.f32 v24, v14;
	v25 =	vimm.s32 $0x2;
	v10 =	vadd.f32 v22, v10  }
0x25c: {  	v28 =	vperm.xlane v27, v25;
	v17 =	vadd.f32 v23, v17;
	v15 =	vadd.f32 v21, v15  }
0x25d: {  	v14 =	vadd.f32 v20, v14;
	v21 =	vimm.s32 $0x3;
	v10 =	vadd.f32 v18, v10  }
0x25e: {  	v18 =	vimm.s32 $0xB;
	v19 =	vmul.f32 v19, v28;
	v16 =	vmul.f32 v16, v28  }
0x25f: {  	v20 =	vimm.s32 $0xD;
	v29 =	vperm.xlane v27, v21;
	v13 =	vmul.f32 v13, v28  }
0x260: {  	v11 =	vmul.f32 v11, v28;
	v17 =	vadd.f32 v19, v17;
	v15 =	vadd.f32 v16, v15  }
0x261: {  	v12 =	vmul.f32 v12, v29;
	v13 =	vadd.f32 v13, v14;
	v9 =	vmul.f32 v9, v29  }
0x262: {  	v16 =	vimm.s32 $0x4;
	v10 =	vadd.f32 v11, v10;
	v8 =	vmul.f32 v8, v29  }
0x263: {  	v6 =	vmul.f32 v6, v29;
	v11 =	vimm.s32 $0x6;
	v14 =	vimm.s32 $0x8  }
0x264: {  	v19 =	vimm.s32 $0xC;
	v22 =	vperm.xlane v27, v16;
	v23 =	vadd.f32 v12, v17  }
0x265: {  	v26 =	vperm.xlane v27, v11;
	v9 =	vadd.f32 v9, v15;
	v8 =	vadd.f32 v8, v13  }
0x266: {  	v13 =	vimm.s32 $0x5;
	v6 =	vadd.f32 v6, v10;
	v12 =	vimm.s32 $0x7  }
0x267: {  	v15 =	vimm.s32 $0x9;
	v7 =	vmul.f32 v7, v22;
	v5 =	vmul.f32 v5, v22  }
0x268: {  	v17 =	vimm.s32 $0xA;
	v24 =	vperm.xlane v27, v13;
	v4 =	vmul.f32 v4, v22  }
0x269: {  	v2 =	vmul.f32 v2, v22;
	v0 =	vmul.f32 v0, v26;
	v22 =	vimm.s32 $0xE  }
0x26a: {  	v7 =	vadd.f32 v7, v23;
	v5 =	vadd.f32 v5, v9;
	v3 =	vmul.f32 v3, v24  }
0x26b: {  	v4 =	vadd.f32 v4, v8;
	v8 =	vmul.f32 v63, v24;
	v1 =	vmul.f32 v1, v24  }
0x26c: {  	v2 =	vadd.f32 v2, v6;
	v6 =	vmul.f32 v62, v24;
	v3 =	vadd.f32 v3, v7  }
0x26d: {  	v5 =	vadd.f32 v8, v5;
	v1 =	vadd.f32 v1, v4;
	v4 =	vmul.f32 v61, v26  }
0x26e: {  	v7 =	vperm.xlane v27, v12;
	v0 =	vadd.f32 v0, v3;
	v3 =	vmul.f32 v60, v26  }
0x26f: {  	v2 =	vadd.f32 v6, v2;
	v4 =	vadd.f32 v4, v5;
	v5 =	vmul.f32 v58, v26  }
0x270: {  	v6 =	vmul.f32 v59, v7;
	v1 =	vadd.f32 v3, v1;
	v3 =	vmul.f32 v57, v7  }
0x271: {  	v8 =	vperm.xlane v27, v14;
	v2 =	vadd.f32 v5, v2;
	v5 =	vmul.f32 v56, v7  }
0x272: {  	v0 =	vadd.f32 v6, v0;
	v3 =	vadd.f32 v3, v4;
	v4 =	vmul.f32 v54, v7  }
0x273: {  	v6 =	vmul.f32 v55, v8;
	v1 =	vadd.f32 v5, v1;
	v5 =	vmul.f32 v53, v8  }
0x274: {  	v7 =	vperm.xlane v27, v15;
	v2 =	vadd.f32 v4, v2;
	v4 =	vmul.f32 v52, v8  }
0x275: {  	v0 =	vadd.f32 v6, v0;
	v3 =	vadd.f32 v5, v3;
	v5 =	vmul.f32 v50, v8  }
0x276: {  	v6 =	vmul.f32 v51, v7;
	v1 =	vadd.f32 v4, v1;
	v4 =	vmul.f32 v49, v7  }
0x277: {  	v8 =	vperm.xlane v27, v17;
	v2 =	vadd.f32 v5, v2;
	v5 =	vmul.f32 v48, v7  }
0x278: {  	v0 =	vadd.f32 v6, v0;
	v3 =	vadd.f32 v4, v3;
	v4 =	vmul.f32 v46, v7  }
0x279: {  	v6 =	vmul.f32 v47, v8;
	v1 =	vadd.f32 v5, v1;
	v5 =	vmul.f32 v45, v8  }
0x27a: {  	v7 =	vperm.xlane v27, v18;
	v2 =	vadd.f32 v4, v2;
	v4 =	vmul.f32 v44, v8  }
0x27b: {  	v0 =	vadd.f32 v6, v0;
	v3 =	vadd.f32 v5, v3;
	v5 =	vmul.f32 v42, v8  }
0x27c: {  	v6 =	vmul.f32 v43, v7;
	v1 =	vadd.f32 v4, v1;
	v4 =	vmul.f32 v41, v7  }
0x27d: {  	v8 =	vperm.xlane v27, v19;
	v2 =	vadd.f32 v5, v2;
	v5 =	vmul.f32 v40, v7  }
0x27e: {  	v0 =	vadd.f32 v6, v0;
	v3 =	vadd.f32 v4, v3;
	v4 =	vmul.f32 v38, v7  }
0x27f: {  	v6 =	vmul.f32 v39, v8;
	v1 =	vadd.f32 v5, v1;
	v5 =	vmul.f32 v37, v8  }
0x280: {  	v7 =	vperm.xlane v27, v20;
	v2 =	vadd.f32 v4, v2;
	v4 =	vmul.f32 v36, v8  }
0x281: {  	v0 =	vadd.f32 v6, v0;
	v3 =	vadd.f32 v5, v3;
	v5 =	vmul.f32 v34, v8  }
0x282: {  	v6 =	vmul.f32 v35, v7;
	v8 =	vperm.xlane v27, v22;
	v1 =	vadd.f32 v4, v1  }
0x283: {  	v4 =	vmul.f32 v33, v7;
	v2 =	vadd.f32 v5, v2;
	v5 =	vmul.f32 v32, v7  }
0x284: {  	v0 =	vadd.f32 v6, v0;
	v6 =	vmul.f32 v31, v8  }
0x285: {  	v3 =	vadd.f32 v4, v3;
	v4 =	vmul.f32 v30, v7;
	v1 =	vadd.f32 v5, v1;
	v5 =	vld [tilespmem:$0x1E320];
	_ =	sdelay $0x1  }
0x286: {  	v2 =	vadd.f32 v4, v2;
	v4 =	vadd.f32 v6, v0;
	v0 =	vld [tilespmem:$0x1E340];
	_ =	sdelay $0x2  }
0x287: {  	v7 =	vld [tilespmem:$0x1E330];
	v5 =	vmul.f32 v5, v8;
	_ =	sdelay $0x1  }
0x288: {  	v3 =	vadd.f32 v5, v3;
	v5 =	vmul.f32 v0, v8;
	v0 =	vld [tilespmem:$0x1E350];
	_ =	sdelay $0x1  }
0x289: {  	v23 =	vimm.s32 $0xF  }
0x28a: {  	v6 =	vperm.xlane v27, v23;
	v7 =	vmul.f32 v7, v8;
	_ =	sdelay $0x1  }
0x28b: {  	v1 =	vadd.f32 v7, v1;
	v7 =	vmul.f32 v0, v6;
	v0 =	vld [tilespmem:$0x1E360]  }
0x28c: {  	v2 =	vadd.f32 v5, v2;
	v5 =	vld [tilespmem:$0x1E370];
	_ =	sdelay $0x2  }
0x28d: {  	v4 =	vadd.f32 v7, v4;
	v7 =	vld [tilespmem:$0x1E380]  }
0x28e: {  	v8 =	vmul.f32 v0, v6;
	v0 =	vld [tilespmem:$0x1E390]  }
0x28f: {  	v5 =	vmul.f32 v5, v6;
	_ =	sdelay $0x1  }
0x290: {  	v1 =	vadd.f32 v5, v1;
	v5 =	vld [tilespmem:$0x1E3A0];
	_ =	sdelay $0x1  }
0x291: {  	v28 =	vimm.s32 $0x0;
	v6 =	vmul.f32 v7, v6;
	v0 =	vmax.f32 v0, $0.0e+00  }
0x292: {  	v29 =	vperm.xlane v0, v28  }
0x293: {  	v2 =	vadd.f32 v6, v2;
	v6 =	vld [tilespmem:$0x1E3C0]  }
0x294: {  	v5 =	vmul.f32 v5, v29;
	_ =	sdelay $0x1  }
0x295: {  	v4 =	vadd.f32 v5, v4;
	v5 =	vld [tilespmem:$0x1E3D0];
	_ =	sdelay $0x1  }
0x296: {  	v6 =	vmul.f32 v6, v29;
	_ =	sdelay $0x1  }
0x297: {  	v1 =	vadd.f32 v6, v1;
	v6 =	vld [tilespmem:$0x1E3E0]  }
0x298: {  	v5 =	vmul.f32 v5, v29  }
0x299: {  	v30 =	vimm.s32 $0x1  }
0x29a: {  	v3 =	vadd.f32 v8, v3;
	v8 =	vperm.xlane v0, v30;
	v2 =	vadd.f32 v5, v2;
	v5 =	vld [tilespmem:$0x1E400];
	_ =	sdelay $0x1  }
0x29b: {  	v6 =	vmul.f32 v6, v8;
	_ =	sdelay $0x1  }
0x29c: {  	v4 =	vadd.f32 v6, v4;
	v6 =	vld [tilespmem:$0x1E410]  }
0x29d: {  	v5 =	vmul.f32 v5, v8;
	_ =	sdelay $0x1  }
0x29e: {  	v1 =	vadd.f32 v5, v1;
	v5 =	vld [tilespmem:$0x1E420];
	_ =	sdelay $0x1  }
0x29f: {  	v7 =	vld [tilespmem:$0x1E3B0];
	v6 =	vmul.f32 v6, v8  }
0x2a0: {  	v31 =	vperm.xlane v0, v25  }
0x2a1: {  	v2 =	vadd.f32 v6, v2;
	v6 =	vld [tilespmem:$0x1E440]  }
0x2a2: {  	v5 =	vmul.f32 v5, v31;
	_ =	sdelay $0x1  }
0x2a3: {  	v7 =	vmul.f32 v7, v29;
	v4 =	vadd.f32 v5, v4;
	v5 =	vld [tilespmem:$0x1E450];
	_ =	sdelay $0x1  }
0x2a4: {  	v3 =	vadd.f32 v7, v3;
	v7 =	vld [tilespmem:$0x1E3F0];
	v6 =	vmul.f32 v6, v31;
	_ =	sdelay $0x1  }
0x2a5: {  	v1 =	vadd.f32 v6, v1;
	v6 =	vld [tilespmem:$0x1E460]  }
0x2a6: {  	v5 =	vmul.f32 v5, v31;
	_ =	sdelay $0x1  }
0x2a7: {  	v7 =	vmul.f32 v7, v8;
	v8 =	vperm.xlane v0, v21;
	v2 =	vadd.f32 v5, v2;
	v5 =	vld [tilespmem:$0x1E480];
	_ =	sdelay $0x1  }
0x2a8: {  	v6 =	vmul.f32 v6, v8;
	_ =	sdelay $0x1  }
0x2a9: {  	v4 =	vadd.f32 v6, v4;
	v6 =	vld [tilespmem:$0x1E490]  }
0x2aa: {  	v5 =	vmul.f32 v5, v8;
	_ =	sdelay $0x1  }
0x2ab: {  	v1 =	vadd.f32 v5, v1;
	v5 =	vld [tilespmem:$0x1E4A0];
	_ =	sdelay $0x1  }
0x2ac: {  	v3 =	vadd.f32 v7, v3;
	v7 =	vld [tilespmem:$0x1E430];
	v6 =	vmul.f32 v6, v8  }
0x2ad: {  	v32 =	vperm.xlane v0, v16  }
0x2ae: {  	v2 =	vadd.f32 v6, v2;
	v6 =	vld [tilespmem:$0x1E4C0]  }
0x2af: {  	v5 =	vmul.f32 v5, v32;
	_ =	sdelay $0x1  }
0x2b0: {  	v7 =	vmul.f32 v7, v31;
	v4 =	vadd.f32 v5, v4;
	v5 =	vld [tilespmem:$0x1E4D0];
	_ =	sdelay $0x1  }
0x2b1: {  	v3 =	vadd.f32 v7, v3;
	v7 =	vld [tilespmem:$0x1E470];
	v6 =	vmul.f32 v6, v32;
	_ =	sdelay $0x1  }
0x2b2: {  	v1 =	vadd.f32 v6, v1;
	v6 =	vld [tilespmem:$0x1E4E0]  }
0x2b3: {  	v5 =	vmul.f32 v5, v32;
	_ =	sdelay $0x1  }
0x2b4: {  	v7 =	vmul.f32 v7, v8;
	v8 =	vperm.xlane v0, v13;
	v2 =	vadd.f32 v5, v2;
	v5 =	vld [tilespmem:$0x1E500];
	_ =	sdelay $0x1  }
0x2b5: {  	v6 =	vmul.f32 v6, v8;
	_ =	sdelay $0x1  }
0x2b6: {  	v4 =	vadd.f32 v6, v4;
	v6 =	vld [tilespmem:$0x1E510]  }
0x2b7: {  	v5 =	vmul.f32 v5, v8;
	_ =	sdelay $0x1  }
0x2b8: {  	v1 =	vadd.f32 v5, v1;
	v5 =	vld [tilespmem:$0x1E520];
	_ =	sdelay $0x1  }
0x2b9: {  	v3 =	vadd.f32 v7, v3;
	v7 =	vld [tilespmem:$0x1E4B0];
	v6 =	vmul.f32 v6, v8  }
0x2ba: {  	v33 =	vperm.xlane v0, v11  }
0x2bb: {  	v2 =	vadd.f32 v6, v2;
	v6 =	vld [tilespmem:$0x1E540]  }
0x2bc: {  	v5 =	vmul.f32 v5, v33;
	_ =	sdelay $0x1  }
0x2bd: {  	v7 =	vmul.f32 v7, v32;
	v4 =	vadd.f32 v5, v4;
	v5 =	vld [tilespmem:$0x1E550];
	_ =	sdelay $0x1  }
0x2be: {  	v3 =	vadd.f32 v7, v3;
	v7 =	vld [tilespmem:$0x1E4F0];
	v6 =	vmul.f32 v6, v33;
	_ =	sdelay $0x1  }
0x2bf: {  	v1 =	vadd.f32 v6, v1;
	v6 =	vld [tilespmem:$0x1E560]  }
0x2c0: {  	v5 =	vmul.f32 v5, v33;
	_ =	sdelay $0x1  }
0x2c1: {  	v7 =	vmul.f32 v7, v8;
	v8 =	vperm.xlane v0, v12;
	v2 =	vadd.f32 v5, v2;
	v5 =	vld [tilespmem:$0x1E580];
	_ =	sdelay $0x1  }
0x2c2: {  	v6 =	vmul.f32 v6, v8;
	_ =	sdelay $0x1  }
0x2c3: {  	v4 =	vadd.f32 v6, v4;
	v6 =	vld [tilespmem:$0x1E590]  }
0x2c4: {  	v5 =	vmul.f32 v5, v8;
	_ =	sdelay $0x1  }
0x2c5: {  	v1 =	vadd.f32 v5, v1;
	v5 =	vld [tilespmem:$0x1E5A0];
	_ =	sdelay $0x1  }
0x2c6: {  	v3 =	vadd.f32 v7, v3;
	v7 =	vld [tilespmem:$0x1E530];
	v6 =	vmul.f32 v6, v8  }
0x2c7: {  	v34 =	vperm.xlane v0, v14  }
0x2c8: {  	v2 =	vadd.f32 v6, v2;
	v6 =	vld [tilespmem:$0x1E5C0]  }
0x2c9: {  	v5 =	vmul.f32 v5, v34;
	_ =	sdelay $0x1  }
0x2ca: {  	v7 =	vmul.f32 v7, v33;
	v4 =	vadd.f32 v5, v4;
	v5 =	vld [tilespmem:$0x1E5D0];
	_ =	sdelay $0x1  }
0x2cb: {  	v3 =	vadd.f32 v7, v3;
	v7 =	vld [tilespmem:$0x1E570];
	v6 =	vmul.f32 v6, v34;
	_ =	sdelay $0x1  }
0x2cc: {  	v1 =	vadd.f32 v6, v1;
	v6 =	vld [tilespmem:$0x1E5E0]  }
0x2cd: {  	v5 =	vmul.f32 v5, v34;
	_ =	sdelay $0x1  }
0x2ce: {  	v7 =	vmul.f32 v7, v8;
	v8 =	vperm.xlane v0, v15;
	v2 =	vadd.f32 v5, v2;
	v5 =	vld [tilespmem:$0x1E600];
	_ =	sdelay $0x1  }
0x2cf: {  	v6 =	vmul.f32 v6, v8;
	_ =	sdelay $0x1  }
0x2d0: {  	v4 =	vadd.f32 v6, v4;
	v6 =	vld [tilespmem:$0x1E610]  }
0x2d1: {  	v5 =	vmul.f32 v5, v8;
	_ =	sdelay $0x1  }
0x2d2: {  	v1 =	vadd.f32 v5, v1;
	v5 =	vld [tilespmem:$0x1E620];
	_ =	sdelay $0x1  }
0x2d3: {  	v3 =	vadd.f32 v7, v3;
	v7 =	vld [tilespmem:$0x1E5B0];
	v6 =	vmul.f32 v6, v8  }
0x2d4: {  	v35 =	vperm.xlane v0, v17  }
0x2d5: {  	v2 =	vadd.f32 v6, v2;
	v6 =	vld [tilespmem:$0x1E640]  }
0x2d6: {  	v5 =	vmul.f32 v5, v35;
	_ =	sdelay $0x1  }
0x2d7: {  	v7 =	vmul.f32 v7, v34;
	v4 =	vadd.f32 v5, v4;
	v5 =	vld [tilespmem:$0x1E650];
	_ =	sdelay $0x1  }
0x2d8: {  	v3 =	vadd.f32 v7, v3;
	v7 =	vld [tilespmem:$0x1E5F0];
	v6 =	vmul.f32 v6, v35;
	_ =	sdelay $0x1  }
0x2d9: {  	v1 =	vadd.f32 v6, v1;
	v6 =	vld [tilespmem:$0x1E660]  }
0x2da: {  	v5 =	vmul.f32 v5, v35;
	_ =	sdelay $0x1  }
0x2db: {  	v7 =	vmul.f32 v7, v8;
	v8 =	vperm.xlane v0, v18;
	v2 =	vadd.f32 v5, v2;
	v5 =	vld [tilespmem:$0x1E680];
	_ =	sdelay $0x1  }
0x2dc: {  	v6 =	vmul.f32 v6, v8  }
0x2dd: {  	v3 =	vadd.f32 v7, v3;
	v7 =	vld [tilespmem:$0x1E630]  }
0x2de: {  	v4 =	vadd.f32 v6, v4;
	v6 =	vld [tilespmem:$0x1E690]  }
0x2df: {  	v5 =	vmul.f32 v5, v8;
	_ =	sdelay $0x1  }
0x2e0: {  	v1 =	vadd.f32 v5, v1;
	v5 =	vld [tilespmem:$0x1E6A0]  }
0x2e1: {  	v7 =	vmul.f32 v7, v35  }
0x2e2: {  	v6 =	vmul.f32 v6, v8  }
0x2e3: {  	v36 =	vperm.xlane v0, v19;
	v3 =	vadd.f32 v7, v3;
	v7 =	vld [tilespmem:$0x1E670]  }
0x2e4: {  	v2 =	vadd.f32 v6, v2;
	v6 =	vld [tilespmem:$0x1E6C0]  }
0x2e5: {  	v5 =	vmul.f32 v5, v36;
	_ =	sdelay $0x1  }
0x2e6: {  	v4 =	vadd.f32 v5, v4;
	v5 =	vld [tilespmem:$0x1E6D0]  }
0x2e7: {  	v7 =	vmul.f32 v7, v8  }
0x2e8: {  	v6 =	vmul.f32 v6, v36  }
0x2e9: {  	v3 =	vadd.f32 v7, v3;
	v7 =	vld [tilespmem:$0x1E6B0]  }
0x2ea: {  	v1 =	vadd.f32 v6, v1;
	v6 =	vld [tilespmem:$0x1E6E0]  }
0x2eb: {  	v5 =	vmul.f32 v5, v36;
	_ =	sdelay $0x1  }
0x2ec: {  	v8 =	vperm.xlane v0, v20;
	v2 =	vadd.f32 v5, v2;
	v5 =	vld [tilespmem:$0x1E700]  }
0x2ed: {  	v7 =	vmul.f32 v7, v36  }
0x2ee: {  	v6 =	vmul.f32 v6, v8  }
0x2ef: {  	v3 =	vadd.f32 v7, v3;
	v7 =	vld [tilespmem:$0x1E6F0]  }
0x2f0: {  	v4 =	vadd.f32 v6, v4;
	v6 =	vld [tilespmem:$0x1E710]  }
0x2f1: {  	v5 =	vmul.f32 v5, v8;
	_ =	sdelay $0x1  }
0x2f2: {  	v1 =	vadd.f32 v5, v1;
	v5 =	vld [tilespmem:$0x1E720]  }
0x2f3: {  	v37 =	vperm.xlane v0, v22;
	v7 =	vmul.f32 v7, v8  }
0x2f4: {  	v6 =	vmul.f32 v6, v8;
	v8 =	vperm.xlane v0, v23;
	v0 =	vld [tilespmem:$0x1E750];
	_ =	sdelay $0x2  }
0x2f5: {  	v2 =	vadd.f32 v6, v2;
	v6 =	vld [tilespmem:$0x1E740];
	v5 =	vmul.f32 v5, v37;
	_ =	sdelay $0x1  }
0x2f6: {  	v4 =	vadd.f32 v5, v4;
	v5 =	vmul.f32 v0, v37;
	v0 =	vld [tilespmem:$0x1E760];
	_ =	sdelay $0x2  }
0x2f7: {  	v3 =	vadd.f32 v7, v3;
	v7 =	vld [tilespmem:$0x1E730];
	v6 =	vmul.f32 v6, v37;
	_ =	sdelay $0x1  }
0x2f8: {  	v1 =	vadd.f32 v6, v1;
	v2 =	vadd.f32 v5, v2;
	v5 =	vld [tilespmem:$0x1E770];
	v6 =	vmul.f32 v0, v8;
	_ =	sdelay $0x1  }
0x2f9: {  	v4 =	vadd.f32 v6, v4;
	v6 =	vld [tilespmem:$0x1E780]  }
0x2fa: {  	v7 =	vmul.f32 v7, v37  }
0x2fb: {  	v0 =	vld [tilespmem:$0x1E7A0]  }
0x2fc: {  	v3 =	vadd.f32 v7, v3;
	v5 =	vmul.f32 v5, v8;
	_ =	sdelay $0x1  }
0x2fd: {  	v3 =	vadd.f32 v5, v3;
	v5 =	vld [tilespmem:$0x1E7B0];
	v6 =	vmul.f32 v6, v8;
	_ =	sdelay $0x1  }
0x2fe: {  	v0 =	vmax.f32 v0, $0.0e+00;
	v1 =	vadd.f32 v6, v1;
	v6 =	vld [tilespmem:$0x1E7D0]  }
0x2ff: {  	v7 =	vperm.xlane v0, v28;
	_ =	sdelay $0x1  }
0x300: {  	v38 =	vld [tilespmem:$0x1E790];
	v5 =	vmul.f32 v5, v7;
	_ =	sdelay $0x1  }
0x301: {  	v4 =	vadd.f32 v5, v4;
	v5 =	vld [tilespmem:$0x1E7E0];
	v6 =	vmul.f32 v6, v7;
	_ =	sdelay $0x1  }
0x302: {  	v1 =	vadd.f32 v6, v1;
	v6 =	vld [tilespmem:$0x1E7F0]  }
0x303: {  	v8 =	vmul.f32 v38, v8;
	_ =	sdelay $0x1  }
0x304: {  	v39 =	vld [tilespmem:$0x1E7C0];
	v10 =	vperm.xlane v0, v30;
	v2 =	vadd.f32 v8, v2;
	v5 =	vmul.f32 v5, v7;
	_ =	sdelay $0x1  }
0x305: {  	v2 =	vadd.f32 v5, v2;
	v5 =	vld [tilespmem:$0x1E800];
	v6 =	vmul.f32 v6, v10;
	_ =	sdelay $0x1  }
0x306: {  	v4 =	vadd.f32 v6, v4;
	v6 =	vld [tilespmem:$0x1E810]  }
0x307: {  	v9 =	vmul.f32 v39, v7;
	_ =	sdelay $0x1  }
0x308: {  	v3 =	vadd.f32 v9, v3;
	v5 =	vmul.f32 v5, v10;
	_ =	sdelay $0x1  }
0x309: {  	v3 =	vadd.f32 v5, v3;
	v5 =	vld [tilespmem:$0x1E830];
	v6 =	vmul.f32 v6, v10;
	_ =	sdelay $0x1  }
0x30a: {  	v1 =	vadd.f32 v6, v1;
	v6 =	vld [tilespmem:$0x1E850]  }
0x30b: {  	v7 =	vperm.xlane v0, v25;
	_ =	sdelay $0x1  }
0x30c: {  	v8 =	vld [tilespmem:$0x1E820];
	v5 =	vmul.f32 v5, v7;
	_ =	sdelay $0x1  }
0x30d: {  	v4 =	vadd.f32 v5, v4;
	v5 =	vld [tilespmem:$0x1E860];
	v6 =	vmul.f32 v6, v7;
	_ =	sdelay $0x1  }
0x30e: {  	v1 =	vadd.f32 v6, v1;
	v6 =	vld [tilespmem:$0x1E870]  }
0x30f: {  	v8 =	vmul.f32 v8, v10;
	_ =	sdelay $0x1  }
0x310: {  	v40 =	vld [tilespmem:$0x1E840];
	v41 =	vperm.xlane v0, v21;
	v2 =	vadd.f32 v8, v2;
	v5 =	vmul.f32 v5, v7;
	_ =	sdelay $0x1  }
0x311: {  	v2 =	vadd.f32 v5, v2;
	v5 =	vld [tilespmem:$0x1E880];
	v6 =	vmul.f32 v6, v41;
	_ =	sdelay $0x1  }
0x312: {  	v4 =	vadd.f32 v6, v4;
	v6 =	vld [tilespmem:$0x1E890]  }
0x313: {  	v9 =	vmul.f32 v40, v7;
	_ =	sdelay $0x1  }
0x314: {  	v3 =	vadd.f32 v9, v3;
	v5 =	vmul.f32 v5, v41;
	_ =	sdelay $0x1  }
0x315: {  	v3 =	vadd.f32 v5, v3;
	v5 =	vld [tilespmem:$0x1E8B0];
	v6 =	vmul.f32 v6, v41;
	_ =	sdelay $0x1  }
0x316: {  	v1 =	vadd.f32 v6, v1;
	v6 =	vld [tilespmem:$0x1E8D0]  }
0x317: {  	v7 =	vperm.xlane v0, v16;
	_ =	sdelay $0x1  }
0x318: {  	v8 =	vld [tilespmem:$0x1E8A0];
	v5 =	vmul.f32 v5, v7;
	_ =	sdelay $0x1  }
0x319: {  	v4 =	vadd.f32 v5, v4;
	v5 =	vld [tilespmem:$0x1E8E0];
	v6 =	vmul.f32 v6, v7;
	_ =	sdelay $0x1  }
0x31a: {  	v1 =	vadd.f32 v6, v1;
	v6 =	vld [tilespmem:$0x1E8F0]  }
0x31b: {  	v8 =	vmul.f32 v8, v41;
	_ =	sdelay $0x1  }
0x31c: {  	v42 =	vld [tilespmem:$0x1E8C0];
	v43 =	vperm.xlane v0, v13;
	v2 =	vadd.f32 v8, v2;
	v5 =	vmul.f32 v5, v7;
	_ =	sdelay $0x1  }
0x31d: {  	v2 =	vadd.f32 v5, v2;
	v5 =	vld [tilespmem:$0x1E900];
	v6 =	vmul.f32 v6, v43;
	_ =	sdelay $0x1  }
0x31e: {  	v4 =	vadd.f32 v6, v4;
	v6 =	vld [tilespmem:$0x1E910]  }
0x31f: {  	v9 =	vmul.f32 v42, v7;
	_ =	sdelay $0x1  }
0x320: {  	v3 =	vadd.f32 v9, v3;
	v5 =	vmul.f32 v5, v43;
	_ =	sdelay $0x1  }
0x321: {  	v3 =	vadd.f32 v5, v3;
	v5 =	vld [tilespmem:$0x1E930];
	v6 =	vmul.f32 v6, v43;
	_ =	sdelay $0x1  }
0x322: {  	v1 =	vadd.f32 v6, v1;
	v6 =	vld [tilespmem:$0x1E950]  }
0x323: {  	v7 =	vperm.xlane v0, v11;
	_ =	sdelay $0x1  }
0x324: {  	v8 =	vld [tilespmem:$0x1E920];
	v5 =	vmul.f32 v5, v7;
	_ =	sdelay $0x1  }
0x325: {  	v4 =	vadd.f32 v5, v4;
	v5 =	vld [tilespmem:$0x1E960];
	v6 =	vmul.f32 v6, v7;
	_ =	sdelay $0x1  }
0x326: {  	v1 =	vadd.f32 v6, v1;
	v6 =	vld [tilespmem:$0x1E970]  }
0x327: {  	v8 =	vmul.f32 v8, v43;
	_ =	sdelay $0x1  }
0x328: {  	v44 =	vld [tilespmem:$0x1E940];
	v45 =	vperm.xlane v0, v12;
	v2 =	vadd.f32 v8, v2;
	v5 =	vmul.f32 v5, v7;
	_ =	sdelay $0x1  }
0x329: {  	v2 =	vadd.f32 v5, v2;
	v5 =	vld [tilespmem:$0x1E980];
	v6 =	vmul.f32 v6, v45;
	_ =	sdelay $0x1  }
0x32a: {  	v4 =	vadd.f32 v6, v4;
	v6 =	vld [tilespmem:$0x1E990]  }
0x32b: {  	v9 =	vmul.f32 v44, v7;
	_ =	sdelay $0x1  }
0x32c: {  	v3 =	vadd.f32 v9, v3;
	v5 =	vmul.f32 v5, v45;
	_ =	sdelay $0x1  }
0x32d: {  	v3 =	vadd.f32 v5, v3;
	v5 =	vld [tilespmem:$0x1E9B0];
	v6 =	vmul.f32 v6, v45;
	_ =	sdelay $0x1  }
0x32e: {  	v1 =	vadd.f32 v6, v1;
	v6 =	vld [tilespmem:$0x1E9D0]  }
0x32f: {  	v7 =	vperm.xlane v0, v14;
	_ =	sdelay $0x1  }
0x330: {  	v8 =	vld [tilespmem:$0x1E9A0];
	v5 =	vmul.f32 v5, v7;
	_ =	sdelay $0x1  }
0x331: {  	v4 =	vadd.f32 v5, v4;
	v5 =	vld [tilespmem:$0x1E9E0];
	v6 =	vmul.f32 v6, v7;
	_ =	sdelay $0x1  }
0x332: {  	v1 =	vadd.f32 v6, v1;
	v6 =	vld [tilespmem:$0x1E9F0]  }
0x333: {  	v8 =	vmul.f32 v8, v45;
	_ =	sdelay $0x1  }
0x334: {  	v46 =	vld [tilespmem:$0x1E9C0];
	v47 =	vperm.xlane v0, v15;
	v2 =	vadd.f32 v8, v2;
	v5 =	vmul.f32 v5, v7;
	_ =	sdelay $0x1  }
0x335: {  	v2 =	vadd.f32 v5, v2;
	v5 =	vld [tilespmem:$0x1EA00];
	v6 =	vmul.f32 v6, v47;
	_ =	sdelay $0x1  }
0x336: {  	v4 =	vadd.f32 v6, v4;
	v6 =	vld [tilespmem:$0x1EA10]  }
0x337: {  	v9 =	vmul.f32 v46, v7;
	_ =	sdelay $0x1  }
0x338: {  	v3 =	vadd.f32 v9, v3;
	v5 =	vmul.f32 v5, v47;
	_ =	sdelay $0x1  }
0x339: {  	v3 =	vadd.f32 v5, v3;
	v5 =	vld [tilespmem:$0x1EA30];
	v6 =	vmul.f32 v6, v47;
	_ =	sdelay $0x1  }
0x33a: {  	v1 =	vadd.f32 v6, v1;
	v6 =	vld [tilespmem:$0x1EA50]  }
0x33b: {  	v7 =	vperm.xlane v0, v17;
	_ =	sdelay $0x1  }
0x33c: {  	v8 =	vld [tilespmem:$0x1EA20];
	v5 =	vmul.f32 v5, v7;
	_ =	sdelay $0x1  }
0x33d: {  	v4 =	vadd.f32 v5, v4;
	v5 =	vld [tilespmem:$0x1EA60];
	v6 =	vmul.f32 v6, v7;
	_ =	sdelay $0x1  }
0x33e: {  	v1 =	vadd.f32 v6, v1;
	v6 =	vld [tilespmem:$0x1EA70]  }
0x33f: {  	v8 =	vmul.f32 v8, v47;
	_ =	sdelay $0x1  }
0x340: {  	v48 =	vld [tilespmem:$0x1EA40];
	v49 =	vperm.xlane v0, v18;
	v2 =	vadd.f32 v8, v2;
	v5 =	vmul.f32 v5, v7;
	_ =	sdelay $0x1  }
0x341: {  	v2 =	vadd.f32 v5, v2;
	v5 =	vld [tilespmem:$0x1EA80];
	v6 =	vmul.f32 v6, v49;
	_ =	sdelay $0x1  }
0x342: {  	v4 =	vadd.f32 v6, v4;
	v6 =	vld [tilespmem:$0x1EA90]  }
0x343: {  	v9 =	vmul.f32 v48, v7;
	_ =	sdelay $0x1  }
0x344: {  	v3 =	vadd.f32 v9, v3;
	v5 =	vmul.f32 v5, v49;
	_ =	sdelay $0x1  }
0x345: {  	v3 =	vadd.f32 v5, v3;
	v5 =	vld [tilespmem:$0x1EAB0];
	v6 =	vmul.f32 v6, v49;
	_ =	sdelay $0x1  }
0x346: {  	v1 =	vadd.f32 v6, v1;
	v6 =	vld [tilespmem:$0x1EAD0]  }
0x347: {  	v7 =	vperm.xlane v0, v19;
	_ =	sdelay $0x1  }
0x348: {  	v8 =	vld [tilespmem:$0x1EAA0];
	v5 =	vmul.f32 v5, v7;
	_ =	sdelay $0x1  }
0x349: {  	v4 =	vadd.f32 v5, v4;
	v5 =	vld [tilespmem:$0x1EAE0];
	v6 =	vmul.f32 v6, v7;
	_ =	sdelay $0x1  }
0x34a: {  	v1 =	vadd.f32 v6, v1;
	v6 =	vld [tilespmem:$0x1EAF0]  }
0x34b: {  	v8 =	vmul.f32 v8, v49;
	_ =	sdelay $0x1  }
0x34c: {  	v50 =	vld [tilespmem:$0x1EAC0];
	v51 =	vperm.xlane v0, v20;
	v2 =	vadd.f32 v8, v2;
	v5 =	vmul.f32 v5, v7;
	_ =	sdelay $0x1  }
0x34d: {  	v2 =	vadd.f32 v5, v2;
	v5 =	vld [tilespmem:$0x1EB00];
	v6 =	vmul.f32 v6, v51;
	_ =	sdelay $0x1  }
0x34e: {  	v4 =	vadd.f32 v6, v4;
	v6 =	vld [tilespmem:$0x1EB10]  }
0x34f: {  	v9 =	vmul.f32 v50, v7;
	_ =	sdelay $0x1  }
0x350: {  	v3 =	vadd.f32 v9, v3;
	v5 =	vmul.f32 v5, v51;
	_ =	sdelay $0x1  }
0x351: {  	v3 =	vadd.f32 v5, v3;
	v5 =	vld [tilespmem:$0x1EB30];
	v6 =	vmul.f32 v6, v51;
	_ =	sdelay $0x1  }
0x352: {  	v7 =	vperm.xlane v0, v22;
	v1 =	vadd.f32 v6, v1;
	v6 =	vperm.xlane v0, v23;
	v0 =	vld [tilespmem:$0x1EB50];
	_ =	sdelay $0x2  }
0x353: {  	v5 =	vmul.f32 v5, v7  }
0x354: {  	v8 =	vld [tilespmem:$0x1EB20]  }
0x355: {  	v52 =	vld [tilespmem:$0x1EB40];
	v4 =	vadd.f32 v5, v4;
	v5 =	vmul.f32 v0, v7  }
0x356: {  	v0 =	vld [tilespmem:$0x1EB60]  }
0x357: {  	v1 =	vadd.f32 v5, v1;
	v5 =	vld [tilespmem:$0x1EB80];
	_ =	sdelay $0x1  }
0x358: {  	v8 =	vmul.f32 v8, v51  }
0x359: {  	v9 =	vmul.f32 v52, v7  }
0x35a: {  	v2 =	vadd.f32 v8, v2;
	v7 =	vmul.f32 v0, v7;
	v0 =	vld [tilespmem:$0x1EB70]  }
0x35b: {  	v3 =	vadd.f32 v9, v3;
	v5 =	vmul.f32 v5, v6  }
0x35c: {  	v2 =	vadd.f32 v7, v2;
	v7 =	vld [tilespmem:$0x1EB90]  }
0x35d: {  	v3 =	vadd.f32 v5, v3;
	v5 =	vld [tilespmem:$0x1EBA0];
	_ =	sdelay $0x1  }
0x35e: {  	v8 =	vmul.f32 v0, v6;
	v0 =	vld [tilespmem:$0x1EBB0];
	_ =	sdelay $0x2  }
0x35f: {  	v7 =	vmul.f32 v7, v6;
	v5 =	vmul.f32 v5, v6;
	v6 =	vld [tilespmem:$0x1EBC0];
	_ =	sdelay $0x1  }
0x360: {  	v26 =	vimm.s32 $0x0;
	v0 =	vmax.f32 v0, $0.0e+00;
	v2 =	vadd.f32 v5, v2;
	v5 =	vld [tilespmem:$0x1EBE0]  }
0x361: {  	v53 =	vperm.xlane v0, v26;
	_ =	sdelay $0x1  }
0x362: {  	v4 =	vadd.f32 v8, v4;
	v6 =	vmul.f32 v6, v53  }
0x363: {  	v1 =	vadd.f32 v7, v1;
	v7 =	vld [tilespmem:$0x1EBD0]  }
0x364: {  	v4 =	vadd.f32 v6, v4;
	v5 =	vmul.f32 v5, v53;
	v6 =	vld [tilespmem:$0x1EBF0];
	_ =	sdelay $0x1  }
0x365: {  	v1 =	vadd.f32 v5, v1;
	v5 =	vld [tilespmem:$0x1EC10]  }
0x366: {  	v24 =	vimm.s32 $0x1  }
0x367: {  	v8 =	vperm.xlane v0, v24  }
0x368: {  	v7 =	vmul.f32 v7, v53;
	v6 =	vmul.f32 v6, v53;
	_ =	sdelay $0x1  }
0x369: {  	v3 =	vadd.f32 v7, v3;
	v5 =	vmul.f32 v5, v8;
	v2 =	vadd.f32 v6, v2;
	v6 =	vld [tilespmem:$0x1EC20];
	_ =	sdelay $0x1  }
0x36a: {  	v3 =	vadd.f32 v5, v3;
	v5 =	vld [tilespmem:$0x1EC30];
	_ =	sdelay $0x2  }
0x36b: {  	v6 =	vmul.f32 v6, v8;
	_ =	sdelay $0x1  }
0x36c: {  	v5 =	vmul.f32 v5, v8;
	v1 =	vadd.f32 v6, v1;
	v6 =	vld [tilespmem:$0x1EC50];
	_ =	sdelay $0x1  }
0x36d: {  	v2 =	vadd.f32 v5, v2;
	v5 =	vld [tilespmem:$0x1EC60]  }
0x36e: {  	v54 =	vperm.xlane v0, v25;
	_ =	sdelay $0x1  }
0x36f: {  	v6 =	vmul.f32 v6, v54  }
0x370: {  	v7 =	vld [tilespmem:$0x1EC00]  }
0x371: {  	v5 =	vmul.f32 v5, v54;
	v3 =	vadd.f32 v6, v3;
	v6 =	vld [tilespmem:$0x1EC70];
	_ =	sdelay $0x1  }
0x372: {  	v1 =	vadd.f32 v5, v1;
	v5 =	vld [tilespmem:$0x1EC90];
	_ =	sdelay $0x1  }
0x373: {  	v7 =	vmul.f32 v7, v8  }
0x374: {  	v8 =	vperm.xlane v0, v21;
	v6 =	vmul.f32 v6, v54;
	_ =	sdelay $0x1  }
0x375: {  	v5 =	vmul.f32 v5, v8;
	v2 =	vadd.f32 v6, v2;
	v6 =	vld [tilespmem:$0x1ECA0];
	_ =	sdelay $0x1  }
0x376: {  	v3 =	vadd.f32 v5, v3;
	v5 =	vld [tilespmem:$0x1ECB0];
	_ =	sdelay $0x2  }
0x377: {  	v6 =	vmul.f32 v6, v8  }
0x378: {  	v4 =	vadd.f32 v7, v4;
	v7 =	vld [tilespmem:$0x1EC40]  }
0x379: {  	v5 =	vmul.f32 v5, v8;
	v1 =	vadd.f32 v6, v1;
	v6 =	vld [tilespmem:$0x1ECD0];
	_ =	sdelay $0x1  }
0x37a: {  	v2 =	vadd.f32 v5, v2;
	v5 =	vld [tilespmem:$0x1ECE0]  }
0x37b: {  	v55 =	vperm.xlane v0, v16  }
0x37c: {  	v7 =	vmul.f32 v7, v54  }
0x37d: {  	v6 =	vmul.f32 v6, v55  }
0x37e: {  	v4 =	vadd.f32 v7, v4;
	v7 =	vld [tilespmem:$0x1EC80]  }
0x37f: {  	v5 =	vmul.f32 v5, v55;
	v3 =	vadd.f32 v6, v3;
	v6 =	vld [tilespmem:$0x1ECF0];
	_ =	sdelay $0x1  }
0x380: {  	v1 =	vadd.f32 v5, v1;
	v5 =	vld [tilespmem:$0x1ED10];
	_ =	sdelay $0x1  }
0x381: {  	v7 =	vmul.f32 v7, v8  }
0x382: {  	v8 =	vperm.xlane v0, v13;
	v6 =	vmul.f32 v6, v55;
	_ =	sdelay $0x1  }
0x383: {  	v5 =	vmul.f32 v5, v8;
	v2 =	vadd.f32 v6, v2;
	v6 =	vld [tilespmem:$0x1ED20];
	_ =	sdelay $0x1  }
0x384: {  	v3 =	vadd.f32 v5, v3;
	v5 =	vld [tilespmem:$0x1ED30];
	_ =	sdelay $0x2  }
0x385: {  	v6 =	vmul.f32 v6, v8  }
0x386: {  	v4 =	vadd.f32 v7, v4;
	v7 =	vld [tilespmem:$0x1ECC0]  }
0x387: {  	v5 =	vmul.f32 v5, v8;
	v1 =	vadd.f32 v6, v1;
	v6 =	vld [tilespmem:$0x1ED50];
	_ =	sdelay $0x1  }
0x388: {  	v2 =	vadd.f32 v5, v2;
	v5 =	vld [tilespmem:$0x1ED60]  }
0x389: {  	v56 =	vperm.xlane v0, v11  }
0x38a: {  	v7 =	vmul.f32 v7, v55  }
0x38b: {  	v6 =	vmul.f32 v6, v56  }
0x38c: {  	v4 =	vadd.f32 v7, v4;
	v7 =	vld [tilespmem:$0x1ED00]  }
0x38d: {  	v5 =	vmul.f32 v5, v56;
	v3 =	vadd.f32 v6, v3;
	v6 =	vld [tilespmem:$0x1ED70];
	_ =	sdelay $0x1  }
0x38e: {  	v1 =	vadd.f32 v5, v1;
	v5 =	vld [tilespmem:$0x1ED90];
	_ =	sdelay $0x1  }
0x38f: {  	v7 =	vmul.f32 v7, v8  }
0x390: {  	v8 =	vperm.xlane v0, v12;
	v6 =	vmul.f32 v6, v56;
	_ =	sdelay $0x1  }
0x391: {  	v5 =	vmul.f32 v5, v8;
	v2 =	vadd.f32 v6, v2;
	v6 =	vld [tilespmem:$0x1EDA0];
	_ =	sdelay $0x1  }
0x392: {  	v3 =	vadd.f32 v5, v3;
	v5 =	vld [tilespmem:$0x1EDB0];
	_ =	sdelay $0x2  }
0x393: {  	v6 =	vmul.f32 v6, v8  }
0x394: {  	v4 =	vadd.f32 v7, v4;
	v7 =	vld [tilespmem:$0x1ED40]  }
0x395: {  	v5 =	vmul.f32 v5, v8;
	v1 =	vadd.f32 v6, v1;
	v6 =	vld [tilespmem:$0x1EDD0];
	_ =	sdelay $0x1  }
0x396: {  	v2 =	vadd.f32 v5, v2;
	v5 =	vld [tilespmem:$0x1EDE0]  }
0x397: {  	v57 =	vperm.xlane v0, v14  }
0x398: {  	v7 =	vmul.f32 v7, v56  }
0x399: {  	v6 =	vmul.f32 v6, v57  }
0x39a: {  	v4 =	vadd.f32 v7, v4;
	v7 =	vld [tilespmem:$0x1ED80]  }
0x39b: {  	v5 =	vmul.f32 v5, v57;
	v3 =	vadd.f32 v6, v3;
	v6 =	vld [tilespmem:$0x1EDF0];
	_ =	sdelay $0x1  }
0x39c: {  	v1 =	vadd.f32 v5, v1;
	v5 =	vld [tilespmem:$0x1EE10];
	_ =	sdelay $0x1  }
0x39d: {  	v7 =	vmul.f32 v7, v8  }
0x39e: {  	v8 =	vperm.xlane v0, v15;
	v6 =	vmul.f32 v6, v57;
	_ =	sdelay $0x1  }
0x39f: {  	v5 =	vmul.f32 v5, v8;
	v2 =	vadd.f32 v6, v2;
	v6 =	vld [tilespmem:$0x1EE20];
	_ =	sdelay $0x1  }
0x3a0: {  	v3 =	vadd.f32 v5, v3;
	v5 =	vld [tilespmem:$0x1EE30];
	_ =	sdelay $0x2  }
0x3a1: {  	v6 =	vmul.f32 v6, v8  }
0x3a2: {  	v4 =	vadd.f32 v7, v4;
	v7 =	vld [tilespmem:$0x1EDC0]  }
0x3a3: {  	v5 =	vmul.f32 v5, v8;
	v1 =	vadd.f32 v6, v1;
	v6 =	vld [tilespmem:$0x1EE50];
	_ =	sdelay $0x1  }
0x3a4: {  	v2 =	vadd.f32 v5, v2;
	v5 =	vld [tilespmem:$0x1EE60]  }
0x3a5: {  	v58 =	vperm.xlane v0, v17  }
0x3a6: {  	v7 =	vmul.f32 v7, v57  }
0x3a7: {  	v6 =	vmul.f32 v6, v58  }
0x3a8: {  	v4 =	vadd.f32 v7, v4;
	v7 =	vld [tilespmem:$0x1EE00]  }
0x3a9: {  	v5 =	vmul.f32 v5, v58;
	v3 =	vadd.f32 v6, v3;
	v6 =	vld [tilespmem:$0x1EE70];
	_ =	sdelay $0x1  }
0x3aa: {  	v1 =	vadd.f32 v5, v1;
	v5 =	vld [tilespmem:$0x1EE90];
	_ =	sdelay $0x1  }
0x3ab: {  	v7 =	vmul.f32 v7, v8  }
0x3ac: {  	v8 =	vperm.xlane v0, v18;
	v6 =	vmul.f32 v6, v58;
	_ =	sdelay $0x1  }
0x3ad: {  	v5 =	vmul.f32 v5, v8;
	v2 =	vadd.f32 v6, v2;
	v6 =	vld [tilespmem:$0x1EEA0];
	_ =	sdelay $0x1  }
0x3ae: {  	v3 =	vadd.f32 v5, v3;
	v5 =	vld [tilespmem:$0x1EEB0];
	_ =	sdelay $0x2  }
0x3af: {  	v4 =	vadd.f32 v7, v4;
	v7 =	vld [tilespmem:$0x1EE40];
	v6 =	vmul.f32 v6, v8;
	_ =	sdelay $0x1  }
0x3b0: {  	v5 =	vmul.f32 v5, v8;
	v1 =	vadd.f32 v6, v1;
	v6 =	vld [tilespmem:$0x1EED0];
	_ =	sdelay $0x1  }
0x3b1: {  	v2 =	vadd.f32 v5, v2;
	v5 =	vld [tilespmem:$0x1EEE0]  }
0x3b2: {  	v59 =	vperm.xlane v0, v19;
	v7 =	vmul.f32 v7, v58;
	_ =	sdelay $0x1  }
0x3b3: {  	v4 =	vadd.f32 v7, v4;
	v7 =	vld [tilespmem:$0x1EE80];
	v6 =	vmul.f32 v6, v59;
	_ =	sdelay $0x1  }
0x3b4: {  	v5 =	vmul.f32 v5, v59;
	v3 =	vadd.f32 v6, v3;
	v6 =	vld [tilespmem:$0x1EEF0];
	_ =	sdelay $0x1  }
0x3b5: {  	v1 =	vadd.f32 v5, v1;
	v5 =	vld [tilespmem:$0x1EF10]  }
0x3b6: {  	v7 =	vmul.f32 v7, v8;
	_ =	sdelay $0x1  }
0x3b7: {  	v4 =	vadd.f32 v7, v4;
	v7 =	vld [tilespmem:$0x1EEC0];
	v8 =	vperm.xlane v0, v20;
	v6 =	vmul.f32 v6, v59;
	_ =	sdelay $0x1  }
0x3b8: {  	v5 =	vmul.f32 v5, v8;
	v2 =	vadd.f32 v6, v2;
	v6 =	vld [tilespmem:$0x1EF20];
	_ =	sdelay $0x1  }
0x3b9: {  	v3 =	vadd.f32 v5, v3;
	v5 =	vld [tilespmem:$0x1EF30]  }
0x3ba: {  	v7 =	vmul.f32 v7, v59;
	_ =	sdelay $0x1  }
0x3bb: {  	v4 =	vadd.f32 v7, v4;
	v7 =	vld [tilespmem:$0x1EF00];
	v6 =	vmul.f32 v6, v8;
	_ =	sdelay $0x1  }
0x3bc: {  	v5 =	vmul.f32 v5, v8;
	v1 =	vadd.f32 v6, v1;
	v6 =	vld [tilespmem:$0x1EF50];
	_ =	sdelay $0x1  }
0x3bd: {  	v60 =	vperm.xlane v0, v22;
	v2 =	vadd.f32 v5, v2;
	v5 =	vperm.xlane v0, v23;
	v0 =	vld [tilespmem:$0x1EF70]  }
0x3be: {  	v7 =	vmul.f32 v7, v8;
	_ =	sdelay $0x1  }
0x3bf: {  	v4 =	vadd.f32 v7, v4;
	v7 =	vld [tilespmem:$0x1EF40];
	v6 =	vmul.f32 v6, v60;
	_ =	sdelay $0x1  }
0x3c0: {  	v3 =	vadd.f32 v6, v3;
	v6 =	vmul.f32 v0, v60;
	v0 =	vld [tilespmem:$0x1EF80];
	_ =	sdelay $0x2  }
0x3c1: {  	v7 =	vmul.f32 v7, v60;
	v8 =	vld [tilespmem:$0x1EF60];
	_ =	sdelay $0x1  }
0x3c2: {  	v4 =	vadd.f32 v7, v4;
	v7 =	vmul.f32 v0, v5;
	v0 =	vld [tilespmem:$0x1EF90]  }
0x3c3: {  	v2 =	vadd.f32 v6, v2;
	v6 =	vld [tilespmem:$0x1EFA0];
	_ =	sdelay $0x1  }
0x3c4: {  	v8 =	vmul.f32 v8, v60  }
0x3c5: {  	v4 =	vadd.f32 v7, v4;
	v7 =	vld [tilespmem:$0x1EFB0]  }
0x3c6: {  	v1 =	vadd.f32 v8, v1;
	v8 =	vmul.f32 v0, v5;
	v0 =	vld [tilespmem:$0x1EFC0]  }
0x3c7: {  	v6 =	vmul.f32 v6, v5;
	_ =	sdelay $0x1  }
0x3c8: {  	v1 =	vadd.f32 v6, v1;
	v6 =	vld [tilespmem:$0x1EFD0];
	_ =	sdelay $0x1  }
0x3c9: {  	v5 =	vmul.f32 v7, v5;
	v0 =	vmax.f32 v0, $0.0e+00  }
0x3ca: {  	v61 =	vperm.xlane v0, v26  }
0x3cb: {  	v2 =	vadd.f32 v5, v2;
	v5 =	vld [tilespmem:$0x1EFF0]  }
0x3cc: {  	v6 =	vmul.f32 v6, v61;
	_ =	sdelay $0x1  }
0x3cd: {  	v4 =	vadd.f32 v6, v4;
	v6 =	vld [tilespmem:$0x1F000];
	_ =	sdelay $0x1  }
0x3ce: {  	v5 =	vmul.f32 v5, v61;
	_ =	sdelay $0x1  }
0x3cf: {  	v1 =	vadd.f32 v5, v1;
	v5 =	vld [tilespmem:$0x1F010]  }
0x3d0: {  	v6 =	vmul.f32 v6, v61;
	_ =	sdelay $0x1  }
0x3d1: {  	v3 =	vadd.f32 v8, v3;
	v8 =	vperm.xlane v0, v24;
	v2 =	vadd.f32 v6, v2;
	v6 =	vld [tilespmem:$0x1F030];
	_ =	sdelay $0x1  }
0x3d2: {  	v5 =	vmul.f32 v5, v8;
	_ =	sdelay $0x1  }
0x3d3: {  	v4 =	vadd.f32 v5, v4;
	v5 =	vld [tilespmem:$0x1F040]  }
0x3d4: {  	v6 =	vmul.f32 v6, v8;
	_ =	sdelay $0x1  }
0x3d5: {  	v1 =	vadd.f32 v6, v1;
	v6 =	vld [tilespmem:$0x1F050];
	_ =	sdelay $0x1  }
0x3d6: {  	v7 =	vld [tilespmem:$0x1EFE0];
	v5 =	vmul.f32 v5, v8  }
0x3d7: {  	v62 =	vperm.xlane v0, v25  }
0x3d8: {  	v2 =	vadd.f32 v5, v2;
	v5 =	vld [tilespmem:$0x1F070]  }
0x3d9: {  	v6 =	vmul.f32 v6, v62;
	_ =	sdelay $0x1  }
0x3da: {  	v7 =	vmul.f32 v7, v61;
	v4 =	vadd.f32 v6, v4;
	v6 =	vld [tilespmem:$0x1F080];
	_ =	sdelay $0x1  }
0x3db: {  	v3 =	vadd.f32 v7, v3;
	v7 =	vld [tilespmem:$0x1F020];
	v5 =	vmul.f32 v5, v62;
	_ =	sdelay $0x1  }
0x3dc: {  	v1 =	vadd.f32 v5, v1;
	v5 =	vld [tilespmem:$0x1F090]  }
0x3dd: {  	v6 =	vmul.f32 v6, v62;
	_ =	sdelay $0x1  }
0x3de: {  	v7 =	vmul.f32 v7, v8;
	v8 =	vperm.xlane v0, v21;
	v2 =	vadd.f32 v6, v2;
	v6 =	vld [tilespmem:$0x1F0B0];
	_ =	sdelay $0x1  }
0x3df: {  	v5 =	vmul.f32 v5, v8;
	_ =	sdelay $0x1  }
0x3e0: {  	v4 =	vadd.f32 v5, v4;
	v5 =	vld [tilespmem:$0x1F0C0]  }
0x3e1: {  	v6 =	vmul.f32 v6, v8;
	_ =	sdelay $0x1  }
0x3e2: {  	v1 =	vadd.f32 v6, v1;
	v6 =	vld [tilespmem:$0x1F0D0];
	_ =	sdelay $0x1  }
0x3e3: {  	v3 =	vadd.f32 v7, v3;
	v7 =	vld [tilespmem:$0x1F060];
	v5 =	vmul.f32 v5, v8  }
0x3e4: {  	v63 =	vperm.xlane v0, v16  }
0x3e5: {  	v2 =	vadd.f32 v5, v2;
	v5 =	vld [tilespmem:$0x1F0F0]  }
0x3e6: {  	v6 =	vmul.f32 v6, v63;
	_ =	sdelay $0x1  }
0x3e7: {  	v7 =	vmul.f32 v7, v62;
	v4 =	vadd.f32 v6, v4;
	v6 =	vld [tilespmem:$0x1F100];
	_ =	sdelay $0x1  }
0x3e8: {  	v3 =	vadd.f32 v7, v3;
	v7 =	vld [tilespmem:$0x1F0A0];
	v5 =	vmul.f32 v5, v63;
	_ =	sdelay $0x1  }
0x3e9: {  	v1 =	vadd.f32 v5, v1;
	v5 =	vld [tilespmem:$0x1F110]  }
0x3ea: {  	v6 =	vmul.f32 v6, v63;
	_ =	sdelay $0x1  }
0x3eb: {  	v7 =	vmul.f32 v7, v8;
	v8 =	vperm.xlane v0, v13;
	v2 =	vadd.f32 v6, v2;
	v6 =	vld [tilespmem:$0x1F130];
	_ =	sdelay $0x1  }
0x3ec: {  	v5 =	vmul.f32 v5, v8;
	_ =	sdelay $0x1  }
0x3ed: {  	v4 =	vadd.f32 v5, v4;
	v5 =	vld [tilespmem:$0x1F140]  }
0x3ee: {  	v6 =	vmul.f32 v6, v8;
	_ =	sdelay $0x1  }
0x3ef: {  	v1 =	vadd.f32 v6, v1;
	v6 =	vld [tilespmem:$0x1F150];
	_ =	sdelay $0x1  }
0x3f0: {  	v3 =	vadd.f32 v7, v3;
	v7 =	vld [tilespmem:$0x1F0E0];
	v5 =	vmul.f32 v5, v8  }
0x3f1: {  	v27 =	vperm.xlane v0, v11  }
0x3f2: {  	v2 =	vadd.f32 v5, v2;
	v5 =	vld [tilespmem:$0x1F170]  }
0x3f3: {  	v6 =	vmul.f32 v6, v27;
	_ =	sdelay $0x1  }
0x3f4: {  	v7 =	vmul.f32 v7, v63;
	v4 =	vadd.f32 v6, v4;
	v6 =	vld [tilespmem:$0x1F180];
	_ =	sdelay $0x1  }
0x3f5: {  	v3 =	vadd.f32 v7, v3;
	v7 =	vld [tilespmem:$0x1F120];
	v5 =	vmul.f32 v5, v27;
	_ =	sdelay $0x1  }
0x3f6: {  	v1 =	vadd.f32 v5, v1;
	v5 =	vld [tilespmem:$0x1F190]  }
0x3f7: {  	v6 =	vmul.f32 v6, v27;
	_ =	sdelay $0x1  }
0x3f8: {  	v7 =	vmul.f32 v7, v8;
	v8 =	vperm.xlane v0, v12;
	v2 =	vadd.f32 v6, v2;
	v6 =	vld [tilespmem:$0x1F1B0];
	_ =	sdelay $0x1  }
0x3f9: {  	v5 =	vmul.f32 v5, v8;
	_ =	sdelay $0x1  }
0x3fa: {  	v4 =	vadd.f32 v5, v4;
	v5 =	vld [tilespmem:$0x1F1C0]  }
0x3fb: {  	v6 =	vmul.f32 v6, v8;
	_ =	sdelay $0x1  }
0x3fc: {  	v1 =	vadd.f32 v6, v1;
	v6 =	vld [tilespmem:$0x1F1D0];
	_ =	sdelay $0x1  }
0x3fd: {  	v3 =	vadd.f32 v7, v3;
	v7 =	vld [tilespmem:$0x1F160];
	v5 =	vmul.f32 v5, v8  }
0x3fe: {  	v28 =	vperm.xlane v0, v14  }
0x3ff: {  	v2 =	vadd.f32 v5, v2;
	v5 =	vld [tilespmem:$0x1F1F0]  }
0x400: {  	v6 =	vmul.f32 v6, v28;
	_ =	sdelay $0x1  }
0x401: {  	v7 =	vmul.f32 v7, v27;
	v4 =	vadd.f32 v6, v4;
	v6 =	vld [tilespmem:$0x1F200];
	_ =	sdelay $0x1  }
0x402: {  	v3 =	vadd.f32 v7, v3;
	v7 =	vld [tilespmem:$0x1F1A0];
	v5 =	vmul.f32 v5, v28;
	_ =	sdelay $0x1  }
0x403: {  	v1 =	vadd.f32 v5, v1;
	v5 =	vld [tilespmem:$0x1F210]  }
0x404: {  	v6 =	vmul.f32 v6, v28;
	_ =	sdelay $0x1  }
0x405: {  	v7 =	vmul.f32 v7, v8;
	v8 =	vperm.xlane v0, v15;
	v2 =	vadd.f32 v6, v2;
	v6 =	vld [tilespmem:$0x1F230];
	_ =	sdelay $0x1  }
0x406: {  	v5 =	vmul.f32 v5, v8;
	_ =	sdelay $0x1  }
0x407: {  	v4 =	vadd.f32 v5, v4;
	v5 =	vld [tilespmem:$0x1F240]  }
0x408: {  	v6 =	vmul.f32 v6, v8;
	_ =	sdelay $0x1  }
0x409: {  	v1 =	vadd.f32 v6, v1;
	v6 =	vld [tilespmem:$0x1F250];
	_ =	sdelay $0x1  }
0x40a: {  	v3 =	vadd.f32 v7, v3;
	v7 =	vld [tilespmem:$0x1F1E0];
	v5 =	vmul.f32 v5, v8  }
0x40b: {  	v29 =	vperm.xlane v0, v17  }
0x40c: {  	v2 =	vadd.f32 v5, v2;
	v5 =	vld [tilespmem:$0x1F270]  }
0x40d: {  	v6 =	vmul.f32 v6, v29;
	_ =	sdelay $0x1  }
0x40e: {  	v7 =	vmul.f32 v7, v28;
	v4 =	vadd.f32 v6, v4;
	v6 =	vld [tilespmem:$0x1F280];
	_ =	sdelay $0x1  }
0x40f: {  	v3 =	vadd.f32 v7, v3;
	v7 =	vld [tilespmem:$0x1F220];
	v5 =	vmul.f32 v5, v29;
	_ =	sdelay $0x1  }
0x410: {  	v1 =	vadd.f32 v5, v1;
	v5 =	vld [tilespmem:$0x1F290]  }
0x411: {  	v6 =	vmul.f32 v6, v29;
	_ =	sdelay $0x1  }
0x412: {  	v7 =	vmul.f32 v7, v8;
	v8 =	vperm.xlane v0, v18;
	v2 =	vadd.f32 v6, v2;
	v6 =	vld [tilespmem:$0x1F2B0];
	_ =	sdelay $0x1  }
0x413: {  	v5 =	vmul.f32 v5, v8  }
0x414: {  	v3 =	vadd.f32 v7, v3;
	v7 =	vld [tilespmem:$0x1F260]  }
0x415: {  	v4 =	vadd.f32 v5, v4;
	v5 =	vld [tilespmem:$0x1F2C0]  }
0x416: {  	v6 =	vmul.f32 v6, v8;
	_ =	sdelay $0x1  }
0x417: {  	v1 =	vadd.f32 v6, v1;
	v6 =	vld [tilespmem:$0x1F2D0]  }
0x418: {  	v7 =	vmul.f32 v7, v29  }
0x419: {  	v5 =	vmul.f32 v5, v8  }
0x41a: {  	v30 =	vperm.xlane v0, v19;
	v3 =	vadd.f32 v7, v3;
	v7 =	vld [tilespmem:$0x1F2A0]  }
0x41b: {  	v2 =	vadd.f32 v5, v2;
	v5 =	vld [tilespmem:$0x1F2F0]  }
0x41c: {  	v6 =	vmul.f32 v6, v30;
	_ =	sdelay $0x1  }
0x41d: {  	v4 =	vadd.f32 v6, v4;
	v6 =	vld [tilespmem:$0x1F300]  }
0x41e: {  	v7 =	vmul.f32 v7, v8  }
0x41f: {  	v5 =	vmul.f32 v5, v30  }
0x420: {  	v3 =	vadd.f32 v7, v3;
	v7 =	vld [tilespmem:$0x1F2E0]  }
0x421: {  	v1 =	vadd.f32 v5, v1;
	v5 =	vld [tilespmem:$0x1F310]  }
0x422: {  	v6 =	vmul.f32 v6, v30;
	_ =	sdelay $0x1  }
0x423: {  	v8 =	vperm.xlane v0, v20;
	v2 =	vadd.f32 v6, v2;
	v6 =	vld [tilespmem:$0x1F330]  }
0x424: {  	v7 =	vmul.f32 v7, v30  }
0x425: {  	v5 =	vmul.f32 v5, v8  }
0x426: {  	v3 =	vadd.f32 v7, v3;
	v7 =	vld [tilespmem:$0x1F320]  }
0x427: {  	v4 =	vadd.f32 v5, v4;
	v5 =	vld [tilespmem:$0x1F340]  }
0x428: {  	v6 =	vmul.f32 v6, v8;
	_ =	sdelay $0x1  }
0x429: {  	v1 =	vadd.f32 v6, v1;
	v6 =	vld [tilespmem:$0x1F350]  }
0x42a: {  	v31 =	vperm.xlane v0, v22;
	v7 =	vmul.f32 v7, v8  }
0x42b: {  	v5 =	vmul.f32 v5, v8;
	v8 =	vperm.xlane v0, v23;
	v0 =	vld [tilespmem:$0x1F380];
	_ =	sdelay $0x2  }
0x42c: {  	v2 =	vadd.f32 v5, v2;
	v5 =	vld [tilespmem:$0x1F370];
	v6 =	vmul.f32 v6, v31;
	_ =	sdelay $0x1  }
0x42d: {  	v4 =	vadd.f32 v6, v4;
	v6 =	vmul.f32 v0, v31;
	v0 =	vld [tilespmem:$0x1F390];
	_ =	sdelay $0x2  }
0x42e: {  	v3 =	vadd.f32 v7, v3;
	v7 =	vld [tilespmem:$0x1F360];
	v5 =	vmul.f32 v5, v31;
	_ =	sdelay $0x1  }
0x42f: {  	v1 =	vadd.f32 v5, v1;
	v2 =	vadd.f32 v6, v2;
	v6 =	vld [tilespmem:$0x1F3A0];
	v5 =	vmul.f32 v0, v8;
	_ =	sdelay $0x1  }
0x430: {  	v4 =	vadd.f32 v5, v4;
	v5 =	vld [tilespmem:$0x1F3B0]  }
0x431: {  	v7 =	vmul.f32 v7, v31  }
0x432: {  	v0 =	vld [tilespmem:$0x1F3D0]  }
0x433: {  	v3 =	vadd.f32 v7, v3;
	v6 =	vmul.f32 v6, v8;
	_ =	sdelay $0x1  }
0x434: {  	v3 =	vadd.f32 v6, v3;
	v6 =	vld [tilespmem:$0x1F3E0];
	v5 =	vmul.f32 v5, v8;
	_ =	sdelay $0x1  }
0x435: {  	v0 =	vmax.f32 v0, $0.0e+00;
	v1 =	vadd.f32 v5, v1;
	v5 =	vld [tilespmem:$0x1F400]  }
0x436: {  	v7 =	vperm.xlane v0, v26;
	_ =	sdelay $0x1  }
0x437: {  	v32 =	vld [tilespmem:$0x1F3C0];
	v6 =	vmul.f32 v6, v7;
	_ =	sdelay $0x1  }
0x438: {  	v4 =	vadd.f32 v6, v4;
	v6 =	vld [tilespmem:$0x1F410];
	v5 =	vmul.f32 v5, v7;
	_ =	sdelay $0x1  }
0x439: {  	v1 =	vadd.f32 v5, v1;
	v5 =	vld [tilespmem:$0x1F420]  }
0x43a: {  	v8 =	vmul.f32 v32, v8;
	_ =	sdelay $0x1  }
0x43b: {  	v33 =	vld [tilespmem:$0x1F3F0];
	v34 =	vperm.xlane v0, v24;
	v2 =	vadd.f32 v8, v2;
	v6 =	vmul.f32 v6, v7;
	_ =	sdelay $0x1  }
0x43c: {  	v2 =	vadd.f32 v6, v2;
	v6 =	vld [tilespmem:$0x1F430];
	v5 =	vmul.f32 v5, v34;
	_ =	sdelay $0x1  }
0x43d: {  	v4 =	vadd.f32 v5, v4;
	v5 =	vld [tilespmem:$0x1F440]  }
0x43e: {  	v9 =	vmul.f32 v33, v7;
	_ =	sdelay $0x1  }
0x43f: {  	v3 =	vadd.f32 v9, v3;
	v6 =	vmul.f32 v6, v34;
	_ =	sdelay $0x1  }
0x440: {  	v3 =	vadd.f32 v6, v3;
	v6 =	vld [tilespmem:$0x1F460];
	v5 =	vmul.f32 v5, v34;
	_ =	sdelay $0x1  }
0x441: {  	v1 =	vadd.f32 v5, v1;
	v5 =	vld [tilespmem:$0x1F480]  }
0x442: {  	v7 =	vperm.xlane v0, v25;
	_ =	sdelay $0x1  }
0x443: {  	v8 =	vld [tilespmem:$0x1F450];
	v6 =	vmul.f32 v6, v7;
	_ =	sdelay $0x1  }
0x444: {  	v4 =	vadd.f32 v6, v4;
	v6 =	vld [tilespmem:$0x1F490];
	v5 =	vmul.f32 v5, v7;
	_ =	sdelay $0x1  }
0x445: {  	v1 =	vadd.f32 v5, v1;
	v5 =	vld [tilespmem:$0x1F4A0]  }
0x446: {  	v8 =	vmul.f32 v8, v34;
	_ =	sdelay $0x1  }
0x447: {  	v35 =	vld [tilespmem:$0x1F470];
	v36 =	vperm.xlane v0, v21;
	v2 =	vadd.f32 v8, v2;
	v6 =	vmul.f32 v6, v7;
	_ =	sdelay $0x1  }
0x448: {  	v2 =	vadd.f32 v6, v2;
	v6 =	vld [tilespmem:$0x1F4B0];
	v5 =	vmul.f32 v5, v36;
	_ =	sdelay $0x1  }
0x449: {  	v4 =	vadd.f32 v5, v4;
	v5 =	vld [tilespmem:$0x1F4C0]  }
0x44a: {  	v9 =	vmul.f32 v35, v7;
	_ =	sdelay $0x1  }
0x44b: {  	v3 =	vadd.f32 v9, v3;
	v6 =	vmul.f32 v6, v36;
	_ =	sdelay $0x1  }
0x44c: {  	v3 =	vadd.f32 v6, v3;
	v6 =	vld [tilespmem:$0x1F4E0];
	v5 =	vmul.f32 v5, v36;
	_ =	sdelay $0x1  }
0x44d: {  	v1 =	vadd.f32 v5, v1;
	v5 =	vld [tilespmem:$0x1F500]  }
0x44e: {  	v7 =	vperm.xlane v0, v16;
	_ =	sdelay $0x1  }
0x44f: {  	v8 =	vld [tilespmem:$0x1F4D0];
	v6 =	vmul.f32 v6, v7;
	_ =	sdelay $0x1  }
0x450: {  	v4 =	vadd.f32 v6, v4;
	v6 =	vld [tilespmem:$0x1F510];
	v5 =	vmul.f32 v5, v7;
	_ =	sdelay $0x1  }
0x451: {  	v1 =	vadd.f32 v5, v1;
	v5 =	vld [tilespmem:$0x1F520]  }
0x452: {  	v8 =	vmul.f32 v8, v36;
	_ =	sdelay $0x1  }
0x453: {  	v37 =	vld [tilespmem:$0x1F4F0];
	v38 =	vperm.xlane v0, v13;
	v2 =	vadd.f32 v8, v2;
	v6 =	vmul.f32 v6, v7;
	_ =	sdelay $0x1  }
0x454: {  	v2 =	vadd.f32 v6, v2;
	v6 =	vld [tilespmem:$0x1F530];
	v5 =	vmul.f32 v5, v38;
	_ =	sdelay $0x1  }
0x455: {  	v4 =	vadd.f32 v5, v4;
	v5 =	vld [tilespmem:$0x1F540]  }
0x456: {  	v9 =	vmul.f32 v37, v7;
	_ =	sdelay $0x1  }
0x457: {  	v3 =	vadd.f32 v9, v3;
	v6 =	vmul.f32 v6, v38;
	_ =	sdelay $0x1  }
0x458: {  	v3 =	vadd.f32 v6, v3;
	v6 =	vld [tilespmem:$0x1F560];
	v5 =	vmul.f32 v5, v38;
	_ =	sdelay $0x1  }
0x459: {  	v1 =	vadd.f32 v5, v1;
	v5 =	vld [tilespmem:$0x1F580]  }
0x45a: {  	v7 =	vperm.xlane v0, v11;
	_ =	sdelay $0x1  }
0x45b: {  	v8 =	vld [tilespmem:$0x1F550];
	v6 =	vmul.f32 v6, v7;
	_ =	sdelay $0x1  }
0x45c: {  	v4 =	vadd.f32 v6, v4;
	v6 =	vld [tilespmem:$0x1F590];
	v5 =	vmul.f32 v5, v7;
	_ =	sdelay $0x1  }
0x45d: {  	v1 =	vadd.f32 v5, v1;
	v5 =	vld [tilespmem:$0x1F5A0]  }
0x45e: {  	v8 =	vmul.f32 v8, v38;
	_ =	sdelay $0x1  }
0x45f: {  	v39 =	vld [tilespmem:$0x1F570];
	v40 =	vperm.xlane v0, v12;
	v2 =	vadd.f32 v8, v2;
	v6 =	vmul.f32 v6, v7;
	_ =	sdelay $0x1  }
0x460: {  	v2 =	vadd.f32 v6, v2;
	v6 =	vld [tilespmem:$0x1F5B0];
	v5 =	vmul.f32 v5, v40;
	_ =	sdelay $0x1  }
0x461: {  	v4 =	vadd.f32 v5, v4;
	v5 =	vld [tilespmem:$0x1F5C0]  }
0x462: {  	v9 =	vmul.f32 v39, v7;
	_ =	sdelay $0x1  }
0x463: {  	v3 =	vadd.f32 v9, v3;
	v6 =	vmul.f32 v6, v40;
	_ =	sdelay $0x1  }
0x464: {  	v3 =	vadd.f32 v6, v3;
	v6 =	vld [tilespmem:$0x1F5E0];
	v5 =	vmul.f32 v5, v40;
	_ =	sdelay $0x1  }
0x465: {  	v1 =	vadd.f32 v5, v1;
	v5 =	vld [tilespmem:$0x1F600]  }
0x466: {  	v7 =	vperm.xlane v0, v14;
	_ =	sdelay $0x1  }
0x467: {  	v8 =	vld [tilespmem:$0x1F5D0];
	v6 =	vmul.f32 v6, v7;
	_ =	sdelay $0x1  }
0x468: {  	v4 =	vadd.f32 v6, v4;
	v6 =	vld [tilespmem:$0x1F610];
	v5 =	vmul.f32 v5, v7;
	_ =	sdelay $0x1  }
0x469: {  	v1 =	vadd.f32 v5, v1;
	v5 =	vld [tilespmem:$0x1F620]  }
0x46a: {  	v8 =	vmul.f32 v8, v40;
	_ =	sdelay $0x1  }
0x46b: {  	v41 =	vld [tilespmem:$0x1F5F0];
	v42 =	vperm.xlane v0, v15;
	v2 =	vadd.f32 v8, v2;
	v6 =	vmul.f32 v6, v7;
	_ =	sdelay $0x1  }
0x46c: {  	v2 =	vadd.f32 v6, v2;
	v6 =	vld [tilespmem:$0x1F630];
	v5 =	vmul.f32 v5, v42;
	_ =	sdelay $0x1  }
0x46d: {  	v4 =	vadd.f32 v5, v4;
	v5 =	vld [tilespmem:$0x1F640]  }
0x46e: {  	v9 =	vmul.f32 v41, v7;
	_ =	sdelay $0x1  }
0x46f: {  	v3 =	vadd.f32 v9, v3;
	v6 =	vmul.f32 v6, v42;
	_ =	sdelay $0x1  }
0x470: {  	v3 =	vadd.f32 v6, v3;
	v6 =	vld [tilespmem:$0x1F660];
	v5 =	vmul.f32 v5, v42;
	_ =	sdelay $0x1  }
0x471: {  	v1 =	vadd.f32 v5, v1;
	v5 =	vld [tilespmem:$0x1F680]  }
0x472: {  	v7 =	vperm.xlane v0, v17;
	_ =	sdelay $0x1  }
0x473: {  	v8 =	vld [tilespmem:$0x1F650];
	v6 =	vmul.f32 v6, v7;
	_ =	sdelay $0x1  }
0x474: {  	v4 =	vadd.f32 v6, v4;
	v6 =	vld [tilespmem:$0x1F690];
	v5 =	vmul.f32 v5, v7;
	_ =	sdelay $0x1  }
0x475: {  	v1 =	vadd.f32 v5, v1;
	v5 =	vld [tilespmem:$0x1F6A0]  }
0x476: {  	v8 =	vmul.f32 v8, v42;
	_ =	sdelay $0x1  }
0x477: {  	v43 =	vld [tilespmem:$0x1F670];
	v44 =	vperm.xlane v0, v18;
	v2 =	vadd.f32 v8, v2;
	v6 =	vmul.f32 v6, v7;
	_ =	sdelay $0x1  }
0x478: {  	v2 =	vadd.f32 v6, v2;
	v6 =	vld [tilespmem:$0x1F6B0];
	v5 =	vmul.f32 v5, v44;
	_ =	sdelay $0x1  }
0x479: {  	v4 =	vadd.f32 v5, v4;
	v5 =	vld [tilespmem:$0x1F6C0]  }
0x47a: {  	v9 =	vmul.f32 v43, v7;
	_ =	sdelay $0x1  }
0x47b: {  	v3 =	vadd.f32 v9, v3;
	v6 =	vmul.f32 v6, v44;
	_ =	sdelay $0x1  }
0x47c: {  	v3 =	vadd.f32 v6, v3;
	v6 =	vld [tilespmem:$0x1F6E0];
	v5 =	vmul.f32 v5, v44;
	_ =	sdelay $0x1  }
0x47d: {  	v1 =	vadd.f32 v5, v1;
	v5 =	vld [tilespmem:$0x1F700]  }
0x47e: {  	v7 =	vperm.xlane v0, v19;
	_ =	sdelay $0x1  }
0x47f: {  	v8 =	vld [tilespmem:$0x1F6D0];
	v6 =	vmul.f32 v6, v7;
	_ =	sdelay $0x1  }
0x480: {  	v4 =	vadd.f32 v6, v4;
	v6 =	vld [tilespmem:$0x1F710];
	v5 =	vmul.f32 v5, v7;
	_ =	sdelay $0x1  }
0x481: {  	v1 =	vadd.f32 v5, v1;
	v5 =	vld [tilespmem:$0x1F720]  }
0x482: {  	v8 =	vmul.f32 v8, v44;
	_ =	sdelay $0x1  }
0x483: {  	v45 =	vld [tilespmem:$0x1F6F0];
	v46 =	vperm.xlane v0, v20;
	v2 =	vadd.f32 v8, v2;
	v6 =	vmul.f32 v6, v7;
	_ =	sdelay $0x1  }
0x484: {  	v2 =	vadd.f32 v6, v2;
	v6 =	vld [tilespmem:$0x1F730];
	v5 =	vmul.f32 v5, v46;
	_ =	sdelay $0x1  }
0x485: {  	v4 =	vadd.f32 v5, v4;
	v5 =	vld [tilespmem:$0x1F740]  }
0x486: {  	v9 =	vmul.f32 v45, v7;
	_ =	sdelay $0x1  }
0x487: {  	v3 =	vadd.f32 v9, v3;
	v6 =	vmul.f32 v6, v46;
	_ =	sdelay $0x1  }
0x488: {  	v3 =	vadd.f32 v6, v3;
	v6 =	vld [tilespmem:$0x1F760];
	v5 =	vmul.f32 v5, v46;
	_ =	sdelay $0x1  }
0x489: {  	v7 =	vperm.xlane v0, v22;
	v1 =	vadd.f32 v5, v1;
	v5 =	vperm.xlane v0, v23;
	v0 =	vld [tilespmem:$0x1F780];
	_ =	sdelay $0x2  }
0x48a: {  	v6 =	vmul.f32 v6, v7  }
0x48b: {  	v8 =	vld [tilespmem:$0x1F750]  }
0x48c: {  	v47 =	vld [tilespmem:$0x1F770];
	v4 =	vadd.f32 v6, v4;
	v6 =	vmul.f32 v0, v7  }
0x48d: {  	v0 =	vld [tilespmem:$0x1F790]  }
0x48e: {  	v1 =	vadd.f32 v6, v1;
	v6 =	vld [tilespmem:$0x1F7B0];
	_ =	sdelay $0x1  }
0x48f: {  	v8 =	vmul.f32 v8, v46  }
0x490: {  	v9 =	vmul.f32 v47, v7  }
0x491: {  	v2 =	vadd.f32 v8, v2;
	v7 =	vmul.f32 v0, v7;
	v0 =	vld [tilespmem:$0x1F7A0]  }
0x492: {  	v3 =	vadd.f32 v9, v3;
	v6 =	vmul.f32 v6, v5  }
0x493: {  	v2 =	vadd.f32 v7, v2;
	v7 =	vld [tilespmem:$0x1F7C0]  }
0x494: {  	v3 =	vadd.f32 v6, v3;
	v6 =	vld [tilespmem:$0x1F7D0];
	_ =	sdelay $0x1  }
0x495: {  	v8 =	vmul.f32 v0, v5;
	v0 =	vld [tilespmem:$0x1F7E0];
	_ =	sdelay $0x2  }
0x496: {  	v7 =	vmul.f32 v7, v5;
	v5 =	vmul.f32 v6, v5;
	v6 =	vld [tilespmem:$0x1F7F0];
	_ =	sdelay $0x1  }
0x497: {  	v0 =	vmax.f32 v0, $0.0e+00;
	v2 =	vadd.f32 v5, v2;
	v5 =	vld [tilespmem:$0x1F810]  }
0x498: {  	v48 =	vperm.xlane v0, v26;
	_ =	sdelay $0x1  }
0x499: {  	v4 =	vadd.f32 v8, v4;
	v6 =	vmul.f32 v6, v48  }
0x49a: {  	v1 =	vadd.f32 v7, v1;
	v7 =	vld [tilespmem:$0x1F800]  }
0x49b: {  	v4 =	vadd.f32 v6, v4;
	v5 =	vmul.f32 v5, v48;
	v6 =	vld [tilespmem:$0x1F820];
	_ =	sdelay $0x1  }
0x49c: {  	v1 =	vadd.f32 v5, v1;
	v5 =	vld [tilespmem:$0x1F840];
	_ =	sdelay $0x1  }
0x49d: {  	v8 =	vperm.xlane v0, v24  }
0x49e: {  	v7 =	vmul.f32 v7, v48;
	v6 =	vmul.f32 v6, v48;
	_ =	sdelay $0x1  }
0x49f: {  	v3 =	vadd.f32 v7, v3;
	v5 =	vmul.f32 v5, v8;
	v2 =	vadd.f32 v6, v2;
	v6 =	vld [tilespmem:$0x1F850];
	_ =	sdelay $0x1  }
0x4a0: {  	v3 =	vadd.f32 v5, v3;
	v5 =	vld [tilespmem:$0x1F860];
	_ =	sdelay $0x2  }
0x4a1: {  	v6 =	vmul.f32 v6, v8;
	_ =	sdelay $0x1  }
0x4a2: {  	v5 =	vmul.f32 v5, v8;
	v1 =	vadd.f32 v6, v1;
	v6 =	vld [tilespmem:$0x1F880];
	_ =	sdelay $0x1  }
0x4a3: {  	v2 =	vadd.f32 v5, v2;
	v5 =	vld [tilespmem:$0x1F890]  }
0x4a4: {  	v49 =	vperm.xlane v0, v25;
	_ =	sdelay $0x1  }
0x4a5: {  	v6 =	vmul.f32 v6, v49  }
0x4a6: {  	v7 =	vld [tilespmem:$0x1F830]  }
0x4a7: {  	v5 =	vmul.f32 v5, v49;
	v3 =	vadd.f32 v6, v3;
	v6 =	vld [tilespmem:$0x1F8A0];
	_ =	sdelay $0x1  }
0x4a8: {  	v1 =	vadd.f32 v5, v1;
	v5 =	vld [tilespmem:$0x1F8C0];
	_ =	sdelay $0x1  }
0x4a9: {  	v7 =	vmul.f32 v7, v8  }
0x4aa: {  	v8 =	vperm.xlane v0, v21;
	v6 =	vmul.f32 v6, v49;
	_ =	sdelay $0x1  }
0x4ab: {  	v5 =	vmul.f32 v5, v8;
	v2 =	vadd.f32 v6, v2;
	v6 =	vld [tilespmem:$0x1F8D0];
	_ =	sdelay $0x1  }
0x4ac: {  	v3 =	vadd.f32 v5, v3;
	v5 =	vld [tilespmem:$0x1F8E0];
	_ =	sdelay $0x2  }
0x4ad: {  	v6 =	vmul.f32 v6, v8  }
0x4ae: {  	v4 =	vadd.f32 v7, v4;
	v7 =	vld [tilespmem:$0x1F870]  }
0x4af: {  	v5 =	vmul.f32 v5, v8;
	v1 =	vadd.f32 v6, v1;
	v6 =	vld [tilespmem:$0x1F900];
	_ =	sdelay $0x1  }
0x4b0: {  	v2 =	vadd.f32 v5, v2;
	v5 =	vld [tilespmem:$0x1F910]  }
0x4b1: {  	v50 =	vperm.xlane v0, v16  }
0x4b2: {  	v7 =	vmul.f32 v7, v49  }
0x4b3: {  	v6 =	vmul.f32 v6, v50  }
0x4b4: {  	v4 =	vadd.f32 v7, v4;
	v7 =	vld [tilespmem:$0x1F8B0]  }
0x4b5: {  	v5 =	vmul.f32 v5, v50;
	v3 =	vadd.f32 v6, v3;
	v6 =	vld [tilespmem:$0x1F920];
	_ =	sdelay $0x1  }
0x4b6: {  	v1 =	vadd.f32 v5, v1;
	v5 =	vld [tilespmem:$0x1F940];
	_ =	sdelay $0x1  }
0x4b7: {  	v7 =	vmul.f32 v7, v8  }
0x4b8: {  	v8 =	vperm.xlane v0, v13;
	v6 =	vmul.f32 v6, v50;
	_ =	sdelay $0x1  }
0x4b9: {  	v5 =	vmul.f32 v5, v8;
	v2 =	vadd.f32 v6, v2;
	v6 =	vld [tilespmem:$0x1F950];
	_ =	sdelay $0x1  }
0x4ba: {  	v3 =	vadd.f32 v5, v3;
	v5 =	vld [tilespmem:$0x1F960];
	_ =	sdelay $0x2  }
0x4bb: {  	v6 =	vmul.f32 v6, v8  }
0x4bc: {  	v4 =	vadd.f32 v7, v4;
	v7 =	vld [tilespmem:$0x1F8F0]  }
0x4bd: {  	v5 =	vmul.f32 v5, v8;
	v1 =	vadd.f32 v6, v1;
	v6 =	vld [tilespmem:$0x1F980];
	_ =	sdelay $0x1  }
0x4be: {  	v2 =	vadd.f32 v5, v2;
	v5 =	vld [tilespmem:$0x1F990]  }
0x4bf: {  	v51 =	vperm.xlane v0, v11  }
0x4c0: {  	v7 =	vmul.f32 v7, v50  }
0x4c1: {  	v6 =	vmul.f32 v6, v51  }
0x4c2: {  	v4 =	vadd.f32 v7, v4;
	v7 =	vld [tilespmem:$0x1F930]  }
0x4c3: {  	v5 =	vmul.f32 v5, v51;
	v3 =	vadd.f32 v6, v3;
	v6 =	vld [tilespmem:$0x1F9A0];
	_ =	sdelay $0x1  }
0x4c4: {  	v1 =	vadd.f32 v5, v1;
	v5 =	vld [tilespmem:$0x1F9C0];
	_ =	sdelay $0x1  }
0x4c5: {  	v7 =	vmul.f32 v7, v8  }
0x4c6: {  	v8 =	vperm.xlane v0, v12;
	v6 =	vmul.f32 v6, v51;
	_ =	sdelay $0x1  }
0x4c7: {  	v5 =	vmul.f32 v5, v8;
	v2 =	vadd.f32 v6, v2;
	v6 =	vld [tilespmem:$0x1F9D0];
	_ =	sdelay $0x1  }
0x4c8: {  	v3 =	vadd.f32 v5, v3;
	v5 =	vld [tilespmem:$0x1F9E0];
	_ =	sdelay $0x2  }
0x4c9: {  	v6 =	vmul.f32 v6, v8  }
0x4ca: {  	v4 =	vadd.f32 v7, v4;
	v7 =	vld [tilespmem:$0x1F970]  }
0x4cb: {  	v5 =	vmul.f32 v5, v8;
	v1 =	vadd.f32 v6, v1;
	v6 =	vld [tilespmem:$0x1FA00];
	_ =	sdelay $0x1  }
0x4cc: {  	v2 =	vadd.f32 v5, v2;
	v5 =	vld [tilespmem:$0x1FA10]  }
0x4cd: {  	v52 =	vperm.xlane v0, v14  }
0x4ce: {  	v7 =	vmul.f32 v7, v51  }
0x4cf: {  	v6 =	vmul.f32 v6, v52  }
0x4d0: {  	v4 =	vadd.f32 v7, v4;
	v7 =	vld [tilespmem:$0x1F9B0]  }
0x4d1: {  	v5 =	vmul.f32 v5, v52;
	v3 =	vadd.f32 v6, v3;
	v6 =	vld [tilespmem:$0x1FA20];
	_ =	sdelay $0x1  }
0x4d2: {  	v1 =	vadd.f32 v5, v1;
	v5 =	vld [tilespmem:$0x1FA40];
	_ =	sdelay $0x1  }
0x4d3: {  	v7 =	vmul.f32 v7, v8  }
0x4d4: {  	v8 =	vperm.xlane v0, v15;
	v6 =	vmul.f32 v6, v52;
	_ =	sdelay $0x1  }
0x4d5: {  	v5 =	vmul.f32 v5, v8;
	v2 =	vadd.f32 v6, v2;
	v6 =	vld [tilespmem:$0x1FA50];
	_ =	sdelay $0x1  }
0x4d6: {  	v3 =	vadd.f32 v5, v3;
	v5 =	vld [tilespmem:$0x1FA60];
	_ =	sdelay $0x2  }
0x4d7: {  	v6 =	vmul.f32 v6, v8  }
0x4d8: {  	v4 =	vadd.f32 v7, v4;
	v7 =	vld [tilespmem:$0x1F9F0]  }
0x4d9: {  	v5 =	vmul.f32 v5, v8;
	v1 =	vadd.f32 v6, v1;
	v6 =	vld [tilespmem:$0x1FA80];
	_ =	sdelay $0x1  }
0x4da: {  	v2 =	vadd.f32 v5, v2;
	v5 =	vld [tilespmem:$0x1FA90]  }
0x4db: {  	v53 =	vperm.xlane v0, v17  }
0x4dc: {  	v7 =	vmul.f32 v7, v52  }
0x4dd: {  	v6 =	vmul.f32 v6, v53  }
0x4de: {  	v4 =	vadd.f32 v7, v4;
	v7 =	vld [tilespmem:$0x1FA30]  }
0x4df: {  	v5 =	vmul.f32 v5, v53;
	v3 =	vadd.f32 v6, v3;
	v6 =	vld [tilespmem:$0x1FAA0];
	_ =	sdelay $0x1  }
0x4e0: {  	v1 =	vadd.f32 v5, v1;
	v5 =	vld [tilespmem:$0x1FAC0];
	_ =	sdelay $0x1  }
0x4e1: {  	v7 =	vmul.f32 v7, v8  }
0x4e2: {  	v8 =	vperm.xlane v0, v18;
	v6 =	vmul.f32 v6, v53;
	_ =	sdelay $0x1  }
0x4e3: {  	v5 =	vmul.f32 v5, v8;
	v2 =	vadd.f32 v6, v2;
	v6 =	vld [tilespmem:$0x1FAD0];
	_ =	sdelay $0x1  }
0x4e4: {  	v3 =	vadd.f32 v5, v3;
	v5 =	vld [tilespmem:$0x1FAE0];
	_ =	sdelay $0x2  }
0x4e5: {  	v4 =	vadd.f32 v7, v4;
	v7 =	vld [tilespmem:$0x1FA70];
	v6 =	vmul.f32 v6, v8;
	_ =	sdelay $0x1  }
0x4e6: {  	v5 =	vmul.f32 v5, v8;
	v1 =	vadd.f32 v6, v1;
	v6 =	vld [tilespmem:$0x1FB00];
	_ =	sdelay $0x1  }
0x4e7: {  	v2 =	vadd.f32 v5, v2;
	v5 =	vld [tilespmem:$0x1FB10]  }
0x4e8: {  	v54 =	vperm.xlane v0, v19;
	v7 =	vmul.f32 v7, v53;
	_ =	sdelay $0x1  }
0x4e9: {  	v4 =	vadd.f32 v7, v4;
	v7 =	vld [tilespmem:$0x1FAB0];
	v6 =	vmul.f32 v6, v54;
	_ =	sdelay $0x1  }
0x4ea: {  	v5 =	vmul.f32 v5, v54;
	v3 =	vadd.f32 v6, v3;
	v6 =	vld [tilespmem:$0x1FB20];
	_ =	sdelay $0x1  }
0x4eb: {  	v1 =	vadd.f32 v5, v1;
	v5 =	vld [tilespmem:$0x1FB40]  }
0x4ec: {  	v7 =	vmul.f32 v7, v8;
	_ =	sdelay $0x1  }
0x4ed: {  	v4 =	vadd.f32 v7, v4;
	v7 =	vld [tilespmem:$0x1FAF0];
	v8 =	vperm.xlane v0, v20;
	v6 =	vmul.f32 v6, v54;
	_ =	sdelay $0x1  }
0x4ee: {  	v5 =	vmul.f32 v5, v8;
	v2 =	vadd.f32 v6, v2;
	v6 =	vld [tilespmem:$0x1FB50];
	_ =	sdelay $0x1  }
0x4ef: {  	v3 =	vadd.f32 v5, v3;
	v5 =	vld [tilespmem:$0x1FB60]  }
0x4f0: {  	v7 =	vmul.f32 v7, v54;
	_ =	sdelay $0x1  }
0x4f1: {  	v4 =	vadd.f32 v7, v4;
	v7 =	vld [tilespmem:$0x1FB30];
	v6 =	vmul.f32 v6, v8;
	_ =	sdelay $0x1  }
0x4f2: {  	v5 =	vmul.f32 v5, v8;
	v1 =	vadd.f32 v6, v1;
	v6 =	vld [tilespmem:$0x1FB80];
	_ =	sdelay $0x1  }
0x4f3: {  	v55 =	vperm.xlane v0, v22;
	v2 =	vadd.f32 v5, v2;
	v5 =	vperm.xlane v0, v23;
	v0 =	vld [tilespmem:$0x1FBA0]  }
0x4f4: {  	v7 =	vmul.f32 v7, v8;
	_ =	sdelay $0x1  }
0x4f5: {  	v4 =	vadd.f32 v7, v4;
	v7 =	vld [tilespmem:$0x1FB70];
	v6 =	vmul.f32 v6, v55;
	_ =	sdelay $0x1  }
0x4f6: {  	v3 =	vadd.f32 v6, v3;
	v6 =	vmul.f32 v0, v55;
	v0 =	vld [tilespmem:$0x1FBB0];
	_ =	sdelay $0x2  }
0x4f7: {  	v7 =	vmul.f32 v7, v55;
	v8 =	vld [tilespmem:$0x1FB90];
	_ =	sdelay $0x1  }
0x4f8: {  	v4 =	vadd.f32 v7, v4;
	v7 =	vmul.f32 v0, v5;
	v0 =	vld [tilespmem:$0x1FBC0]  }
0x4f9: {  	v2 =	vadd.f32 v6, v2;
	v6 =	vld [tilespmem:$0x1FBD0];
	_ =	sdelay $0x1  }
0x4fa: {  	v8 =	vmul.f32 v8, v55;
	_ =	sdelay $0x1  }
0x4fb: {  	v1 =	vadd.f32 v8, v1;
	v8 =	vmul.f32 v0, v5;
	v0 =	vld [tilespmem:$0x1FBF0]  }
0x4fc: {  	v6 =	vmul.f32 v6, v5;
	_ =	sdelay $0x1  }
0x4fd: {  	v1 =	vadd.f32 v6, v1;
	v6 =	vld [tilespmem:$0x1FC00];
	_ =	sdelay $0x1  }
0x4fe: {  	v0 =	vmax.f32 v0, $0.0e+00  }
0x4ff: {  	v56 =	vperm.xlane v0, v26  }
0x500: {  	v4 =	vadd.f32 v7, v4;
	v7 =	vld [tilespmem:$0x1FBE0]  }
0x501: {  	v6 =	vmul.f32 v6, v56;
	_ =	sdelay $0x1  }
0x502: {  	v4 =	vadd.f32 v6, v4;
	v6 =	vld [tilespmem:$0x1FC30];
	_ =	sdelay $0x1  }
0x503: {  	v5 =	vmul.f32 v7, v5;
	_ =	sdelay $0x1  }
0x504: {  	v2 =	vadd.f32 v5, v2;
	v5 =	vld [tilespmem:$0x1FC20]  }
0x505: {  	v6 =	vmul.f32 v6, v56;
	_ =	sdelay $0x1  }
0x506: {  	v2 =	vadd.f32 v6, v2;
	v6 =	vld [tilespmem:$0x1FC60];
	_ =	sdelay $0x1  }
0x507: {  	v5 =	vmul.f32 v5, v56  }
0x508: {  	v3 =	vadd.f32 v8, v3;
	v8 =	vperm.xlane v0, v24  }
0x509: {  	v1 =	vadd.f32 v5, v1;
	v5 =	vld [tilespmem:$0x1FC40]  }
0x50a: {  	v6 =	vmul.f32 v6, v8;
	_ =	sdelay $0x1  }
0x50b: {  	v1 =	vadd.f32 v6, v1;
	v6 =	vld [tilespmem:$0x1FC80];
	_ =	sdelay $0x1  }
0x50c: {  	v5 =	vmul.f32 v5, v8  }
0x50d: {  	v57 =	vperm.xlane v0, v25  }
0x50e: {  	v4 =	vadd.f32 v5, v4;
	v5 =	vld [tilespmem:$0x1FC70]  }
0x50f: {  	v7 =	vld [tilespmem:$0x1FC10];
	v6 =	vmul.f32 v6, v57;
	_ =	sdelay $0x1  }
0x510: {  	v4 =	vadd.f32 v6, v4;
	v6 =	vld [tilespmem:$0x1FCB0];
	_ =	sdelay $0x1  }
0x511: {  	v5 =	vmul.f32 v5, v8  }
0x512: {  	v7 =	vmul.f32 v7, v56  }
0x513: {  	v2 =	vadd.f32 v5, v2;
	v5 =	vld [tilespmem:$0x1FCA0]  }
0x514: {  	v3 =	vadd.f32 v7, v3;
	v7 =	vld [tilespmem:$0x1FC50];
	v6 =	vmul.f32 v6, v57;
	_ =	sdelay $0x1  }
0x515: {  	v2 =	vadd.f32 v6, v2;
	v6 =	vld [tilespmem:$0x1FCE0];
	_ =	sdelay $0x1  }
0x516: {  	v5 =	vmul.f32 v5, v57  }
0x517: {  	v7 =	vmul.f32 v7, v8;
	v8 =	vperm.xlane v0, v21  }
0x518: {  	v1 =	vadd.f32 v5, v1;
	v5 =	vld [tilespmem:$0x1FCC0]  }
0x519: {  	v6 =	vmul.f32 v6, v8;
	_ =	sdelay $0x1  }
0x51a: {  	v1 =	vadd.f32 v6, v1;
	v6 =	vld [tilespmem:$0x1FD00];
	_ =	sdelay $0x1  }
0x51b: {  	v5 =	vmul.f32 v5, v8  }
0x51c: {  	v58 =	vperm.xlane v0, v16  }
0x51d: {  	v4 =	vadd.f32 v5, v4;
	v5 =	vld [tilespmem:$0x1FCF0]  }
0x51e: {  	v3 =	vadd.f32 v7, v3;
	v7 =	vld [tilespmem:$0x1FC90];
	v6 =	vmul.f32 v6, v58;
	_ =	sdelay $0x1  }
0x51f: {  	v4 =	vadd.f32 v6, v4;
	v6 =	vld [tilespmem:$0x1FD30];
	_ =	sdelay $0x1  }
0x520: {  	v5 =	vmul.f32 v5, v8  }
0x521: {  	v7 =	vmul.f32 v7, v57  }
0x522: {  	v2 =	vadd.f32 v5, v2;
	v5 =	vld [tilespmem:$0x1FD20]  }
0x523: {  	v3 =	vadd.f32 v7, v3;
	v7 =	vld [tilespmem:$0x1FCD0];
	v6 =	vmul.f32 v6, v58;
	_ =	sdelay $0x1  }
0x524: {  	v2 =	vadd.f32 v6, v2;
	v6 =	vld [tilespmem:$0x1FD60];
	_ =	sdelay $0x1  }
0x525: {  	v5 =	vmul.f32 v5, v58  }
0x526: {  	v7 =	vmul.f32 v7, v8;
	v8 =	vperm.xlane v0, v13  }
0x527: {  	v1 =	vadd.f32 v5, v1;
	v5 =	vld [tilespmem:$0x1FD40]  }
0x528: {  	v6 =	vmul.f32 v6, v8;
	_ =	sdelay $0x1  }
0x529: {  	v1 =	vadd.f32 v6, v1;
	v6 =	vld [tilespmem:$0x1FD80];
	_ =	sdelay $0x1  }
0x52a: {  	v5 =	vmul.f32 v5, v8  }
0x52b: {  	v59 =	vperm.xlane v0, v11  }
0x52c: {  	v4 =	vadd.f32 v5, v4;
	v5 =	vld [tilespmem:$0x1FD70]  }
0x52d: {  	v3 =	vadd.f32 v7, v3;
	v7 =	vld [tilespmem:$0x1FD10];
	v6 =	vmul.f32 v6, v59;
	_ =	sdelay $0x1  }
0x52e: {  	v4 =	vadd.f32 v6, v4;
	v6 =	vld [tilespmem:$0x1FDB0];
	_ =	sdelay $0x1  }
0x52f: {  	v5 =	vmul.f32 v5, v8  }
0x530: {  	v7 =	vmul.f32 v7, v58  }
0x531: {  	v2 =	vadd.f32 v5, v2;
	v5 =	vld [tilespmem:$0x1FDA0]  }
0x532: {  	v3 =	vadd.f32 v7, v3;
	v7 =	vld [tilespmem:$0x1FD50];
	v6 =	vmul.f32 v6, v59;
	_ =	sdelay $0x1  }
0x533: {  	v2 =	vadd.f32 v6, v2;
	v6 =	vld [tilespmem:$0x1FDE0];
	_ =	sdelay $0x1  }
0x534: {  	v5 =	vmul.f32 v5, v59  }
0x535: {  	v7 =	vmul.f32 v7, v8;
	v8 =	vperm.xlane v0, v12  }
0x536: {  	v1 =	vadd.f32 v5, v1;
	v5 =	vld [tilespmem:$0x1FDC0]  }
0x537: {  	v6 =	vmul.f32 v6, v8;
	_ =	sdelay $0x1  }
0x538: {  	v1 =	vadd.f32 v6, v1;
	v6 =	vld [tilespmem:$0x1FE00];
	_ =	sdelay $0x1  }
0x539: {  	v5 =	vmul.f32 v5, v8  }
0x53a: {  	v60 =	vperm.xlane v0, v14  }
0x53b: {  	v4 =	vadd.f32 v5, v4;
	v5 =	vld [tilespmem:$0x1FDF0]  }
0x53c: {  	v3 =	vadd.f32 v7, v3;
	v7 =	vld [tilespmem:$0x1FD90];
	v6 =	vmul.f32 v6, v60;
	_ =	sdelay $0x1  }
0x53d: {  	v4 =	vadd.f32 v6, v4;
	v6 =	vld [tilespmem:$0x1FE30];
	_ =	sdelay $0x1  }
0x53e: {  	v5 =	vmul.f32 v5, v8  }
0x53f: {  	v7 =	vmul.f32 v7, v59  }
0x540: {  	v2 =	vadd.f32 v5, v2;
	v5 =	vld [tilespmem:$0x1FE20]  }
0x541: {  	v3 =	vadd.f32 v7, v3;
	v7 =	vld [tilespmem:$0x1FDD0];
	v6 =	vmul.f32 v6, v60;
	_ =	sdelay $0x1  }
0x542: {  	v2 =	vadd.f32 v6, v2;
	v6 =	vld [tilespmem:$0x1FE60];
	_ =	sdelay $0x1  }
0x543: {  	v5 =	vmul.f32 v5, v60  }
0x544: {  	v7 =	vmul.f32 v7, v8;
	v8 =	vperm.xlane v0, v15  }
0x545: {  	v1 =	vadd.f32 v5, v1;
	v5 =	vld [tilespmem:$0x1FE40]  }
0x546: {  	v6 =	vmul.f32 v6, v8;
	_ =	sdelay $0x1  }
0x547: {  	v1 =	vadd.f32 v6, v1;
	v6 =	vld [tilespmem:$0x1FE80];
	_ =	sdelay $0x1  }
0x548: {  	v5 =	vmul.f32 v5, v8  }
0x549: {  	v61 =	vperm.xlane v0, v17  }
0x54a: {  	v4 =	vadd.f32 v5, v4;
	v5 =	vld [tilespmem:$0x1FE70]  }
0x54b: {  	v3 =	vadd.f32 v7, v3;
	v7 =	vld [tilespmem:$0x1FE10];
	v6 =	vmul.f32 v6, v61;
	_ =	sdelay $0x1  }
0x54c: {  	v4 =	vadd.f32 v6, v4;
	v6 =	vld [tilespmem:$0x1FEB0];
	_ =	sdelay $0x1  }
0x54d: {  	v5 =	vmul.f32 v5, v8  }
0x54e: {  	v7 =	vmul.f32 v7, v60  }
0x54f: {  	v2 =	vadd.f32 v5, v2;
	v5 =	vld [tilespmem:$0x1FEA0]  }
0x550: {  	v3 =	vadd.f32 v7, v3;
	v7 =	vld [tilespmem:$0x1FE50];
	v6 =	vmul.f32 v6, v61;
	_ =	sdelay $0x1  }
0x551: {  	v2 =	vadd.f32 v6, v2;
	v6 =	vld [tilespmem:$0x1FEE0];
	_ =	sdelay $0x1  }
0x552: {  	v5 =	vmul.f32 v5, v61  }
0x553: {  	v7 =	vmul.f32 v7, v8;
	v8 =	vperm.xlane v0, v18  }
0x554: {  	v1 =	vadd.f32 v5, v1;
	v5 =	vld [tilespmem:$0x1FEC0]  }
0x555: {  	v6 =	vmul.f32 v6, v8;
	_ =	sdelay $0x1  }
0x556: {  	v1 =	vadd.f32 v6, v1;
	v6 =	vld [tilespmem:$0x1FF00];
	_ =	sdelay $0x1  }
0x557: {  	v5 =	vmul.f32 v5, v8  }
0x558: {  	v62 =	vperm.xlane v0, v19;
	v3 =	vadd.f32 v7, v3;
	v7 =	vld [tilespmem:$0x1FE90]  }
0x559: {  	v4 =	vadd.f32 v5, v4;
	v5 =	vld [tilespmem:$0x1FEF0]  }
0x55a: {  	v6 =	vmul.f32 v6, v62;
	_ =	sdelay $0x1  }
0x55b: {  	v4 =	vadd.f32 v6, v4;
	v6 =	vld [tilespmem:$0x1FF30]  }
0x55c: {  	v7 =	vmul.f32 v7, v61  }
0x55d: {  	v5 =	vmul.f32 v5, v8  }
0x55e: {  	v3 =	vadd.f32 v7, v3;
	v7 =	vld [tilespmem:$0x1FED0]  }
0x55f: {  	v2 =	vadd.f32 v5, v2;
	v5 =	vld [tilespmem:$0x1FF20]  }
0x560: {  	v6 =	vmul.f32 v6, v62;
	_ =	sdelay $0x1  }
0x561: {  	v2 =	vadd.f32 v6, v2;
	v6 =	vld [tilespmem:$0x1FF60]  }
0x562: {  	v7 =	vmul.f32 v7, v8  }
0x563: {  	v5 =	vmul.f32 v5, v62  }
0x564: {  	v3 =	vadd.f32 v7, v3;
	v7 =	vld [tilespmem:$0x1FF10];
	v8 =	vperm.xlane v0, v20  }
0x565: {  	v1 =	vadd.f32 v5, v1;
	v5 =	vld [tilespmem:$0x1FF40]  }
0x566: {  	v6 =	vmul.f32 v6, v8;
	_ =	sdelay $0x1  }
0x567: {  	v1 =	vadd.f32 v6, v1;
	v6 =	vld [tilespmem:$0x1FF80]  }
0x568: {  	v7 =	vmul.f32 v7, v62  }
0x569: {  	v5 =	vmul.f32 v5, v8  }
0x56a: {  	v63 =	vperm.xlane v0, v22;
	v3 =	vadd.f32 v7, v3;
	v7 =	vld [tilespmem:$0x1FF50]  }
0x56b: {  	v4 =	vadd.f32 v5, v4;
	v5 =	vld [tilespmem:$0x1FF70]  }
0x56c: {  	v6 =	vmul.f32 v6, v63;
	_ =	sdelay $0x1  }
0x56d: {  	v4 =	vadd.f32 v6, v4;
	v6 =	vld [tilespmem:$0x1FFB0]  }
0x56e: {  	v7 =	vmul.f32 v7, v8  }
0x56f: {  	v5 =	vmul.f32 v5, v8  }
0x570: {  	v3 =	vadd.f32 v7, v3;
	v7 =	vld [tilespmem:$0x1FF90]  }
0x571: {  	v2 =	vadd.f32 v5, v2;
	v5 =	vld [tilespmem:$0x1FFA0]  }
0x572: {  	v6 =	vmul.f32 v6, v63;
	_ =	sdelay $0x1  }
0x573: {  	v6 =	vadd.f32 v6, v2;
	v2 =	vld [tilespmem:$0x1FFE0]  }
0x574: {  	v7 =	vmul.f32 v7, v63  }
0x575: {  	v5 =	vmul.f32 v5, v63  }
0x576: {  	v0 =	vperm.xlane v0, v23;
	v3 =	vadd.f32 v7, v3;
	v7 =	vld [tilespmem:$0x1FFD0]  }
0x577: {  	v5 =	vadd.f32 v5, v1;
	v1 =	vld [tilespmem:$0x1FFC0]  }
0x578: {  	v8 =	vmul.f32 v2, v0;
	v2 =	vld [tilespmem:$0x1FFF0]  }
0x579: {  	s21 =	ssub.s32 s19, s18  }
0x57a: {  	s20 =	sshll.u32 s18, $0x8;
	p1 =	sne.s32 s21, $0x1  }
.Ltmp3:
0x57b: {  	s31 =	sshra.s32 s20, $0x2;
	v7 =	vmul.f32 v7, v0;
	(pc) =	sbr.rel @!p1 .LBB2_3-.Ltmp3, $4  }
0x57c: {  	s19 =	sor.u32 $0x20, s31;
	v1 =	vmul.f32 v1, v0  }
0x57d: {  	v0 =	vmul.f32 v2, v0;
	v2 =	vadd.f32 v7, v3;
	v7 =	vld [tilespmem:s19+$0x10]  }
0x57e: {  	v1 =	vadd.f32 v1, v4  }
0x57f: {  	p0 =	por $0x0, $0x0;
	s20 =	sadd.s32 $0xFFFFFFFF, s21;
	s18 =	sadd.s32 $0x1020, s31;
	v3 =	vadd.f32 v8, v5;
	v4 =	vadd.f32 v0, v6;
	v0 =	vimm.f32 $0.0e+00  }
0x580: {  	v5 =	vld [tilespmem:s19+$0xFFFFFFF0]  }
0x581: {  	v9 =	vld [tilespmem:s18+$0x10]  }
0x582: {  	v8 =	vld [tilespmem:s19+$0x0]  }
0x583: {  	v15 =	vld [tilespmem:s19+$0xFFFFFFE0];
	p1 =	sne.s32 s20, $0x1;
	v7 =	vsub.f32 v7, v4  }
.Ltmp4:
0x584: {  	v6 =	vld [tilespmem:s18+$0xFFFFFFE0];
	v11 =	vimm.f32 $0.0e+00;
	(pc) =	sbr.rel @!p1 .LBB2_5-.Ltmp4, $4  }
0x585: {  	v13 =	vld [tilespmem:s18+$0xFFFFFFF0];
	s19 =	sadd.s32 $0x40, s19;
	v10 =	vimm.f32 $0.0e+00;
	v12 =	vimm.f32 $0.0e+00;
	v7 =	vand.u32 $0x7FFFFFFF, v7  }
0x586: {  	v17 =	vimm.f32 $0.0e+00;
	v5 =	vsub.f32 v5, v2;
	v20 =	vmul.f32 v7, v9;
	v7 =	vld [tilespmem:s19+$0x10]  }
0x587: {  	v14 =	vld [tilespmem:s18+$0x0];
	v16 =	vimm.f32 $0.0e+00;
	v19 =	vsub.f32 v8, v3;
	v8 =	vimm.f32 $0.0e+00  }
0x588: {  	s21 =	sadd.s32 $0xFFFFFFFF, s20;
	p0 =	por $0x1, $0x1;
	s20 =	smov.u32 s18;
	v18 =	vand.u32 $0x7FFFFFFF, v5;
	v5 =	vadd.f32 v9, v0;
	v9 =	vimm.f32 $0.0e+00  }
.LBB2_6:
0x589: {  	p1 =	sne.s32 s21, $0x1;
	v21 =	vld [tilespmem:s19+$0xFFFFFFF0];
	v15 =	vsub.f32 v15, v1;
	v19 =	vand.u32 $0x7FFFFFFF, v19  }
0x58a: {  	v8 =	vadd.f32 v6, v8;
	v11 =	vadd.f32 v20, v11;
	s20 =	sadd.s32 $0x40, s20;
	v22 =	vld [tilespmem:s19+$0x0]  }
0x58b: {  	v18 =	vmul.f32 v18, v13;
	v9 =	vadd.f32 v13, v9;
	v23 =	vld [tilespmem:s20+$0x10];
	v20 =	vand.u32 $0x7FFFFFFF, v15  }
.Ltmp5:
0x58c: {  	v10 =	vadd.f32 v14, v10;
	v24 =	vmul.f32 v19, v14;
	v15 =	vld [tilespmem:s19+$0xFFFFFFE0];
	v20 =	vmul.f32 v20, v6;
	(pc) =	sbr.rel @p1 .LBB2_6-.Ltmp5, $4  }
0x58d: {  	v7 =	vsub.f32 v7, v4;
	v12 =	vadd.f32 v18, v12;
	v6 =	vld [tilespmem:s20+$0xFFFFFFE0]  }
0x58e: {  	v13 =	vld [tilespmem:s20+$0xFFFFFFF0];
	v18 =	vsub.f32 v21, v2;
	v17 =	vadd.f32 v20, v17  }
0x58f: {  	s19 =	sadd.s32 $0x40, s19;
	v16 =	vadd.f32 v24, v16;
	v20 =	vand.u32 $0x7FFFFFFF, v7;
	v14 =	vld [tilespmem:s20+$0x0];
	v19 =	vsub.f32 v22, v3  }
0x590: {  	s21 =	sadd.s32 $0xFFFFFFFF, s21;
	v7 =	vld [tilespmem:s19+$0x10];
	v18 =	vand.u32 $0x7FFFFFFF, v18;
	v20 =	vmul.f32 v20, v23;
	v5 =	vadd.f32 v23, v5  }
.Ltmp6:
0x591: {  	_ = 	snop;
	(pc) =	sbr.rel .LBB2_7-.Ltmp6, $1  }
0x592: {  	_ =	sdelay $0x3  }
.LBB2_5:
.Ltmp7:
0x593: {  	(pc) =	sbr.rel .LBB2_7-.Ltmp7, $4  }
0x594: {  	_ = 	snop  }
0x595: {  	v8 =	vimm.f32 $0.0e+00  }
0x596: {  	v11 =	vimm.f32 $0.0e+00;
	v9 =	vimm.f32 $0.0e+00;
	v10 =	vimm.f32 $0.0e+00  }
0x597: {  	s20 =	smov.u32 s18;
	v12 =	vimm.f32 $0.0e+00;
	v17 =	vimm.f32 $0.0e+00;
	v16 =	vimm.f32 $0.0e+00  }
.LBB2_9:
0x598: {  	_ =	sfence.sel $0x180000  }
0x599: {  	[bflag:$0x0] =	sbarrier.arrive $0xFFFF  }
0x59a: {  	p0 =	sne.s32 s1, $0x0;
	_ =	strace $0x90000047  }
0x59b: {  	s0 =	sadd.s32 @!p0 $0x100000, s0;
	[bflag:$0x2] =	sbarrier.arrive $0xFFFF  }
0x59c: {  	[sflag:s0] =	ssyncadd.tile.s32 @!p0 $0x1;
	_ =	shalt  }
.Lfunc_end2:
_tile_overlayer_lowered:
.L_overlay_start_2:
0x59d: {  	(tag) =	ssettag $0x2  }
0x59e: {  	s0 =	rddreg [dreg:$0x0];
	s2 =	stileid.u32  }
0x59f: {  	s1 =	rddreg [dreg:$0x1];
	p0 =	sne.s32 s2, $0x0  }
0x5a0: {  	s3 =	rddreg [dreg:$0x2];
	[bflag:$0x3] =	sbarrier.arrive $0xFFFF;
	s2 =	simm.s32 @!p0 $0x1C01  }
0x5a1: {  	[timem:s3], [sflag:s2] =	dma.local @!p0 [hbm:s0], s1  }
0x5a2: {  	s0 =	simm.s32 @!p0 $0x1  }
0x5a3: {  	_ =	swait.ge @!p0 [sflag:s0], s1  }
0x5a4: {  	s1 =	ssub.s32 @!p0 $0x0, s1;
	[sflag:s0] =	ssyncset.done @!p0 $0x0  }
0x5a5: {  	[sflag:s0] =	ssyncadd.s32 @!p0 s1  }
0x5a6: {  	[bflag:$0x3] =	sbarrier.arrive $0xFFFF  }
0x5a7: {  	_ =	shalt  }

</sc_bundles>
